<compile_context>
chip_gen: v7x
topology: tpu7x:2x2x1
jax: 0.10.2.dev20260603
libtpu: 0.0.44.dev20260713+nightly
codegen_flags: <defaults>
</compile_context>

<pallas_src>
import jax
import jax.numpy as jnp
import numpy as np
from jax import lax
from jax.experimental import pallas as pl
from jax.experimental.pallas import tpu as pltpu
from jax.experimental.pallas import tpu_sc as plsc

NC = 2
NS = 16
NW = NC * NS
LANES = 16

N = 10000
D = 128
E = 320000
N_PAD = 10240
CHUNK = 128
ROWS_PER_TILE = N_PAD // NS
DEG_PER_TILE = N_PAD // NS
SECC = 40
SEC = 2
C4 = SEC * SECC
E_PAD4 = NW * C4 * CHUNK
RC = E // CHUNK
TAIL_REAL = RC - (NW - 1) * C4
PADC = NW * C4 - RC

_mesh = lambda: plsc.VectorSubcoreMesh(core_axis_name="c", subcore_axis_name="s")



def _deg_body(dst_hbm, pad_hbm, out_hbm, dst_v, ones_v, zero_v, deg_sh):
  c = lax.axis_index("c")
  s = lax.axis_index("s")
  w = c * NS + s

  @pl.when(w < NW - 1)
  def _():
    pltpu.sync_copy(dst_hbm.at[pl.ds(w * C4, C4)], dst_v)

  @pl.when(w == NW - 1)
  def _():
    pltpu.sync_copy(pad_hbm.at[1], dst_v)

  def fill(i, carry):
    ones_v[pl.ds(i * LANES, LANES)] = jnp.ones((LANES,), jnp.float32)
    return carry
  lax.fori_loop(0, CHUNK // LANES, fill, 0, unroll=8)

  def zfill(i, carry):
    zero_v[pl.ds(i * LANES, LANES)] = jnp.zeros((LANES,), jnp.float32)
    return carry
  lax.fori_loop(0, DEG_PER_TILE // LANES, zfill, 0, unroll=8)

  pltpu.sync_copy(zero_v, deg_sh.at[pl.ds(s * DEG_PER_TILE, DEG_PER_TILE)])
  plsc.subcore_barrier()

  def count(j, carry):
    pltpu.sync_copy(ones_v, deg_sh.at[dst_v.at[j]], add=True)
    return carry
  lax.fori_loop(0, C4, count, 0)

  plsc.subcore_barrier()
  pltpu.sync_copy(deg_sh.at[pl.ds(s * DEG_PER_TILE, DEG_PER_TILE)],
                  out_hbm.at[c].at[pl.ds(s * DEG_PER_TILE, DEG_PER_TILE)])


def _deg_partials(dstE, padc):
  k = pl.kernel(
      _deg_body,
      out_type=jax.ShapeDtypeStruct((NC, N_PAD), jnp.float32),
      mesh=_mesh(),
      scratch_types=[
          pltpu.VMEM((C4, CHUNK), jnp.int32),
          pltpu.VMEM((CHUNK,), jnp.float32),
          pltpu.VMEM((DEG_PER_TILE,), jnp.float32),
          pltpu.VMEM_SHARED((N_PAD,), jnp.float32),
      ],
  )
  return k(dstE, padc)


def _agg_body(g_hbm, src_hbm, dst_hbm, pad_hbm, acc_out, src_v, dst_v, rows,
              acc_sh, sem0, sem1, sem2, sem3):
  c = lax.axis_index("c")
  s = lax.axis_index("s")
  w = c * NS + s

  def zero(i, carry):
    for k in range(D // LANES):
      rows[0, i, pl.ds(k * LANES, LANES)] = jnp.zeros((LANES,), jnp.float32)
    return carry
  lax.fori_loop(0, CHUNK, zero, 0, unroll=4)
  base = s * ROWS_PER_TILE
  for t in range(ROWS_PER_TILE // CHUNK):
    pltpu.sync_copy(rows.at[0], acc_sh.at[pl.ds(base + t * CHUNK, CHUNK)])
  plsc.subcore_barrier()

  gsems = (sem0, sem1)
  ssems = (sem2, sem3)

  def gather(j, b):
    pltpu.async_copy(g_hbm.at[src_v.at[j]], rows.at[b], gsems[b])

  def wait_gather(j, b):
    pltpu.make_async_copy(g_hbm.at[src_v.at[j]], rows.at[b], gsems[b]).wait()

  def scatter(j, b):
    pltpu.async_copy(rows.at[b], acc_sh.at[dst_v.at[j]], ssems[b], add=True)

  def wait_scatter(j, b):
    pltpu.make_async_copy(rows.at[b], acc_sh.at[dst_v.at[j]],
                          ssems[b]).wait()

  for sec in range(SEC):
    start = w * C4 + sec * SECC

    @pl.when(w < NW - 1)
    def _():
      pltpu.sync_copy(src_hbm.at[pl.ds(start, SECC)], src_v)
      pltpu.sync_copy(dst_hbm.at[pl.ds(start, SECC)], dst_v)

    @pl.when(w == NW - 1)
    def _():
      pltpu.sync_copy(pad_hbm.at[0].at[pl.ds(sec * SECC, SECC)], src_v)
      pltpu.sync_copy(pad_hbm.at[1].at[pl.ds(sec * SECC, SECC)], dst_v)

    gather(0, 0)

    def pair(p, carry):
      for b in range(2):
        j = p * 2 + b
        nb = 1 - b

        @pl.when(j + 1 < SECC)
        def _prefetch():
          @pl.when(j >= 1)
          def _():
            wait_scatter(j - 1, nb)
          gather(j + 1, nb)

        wait_gather(j, b)
        scatter(j, b)
      return carry

    lax.fori_loop(0, SECC // 2, pair, 0)

    wait_scatter(SECC - 2, 0)
    wait_scatter(SECC - 1, 1)

  plsc.subcore_barrier()
  pltpu.sync_copy(acc_sh.at[pl.ds(base, ROWS_PER_TILE)],
                  acc_out.at[c].at[pl.ds(base, ROWS_PER_TILE)])


def _scatter_rows(g, srcE, dstE, padc):
  k = pl.kernel(
      _agg_body,
      out_type=jax.ShapeDtypeStruct((NC, N_PAD, D), jnp.float32),
      mesh=_mesh(),
      scratch_types=[
          pltpu.VMEM((SECC, CHUNK), jnp.int32),
          pltpu.VMEM((SECC, CHUNK), jnp.int32),
          pltpu.VMEM((2, CHUNK, D), jnp.float32),
          pltpu.VMEM_SHARED((N_PAD, D), jnp.float32),
          pltpu.SemaphoreType.DMA,
          pltpu.SemaphoreType.DMA,
          pltpu.SemaphoreType.DMA,
          pltpu.SemaphoreType.DMA,
      ],
  )
  return k(g, srcE, dstE, padc)



BLK = 2048
GRID = N_PAD // BLK


def _mma_body(x_ref, w_ref, h_ref):
  h_ref[...] = jnp.dot(x_ref[...], w_ref[...],
                       preferred_element_type=jnp.float32)


def _mmb_body(h_ref, dp_ref, g_ref, dinv_ref):
  deg = dp_ref[0] + dp_ref[1] + 1.0
  dinv = lax.rsqrt(deg)[:, None]
  g_ref[...] = h_ref[...] * dinv
  dinv_ref[...] = dinv


def _mid_body(acc_ref, h_ref, dinv_ref, b_ref, w_ref, h2_ref, g2_ref):
  a = acc_ref[0] + acc_ref[1]
  dinv = dinv_ref[...]
  z = jnp.maximum(a * dinv + h_ref[...] * (dinv * dinv) + b_ref[...], 0.0)
  h2 = jnp.dot(z, w_ref[...], preferred_element_type=jnp.float32)
  h2_ref[...] = h2
  g2_ref[...] = h2 * dinv


def _fin_body(acc_ref, h_ref, dinv_ref, b_ref, o_ref):
  a = acc_ref[0] + acc_ref[1]
  dinv = dinv_ref[...]
  o_ref[...] = a * dinv + h_ref[...] * (dinv * dinv) + b_ref[...]


def _mma(x, W1):
  return pl.pallas_call(
      _mma_body,
      grid=(GRID,),
      in_specs=[
          pl.BlockSpec((BLK, D), lambda i: (i, 0)),
          pl.BlockSpec((D, D), lambda i: (0, 0)),
      ],
      out_specs=pl.BlockSpec((BLK, D), lambda i: (i, 0)),
      out_shape=jax.ShapeDtypeStruct((N_PAD, D), jnp.float32),
  )(x, W1)


def _mmb(h1, dp):
  return pl.pallas_call(
      _mmb_body,
      grid=(GRID,),
      in_specs=[
          pl.BlockSpec((BLK, D), lambda i: (i, 0)),
          pl.BlockSpec((NC, BLK), lambda i: (0, i)),
      ],
      out_specs=[
          pl.BlockSpec((BLK, D), lambda i: (i, 0)),
          pl.BlockSpec((BLK, 1), lambda i: (i, 0)),
      ],
      out_shape=[
          jax.ShapeDtypeStruct((N_PAD, D), jnp.float32),
          jax.ShapeDtypeStruct((N_PAD, 1), jnp.float32),
      ],
  )(h1, dp)


def _mid(acc, h1, dinv_col, b1, W2):
  return pl.pallas_call(
      _mid_body,
      grid=(GRID,),
      in_specs=[
          pl.BlockSpec((NC, BLK, D), lambda i: (0, i, 0)),
          pl.BlockSpec((BLK, D), lambda i: (i, 0)),
          pl.BlockSpec((BLK, 1), lambda i: (i, 0)),
          pl.BlockSpec((1, D), lambda i: (0, 0)),
          pl.BlockSpec((D, D), lambda i: (0, 0)),
      ],
      out_specs=[
          pl.BlockSpec((BLK, D), lambda i: (i, 0)),
          pl.BlockSpec((BLK, D), lambda i: (i, 0)),
      ],
      out_shape=[
          jax.ShapeDtypeStruct((N_PAD, D), jnp.float32),
          jax.ShapeDtypeStruct((N_PAD, D), jnp.float32),
      ],
  )(acc, h1, dinv_col, b1.reshape(1, D), W2)


def _fin(acc, h2, dinv_col, b2):
  return pl.pallas_call(
      _fin_body,
      grid=(GRID,),
      in_specs=[
          pl.BlockSpec((NC, BLK, D), lambda i: (0, i, 0)),
          pl.BlockSpec((BLK, D), lambda i: (i, 0)),
          pl.BlockSpec((BLK, 1), lambda i: (i, 0)),
          pl.BlockSpec((1, D), lambda i: (0, 0)),
      ],
      out_specs=pl.BlockSpec((BLK, D), lambda i: (i, 0)),
      out_shape=jax.ShapeDtypeStruct((N, D), jnp.float32),
  )(acc, h2, dinv_col, b2.reshape(1, D))



@jax.jit
def kernel(x, edge_index, W1, b1, W2, b2):
  srcE = edge_index[0].reshape(RC, CHUNK)
  dstE = edge_index[1].reshape(RC, CHUNK)
  spare = N_PAD - N
  padc = jnp.asarray(
      np.int32(N) + np.arange(PADC * CHUNK, dtype=np.int32) % spare
  ).reshape(PADC, CHUNK)
  tail = jnp.stack([
      jnp.concatenate([srcE[RC - TAIL_REAL:], padc]),
      jnp.concatenate([dstE[RC - TAIL_REAL:], padc]),
  ])

  dp = _deg_partials(dstE, tail)
  h1 = _mma(x, W1)
  g1, dinv_col = _mmb(h1, dp)
  acc1 = _scatter_rows(g1, srcE, dstE, tail)
  h2, g2 = _mid(acc1, h1, dinv_col, b1, W2)
  acc2 = _scatter_rows(g2, srcE, dstE, tail)
  return _fin(acc2, h2, dinv_col, b2)

# --- scband reference (transcript-rebuilt; emitter-appended) ---
"""Pipeline reference for scband-gcnencoder-78357383348247 (READ-ONLY COPY).

The authoritative reference and input builder live on the scoring server;
editing this copy changes nothing except your own understanding.
"""

import jax, jax.numpy as jnp
import numpy as np

N = 10000
E = 320000
D_IN = 128
D_HID = 128
D_OUT = 128


def setup_inputs(seed: int = 0) -> dict:
    key = jax.random.key(seed)
    k1, k2, k3, k4 = jax.random.split(key, 4)
    x = jax.random.normal(k1, (N, D_IN), dtype=jnp.float32)
    edge_index = jax.random.randint(k2, (2, E), 0, N, dtype=jnp.int32)
    # GCNConv learned parameters (glorot-style init), bias zeros (PyG default)
    W1 = jax.random.normal(k3, (D_IN, D_HID), dtype=jnp.float32) * (1.0 / np.sqrt(D_IN))
    b1 = jnp.zeros((D_HID,), dtype=jnp.float32)
    W2 = jax.random.normal(k4, (D_HID, D_OUT), dtype=jnp.float32) * (1.0 / np.sqrt(D_HID))
    b2 = jnp.zeros((D_OUT,), dtype=jnp.float32)
    return {"x": x, "edge_index": edge_index, "W1": W1, "b1": b1, "W2": W2, "b2": b2}


def _gcn_norm(edge_index, n_nodes):
    # PyG GCNConv default: add self-loops, symmetric normalization D^-1/2 A D^-1/2
    src, dst = edge_index[0], edge_index[1]
    loop = jnp.arange(n_nodes, dtype=src.dtype)
    src = jnp.concatenate([src, loop])
    dst = jnp.concatenate([dst, loop])
    deg = jnp.zeros((n_nodes,), dtype=jnp.float32).at[dst].add(1.0)
    dinv = jnp.where(deg > 0, deg ** -0.5, 0.0)
    norm = dinv[src] * dinv[dst]
    return src, dst, norm


def _gcn_conv(h, src, dst, norm, W, b, n_nodes):
    h = h @ W
    msg = h[src] * norm[:, None]
    out = jnp.zeros((n_nodes, W.shape[1]), dtype=h.dtype).at[dst].add(msg)
    return out + b


def reference(x, edge_index, W1, b1, W2, b2):
    src, dst, norm = _gcn_norm(edge_index, N)
    h = _gcn_conv(x, src, dst, norm, W1, b1, N)
    h = jax.nn.relu(h)
    # dropout is identity at inference (eval mode)
    out = _gcn_conv(h, src, dst, norm, W2, b2, N)
    return out

if __name__ == "__main__":
    import jax
    _d = setup_inputs()
    print(jax.jit(kernel)(*tuple(_d.values())))

</pallas_src>

<mosaic_0001>
#map = affine_map<(d0, d1) -> (0, 0)>
#map1 = affine_map<(d0, d1) -> (0, 0, 0)>
module attributes {stable_mosaic.version = 14 : i64} {
  func.func @_deg_body(%arg0: i32, %arg1: i32, %arg2: memref<2500x128xi32, #tpu.memory_space<hbm>>, %arg3: memref<2x80x128xi32, #tpu.memory_space<hbm>>, %arg4: memref<2x10240xf32, #tpu.memory_space<hbm>>, %arg5: memref<80x128xi32, #tpu.memory_space<vmem>>, %arg6: memref<128xf32, #tpu.memory_space<vmem>>, %arg7: memref<640xf32, #tpu.memory_space<vmem>>, %arg8: memref<10240xf32, #tpu.memory_space<vmem_shared>>) attributes {dimension_semantics = [#tpu.dimension_semantics<core_parallel>, #tpu.dimension_semantics<subcore_parallel>], iteration_bounds = array<i64: 2, 16>, scalar_prefetch = 0 : i64, scratch_operands = 4 : i64, tpu.core_type = #tpu.core_type<sc_vector_subcore>, window_params = [{transform_indices = #map}, {transform_indices = #map1}, {transform_indices = #map}]} {
    %mul3A = arith.constant 16 : i32
    %mul3A_0 = arith.muli %arg0, %mul3A : i32
    %add3A = arith.addi %mul3A_0, %arg1 : i32
    %lt3A = arith.constant 31 : i32
    %lt3A_1 = arith.cmpi slt, %add3A, %lt3A : i32
    %convert_element_type3A = arith.extui %lt3A_1 : i1 to i32
    %cond3A = arith.constant 0 : i32
    %cond3A_2 = arith.cmpi ne, %convert_element_type3A, %cond3A : i32
    scf.if %cond3A_2 {
      %mul3A_97 = arith.constant 80 : i32
      %mul3A_98 = arith.muli %add3A, %mul3A_97 : i32
      "tpu.region"() ({
        %run_scoped3A = tpu.sem_alloc : memref<!tpu.dma_semaphore, #tpu.memory_space<semaphore_mem>>
        %dma_start3A = arith.constant 0 : i32
        %dma_start3A_99 = tpu.memref_slice %arg2[%mul3A_98, %dma_start3A] : memref<2500x128xi32, #tpu.memory_space<hbm>> -> memref<80x128xi32, #tpu.memory_space<hbm>>
        %dma_start3A_100 = arith.constant 0 : i32
        %dma_start3A_101 = tpu.memref_slice %arg2[%mul3A_98, %dma_start3A_100] : memref<2500x128xi32, #tpu.memory_space<hbm>> -> memref<80x128xi32, #tpu.memory_space<hbm>>
        tpu.enqueue_dma source(%dma_start3A_101 : memref<80x128xi32, #tpu.memory_space<hbm>>) target(%arg5 : memref<80x128xi32, #tpu.memory_space<vmem>>) target_semaphore(%run_scoped3A : memref<!tpu.dma_semaphore, #tpu.memory_space<semaphore_mem>>)
        %dma_wait3A = arith.constant 0 : i32
        %dma_wait3A_102 = tpu.memref_slice %arg2[%mul3A_98, %dma_wait3A] : memref<2500x128xi32, #tpu.memory_space<hbm>> -> memref<80x128xi32, #tpu.memory_space<hbm>>
        %dma_wait3A_103 = arith.constant 0 : i32
        %dma_wait3A_104 = tpu.memref_slice %arg2[%mul3A_98, %dma_wait3A_103] : memref<2500x128xi32, #tpu.memory_space<hbm>> -> memref<80x128xi32, #tpu.memory_space<hbm>>
        tpu.wait_dma2 semaphore(%run_scoped3A : memref<!tpu.dma_semaphore, #tpu.memory_space<semaphore_mem>>) src(%dma_wait3A_104 : memref<80x128xi32, #tpu.memory_space<hbm>>) dst(%arg5 : memref<80x128xi32, #tpu.memory_space<vmem>>)
        tpu.yield
      }) : () -> ()
    } else {
    }
    %eq3A = arith.constant 31 : i32
    %eq3A_3 = arith.cmpi eq, %add3A, %eq3A : i32
    %convert_element_type3A_4 = arith.extui %eq3A_3 : i1 to i32
    %cond3A_5 = arith.constant 0 : i32
    %cond3A_6 = arith.cmpi ne, %convert_element_type3A_4, %cond3A_5 : i32
    scf.if %cond3A_6 {
      %run_scoped3A = arith.constant 1 : i32
      "tpu.region"() ({
        %run_scoped3A_97 = tpu.sem_alloc : memref<!tpu.dma_semaphore, #tpu.memory_space<semaphore_mem>>
        %dma_start3A = arith.constant 0 : i32
        %dma_start3A_98 = arith.constant 0 : i32
        %dma_start3A_99 = tpu.memref_slice %arg3[%run_scoped3A, %dma_start3A, %dma_start3A_98] : memref<2x80x128xi32, #tpu.memory_space<hbm>> -> memref<1x80x128xi32, #tpu.memory_space<hbm>>
        %dma_start3A_100 = tpu.memref_squeeze %dma_start3A_99 : memref<1x80x128xi32, #tpu.memory_space<hbm>> -> memref<80x128xi32, #tpu.memory_space<hbm>>
        %dma_start3A_101 = arith.constant 0 : i32
        %dma_start3A_102 = arith.constant 0 : i32
        %dma_start3A_103 = tpu.memref_slice %arg3[%run_scoped3A, %dma_start3A_101, %dma_start3A_102] : memref<2x80x128xi32, #tpu.memory_space<hbm>> -> memref<1x80x128xi32, #tpu.memory_space<hbm>>
        %dma_start3A_104 = tpu.memref_squeeze %dma_start3A_103 : memref<1x80x128xi32, #tpu.memory_space<hbm>> -> memref<80x128xi32, #tpu.memory_space<hbm>>
        tpu.enqueue_dma source(%dma_start3A_104 : memref<80x128xi32, #tpu.memory_space<hbm>>) target(%arg5 : memref<80x128xi32, #tpu.memory_space<vmem>>) target_semaphore(%run_scoped3A_97 : memref<!tpu.dma_semaphore, #tpu.memory_space<semaphore_mem>>)
        %dma_wait3A = arith.constant 0 : i32
        %dma_wait3A_105 = arith.constant 0 : i32
        %dma_wait3A_106 = tpu.memref_slice %arg3[%run_scoped3A, %dma_wait3A, %dma_wait3A_105] : memref<2x80x128xi32, #tpu.memory_space<hbm>> -> memref<1x80x128xi32, #tpu.memory_space<hbm>>
        %dma_wait3A_107 = tpu.memref_squeeze %dma_wait3A_106 : memref<1x80x128xi32, #tpu.memory_space<hbm>> -> memref<80x128xi32, #tpu.memory_space<hbm>>
        %dma_wait3A_108 = arith.constant 0 : i32
        %dma_wait3A_109 = arith.constant 0 : i32
        %dma_wait3A_110 = tpu.memref_slice %arg3[%run_scoped3A, %dma_wait3A_108, %dma_wait3A_109] : memref<2x80x128xi32, #tpu.memory_space<hbm>> -> memref<1x80x128xi32, #tpu.memory_space<hbm>>
        %dma_wait3A_111 = tpu.memref_squeeze %dma_wait3A_110 : memref<1x80x128xi32, #tpu.memory_space<hbm>> -> memref<80x128xi32, #tpu.memory_space<hbm>>
        tpu.wait_dma2 semaphore(%run_scoped3A_97 : memref<!tpu.dma_semaphore, #tpu.memory_space<semaphore_mem>>) src(%dma_wait3A_111 : memref<80x128xi32, #tpu.memory_space<hbm>>) dst(%arg5 : memref<80x128xi32, #tpu.memory_space<vmem>>)
        tpu.yield
      }) : () -> ()
    } else {
    }
    %scan3A = arith.constant 0 : i32
    %scan3A_7 = arith.constant 0 : i32
    %broadcast_in_dim3A = arith.constant 1.000000e+00 : f32
    %broadcast_in_dim3A_8 = vector.broadcast %broadcast_in_dim3A : f32 to vector<16xf32>
    %mul3A_9 = arith.constant 16 : i32
    %mul3A_10 = arith.muli %scan3A_7, %mul3A_9 : i32
    %swap3A = arith.index_cast %mul3A_10 : i32 to index
    %swap3A_11 = tpu.vector_load %arg6[%swap3A] {strides = array<i32>} : memref<128xf32, #tpu.memory_space<vmem>>, vector<16xf32>,
    %swap3A_12 = vector.shape_cast %swap3A_11 : vector<16xf32> to vector<16xf32>
    %swap3A_13 = vector.shape_cast %broadcast_in_dim3A_8 : vector<16xf32> to vector<16xf32>
    tpu.vector_store %arg6[%swap3A], %swap3A_13 {strides = array<i32>} : memref<128xf32, #tpu.memory_space<vmem>>, vector<16xf32>,
    %scan3A_14 = arith.constant 1 : i32
    %broadcast_in_dim3A_15 = arith.constant 1.000000e+00 : f32
    %broadcast_in_dim3A_16 = vector.broadcast %broadcast_in_dim3A_15 : f32 to vector<16xf32>
    %mul3A_17 = arith.constant 16 : i32
    %mul3A_18 = arith.muli %scan3A_14, %mul3A_17 : i32
    %swap3A_19 = arith.index_cast %mul3A_18 : i32 to index
    %swap3A_20 = tpu.vector_load %arg6[%swap3A_19] {strides = array<i32>} : memref<128xf32, #tpu.memory_space<vmem>>, vector<16xf32>,
    %swap3A_21 = vector.shape_cast %swap3A_20 : vector<16xf32> to vector<16xf32>
    %swap3A_22 = vector.shape_cast %broadcast_in_dim3A_16 : vector<16xf32> to vector<16xf32>
    tpu.vector_store %arg6[%swap3A_19], %swap3A_22 {strides = array<i32>} : memref<128xf32, #tpu.memory_space<vmem>>, vector<16xf32>,
    %scan3A_23 = arith.constant 2 : i32
    %broadcast_in_dim3A_24 = arith.constant 1.000000e+00 : f32
    %broadcast_in_dim3A_25 = vector.broadcast %broadcast_in_dim3A_24 : f32 to vector<16xf32>
    %mul3A_26 = arith.constant 16 : i32
    %mul3A_27 = arith.muli %scan3A_23, %mul3A_26 : i32
    %swap3A_28 = arith.index_cast %mul3A_27 : i32 to index
    %swap3A_29 = tpu.vector_load %arg6[%swap3A_28] {strides = array<i32>} : memref<128xf32, #tpu.memory_space<vmem>>, vector<16xf32>,
    %swap3A_30 = vector.shape_cast %swap3A_29 : vector<16xf32> to vector<16xf32>
    %swap3A_31 = vector.shape_cast %broadcast_in_dim3A_25 : vector<16xf32> to vector<16xf32>
    tpu.vector_store %arg6[%swap3A_28], %swap3A_31 {strides = array<i32>} : memref<128xf32, #tpu.memory_space<vmem>>, vector<16xf32>,
    %scan3A_32 = arith.constant 3 : i32
    %broadcast_in_dim3A_33 = arith.constant 1.000000e+00 : f32
    %broadcast_in_dim3A_34 = vector.broadcast %broadcast_in_dim3A_33 : f32 to vector<16xf32>
    %mul3A_35 = arith.constant 16 : i32
    %mul3A_36 = arith.muli %scan3A_32, %mul3A_35 : i32
    %swap3A_37 = arith.index_cast %mul3A_36 : i32 to index
    %swap3A_38 = tpu.vector_load %arg6[%swap3A_37] {strides = array<i32>} : memref<128xf32, #tpu.memory_space<vmem>>, vector<16xf32>,
    %swap3A_39 = vector.shape_cast %swap3A_38 : vector<16xf32> to vector<16xf32>
    %swap3A_40 = vector.shape_cast %broadcast_in_dim3A_34 : vector<16xf32> to vector<16xf32>
    tpu.vector_store %arg6[%swap3A_37], %swap3A_40 {strides = array<i32>} : memref<128xf32, #tpu.memory_space<vmem>>, vector<16xf32>,
    %scan3A_41 = arith.constant 4 : i32
    %broadcast_in_dim3A_42 = arith.constant 1.000000e+00 : f32
    %broadcast_in_dim3A_43 = vector.broadcast %broadcast_in_dim3A_42 : f32 to vector<16xf32>
    %mul3A_44 = arith.constant 16 : i32
    %mul3A_45 = arith.muli %scan3A_41, %mul3A_44 : i32
    %swap3A_46 = arith.index_cast %mul3A_45 : i32 to index
    %swap3A_47 = tpu.vector_load %arg6[%swap3A_46] {strides = array<i32>} : memref<128xf32, #tpu.memory_space<vmem>>, vector<16xf32>,
    %swap3A_48 = vector.shape_cast %swap3A_47 : vector<16xf32> to vector<16xf32>
    %swap3A_49 = vector.shape_cast %broadcast_in_dim3A_43 : vector<16xf32> to vector<16xf32>
    tpu.vector_store %arg6[%swap3A_46], %swap3A_49 {strides = array<i32>} : memref<128xf32, #tpu.memory_space<vmem>>, vector<16xf32>,
    %scan3A_50 = arith.constant 5 : i32
    %broadcast_in_dim3A_51 = arith.constant 1.000000e+00 : f32
    %broadcast_in_dim3A_52 = vector.broadcast %broadcast_in_dim3A_51 : f32 to vector<16xf32>
    %mul3A_53 = arith.constant 16 : i32
    %mul3A_54 = arith.muli %scan3A_50, %mul3A_53 : i32
    %swap3A_55 = arith.index_cast %mul3A_54 : i32 to index
    %swap3A_56 = tpu.vector_load %arg6[%swap3A_55] {strides = array<i32>} : memref<128xf32, #tpu.memory_space<vmem>>, vector<16xf32>,
    %swap3A_57 = vector.shape_cast %swap3A_56 : vector<16xf32> to vector<16xf32>
    %swap3A_58 = vector.shape_cast %broadcast_in_dim3A_52 : vector<16xf32> to vector<16xf32>
    tpu.vector_store %arg6[%swap3A_55], %swap3A_58 {strides = array<i32>} : memref<128xf32, #tpu.memory_space<vmem>>, vector<16xf32>,
    %scan3A_59 = arith.constant 6 : i32
    %broadcast_in_dim3A_60 = arith.constant 1.000000e+00 : f32
    %broadcast_in_dim3A_61 = vector.broadcast %broadcast_in_dim3A_60 : f32 to vector<16xf32>
    %mul3A_62 = arith.constant 16 : i32
    %mul3A_63 = arith.muli %scan3A_59, %mul3A_62 : i32
    %swap3A_64 = arith.index_cast %mul3A_63 : i32 to index
    %swap3A_65 = tpu.vector_load %arg6[%swap3A_64] {strides = array<i32>} : memref<128xf32, #tpu.memory_space<vmem>>, vector<16xf32>,
    %swap3A_66 = vector.shape_cast %swap3A_65 : vector<16xf32> to vector<16xf32>
    %swap3A_67 = vector.shape_cast %broadcast_in_dim3A_61 : vector<16xf32> to vector<16xf32>
    tpu.vector_store %arg6[%swap3A_64], %swap3A_67 {strides = array<i32>} : memref<128xf32, #tpu.memory_space<vmem>>, vector<16xf32>,
    %scan3A_68 = arith.constant 7 : i32
    %broadcast_in_dim3A_69 = arith.constant 1.000000e+00 : f32
    %broadcast_in_dim3A_70 = vector.broadcast %broadcast_in_dim3A_69 : f32 to vector<16xf32>
    %mul3A_71 = arith.constant 16 : i32
    %mul3A_72 = arith.muli %scan3A_68, %mul3A_71 : i32
    %swap3A_73 = arith.index_cast %mul3A_72 : i32 to index
    %swap3A_74 = tpu.vector_load %arg6[%swap3A_73] {strides = array<i32>} : memref<128xf32, #tpu.memory_space<vmem>>, vector<16xf32>,
    %swap3A_75 = vector.shape_cast %swap3A_74 : vector<16xf32> to vector<16xf32>
    %swap3A_76 = vector.shape_cast %broadcast_in_dim3A_70 : vector<16xf32> to vector<16xf32>
    tpu.vector_store %arg6[%swap3A_73], %swap3A_76 {strides = array<i32>} : memref<128xf32, #tpu.memory_space<vmem>>, vector<16xf32>,
    %scan3A_77 = arith.constant 8 : i32
    %scan3A_78 = arith.constant 0 : i32
    %scan3A_79 = arith.constant 0 : i32
    %scan3A_80 = arith.constant 40 : i32
    %scan3A_81 = arith.addi %scan3A_79, %scan3A_80 : i32
    %scan3A_82 = arith.constant 8 : i32
    scf.for %scan3A_97 = %scan3A_79 to %scan3A_81 step %scan3A_82  : i32 {
      %broadcast_in_dim3A_98 = arith.constant 0.000000e+00 : f32
      %broadcast_in_dim3A_99 = vector.broadcast %broadcast_in_dim3A_98 : f32 to vector<16xf32>
      %mul3A_100 = arith.constant 16 : i32
      %mul3A_101 = arith.muli %scan3A_97, %mul3A_100 : i32
      %swap3A_102 = arith.index_cast %mul3A_101 : i32 to index
      %swap3A_103 = tpu.vector_load %arg7[%swap3A_102] {strides = array<i32>} : memref<640xf32, #tpu.memory_space<vmem>>, vector<16xf32>,
      %swap3A_104 = vector.shape_cast %swap3A_103 : vector<16xf32> to vector<16xf32>
      %swap3A_105 = vector.shape_cast %broadcast_in_dim3A_99 : vector<16xf32> to vector<16xf32>
      tpu.vector_store %arg7[%swap3A_102], %swap3A_105 {strides = array<i32>} : memref<640xf32, #tpu.memory_space<vmem>>, vector<16xf32>,
      %scan3A_106 = arith.constant 1 : i32
      %scan3A_107 = arith.addi %scan3A_97, %scan3A_106 : i32
      %broadcast_in_dim3A_108 = arith.constant 0.000000e+00 : f32
      %broadcast_in_dim3A_109 = vector.broadcast %broadcast_in_dim3A_108 : f32 to vector<16xf32>
      %mul3A_110 = arith.constant 16 : i32
      %mul3A_111 = arith.muli %scan3A_107, %mul3A_110 : i32
      %swap3A_112 = arith.index_cast %mul3A_111 : i32 to index
      %swap3A_113 = tpu.vector_load %arg7[%swap3A_112] {strides = array<i32>} : memref<640xf32, #tpu.memory_space<vmem>>, vector<16xf32>,
      %swap3A_114 = vector.shape_cast %swap3A_113 : vector<16xf32> to vector<16xf32>
      %swap3A_115 = vector.shape_cast %broadcast_in_dim3A_109 : vector<16xf32> to vector<16xf32>
      tpu.vector_store %arg7[%swap3A_112], %swap3A_115 {strides = array<i32>} : memref<640xf32, #tpu.memory_space<vmem>>, vector<16xf32>,
      %scan3A_116 = arith.constant 2 : i32
      %scan3A_117 = arith.addi %scan3A_97, %scan3A_116 : i32
      %broadcast_in_dim3A_118 = arith.constant 0.000000e+00 : f32
      %broadcast_in_dim3A_119 = vector.broadcast %broadcast_in_dim3A_118 : f32 to vector<16xf32>
      %mul3A_120 = arith.constant 16 : i32
      %mul3A_121 = arith.muli %scan3A_117, %mul3A_120 : i32
      %swap3A_122 = arith.index_cast %mul3A_121 : i32 to index
      %swap3A_123 = tpu.vector_load %arg7[%swap3A_122] {strides = array<i32>} : memref<640xf32, #tpu.memory_space<vmem>>, vector<16xf32>,
      %swap3A_124 = vector.shape_cast %swap3A_123 : vector<16xf32> to vector<16xf32>
      %swap3A_125 = vector.shape_cast %broadcast_in_dim3A_119 : vector<16xf32> to vector<16xf32>
      tpu.vector_store %arg7[%swap3A_122], %swap3A_125 {strides = array<i32>} : memref<640xf32, #tpu.memory_space<vmem>>, vector<16xf32>,
      %scan3A_126 = arith.constant 3 : i32
      %scan3A_127 = arith.addi %scan3A_97, %scan3A_126 : i32
      %broadcast_in_dim3A_128 = arith.constant 0.000000e+00 : f32
      %broadcast_in_dim3A_129 = vector.broadcast %broadcast_in_dim3A_128 : f32 to vector<16xf32>
      %mul3A_130 = arith.constant 16 : i32
      %mul3A_131 = arith.muli %scan3A_127, %mul3A_130 : i32
      %swap3A_132 = arith.index_cast %mul3A_131 : i32 to index
      %swap3A_133 = tpu.vector_load %arg7[%swap3A_132] {strides = array<i32>} : memref<640xf32, #tpu.memory_space<vmem>>, vector<16xf32>,
      %swap3A_134 = vector.shape_cast %swap3A_133 : vector<16xf32> to vector<16xf32>
      %swap3A_135 = vector.shape_cast %broadcast_in_dim3A_129 : vector<16xf32> to vector<16xf32>
      tpu.vector_store %arg7[%swap3A_132], %swap3A_135 {strides = array<i32>} : memref<640xf32, #tpu.memory_space<vmem>>, vector<16xf32>,
      %scan3A_136 = arith.constant 4 : i32
      %scan3A_137 = arith.addi %scan3A_97, %scan3A_136 : i32
      %broadcast_in_dim3A_138 = arith.constant 0.000000e+00 : f32
      %broadcast_in_dim3A_139 = vector.broadcast %broadcast_in_dim3A_138 : f32 to vector<16xf32>
      %mul3A_140 = arith.constant 16 : i32
      %mul3A_141 = arith.muli %scan3A_137, %mul3A_140 : i32
      %swap3A_142 = arith.index_cast %mul3A_141 : i32 to index
      %swap3A_143 = tpu.vector_load %arg7[%swap3A_142] {strides = array<i32>} : memref<640xf32, #tpu.memory_space<vmem>>, vector<16xf32>,
      %swap3A_144 = vector.shape_cast %swap3A_143 : vector<16xf32> to vector<16xf32>
      %swap3A_145 = vector.shape_cast %broadcast_in_dim3A_139 : vector<16xf32> to vector<16xf32>
      tpu.vector_store %arg7[%swap3A_142], %swap3A_145 {strides = array<i32>} : memref<640xf32, #tpu.memory_space<vmem>>, vector<16xf32>,
      %scan3A_146 = arith.constant 5 : i32
      %scan3A_147 = arith.addi %scan3A_97, %scan3A_146 : i32
      %broadcast_in_dim3A_148 = arith.constant 0.000000e+00 : f32
      %broadcast_in_dim3A_149 = vector.broadcast %broadcast_in_dim3A_148 : f32 to vector<16xf32>
      %mul3A_150 = arith.constant 16 : i32
      %mul3A_151 = arith.muli %scan3A_147, %mul3A_150 : i32
      %swap3A_152 = arith.index_cast %mul3A_151 : i32 to index
      %swap3A_153 = tpu.vector_load %arg7[%swap3A_152] {strides = array<i32>} : memref<640xf32, #tpu.memory_space<vmem>>, vector<16xf32>,
      %swap3A_154 = vector.shape_cast %swap3A_153 : vector<16xf32> to vector<16xf32>
      %swap3A_155 = vector.shape_cast %broadcast_in_dim3A_149 : vector<16xf32> to vector<16xf32>
      tpu.vector_store %arg7[%swap3A_152], %swap3A_155 {strides = array<i32>} : memref<640xf32, #tpu.memory_space<vmem>>, vector<16xf32>,
      %scan3A_156 = arith.constant 6 : i32
      %scan3A_157 = arith.addi %scan3A_97, %scan3A_156 : i32
      %broadcast_in_dim3A_158 = arith.constant 0.000000e+00 : f32
      %broadcast_in_dim3A_159 = vector.broadcast %broadcast_in_dim3A_158 : f32 to vector<16xf32>
      %mul3A_160 = arith.constant 16 : i32
      %mul3A_161 = arith.muli %scan3A_157, %mul3A_160 : i32
      %swap3A_162 = arith.index_cast %mul3A_161 : i32 to index
      %swap3A_163 = tpu.vector_load %arg7[%swap3A_162] {strides = array<i32>} : memref<640xf32, #tpu.memory_space<vmem>>, vector<16xf32>,
      %swap3A_164 = vector.shape_cast %swap3A_163 : vector<16xf32> to vector<16xf32>
      %swap3A_165 = vector.shape_cast %broadcast_in_dim3A_159 : vector<16xf32> to vector<16xf32>
      tpu.vector_store %arg7[%swap3A_162], %swap3A_165 {strides = array<i32>} : memref<640xf32, #tpu.memory_space<vmem>>, vector<16xf32>,
      %scan3A_166 = arith.constant 7 : i32
      %scan3A_167 = arith.addi %scan3A_97, %scan3A_166 : i32
      %broadcast_in_dim3A_168 = arith.constant 0.000000e+00 : f32
      %broadcast_in_dim3A_169 = vector.broadcast %broadcast_in_dim3A_168 : f32 to vector<16xf32>
      %mul3A_170 = arith.constant 16 : i32
      %mul3A_171 = arith.muli %scan3A_167, %mul3A_170 : i32
      %swap3A_172 = arith.index_cast %mul3A_171 : i32 to index
      %swap3A_173 = tpu.vector_load %arg7[%swap3A_172] {strides = array<i32>} : memref<640xf32, #tpu.memory_space<vmem>>, vector<16xf32>,
      %swap3A_174 = vector.shape_cast %swap3A_173 : vector<16xf32> to vector<16xf32>
      %swap3A_175 = vector.shape_cast %broadcast_in_dim3A_169 : vector<16xf32> to vector<16xf32>
      tpu.vector_store %arg7[%swap3A_172], %swap3A_175 {strides = array<i32>} : memref<640xf32, #tpu.memory_space<vmem>>, vector<16xf32>,
    }
    %scan3A_83 = arith.constant 40 : i32
    %mul3A_84 = arith.constant 640 : i32
    %mul3A_85 = arith.muli %arg1, %mul3A_84 : i32
    "tpu.region"() ({
      %run_scoped3A = tpu.sem_alloc : memref<!tpu.dma_semaphore, #tpu.memory_space<semaphore_mem>>
      %dma_start3A = tpu.memref_slice %arg8[%mul3A_85] : memref<10240xf32, #tpu.memory_space<vmem_shared>> -> memref<640xf32, #tpu.memory_space<vmem_shared>>
      %dma_start3A_97 = tpu.memref_slice %arg8[%mul3A_85] : memref<10240xf32, #tpu.memory_space<vmem_shared>> -> memref<640xf32, #tpu.memory_space<vmem_shared>>
      tpu.enqueue_dma source(%arg7 : memref<640xf32, #tpu.memory_space<vmem>>) target(%dma_start3A_97 : memref<640xf32, #tpu.memory_space<vmem_shared>>) target_semaphore(%run_scoped3A : memref<!tpu.dma_semaphore, #tpu.memory_space<semaphore_mem>>)
      %dma_wait3A = tpu.memref_slice %arg8[%mul3A_85] : memref<10240xf32, #tpu.memory_space<vmem_shared>> -> memref<640xf32, #tpu.memory_space<vmem_shared>>
      %dma_wait3A_98 = tpu.memref_slice %arg8[%mul3A_85] : memref<10240xf32, #tpu.memory_space<vmem_shared>> -> memref<640xf32, #tpu.memory_space<vmem_shared>>
      tpu.wait_dma2 semaphore(%run_scoped3A : memref<!tpu.dma_semaphore, #tpu.memory_space<semaphore_mem>>) src(%arg7 : memref<640xf32, #tpu.memory_space<vmem>>) dst(%dma_wait3A_98 : memref<640xf32, #tpu.memory_space<vmem_shared>>)
      tpu.yield
    }) : () -> ()
    %barrier3A = arith.constant 0 : index
    tpu.barrier barrier_id(%barrier3A)
    %scan3A_86 = arith.constant 0 : i32
    %scan3A_87 = arith.constant 0 : i32
    %scan3A_88 = arith.constant 80 : i32
    %scan3A_89 = arith.addi %scan3A_87, %scan3A_88 : i32
    %scan3A_90 = arith.constant 1 : i32
    scf.for %scan3A_97 = %scan3A_87 to %scan3A_89 step %scan3A_90  : i32 {
      "tpu.region"() ({
        %run_scoped3A = tpu.sem_alloc : memref<!tpu.dma_semaphore, #tpu.memory_space<semaphore_mem>>
        %dma_start3A = arith.constant 0 : i32
        %dma_start3A_98 = tpu.memref_slice %arg5[%scan3A_97, %dma_start3A] : memref<80x128xi32, #tpu.memory_space<vmem>> -> memref<1x128xi32, #tpu.memory_space<vmem>>
        %dma_start3A_99 = tpu.memref_squeeze %dma_start3A_98 : memref<1x128xi32, #tpu.memory_space<vmem>> -> memref<128xi32, #tpu.memory_space<vmem>>
        %dma_start3A_100 = arith.constant 0 : i32
        %dma_start3A_101 = tpu.memref_slice %arg8[%dma_start3A_100] : memref<10240xf32, #tpu.memory_space<vmem_shared>> -> memref<10240xf32, #tpu.memory_space<vmem_shared>>
        tpu.enqueue_indirect_dma source(%arg6 : memref<128xf32, #tpu.memory_space<vmem>>) target(%dma_start3A_101 : memref<10240xf32, #tpu.memory_space<vmem_shared>>) offsets(%dma_start3A_99 : memref<128xi32, #tpu.memory_space<vmem>>) semaphore(%run_scoped3A : memref<!tpu.dma_semaphore, #tpu.memory_space<semaphore_mem>>) {add = true}
        %dma_wait3A = arith.constant 0 : i32
        %dma_wait3A_102 = tpu.memref_slice %arg5[%scan3A_97, %dma_wait3A] : memref<80x128xi32, #tpu.memory_space<vmem>> -> memref<1x128xi32, #tpu.memory_space<vmem>>
        %dma_wait3A_103 = tpu.memref_squeeze %dma_wait3A_102 : memref<1x128xi32, #tpu.memory_space<vmem>> -> memref<128xi32, #tpu.memory_space<vmem>>
        %dma_wait3A_104 = arith.constant 0 : i32
        %dma_wait3A_105 = tpu.memref_slice %arg8[%dma_wait3A_104] : memref<10240xf32, #tpu.memory_space<vmem_shared>> -> memref<10240xf32, #tpu.memory_space<vmem_shared>>
        tpu.wait_indirect_dma semaphore(%run_scoped3A : memref<!tpu.dma_semaphore, #tpu.memory_space<semaphore_mem>>) src(%arg6 : memref<128xf32, #tpu.memory_space<vmem>>) dst(%dma_wait3A_105 : memref<10240xf32, #tpu.memory_space<vmem_shared>>)
        tpu.yield
      }) : () -> ()
    }
    %scan3A_91 = arith.constant 80 : i32
    %barrier3A_92 = arith.constant 0 : index
    tpu.barrier barrier_id(%barrier3A_92)
    %mul3A_93 = arith.constant 640 : i32
    %mul3A_94 = arith.muli %arg1, %mul3A_93 : i32
    %mul3A_95 = arith.constant 640 : i32
    %mul3A_96 = arith.muli %arg1, %mul3A_95 : i32
    "tpu.region"() ({
      %run_scoped3A = tpu.sem_alloc : memref<!tpu.dma_semaphore, #tpu.memory_space<semaphore_mem>>
      %dma_start3A = arith.constant 0 : i32
      %dma_start3A_97 = tpu.memref_slice %arg4[%arg0, %dma_start3A] : memref<2x10240xf32, #tpu.memory_space<hbm>> -> memref<1x10240xf32, #tpu.memory_space<hbm>>
      %dma_start3A_98 = tpu.memref_squeeze %dma_start3A_97 : memref<1x10240xf32, #tpu.memory_space<hbm>> -> memref<10240xf32, #tpu.memory_space<hbm>>
      %dma_start3A_99 = tpu.memref_slice %dma_start3A_98[%mul3A_96] : memref<10240xf32, #tpu.memory_space<hbm>> -> memref<640xf32, #tpu.memory_space<hbm>>
      %dma_start3A_100 = tpu.memref_slice %arg8[%mul3A_94] : memref<10240xf32, #tpu.memory_space<vmem_shared>> -> memref<640xf32, #tpu.memory_space<vmem_shared>>
      tpu.enqueue_dma source(%dma_start3A_100 : memref<640xf32, #tpu.memory_space<vmem_shared>>) target(%dma_start3A_99 : memref<640xf32, #tpu.memory_space<hbm>>) target_semaphore(%run_scoped3A : memref<!tpu.dma_semaphore, #tpu.memory_space<semaphore_mem>>)
      %dma_wait3A = arith.constant 0 : i32
      %dma_wait3A_101 = tpu.memref_slice %arg4[%arg0, %dma_wait3A] : memref<2x10240xf32, #tpu.memory_space<hbm>> -> memref<1x10240xf32, #tpu.memory_space<hbm>>
      %dma_wait3A_102 = tpu.memref_squeeze %dma_wait3A_101 : memref<1x10240xf32, #tpu.memory_space<hbm>> -> memref<10240xf32, #tpu.memory_space<hbm>>
      %dma_wait3A_103 = tpu.memref_slice %dma_wait3A_102[%mul3A_96] : memref<10240xf32, #tpu.memory_space<hbm>> -> memref<640xf32, #tpu.memory_space<hbm>>
      %dma_wait3A_104 = tpu.memref_slice %arg8[%mul3A_94] : memref<10240xf32, #tpu.memory_space<vmem_shared>> -> memref<640xf32, #tpu.memory_space<vmem_shared>>
      tpu.wait_dma2 semaphore(%run_scoped3A : memref<!tpu.dma_semaphore, #tpu.memory_space<semaphore_mem>>) src(%dma_wait3A_104 : memref<640xf32, #tpu.memory_space<vmem_shared>>) dst(%dma_wait3A_103 : memref<640xf32, #tpu.memory_space<hbm>>)
      tpu.yield
    }) : () -> ()
    return
  }
}

#map = affine_map<(d0, d1) -> (0, 0)>
#map1 = affine_map<(d0, d1) -> (0, 0, 0)>
module attributes {stable_mosaic.version = 14 : i64} {
  func.func @_agg_body(%arg0: i32, %arg1: i32, %arg2: memref<10240x128xf32, #tpu.memory_space<hbm>>, %arg3: memref<2500x128xi32, #tpu.memory_space<hbm>>, %arg4: memref<2500x128xi32, #tpu.memory_space<hbm>>, %arg5: memref<2x80x128xi32, #tpu.memory_space<hbm>>, %arg6: memref<2x10240x128xf32, #tpu.memory_space<hbm>>, %arg7: memref<40x128xi32, #tpu.memory_space<vmem>>, %arg8: memref<40x128xi32, #tpu.memory_space<vmem>>, %arg9: memref<2x128x128xf32, #tpu.memory_space<vmem>>, %arg10: memref<10240x128xf32, #tpu.memory_space<vmem_shared>>, %arg11: memref<!tpu.dma_semaphore, #tpu.memory_space<semaphore_mem>>, %arg12: memref<!tpu.dma_semaphore, #tpu.memory_space<semaphore_mem>>, %arg13: memref<!tpu.dma_semaphore, #tpu.memory_space<semaphore_mem>>, %arg14: memref<!tpu.dma_semaphore, #tpu.memory_space<semaphore_mem>>) attributes {dimension_semantics = [#tpu.dimension_semantics<core_parallel>, #tpu.dimension_semantics<subcore_parallel>], iteration_bounds = array<i64: 2, 16>, scalar_prefetch = 0 : i64, scratch_operands = 8 : i64, tpu.core_type = #tpu.core_type<sc_vector_subcore>, window_params = [{transform_indices = #map}, {transform_indices = #map}, {transform_indices = #map}, {transform_indices = #map1}, {transform_indices = #map1}]} {
    %mul3A = arith.constant 16 : i32
    %mul3A_0 = arith.muli %arg0, %mul3A : i32
    %add3A = arith.addi %mul3A_0, %arg1 : i32
    %scan3A = arith.constant 0 : i32
    %scan3A_1 = arith.constant 0 : i32
    %scan3A_2 = arith.constant 128 : i32
    %scan3A_3 = arith.addi %scan3A_1, %scan3A_2 : i32
    %scan3A_4 = arith.constant 4 : i32
    scf.for %scan3A_129 = %scan3A_1 to %scan3A_3 step %scan3A_4  : i32 {
      %broadcast_in_dim3A = arith.constant 0.000000e+00 : f32
      %broadcast_in_dim3A_130 = vector.broadcast %broadcast_in_dim3A : f32 to vector<16xf32>
      %swap3A = arith.constant 0 : i32
      %swap3A_131 = arith.index_cast %swap3A : i32 to index
      %swap3A_132 = arith.index_cast %scan3A_129 : i32 to index
      %swap3A_133 = arith.constant 0 : index
      %swap3A_134 = tpu.vector_load %arg9[%swap3A_131, %swap3A_132, %swap3A_133] {strides = array<i32>} : memref<2x128x128xf32, #tpu.memory_space<vmem>>, vector<1x1x16xf32>,
      %swap3A_135 = vector.shape_cast %swap3A_134 : vector<1x1x16xf32> to vector<16xf32>
      %swap3A_136 = vector.shape_cast %broadcast_in_dim3A_130 : vector<16xf32> to vector<1x1x16xf32>
      tpu.vector_store %arg9[%swap3A_131, %swap3A_132, %swap3A_133], %swap3A_136 {strides = array<i32>} : memref<2x128x128xf32, #tpu.memory_space<vmem>>, vector<1x1x16xf32>,
      %broadcast_in_dim3A_137 = arith.constant 0.000000e+00 : f32
      %broadcast_in_dim3A_138 = vector.broadcast %broadcast_in_dim3A_137 : f32 to vector<16xf32>
      %swap3A_139 = arith.constant 0 : i32
      %swap3A_140 = arith.index_cast %swap3A_139 : i32 to index
      %swap3A_141 = arith.index_cast %scan3A_129 : i32 to index
      %swap3A_142 = arith.constant 16 : index
      %swap3A_143 = tpu.vector_load %arg9[%swap3A_140, %swap3A_141, %swap3A_142] {strides = array<i32>} : memref<2x128x128xf32, #tpu.memory_space<vmem>>, vector<1x1x16xf32>,
      %swap3A_144 = vector.shape_cast %swap3A_143 : vector<1x1x16xf32> to vector<16xf32>
      %swap3A_145 = vector.shape_cast %broadcast_in_dim3A_138 : vector<16xf32> to vector<1x1x16xf32>
      tpu.vector_store %arg9[%swap3A_140, %swap3A_141, %swap3A_142], %swap3A_145 {strides = array<i32>} : memref<2x128x128xf32, #tpu.memory_space<vmem>>, vector<1x1x16xf32>,
      %broadcast_in_dim3A_146 = arith.constant 0.000000e+00 : f32
      %broadcast_in_dim3A_147 = vector.broadcast %broadcast_in_dim3A_146 : f32 to vector<16xf32>
      %swap3A_148 = arith.constant 0 : i32
      %swap3A_149 = arith.index_cast %swap3A_148 : i32 to index
      %swap3A_150 = arith.index_cast %scan3A_129 : i32 to index
      %swap3A_151 = arith.constant 32 : index
      %swap3A_152 = tpu.vector_load %arg9[%swap3A_149, %swap3A_150, %swap3A_151] {strides = array<i32>} : memref<2x128x128xf32, #tpu.memory_space<vmem>>, vector<1x1x16xf32>,
      %swap3A_153 = vector.shape_cast %swap3A_152 : vector<1x1x16xf32> to vector<16xf32>
      %swap3A_154 = vector.shape_cast %broadcast_in_dim3A_147 : vector<16xf32> to vector<1x1x16xf32>
      tpu.vector_store %arg9[%swap3A_149, %swap3A_150, %swap3A_151], %swap3A_154 {strides = array<i32>} : memref<2x128x128xf32, #tpu.memory_space<vmem>>, vector<1x1x16xf32>,
      %broadcast_in_dim3A_155 = arith.constant 0.000000e+00 : f32
      %broadcast_in_dim3A_156 = vector.broadcast %broadcast_in_dim3A_155 : f32 to vector<16xf32>
      %swap3A_157 = arith.constant 0 : i32
      %swap3A_158 = arith.index_cast %swap3A_157 : i32 to index
      %swap3A_159 = arith.index_cast %scan3A_129 : i32 to index
      %swap3A_160 = arith.constant 48 : index
      %swap3A_161 = tpu.vector_load %arg9[%swap3A_158, %swap3A_159, %swap3A_160] {strides = array<i32>} : memref<2x128x128xf32, #tpu.memory_space<vmem>>, vector<1x1x16xf32>,
      %swap3A_162 = vector.shape_cast %swap3A_161 : vector<1x1x16xf32> to vector<16xf32>
      %swap3A_163 = vector.shape_cast %broadcast_in_dim3A_156 : vector<16xf32> to vector<1x1x16xf32>
      tpu.vector_store %arg9[%swap3A_158, %swap3A_159, %swap3A_160], %swap3A_163 {strides = array<i32>} : memref<2x128x128xf32, #tpu.memory_space<vmem>>, vector<1x1x16xf32>,
      %broadcast_in_dim3A_164 = arith.constant 0.000000e+00 : f32
      %broadcast_in_dim3A_165 = vector.broadcast %broadcast_in_dim3A_164 : f32 to vector<16xf32>
      %swap3A_166 = arith.constant 0 : i32
      %swap3A_167 = arith.index_cast %swap3A_166 : i32 to index
      %swap3A_168 = arith.index_cast %scan3A_129 : i32 to index
      %swap3A_169 = arith.constant 64 : index
      %swap3A_170 = tpu.vector_load %arg9[%swap3A_167, %swap3A_168, %swap3A_169] {strides = array<i32>} : memref<2x128x128xf32, #tpu.memory_space<vmem>>, vector<1x1x16xf32>,
      %swap3A_171 = vector.shape_cast %swap3A_170 : vector<1x1x16xf32> to vector<16xf32>
      %swap3A_172 = vector.shape_cast %broadcast_in_dim3A_165 : vector<16xf32> to vector<1x1x16xf32>
      tpu.vector_store %arg9[%swap3A_167, %swap3A_168, %swap3A_169], %swap3A_172 {strides = array<i32>} : memref<2x128x128xf32, #tpu.memory_space<vmem>>, vector<1x1x16xf32>,
      %broadcast_in_dim3A_173 = arith.constant 0.000000e+00 : f32
      %broadcast_in_dim3A_174 = vector.broadcast %broadcast_in_dim3A_173 : f32 to vector<16xf32>
      %swap3A_175 = arith.constant 0 : i32
      %swap3A_176 = arith.index_cast %swap3A_175 : i32 to index
      %swap3A_177 = arith.index_cast %scan3A_129 : i32 to index
      %swap3A_178 = arith.constant 80 : index
      %swap3A_179 = tpu.vector_load %arg9[%swap3A_176, %swap3A_177, %swap3A_178] {strides = array<i32>} : memref<2x128x128xf32, #tpu.memory_space<vmem>>, vector<1x1x16xf32>,
      %swap3A_180 = vector.shape_cast %swap3A_179 : vector<1x1x16xf32> to vector<16xf32>
      %swap3A_181 = vector.shape_cast %broadcast_in_dim3A_174 : vector<16xf32> to vector<1x1x16xf32>
      tpu.vector_store %arg9[%swap3A_176, %swap3A_177, %swap3A_178], %swap3A_181 {strides = array<i32>} : memref<2x128x128xf32, #tpu.memory_space<vmem>>, vector<1x1x16xf32>,
      %broadcast_in_dim3A_182 = arith.constant 0.000000e+00 : f32
      %broadcast_in_dim3A_183 = vector.broadcast %broadcast_in_dim3A_182 : f32 to vector<16xf32>
      %swap3A_184 = arith.constant 0 : i32
      %swap3A_185 = arith.index_cast %swap3A_184 : i32 to index
      %swap3A_186 = arith.index_cast %scan3A_129 : i32 to index
      %swap3A_187 = arith.constant 96 : index
      %swap3A_188 = tpu.vector_load %arg9[%swap3A_185, %swap3A_186, %swap3A_187] {strides = array<i32>} : memref<2x128x128xf32, #tpu.memory_space<vmem>>, vector<1x1x16xf32>,
      %swap3A_189 = vector.shape_cast %swap3A_188 : vector<1x1x16xf32> to vector<16xf32>
      %swap3A_190 = vector.shape_cast %broadcast_in_dim3A_183 : vector<16xf32> to vector<1x1x16xf32>
      tpu.vector_store %arg9[%swap3A_185, %swap3A_186, %swap3A_187], %swap3A_190 {strides = array<i32>} : memref<2x128x128xf32, #tpu.memory_space<vmem>>, vector<1x1x16xf32>,
      %broadcast_in_dim3A_191 = arith.constant 0.000000e+00 : f32
      %broadcast_in_dim3A_192 = vector.broadcast %broadcast_in_dim3A_191 : f32 to vector<16xf32>
      %swap3A_193 = arith.constant 0 : i32
      %swap3A_194 = arith.index_cast %swap3A_193 : i32 to index
      %swap3A_195 = arith.index_cast %scan3A_129 : i32 to index
      %swap3A_196 = arith.constant 112 : index
      %swap3A_197 = tpu.vector_load %arg9[%swap3A_194, %swap3A_195, %swap3A_196] {strides = array<i32>} : memref<2x128x128xf32, #tpu.memory_space<vmem>>, vector<1x1x16xf32>,
      %swap3A_198 = vector.shape_cast %swap3A_197 : vector<1x1x16xf32> to vector<16xf32>
      %swap3A_199 = vector.shape_cast %broadcast_in_dim3A_192 : vector<16xf32> to vector<1x1x16xf32>
      tpu.vector_store %arg9[%swap3A_194, %swap3A_195, %swap3A_196], %swap3A_199 {strides = array<i32>} : memref<2x128x128xf32, #tpu.memory_space<vmem>>, vector<1x1x16xf32>,
      %scan3A_200 = arith.constant 1 : i32
      %scan3A_201 = arith.addi %scan3A_129, %scan3A_200 : i32
      %broadcast_in_dim3A_202 = arith.constant 0.000000e+00 : f32
      %broadcast_in_dim3A_203 = vector.broadcast %broadcast_in_dim3A_202 : f32 to vector<16xf32>
      %swap3A_204 = arith.constant 0 : i32
      %swap3A_205 = arith.index_cast %swap3A_204 : i32 to index
      %swap3A_206 = arith.index_cast %scan3A_201 : i32 to index
      %swap3A_207 = arith.constant 0 : index
      %swap3A_208 = tpu.vector_load %arg9[%swap3A_205, %swap3A_206, %swap3A_207] {strides = array<i32>} : memref<2x128x128xf32, #tpu.memory_space<vmem>>, vector<1x1x16xf32>,
      %swap3A_209 = vector.shape_cast %swap3A_208 : vector<1x1x16xf32> to vector<16xf32>
      %swap3A_210 = vector.shape_cast %broadcast_in_dim3A_203 : vector<16xf32> to vector<1x1x16xf32>
      tpu.vector_store %arg9[%swap3A_205, %swap3A_206, %swap3A_207], %swap3A_210 {strides = array<i32>} : memref<2x128x128xf32, #tpu.memory_space<vmem>>, vector<1x1x16xf32>,
      %broadcast_in_dim3A_211 = arith.constant 0.000000e+00 : f32
      %broadcast_in_dim3A_212 = vector.broadcast %broadcast_in_dim3A_211 : f32 to vector<16xf32>
      %swap3A_213 = arith.constant 0 : i32
      %swap3A_214 = arith.index_cast %swap3A_213 : i32 to index
      %swap3A_215 = arith.index_cast %scan3A_201 : i32 to index
      %swap3A_216 = arith.constant 16 : index
      %swap3A_217 = tpu.vector_load %arg9[%swap3A_214, %swap3A_215, %swap3A_216] {strides = array<i32>} : memref<2x128x128xf32, #tpu.memory_space<vmem>>, vector<1x1x16xf32>,
      %swap3A_218 = vector.shape_cast %swap3A_217 : vector<1x1x16xf32> to vector<16xf32>
      %swap3A_219 = vector.shape_cast %broadcast_in_dim3A_212 : vector<16xf32> to vector<1x1x16xf32>
      tpu.vector_store %arg9[%swap3A_214, %swap3A_215, %swap3A_216], %swap3A_219 {strides = array<i32>} : memref<2x128x128xf32, #tpu.memory_space<vmem>>, vector<1x1x16xf32>,
      %broadcast_in_dim3A_220 = arith.constant 0.000000e+00 : f32
      %broadcast_in_dim3A_221 = vector.broadcast %broadcast_in_dim3A_220 : f32 to vector<16xf32>
      %swap3A_222 = arith.constant 0 : i32
      %swap3A_223 = arith.index_cast %swap3A_222 : i32 to index
      %swap3A_224 = arith.index_cast %scan3A_201 : i32 to index
      %swap3A_225 = arith.constant 32 : index
      %swap3A_226 = tpu.vector_load %arg9[%swap3A_223, %swap3A_224, %swap3A_225] {strides = array<i32>} : memref<2x128x128xf32, #tpu.memory_space<vmem>>, vector<1x1x16xf32>,
      %swap3A_227 = vector.shape_cast %swap3A_226 : vector<1x1x16xf32> to vector<16xf32>
      %swap3A_228 = vector.shape_cast %broadcast_in_dim3A_221 : vector<16xf32> to vector<1x1x16xf32>
      tpu.vector_store %arg9[%swap3A_223, %swap3A_224, %swap3A_225], %swap3A_228 {strides = array<i32>} : memref<2x128x128xf32, #tpu.memory_space<vmem>>, vector<1x1x16xf32>,
      %broadcast_in_dim3A_229 = arith.constant 0.000000e+00 : f32
      %broadcast_in_dim3A_230 = vector.broadcast %broadcast_in_dim3A_229 : f32 to vector<16xf32>
      %swap3A_231 = arith.constant 0 : i32
      %swap3A_232 = arith.index_cast %swap3A_231 : i32 to index
      %swap3A_233 = arith.index_cast %scan3A_201 : i32 to index
      %swap3A_234 = arith.constant 48 : index
      %swap3A_235 = tpu.vector_load %arg9[%swap3A_232, %swap3A_233, %swap3A_234] {strides = array<i32>} : memref<2x128x128xf32, #tpu.memory_space<vmem>>, vector<1x1x16xf32>,
      %swap3A_236 = vector.shape_cast %swap3A_235 : vector<1x1x16xf32> to vector<16xf32>
      %swap3A_237 = vector.shape_cast %broadcast_in_dim3A_230 : vector<16xf32> to vector<1x1x16xf32>
      tpu.vector_store %arg9[%swap3A_232, %swap3A_233, %swap3A_234], %swap3A_237 {strides = array<i32>} : memref<2x128x128xf32, #tpu.memory_space<vmem>>, vector<1x1x16xf32>,
      %broadcast_in_dim3A_238 = arith.constant 0.000000e+00 : f32
      %broadcast_in_dim3A_239 = vector.broadcast %broadcast_in_dim3A_238 : f32 to vector<16xf32>
      %swap3A_240 = arith.constant 0 : i32
      %swap3A_241 = arith.index_cast %swap3A_240 : i32 to index
      %swap3A_242 = arith.index_cast %scan3A_201 : i32 to index
      %swap3A_243 = arith.constant 64 : index
      %swap3A_244 = tpu.vector_load %arg9[%swap3A_241, %swap3A_242, %swap3A_243] {strides = array<i32>} : memref<2x128x128xf32, #tpu.memory_space<vmem>>, vector<1x1x16xf32>,
      %swap3A_245 = vector.shape_cast %swap3A_244 : vector<1x1x16xf32> to vector<16xf32>
      %swap3A_246 = vector.shape_cast %broadcast_in_dim3A_239 : vector<16xf32> to vector<1x1x16xf32>
      tpu.vector_store %arg9[%swap3A_241, %swap3A_242, %swap3A_243], %swap3A_246 {strides = array<i32>} : memref<2x128x128xf32, #tpu.memory_space<vmem>>, vector<1x1x16xf32>,
      %broadcast_in_dim3A_247 = arith.constant 0.000000e+00 : f32
      %broadcast_in_dim3A_248 = vector.broadcast %broadcast_in_dim3A_247 : f32 to vector<16xf32>
      %swap3A_249 = arith.constant 0 : i32
      %swap3A_250 = arith.index_cast %swap3A_249 : i32 to index
      %swap3A_251 = arith.index_cast %scan3A_201 : i32 to index
      %swap3A_252 = arith.constant 80 : index
      %swap3A_253 = tpu.vector_load %arg9[%swap3A_250, %swap3A_251, %swap3A_252] {strides = array<i32>} : memref<2x128x128xf32, #tpu.memory_space<vmem>>, vector<1x1x16xf32>,
      %swap3A_254 = vector.shape_cast %swap3A_253 : vector<1x1x16xf32> to vector<16xf32>
      %swap3A_255 = vector.shape_cast %broadcast_in_dim3A_248 : vector<16xf32> to vector<1x1x16xf32>
      tpu.vector_store %arg9[%swap3A_250, %swap3A_251, %swap3A_252], %swap3A_255 {strides = array<i32>} : memref<2x128x128xf32, #tpu.memory_space<vmem>>, vector<1x1x16xf32>,
      %broadcast_in_dim3A_256 = arith.constant 0.000000e+00 : f32
      %broadcast_in_dim3A_257 = vector.broadcast %broadcast_in_dim3A_256 : f32 to vector<16xf32>
      %swap3A_258 = arith.constant 0 : i32
      %swap3A_259 = arith.index_cast %swap3A_258 : i32 to index
      %swap3A_260 = arith.index_cast %scan3A_201 : i32 to index
      %swap3A_261 = arith.constant 96 : index
      %swap3A_262 = tpu.vector_load %arg9[%swap3A_259, %swap3A_260, %swap3A_261] {strides = array<i32>} : memref<2x128x128xf32, #tpu.memory_space<vmem>>, vector<1x1x16xf32>,
      %swap3A_263 = vector.shape_cast %swap3A_262 : vector<1x1x16xf32> to vector<16xf32>
      %swap3A_264 = vector.shape_cast %broadcast_in_dim3A_257 : vector<16xf32> to vector<1x1x16xf32>
      tpu.vector_store %arg9[%swap3A_259, %swap3A_260, %swap3A_261], %swap3A_264 {strides = array<i32>} : memref<2x128x128xf32, #tpu.memory_space<vmem>>, vector<1x1x16xf32>,
      %broadcast_in_dim3A_265 = arith.constant 0.000000e+00 : f32
      %broadcast_in_dim3A_266 = vector.broadcast %broadcast_in_dim3A_265 : f32 to vector<16xf32>
      %swap3A_267 = arith.constant 0 : i32
      %swap3A_268 = arith.index_cast %swap3A_267 : i32 to index
      %swap3A_269 = arith.index_cast %scan3A_201 : i32 to index
      %swap3A_270 = arith.constant 112 : index
      %swap3A_271 = tpu.vector_load %arg9[%swap3A_268, %swap3A_269, %swap3A_270] {strides = array<i32>} : memref<2x128x128xf32, #tpu.memory_space<vmem>>, vector<1x1x16xf32>,
      %swap3A_272 = vector.shape_cast %swap3A_271 : vector<1x1x16xf32> to vector<16xf32>
      %swap3A_273 = vector.shape_cast %broadcast_in_dim3A_266 : vector<16xf32> to vector<1x1x16xf32>
      tpu.vector_store %arg9[%swap3A_268, %swap3A_269, %swap3A_270], %swap3A_273 {strides = array<i32>} : memref<2x128x128xf32, #tpu.memory_space<vmem>>, vector<1x1x16xf32>,
      %scan3A_274 = arith.constant 2 : i32
      %scan3A_275 = arith.addi %scan3A_129, %scan3A_274 : i32
      %broadcast_in_dim3A_276 = arith.constant 0.000000e+00 : f32
      %broadcast_in_dim3A_277 = vector.broadcast %broadcast_in_dim3A_276 : f32 to vector<16xf32>
      %swap3A_278 = arith.constant 0 : i32
      %swap3A_279 = arith.index_cast %swap3A_278 : i32 to index
      %swap3A_280 = arith.index_cast %scan3A_275 : i32 to index
      %swap3A_281 = arith.constant 0 : index
      %swap3A_282 = tpu.vector_load %arg9[%swap3A_279, %swap3A_280, %swap3A_281] {strides = array<i32>} : memref<2x128x128xf32, #tpu.memory_space<vmem>>, vector<1x1x16xf32>,
      %swap3A_283 = vector.shape_cast %swap3A_282 : vector<1x1x16xf32> to vector<16xf32>
      %swap3A_284 = vector.shape_cast %broadcast_in_dim3A_277 : vector<16xf32> to vector<1x1x16xf32>
      tpu.vector_store %arg9[%swap3A_279, %swap3A_280, %swap3A_281], %swap3A_284 {strides = array<i32>} : memref<2x128x128xf32, #tpu.memory_space<vmem>>, vector<1x1x16xf32>,
      %broadcast_in_dim3A_285 = arith.constant 0.000000e+00 : f32
      %broadcast_in_dim3A_286 = vector.broadcast %broadcast_in_dim3A_285 : f32 to vector<16xf32>
      %swap3A_287 = arith.constant 0 : i32
      %swap3A_288 = arith.index_cast %swap3A_287 : i32 to index
      %swap3A_289 = arith.index_cast %scan3A_275 : i32 to index
      %swap3A_290 = arith.constant 16 : index
      %swap3A_291 = tpu.vector_load %arg9[%swap3A_288, %swap3A_289, %swap3A_290] {strides = array<i32>} : memref<2x128x128xf32, #tpu.memory_space<vmem>>, vector<1x1x16xf32>,
      %swap3A_292 = vector.shape_cast %swap3A_291 : vector<1x1x16xf32> to vector<16xf32>
      %swap3A_293 = vector.shape_cast %broadcast_in_dim3A_286 : vector<16xf32> to vector<1x1x16xf32>
      tpu.vector_store %arg9[%swap3A_288, %swap3A_289, %swap3A_290], %swap3A_293 {strides = array<i32>} : memref<2x128x128xf32, #tpu.memory_space<vmem>>, vector<1x1x16xf32>,
      %broadcast_in_dim3A_294 = arith.constant 0.000000e+00 : f32
      %broadcast_in_dim3A_295 = vector.broadcast %broadcast_in_dim3A_294 : f32 to vector<16xf32>
      %swap3A_296 = arith.constant 0 : i32
      %swap3A_297 = arith.index_cast %swap3A_296 : i32 to index
      %swap3A_298 = arith.index_cast %scan3A_275 : i32 to index
      %swap3A_299 = arith.constant 32 : index
      %swap3A_300 = tpu.vector_load %arg9[%swap3A_297, %swap3A_298, %swap3A_299] {strides = array<i32>} : memref<2x128x128xf32, #tpu.memory_space<vmem>>, vector<1x1x16xf32>,
      %swap3A_301 = vector.shape_cast %swap3A_300 : vector<1x1x16xf32> to vector<16xf32>
      %swap3A_302 = vector.shape_cast %broadcast_in_dim3A_295 : vector<16xf32> to vector<1x1x16xf32>
      tpu.vector_store %arg9[%swap3A_297, %swap3A_298, %swap3A_299], %swap3A_302 {strides = array<i32>} : memref<2x128x128xf32, #tpu.memory_space<vmem>>, vector<1x1x16xf32>,
      %broadcast_in_dim3A_303 = arith.constant 0.000000e+00 : f32
      %broadcast_in_dim3A_304 = vector.broadcast %broadcast_in_dim3A_303 : f32 to vector<16xf32>
      %swap3A_305 = arith.constant 0 : i32
      %swap3A_306 = arith.index_cast %swap3A_305 : i32 to index
      %swap3A_307 = arith.index_cast %scan3A_275 : i32 to index
      %swap3A_308 = arith.constant 48 : index
      %swap3A_309 = tpu.vector_load %arg9[%swap3A_306, %swap3A_307, %swap3A_308] {strides = array<i32>} : memref<2x128x128xf32, #tpu.memory_space<vmem>>, vector<1x1x16xf32>,
      %swap3A_310 = vector.shape_cast %swap3A_309 : vector<1x1x16xf32> to vector<16xf32>
      %swap3A_311 = vector.shape_cast %broadcast_in_dim3A_304 : vector<16xf32> to vector<1x1x16xf32>
      tpu.vector_store %arg9[%swap3A_306, %swap3A_307, %swap3A_308], %swap3A_311 {strides = array<i32>} : memref<2x128x128xf32, #tpu.memory_space<vmem>>, vector<1x1x16xf32>,
      %broadcast_in_dim3A_312 = arith.constant 0.000000e+00 : f32
      %broadcast_in_dim3A_313 = vector.broadcast %broadcast_in_dim3A_312 : f32 to vector<16xf32>
      %swap3A_314 = arith.constant 0 : i32
      %swap3A_315 = arith.index_cast %swap3A_314 : i32 to index
      %swap3A_316 = arith.index_cast %scan3A_275 : i32 to index
      %swap3A_317 = arith.constant 64 : index
      %swap3A_318 = tpu.vector_load %arg9[%swap3A_315, %swap3A_316, %swap3A_317] {strides = array<i32>} : memref<2x128x128xf32, #tpu.memory_space<vmem>>, vector<1x1x16xf32>,
      %swap3A_319 = vector.shape_cast %swap3A_318 : vector<1x1x16xf32> to vector<16xf32>
      %swap3A_320 = vector.shape_cast %broadcast_in_dim3A_313 : vector<16xf32> to vector<1x1x16xf32>
      tpu.vector_store %arg9[%swap3A_315, %swap3A_316, %swap3A_317], %swap3A_320 {strides = array<i32>} : memref<2x128x128xf32, #tpu.memory_space<vmem>>, vector<1x1x16xf32>,
      %broadcast_in_dim3A_321 = arith.constant 0.000000e+00 : f32
      %broadcast_in_dim3A_322 = vector.broadcast %broadcast_in_dim3A_321 : f32 to vector<16xf32>
      %swap3A_323 = arith.constant 0 : i32
      %swap3A_324 = arith.index_cast %swap3A_323 : i32 to index
      %swap3A_325 = arith.index_cast %scan3A_275 : i32 to index
      %swap3A_326 = arith.constant 80 : index
      %swap3A_327 = tpu.vector_load %arg9[%swap3A_324, %swap3A_325, %swap3A_326] {strides = array<i32>} : memref<2x128x128xf32, #tpu.memory_space<vmem>>, vector<1x1x16xf32>,
      %swap3A_328 = vector.shape_cast %swap3A_327 : vector<1x1x16xf32> to vector<16xf32>
      %swap3A_329 = vector.shape_cast %broadcast_in_dim3A_322 : vector<16xf32> to vector<1x1x16xf32>
      tpu.vector_store %arg9[%swap3A_324, %swap3A_325, %swap3A_326], %swap3A_329 {strides = array<i32>} : memref<2x128x128xf32, #tpu.memory_space<vmem>>, vector<1x1x16xf32>,
      %broadcast_in_dim3A_330 = arith.constant 0.000000e+00 : f32
      %broadcast_in_dim3A_331 = vector.broadcast %broadcast_in_dim3A_330 : f32 to vector<16xf32>
      %swap3A_332 = arith.constant 0 : i32
      %swap3A_333 = arith.index_cast %swap3A_332 : i32 to index
      %swap3A_334 = arith.index_cast %scan3A_275 : i32 to index
      %swap3A_335 = arith.constant 96 : index
      %swap3A_336 = tpu.vector_load %arg9[%swap3A_333, %swap3A_334, %swap3A_335] {strides = array<i32>} : memref<2x128x128xf32, #tpu.memory_space<vmem>>, vector<1x1x16xf32>,
      %swap3A_337 = vector.shape_cast %swap3A_336 : vector<1x1x16xf32> to vector<16xf32>
      %swap3A_338 = vector.shape_cast %broadcast_in_dim3A_331 : vector<16xf32> to vector<1x1x16xf32>
      tpu.vector_store %arg9[%swap3A_333, %swap3A_334, %swap3A_335], %swap3A_338 {strides = array<i32>} : memref<2x128x128xf32, #tpu.memory_space<vmem>>, vector<1x1x16xf32>,
      %broadcast_in_dim3A_339 = arith.constant 0.000000e+00 : f32
      %broadcast_in_dim3A_340 = vector.broadcast %broadcast_in_dim3A_339 : f32 to vector<16xf32>
      %swap3A_341 = arith.constant 0 : i32
      %swap3A_342 = arith.index_cast %swap3A_341 : i32 to index
      %swap3A_343 = arith.index_cast %scan3A_275 : i32 to index
      %swap3A_344 = arith.constant 112 : index
      %swap3A_345 = tpu.vector_load %arg9[%swap3A_342, %swap3A_343, %swap3A_344] {strides = array<i32>} : memref<2x128x128xf32, #tpu.memory_space<vmem>>, vector<1x1x16xf32>,
      %swap3A_346 = vector.shape_cast %swap3A_345 : vector<1x1x16xf32> to vector<16xf32>
      %swap3A_347 = vector.shape_cast %broadcast_in_dim3A_340 : vector<16xf32> to vector<1x1x16xf32>
      tpu.vector_store %arg9[%swap3A_342, %swap3A_343, %swap3A_344], %swap3A_347 {strides = array<i32>} : memref<2x128x128xf32, #tpu.memory_space<vmem>>, vector<1x1x16xf32>,
      %scan3A_348 = arith.constant 3 : i32
      %scan3A_349 = arith.addi %scan3A_129, %scan3A_348 : i32
      %broadcast_in_dim3A_350 = arith.constant 0.000000e+00 : f32
      %broadcast_in_dim3A_351 = vector.broadcast %broadcast_in_dim3A_350 : f32 to vector<16xf32>
      %swap3A_352 = arith.constant 0 : i32
      %swap3A_353 = arith.index_cast %swap3A_352 : i32 to index
      %swap3A_354 = arith.index_cast %scan3A_349 : i32 to index
      %swap3A_355 = arith.constant 0 : index
      %swap3A_356 = tpu.vector_load %arg9[%swap3A_353, %swap3A_354, %swap3A_355] {strides = array<i32>} : memref<2x128x128xf32, #tpu.memory_space<vmem>>, vector<1x1x16xf32>,
      %swap3A_357 = vector.shape_cast %swap3A_356 : vector<1x1x16xf32> to vector<16xf32>
      %swap3A_358 = vector.shape_cast %broadcast_in_dim3A_351 : vector<16xf32> to vector<1x1x16xf32>
      tpu.vector_store %arg9[%swap3A_353, %swap3A_354, %swap3A_355], %swap3A_358 {strides = array<i32>} : memref<2x128x128xf32, #tpu.memory_space<vmem>>, vector<1x1x16xf32>,
      %broadcast_in_dim3A_359 = arith.constant 0.000000e+00 : f32
      %broadcast_in_dim3A_360 = vector.broadcast %broadcast_in_dim3A_359 : f32 to vector<16xf32>
      %swap3A_361 = arith.constant 0 : i32
      %swap3A_362 = arith.index_cast %swap3A_361 : i32 to index
      %swap3A_363 = arith.index_cast %scan3A_349 : i32 to index
      %swap3A_364 = arith.constant 16 : index
      %swap3A_365 = tpu.vector_load %arg9[%swap3A_362, %swap3A_363, %swap3A_364] {strides = array<i32>} : memref<2x128x128xf32, #tpu.memory_space<vmem>>, vector<1x1x16xf32>,
      %swap3A_366 = vector.shape_cast %swap3A_365 : vector<1x1x16xf32> to vector<16xf32>
      %swap3A_367 = vector.shape_cast %broadcast_in_dim3A_360 : vector<16xf32> to vector<1x1x16xf32>
      tpu.vector_store %arg9[%swap3A_362, %swap3A_363, %swap3A_364], %swap3A_367 {strides = array<i32>} : memref<2x128x128xf32, #tpu.memory_space<vmem>>, vector<1x1x16xf32>,
      %broadcast_in_dim3A_368 = arith.constant 0.000000e+00 : f32
      %broadcast_in_dim3A_369 = vector.broadcast %broadcast_in_dim3A_368 : f32 to vector<16xf32>
      %swap3A_370 = arith.constant 0 : i32
      %swap3A_371 = arith.index_cast %swap3A_370 : i32 to index
      %swap3A_372 = arith.index_cast %scan3A_349 : i32 to index
      %swap3A_373 = arith.constant 32 : index
      %swap3A_374 = tpu.vector_load %arg9[%swap3A_371, %swap3A_372, %swap3A_373] {strides = array<i32>} : memref<2x128x128xf32, #tpu.memory_space<vmem>>, vector<1x1x16xf32>,
      %swap3A_375 = vector.shape_cast %swap3A_374 : vector<1x1x16xf32> to vector<16xf32>
      %swap3A_376 = vector.shape_cast %broadcast_in_dim3A_369 : vector<16xf32> to vector<1x1x16xf32>
      tpu.vector_store %arg9[%swap3A_371, %swap3A_372, %swap3A_373], %swap3A_376 {strides = array<i32>} : memref<2x128x128xf32, #tpu.memory_space<vmem>>, vector<1x1x16xf32>,
      %broadcast_in_dim3A_377 = arith.constant 0.000000e+00 : f32
      %broadcast_in_dim3A_378 = vector.broadcast %broadcast_in_dim3A_377 : f32 to vector<16xf32>
      %swap3A_379 = arith.constant 0 : i32
      %swap3A_380 = arith.index_cast %swap3A_379 : i32 to index
      %swap3A_381 = arith.index_cast %scan3A_349 : i32 to index
      %swap3A_382 = arith.constant 48 : index
      %swap3A_383 = tpu.vector_load %arg9[%swap3A_380, %swap3A_381, %swap3A_382] {strides = array<i32>} : memref<2x128x128xf32, #tpu.memory_space<vmem>>, vector<1x1x16xf32>,
      %swap3A_384 = vector.shape_cast %swap3A_383 : vector<1x1x16xf32> to vector<16xf32>
      %swap3A_385 = vector.shape_cast %broadcast_in_dim3A_378 : vector<16xf32> to vector<1x1x16xf32>
      tpu.vector_store %arg9[%swap3A_380, %swap3A_381, %swap3A_382], %swap3A_385 {strides = array<i32>} : memref<2x128x128xf32, #tpu.memory_space<vmem>>, vector<1x1x16xf32>,
      %broadcast_in_dim3A_386 = arith.constant 0.000000e+00 : f32
      %broadcast_in_dim3A_387 = vector.broadcast %broadcast_in_dim3A_386 : f32 to vector<16xf32>
      %swap3A_388 = arith.constant 0 : i32
      %swap3A_389 = arith.index_cast %swap3A_388 : i32 to index
      %swap3A_390 = arith.index_cast %scan3A_349 : i32 to index
      %swap3A_391 = arith.constant 64 : index
      %swap3A_392 = tpu.vector_load %arg9[%swap3A_389, %swap3A_390, %swap3A_391] {strides = array<i32>} : memref<2x128x128xf32, #tpu.memory_space<vmem>>, vector<1x1x16xf32>,
      %swap3A_393 = vector.shape_cast %swap3A_392 : vector<1x1x16xf32> to vector<16xf32>
      %swap3A_394 = vector.shape_cast %broadcast_in_dim3A_387 : vector<16xf32> to vector<1x1x16xf32>
      tpu.vector_store %arg9[%swap3A_389, %swap3A_390, %swap3A_391], %swap3A_394 {strides = array<i32>} : memref<2x128x128xf32, #tpu.memory_space<vmem>>, vector<1x1x16xf32>,
      %broadcast_in_dim3A_395 = arith.constant 0.000000e+00 : f32
      %broadcast_in_dim3A_396 = vector.broadcast %broadcast_in_dim3A_395 : f32 to vector<16xf32>
      %swap3A_397 = arith.constant 0 : i32
      %swap3A_398 = arith.index_cast %swap3A_397 : i32 to index
      %swap3A_399 = arith.index_cast %scan3A_349 : i32 to index
      %swap3A_400 = arith.constant 80 : index
      %swap3A_401 = tpu.vector_load %arg9[%swap3A_398, %swap3A_399, %swap3A_400] {strides = array<i32>} : memref<2x128x128xf32, #tpu.memory_space<vmem>>, vector<1x1x16xf32>,
      %swap3A_402 = vector.shape_cast %swap3A_401 : vector<1x1x16xf32> to vector<16xf32>
      %swap3A_403 = vector.shape_cast %broadcast_in_dim3A_396 : vector<16xf32> to vector<1x1x16xf32>
      tpu.vector_store %arg9[%swap3A_398, %swap3A_399, %swap3A_400], %swap3A_403 {strides = array<i32>} : memref<2x128x128xf32, #tpu.memory_space<vmem>>, vector<1x1x16xf32>,
      %broadcast_in_dim3A_404 = arith.constant 0.000000e+00 : f32
      %broadcast_in_dim3A_405 = vector.broadcast %broadcast_in_dim3A_404 : f32 to vector<16xf32>
      %swap3A_406 = arith.constant 0 : i32
      %swap3A_407 = arith.index_cast %swap3A_406 : i32 to index
      %swap3A_408 = arith.index_cast %scan3A_349 : i32 to index
      %swap3A_409 = arith.constant 96 : index
      %swap3A_410 = tpu.vector_load %arg9[%swap3A_407, %swap3A_408, %swap3A_409] {strides = array<i32>} : memref<2x128x128xf32, #tpu.memory_space<vmem>>, vector<1x1x16xf32>,
      %swap3A_411 = vector.shape_cast %swap3A_410 : vector<1x1x16xf32> to vector<16xf32>
      %swap3A_412 = vector.shape_cast %broadcast_in_dim3A_405 : vector<16xf32> to vector<1x1x16xf32>
      tpu.vector_store %arg9[%swap3A_407, %swap3A_408, %swap3A_409], %swap3A_412 {strides = array<i32>} : memref<2x128x128xf32, #tpu.memory_space<vmem>>, vector<1x1x16xf32>,
      %broadcast_in_dim3A_413 = arith.constant 0.000000e+00 : f32
      %broadcast_in_dim3A_414 = vector.broadcast %broadcast_in_dim3A_413 : f32 to vector<16xf32>
      %swap3A_415 = arith.constant 0 : i32
      %swap3A_416 = arith.index_cast %swap3A_415 : i32 to index
      %swap3A_417 = arith.index_cast %scan3A_349 : i32 to index
      %swap3A_418 = arith.constant 112 : index
      %swap3A_419 = tpu.vector_load %arg9[%swap3A_416, %swap3A_417, %swap3A_418] {strides = array<i32>} : memref<2x128x128xf32, #tpu.memory_space<vmem>>, vector<1x1x16xf32>,
      %swap3A_420 = vector.shape_cast %swap3A_419 : vector<1x1x16xf32> to vector<16xf32>
      %swap3A_421 = vector.shape_cast %broadcast_in_dim3A_414 : vector<16xf32> to vector<1x1x16xf32>
      tpu.vector_store %arg9[%swap3A_416, %swap3A_417, %swap3A_418], %swap3A_421 {strides = array<i32>} : memref<2x128x128xf32, #tpu.memory_space<vmem>>, vector<1x1x16xf32>,
    }
    %scan3A_5 = arith.constant 128 : i32
    %mul3A_6 = arith.constant 640 : i32
    %mul3A_7 = arith.muli %arg1, %mul3A_6 : i32
    %add3A_8 = arith.constant 0 : i32
    %add3A_9 = arith.addi %mul3A_7, %add3A_8 : i32
    %run_scoped3A = arith.constant 0 : i32
    "tpu.region"() ({
      %run_scoped3A_129 = tpu.sem_alloc : memref<!tpu.dma_semaphore, #tpu.memory_space<semaphore_mem>>
      %dma_start3A_130 = arith.constant 0 : i32
      %dma_start3A_131 = arith.constant 0 : i32
      %dma_start3A_132 = tpu.memref_slice %arg9[%run_scoped3A, %dma_start3A_130, %dma_start3A_131] : memref<2x128x128xf32, #tpu.memory_space<vmem>> -> memref<1x128x128xf32, #tpu.memory_space<vmem>>
      %dma_start3A_133 = tpu.memref_squeeze %dma_start3A_132 : memref<1x128x128xf32, #tpu.memory_space<vmem>> -> memref<128x128xf32, #tpu.memory_space<vmem>>
      %dma_start3A_134 = arith.constant 0 : i32
      %dma_start3A_135 = tpu.memref_slice %arg10[%add3A_9, %dma_start3A_134] : memref<10240x128xf32, #tpu.memory_space<vmem_shared>> -> memref<128x128xf32, #tpu.memory_space<vmem_shared>>
      %dma_start3A_136 = arith.constant 0 : i32
      %dma_start3A_137 = tpu.memref_slice %arg10[%add3A_9, %dma_start3A_136] : memref<10240x128xf32, #tpu.memory_space<vmem_shared>> -> memref<128x128xf32, #tpu.memory_space<vmem_shared>>
      %dma_start3A_138 = arith.constant 0 : i32
      %dma_start3A_139 = arith.constant 0 : i32
      %dma_start3A_140 = tpu.memref_slice %arg9[%run_scoped3A, %dma_start3A_138, %dma_start3A_139] : memref<2x128x128xf32, #tpu.memory_space<vmem>> -> memref<1x128x128xf32, #tpu.memory_space<vmem>>
      %dma_start3A_141 = tpu.memref_squeeze %dma_start3A_140 : memref<1x128x128xf32, #tpu.memory_space<vmem>> -> memref<128x128xf32, #tpu.memory_space<vmem>>
      tpu.enqueue_dma source(%dma_start3A_141 : memref<128x128xf32, #tpu.memory_space<vmem>>) target(%dma_start3A_137 : memref<128x128xf32, #tpu.memory_space<vmem_shared>>) target_semaphore(%run_scoped3A_129 : memref<!tpu.dma_semaphore, #tpu.memory_space<semaphore_mem>>)
      %dma_wait3A_142 = arith.constant 0 : i32
      %dma_wait3A_143 = arith.constant 0 : i32
      %dma_wait3A_144 = tpu.memref_slice %arg9[%run_scoped3A, %dma_wait3A_142, %dma_wait3A_143] : memref<2x128x128xf32, #tpu.memory_space<vmem>> -> memref<1x128x128xf32, #tpu.memory_space<vmem>>
      %dma_wait3A_145 = tpu.memref_squeeze %dma_wait3A_144 : memref<1x128x128xf32, #tpu.memory_space<vmem>> -> memref<128x128xf32, #tpu.memory_space<vmem>>
      %dma_wait3A_146 = arith.constant 0 : i32
      %dma_wait3A_147 = tpu.memref_slice %arg10[%add3A_9, %dma_wait3A_146] : memref<10240x128xf32, #tpu.memory_space<vmem_shared>> -> memref<128x128xf32, #tpu.memory_space<vmem_shared>>
      %dma_wait3A_148 = arith.constant 0 : i32
      %dma_wait3A_149 = tpu.memref_slice %arg10[%add3A_9, %dma_wait3A_148] : memref<10240x128xf32, #tpu.memory_space<vmem_shared>> -> memref<128x128xf32, #tpu.memory_space<vmem_shared>>
      %dma_wait3A_150 = arith.constant 0 : i32
      %dma_wait3A_151 = arith.constant 0 : i32
      %dma_wait3A_152 = tpu.memref_slice %arg9[%run_scoped3A, %dma_wait3A_150, %dma_wait3A_151] : memref<2x128x128xf32, #tpu.memory_space<vmem>> -> memref<1x128x128xf32, #tpu.memory_space<vmem>>
      %dma_wait3A_153 = tpu.memref_squeeze %dma_wait3A_152 : memref<1x128x128xf32, #tpu.memory_space<vmem>> -> memref<128x128xf32, #tpu.memory_space<vmem>>
      tpu.wait_dma2 semaphore(%run_scoped3A_129 : memref<!tpu.dma_semaphore, #tpu.memory_space<semaphore_mem>>) src(%dma_wait3A_153 : memref<128x128xf32, #tpu.memory_space<vmem>>) dst(%dma_wait3A_149 : memref<128x128xf32, #tpu.memory_space<vmem_shared>>)
      tpu.yield
    }) : () -> ()
    %add3A_10 = arith.constant 128 : i32
    %add3A_11 = arith.addi %mul3A_7, %add3A_10 : i32
    %run_scoped3A_12 = arith.constant 0 : i32
    "tpu.region"() ({
      %run_scoped3A_129 = tpu.sem_alloc : memref<!tpu.dma_semaphore, #tpu.memory_space<semaphore_mem>>
      %dma_start3A_130 = arith.constant 0 : i32
      %dma_start3A_131 = arith.constant 0 : i32
      %dma_start3A_132 = tpu.memref_slice %arg9[%run_scoped3A_12, %dma_start3A_130, %dma_start3A_131] : memref<2x128x128xf32, #tpu.memory_space<vmem>> -> memref<1x128x128xf32, #tpu.memory_space<vmem>>
      %dma_start3A_133 = tpu.memref_squeeze %dma_start3A_132 : memref<1x128x128xf32, #tpu.memory_space<vmem>> -> memref<128x128xf32, #tpu.memory_space<vmem>>
      %dma_start3A_134 = arith.constant 0 : i32
      %dma_start3A_135 = tpu.memref_slice %arg10[%add3A_11, %dma_start3A_134] : memref<10240x128xf32, #tpu.memory_space<vmem_shared>> -> memref<128x128xf32, #tpu.memory_space<vmem_shared>>
      %dma_start3A_136 = arith.constant 0 : i32
      %dma_start3A_137 = tpu.memref_slice %arg10[%add3A_11, %dma_start3A_136] : memref<10240x128xf32, #tpu.memory_space<vmem_shared>> -> memref<128x128xf32, #tpu.memory_space<vmem_shared>>
      %dma_start3A_138 = arith.constant 0 : i32
      %dma_start3A_139 = arith.constant 0 : i32
      %dma_start3A_140 = tpu.memref_slice %arg9[%run_scoped3A_12, %dma_start3A_138, %dma_start3A_139] : memref<2x128x128xf32, #tpu.memory_space<vmem>> -> memref<1x128x128xf32, #tpu.memory_space<vmem>>
      %dma_start3A_141 = tpu.memref_squeeze %dma_start3A_140 : memref<1x128x128xf32, #tpu.memory_space<vmem>> -> memref<128x128xf32, #tpu.memory_space<vmem>>
      tpu.enqueue_dma source(%dma_start3A_141 : memref<128x128xf32, #tpu.memory_space<vmem>>) target(%dma_start3A_137 : memref<128x128xf32, #tpu.memory_space<vmem_shared>>) target_semaphore(%run_scoped3A_129 : memref<!tpu.dma_semaphore, #tpu.memory_space<semaphore_mem>>)
      %dma_wait3A_142 = arith.constant 0 : i32
      %dma_wait3A_143 = arith.constant 0 : i32
      %dma_wait3A_144 = tpu.memref_slice %arg9[%run_scoped3A_12, %dma_wait3A_142, %dma_wait3A_143] : memref<2x128x128xf32, #tpu.memory_space<vmem>> -> memref<1x128x128xf32, #tpu.memory_space<vmem>>
      %dma_wait3A_145 = tpu.memref_squeeze %dma_wait3A_144 : memref<1x128x128xf32, #tpu.memory_space<vmem>> -> memref<128x128xf32, #tpu.memory_space<vmem>>
      %dma_wait3A_146 = arith.constant 0 : i32
      %dma_wait3A_147 = tpu.memref_slice %arg10[%add3A_11, %dma_wait3A_146] : memref<10240x128xf32, #tpu.memory_space<vmem_shared>> -> memref<128x128xf32, #tpu.memory_space<vmem_shared>>
      %dma_wait3A_148 = arith.constant 0 : i32
      %dma_wait3A_149 = tpu.memref_slice %arg10[%add3A_11, %dma_wait3A_148] : memref<10240x128xf32, #tpu.memory_space<vmem_shared>> -> memref<128x128xf32, #tpu.memory_space<vmem_shared>>
      %dma_wait3A_150 = arith.constant 0 : i32
      %dma_wait3A_151 = arith.constant 0 : i32
      %dma_wait3A_152 = tpu.memref_slice %arg9[%run_scoped3A_12, %dma_wait3A_150, %dma_wait3A_151] : memref<2x128x128xf32, #tpu.memory_space<vmem>> -> memref<1x128x128xf32, #tpu.memory_space<vmem>>
      %dma_wait3A_153 = tpu.memref_squeeze %dma_wait3A_152 : memref<1x128x128xf32, #tpu.memory_space<vmem>> -> memref<128x128xf32, #tpu.memory_space<vmem>>
      tpu.wait_dma2 semaphore(%run_scoped3A_129 : memref<!tpu.dma_semaphore, #tpu.memory_space<semaphore_mem>>) src(%dma_wait3A_153 : memref<128x128xf32, #tpu.memory_space<vmem>>) dst(%dma_wait3A_149 : memref<128x128xf32, #tpu.memory_space<vmem_shared>>)
      tpu.yield
    }) : () -> ()
    %add3A_13 = arith.constant 256 : i32
    %add3A_14 = arith.addi %mul3A_7, %add3A_13 : i32
    %run_scoped3A_15 = arith.constant 0 : i32
    "tpu.region"() ({
      %run_scoped3A_129 = tpu.sem_alloc : memref<!tpu.dma_semaphore, #tpu.memory_space<semaphore_mem>>
      %dma_start3A_130 = arith.constant 0 : i32
      %dma_start3A_131 = arith.constant 0 : i32
      %dma_start3A_132 = tpu.memref_slice %arg9[%run_scoped3A_15, %dma_start3A_130, %dma_start3A_131] : memref<2x128x128xf32, #tpu.memory_space<vmem>> -> memref<1x128x128xf32, #tpu.memory_space<vmem>>
      %dma_start3A_133 = tpu.memref_squeeze %dma_start3A_132 : memref<1x128x128xf32, #tpu.memory_space<vmem>> -> memref<128x128xf32, #tpu.memory_space<vmem>>
      %dma_start3A_134 = arith.constant 0 : i32
      %dma_start3A_135 = tpu.memref_slice %arg10[%add3A_14, %dma_start3A_134] : memref<10240x128xf32, #tpu.memory_space<vmem_shared>> -> memref<128x128xf32, #tpu.memory_space<vmem_shared>>
      %dma_start3A_136 = arith.constant 0 : i32
      %dma_start3A_137 = tpu.memref_slice %arg10[%add3A_14, %dma_start3A_136] : memref<10240x128xf32, #tpu.memory_space<vmem_shared>> -> memref<128x128xf32, #tpu.memory_space<vmem_shared>>
      %dma_start3A_138 = arith.constant 0 : i32
      %dma_start3A_139 = arith.constant 0 : i32
      %dma_start3A_140 = tpu.memref_slice %arg9[%run_scoped3A_15, %dma_start3A_138, %dma_start3A_139] : memref<2x128x128xf32, #tpu.memory_space<vmem>> -> memref<1x128x128xf32, #tpu.memory_space<vmem>>
      %dma_start3A_141 = tpu.memref_squeeze %dma_start3A_140 : memref<1x128x128xf32, #tpu.memory_space<vmem>> -> memref<128x128xf32, #tpu.memory_space<vmem>>
      tpu.enqueue_dma source(%dma_start3A_141 : memref<128x128xf32, #tpu.memory_space<vmem>>) target(%dma_start3A_137 : memref<128x128xf32, #tpu.memory_space<vmem_shared>>) target_semaphore(%run_scoped3A_129 : memref<!tpu.dma_semaphore, #tpu.memory_space<semaphore_mem>>)
      %dma_wait3A_142 = arith.constant 0 : i32
      %dma_wait3A_143 = arith.constant 0 : i32
      %dma_wait3A_144 = tpu.memref_slice %arg9[%run_scoped3A_15, %dma_wait3A_142, %dma_wait3A_143] : memref<2x128x128xf32, #tpu.memory_space<vmem>> -> memref<1x128x128xf32, #tpu.memory_space<vmem>>
      %dma_wait3A_145 = tpu.memref_squeeze %dma_wait3A_144 : memref<1x128x128xf32, #tpu.memory_space<vmem>> -> memref<128x128xf32, #tpu.memory_space<vmem>>
      %dma_wait3A_146 = arith.constant 0 : i32
      %dma_wait3A_147 = tpu.memref_slice %arg10[%add3A_14, %dma_wait3A_146] : memref<10240x128xf32, #tpu.memory_space<vmem_shared>> -> memref<128x128xf32, #tpu.memory_space<vmem_shared>>
      %dma_wait3A_148 = arith.constant 0 : i32
      %dma_wait3A_149 = tpu.memref_slice %arg10[%add3A_14, %dma_wait3A_148] : memref<10240x128xf32, #tpu.memory_space<vmem_shared>> -> memref<128x128xf32, #tpu.memory_space<vmem_shared>>
      %dma_wait3A_150 = arith.constant 0 : i32
      %dma_wait3A_151 = arith.constant 0 : i32
      %dma_wait3A_152 = tpu.memref_slice %arg9[%run_scoped3A_15, %dma_wait3A_150, %dma_wait3A_151] : memref<2x128x128xf32, #tpu.memory_space<vmem>> -> memref<1x128x128xf32, #tpu.memory_space<vmem>>
      %dma_wait3A_153 = tpu.memref_squeeze %dma_wait3A_152 : memref<1x128x128xf32, #tpu.memory_space<vmem>> -> memref<128x128xf32, #tpu.memory_space<vmem>>
      tpu.wait_dma2 semaphore(%run_scoped3A_129 : memref<!tpu.dma_semaphore, #tpu.memory_space<semaphore_mem>>) src(%dma_wait3A_153 : memref<128x128xf32, #tpu.memory_space<vmem>>) dst(%dma_wait3A_149 : memref<128x128xf32, #tpu.memory_space<vmem_shared>>)
      tpu.yield
    }) : () -> ()
    %add3A_16 = arith.constant 384 : i32
    %add3A_17 = arith.addi %mul3A_7, %add3A_16 : i32
    %run_scoped3A_18 = arith.constant 0 : i32
    "tpu.region"() ({
      %run_scoped3A_129 = tpu.sem_alloc : memref<!tpu.dma_semaphore, #tpu.memory_space<semaphore_mem>>
      %dma_start3A_130 = arith.constant 0 : i32
      %dma_start3A_131 = arith.constant 0 : i32
      %dma_start3A_132 = tpu.memref_slice %arg9[%run_scoped3A_18, %dma_start3A_130, %dma_start3A_131] : memref<2x128x128xf32, #tpu.memory_space<vmem>> -> memref<1x128x128xf32, #tpu.memory_space<vmem>>
      %dma_start3A_133 = tpu.memref_squeeze %dma_start3A_132 : memref<1x128x128xf32, #tpu.memory_space<vmem>> -> memref<128x128xf32, #tpu.memory_space<vmem>>
      %dma_start3A_134 = arith.constant 0 : i32
      %dma_start3A_135 = tpu.memref_slice %arg10[%add3A_17, %dma_start3A_134] : memref<10240x128xf32, #tpu.memory_space<vmem_shared>> -> memref<128x128xf32, #tpu.memory_space<vmem_shared>>
      %dma_start3A_136 = arith.constant 0 : i32
      %dma_start3A_137 = tpu.memref_slice %arg10[%add3A_17, %dma_start3A_136] : memref<10240x128xf32, #tpu.memory_space<vmem_shared>> -> memref<128x128xf32, #tpu.memory_space<vmem_shared>>
      %dma_start3A_138 = arith.constant 0 : i32
      %dma_start3A_139 = arith.constant 0 : i32
      %dma_start3A_140 = tpu.memref_slice %arg9[%run_scoped3A_18, %dma_start3A_138, %dma_start3A_139] : memref<2x128x128xf32, #tpu.memory_space<vmem>> -> memref<1x128x128xf32, #tpu.memory_space<vmem>>
      %dma_start3A_141 = tpu.memref_squeeze %dma_start3A_140 : memref<1x128x128xf32, #tpu.memory_space<vmem>> -> memref<128x128xf32, #tpu.memory_space<vmem>>
      tpu.enqueue_dma source(%dma_start3A_141 : memref<128x128xf32, #tpu.memory_space<vmem>>) target(%dma_start3A_137 : memref<128x128xf32, #tpu.memory_space<vmem_shared>>) target_semaphore(%run_scoped3A_129 : memref<!tpu.dma_semaphore, #tpu.memory_space<semaphore_mem>>)
      %dma_wait3A_142 = arith.constant 0 : i32
      %dma_wait3A_143 = arith.constant 0 : i32
      %dma_wait3A_144 = tpu.memref_slice %arg9[%run_scoped3A_18, %dma_wait3A_142, %dma_wait3A_143] : memref<2x128x128xf32, #tpu.memory_space<vmem>> -> memref<1x128x128xf32, #tpu.memory_space<vmem>>
      %dma_wait3A_145 = tpu.memref_squeeze %dma_wait3A_144 : memref<1x128x128xf32, #tpu.memory_space<vmem>> -> memref<128x128xf32, #tpu.memory_space<vmem>>
      %dma_wait3A_146 = arith.constant 0 : i32
      %dma_wait3A_147 = tpu.memref_slice %arg10[%add3A_17, %dma_wait3A_146] : memref<10240x128xf32, #tpu.memory_space<vmem_shared>> -> memref<128x128xf32, #tpu.memory_space<vmem_shared>>
      %dma_wait3A_148 = arith.constant 0 : i32
      %dma_wait3A_149 = tpu.memref_slice %arg10[%add3A_17, %dma_wait3A_148] : memref<10240x128xf32, #tpu.memory_space<vmem_shared>> -> memref<128x128xf32, #tpu.memory_space<vmem_shared>>
      %dma_wait3A_150 = arith.constant 0 : i32
      %dma_wait3A_151 = arith.constant 0 : i32
      %dma_wait3A_152 = tpu.memref_slice %arg9[%run_scoped3A_18, %dma_wait3A_150, %dma_wait3A_151] : memref<2x128x128xf32, #tpu.memory_space<vmem>> -> memref<1x128x128xf32, #tpu.memory_space<vmem>>
      %dma_wait3A_153 = tpu.memref_squeeze %dma_wait3A_152 : memref<1x128x128xf32, #tpu.memory_space<vmem>> -> memref<128x128xf32, #tpu.memory_space<vmem>>
      tpu.wait_dma2 semaphore(%run_scoped3A_129 : memref<!tpu.dma_semaphore, #tpu.memory_space<semaphore_mem>>) src(%dma_wait3A_153 : memref<128x128xf32, #tpu.memory_space<vmem>>) dst(%dma_wait3A_149 : memref<128x128xf32, #tpu.memory_space<vmem_shared>>)
      tpu.yield
    }) : () -> ()
    %add3A_19 = arith.constant 512 : i32
    %add3A_20 = arith.addi %mul3A_7, %add3A_19 : i32
    %run_scoped3A_21 = arith.constant 0 : i32
    "tpu.region"() ({
      %run_scoped3A_129 = tpu.sem_alloc : memref<!tpu.dma_semaphore, #tpu.memory_space<semaphore_mem>>
      %dma_start3A_130 = arith.constant 0 : i32
      %dma_start3A_131 = arith.constant 0 : i32
      %dma_start3A_132 = tpu.memref_slice %arg9[%run_scoped3A_21, %dma_start3A_130, %dma_start3A_131] : memref<2x128x128xf32, #tpu.memory_space<vmem>> -> memref<1x128x128xf32, #tpu.memory_space<vmem>>
      %dma_start3A_133 = tpu.memref_squeeze %dma_start3A_132 : memref<1x128x128xf32, #tpu.memory_space<vmem>> -> memref<128x128xf32, #tpu.memory_space<vmem>>
      %dma_start3A_134 = arith.constant 0 : i32
      %dma_start3A_135 = tpu.memref_slice %arg10[%add3A_20, %dma_start3A_134] : memref<10240x128xf32, #tpu.memory_space<vmem_shared>> -> memref<128x128xf32, #tpu.memory_space<vmem_shared>>
      %dma_start3A_136 = arith.constant 0 : i32
      %dma_start3A_137 = tpu.memref_slice %arg10[%add3A_20, %dma_start3A_136] : memref<10240x128xf32, #tpu.memory_space<vmem_shared>> -> memref<128x128xf32, #tpu.memory_space<vmem_shared>>
      %dma_start3A_138 = arith.constant 0 : i32
      %dma_start3A_139 = arith.constant 0 : i32
      %dma_start3A_140 = tpu.memref_slice %arg9[%run_scoped3A_21, %dma_start3A_138, %dma_start3A_139] : memref<2x128x128xf32, #tpu.memory_space<vmem>> -> memref<1x128x128xf32, #tpu.memory_space<vmem>>
      %dma_start3A_141 = tpu.memref_squeeze %dma_start3A_140 : memref<1x128x128xf32, #tpu.memory_space<vmem>> -> memref<128x128xf32, #tpu.memory_space<vmem>>
      tpu.enqueue_dma source(%dma_start3A_141 : memref<128x128xf32, #tpu.memory_space<vmem>>) target(%dma_start3A_137 : memref<128x128xf32, #tpu.memory_space<vmem_shared>>) target_semaphore(%run_scoped3A_129 : memref<!tpu.dma_semaphore, #tpu.memory_space<semaphore_mem>>)
      %dma_wait3A_142 = arith.constant 0 : i32
      %dma_wait3A_143 = arith.constant 0 : i32
      %dma_wait3A_144 = tpu.memref_slice %arg9[%run_scoped3A_21, %dma_wait3A_142, %dma_wait3A_143] : memref<2x128x128xf32, #tpu.memory_space<vmem>> -> memref<1x128x128xf32, #tpu.memory_space<vmem>>
      %dma_wait3A_145 = tpu.memref_squeeze %dma_wait3A_144 : memref<1x128x128xf32, #tpu.memory_space<vmem>> -> memref<128x128xf32, #tpu.memory_space<vmem>>
      %dma_wait3A_146 = arith.constant 0 : i32
      %dma_wait3A_147 = tpu.memref_slice %arg10[%add3A_20, %dma_wait3A_146] : memref<10240x128xf32, #tpu.memory_space<vmem_shared>> -> memref<128x128xf32, #tpu.memory_space<vmem_shared>>
      %dma_wait3A_148 = arith.constant 0 : i32
      %dma_wait3A_149 = tpu.memref_slice %arg10[%add3A_20, %dma_wait3A_148] : memref<10240x128xf32, #tpu.memory_space<vmem_shared>> -> memref<128x128xf32, #tpu.memory_space<vmem_shared>>
      %dma_wait3A_150 = arith.constant 0 : i32
      %dma_wait3A_151 = arith.constant 0 : i32
      %dma_wait3A_152 = tpu.memref_slice %arg9[%run_scoped3A_21, %dma_wait3A_150, %dma_wait3A_151] : memref<2x128x128xf32, #tpu.memory_space<vmem>> -> memref<1x128x128xf32, #tpu.memory_space<vmem>>
      %dma_wait3A_153 = tpu.memref_squeeze %dma_wait3A_152 : memref<1x128x128xf32, #tpu.memory_space<vmem>> -> memref<128x128xf32, #tpu.memory_space<vmem>>
      tpu.wait_dma2 semaphore(%run_scoped3A_129 : memref<!tpu.dma_semaphore, #tpu.memory_space<semaphore_mem>>) src(%dma_wait3A_153 : memref<128x128xf32, #tpu.memory_space<vmem>>) dst(%dma_wait3A_149 : memref<128x128xf32, #tpu.memory_space<vmem_shared>>)
      tpu.yield
    }) : () -> ()
    %barrier3A = arith.constant 0 : index
    tpu.barrier barrier_id(%barrier3A)
    %mul3A_22 = arith.constant 80 : i32
    %mul3A_23 = arith.muli %add3A, %mul3A_22 : i32
    %add3A_24 = arith.constant 0 : i32
    %add3A_25 = arith.addi %mul3A_23, %add3A_24 : i32
    %lt3A = arith.constant 31 : i32
    %lt3A_26 = arith.cmpi slt, %add3A, %lt3A : i32
    %convert_element_type3A = arith.extui %lt3A_26 : i1 to i32
    %cond3A = arith.constant 0 : i32
    %cond3A_27 = arith.cmpi ne, %convert_element_type3A, %cond3A : i32
    scf.if %cond3A_27 {
      "tpu.region"() ({
        %run_scoped3A_129 = tpu.sem_alloc : memref<!tpu.dma_semaphore, #tpu.memory_space<semaphore_mem>>
        %dma_start3A_130 = arith.constant 0 : i32
        %dma_start3A_131 = tpu.memref_slice %arg3[%add3A_25, %dma_start3A_130] : memref<2500x128xi32, #tpu.memory_space<hbm>> -> memref<40x128xi32, #tpu.memory_space<hbm>>
        %dma_start3A_132 = arith.constant 0 : i32
        %dma_start3A_133 = tpu.memref_slice %arg3[%add3A_25, %dma_start3A_132] : memref<2500x128xi32, #tpu.memory_space<hbm>> -> memref<40x128xi32, #tpu.memory_space<hbm>>
        tpu.enqueue_dma source(%dma_start3A_133 : memref<40x128xi32, #tpu.memory_space<hbm>>) target(%arg7 : memref<40x128xi32, #tpu.memory_space<vmem>>) target_semaphore(%run_scoped3A_129 : memref<!tpu.dma_semaphore, #tpu.memory_space<semaphore_mem>>)
        %dma_wait3A_134 = arith.constant 0 : i32
        %dma_wait3A_135 = tpu.memref_slice %arg3[%add3A_25, %dma_wait3A_134] : memref<2500x128xi32, #tpu.memory_space<hbm>> -> memref<40x128xi32, #tpu.memory_space<hbm>>
        %dma_wait3A_136 = arith.constant 0 : i32
        %dma_wait3A_137 = tpu.memref_slice %arg3[%add3A_25, %dma_wait3A_136] : memref<2500x128xi32, #tpu.memory_space<hbm>> -> memref<40x128xi32, #tpu.memory_space<hbm>>
        tpu.wait_dma2 semaphore(%run_scoped3A_129 : memref<!tpu.dma_semaphore, #tpu.memory_space<semaphore_mem>>) src(%dma_wait3A_137 : memref<40x128xi32, #tpu.memory_space<hbm>>) dst(%arg7 : memref<40x128xi32, #tpu.memory_space<vmem>>)
        tpu.yield
      }) : () -> ()
      "tpu.region"() ({
        %run_scoped3A_129 = tpu.sem_alloc : memref<!tpu.dma_semaphore, #tpu.memory_space<semaphore_mem>>
        %dma_start3A_130 = arith.constant 0 : i32
        %dma_start3A_131 = tpu.memref_slice %arg4[%add3A_25, %dma_start3A_130] : memref<2500x128xi32, #tpu.memory_space<hbm>> -> memref<40x128xi32, #tpu.memory_space<hbm>>
        %dma_start3A_132 = arith.constant 0 : i32
        %dma_start3A_133 = tpu.memref_slice %arg4[%add3A_25, %dma_start3A_132] : memref<2500x128xi32, #tpu.memory_space<hbm>> -> memref<40x128xi32, #tpu.memory_space<hbm>>
        tpu.enqueue_dma source(%dma_start3A_133 : memref<40x128xi32, #tpu.memory_space<hbm>>) target(%arg8 : memref<40x128xi32, #tpu.memory_space<vmem>>) target_semaphore(%run_scoped3A_129 : memref<!tpu.dma_semaphore, #tpu.memory_space<semaphore_mem>>)
        %dma_wait3A_134 = arith.constant 0 : i32
        %dma_wait3A_135 = tpu.memref_slice %arg4[%add3A_25, %dma_wait3A_134] : memref<2500x128xi32, #tpu.memory_space<hbm>> -> memref<40x128xi32, #tpu.memory_space<hbm>>
        %dma_wait3A_136 = arith.constant 0 : i32
        %dma_wait3A_137 = tpu.memref_slice %arg4[%add3A_25, %dma_wait3A_136] : memref<2500x128xi32, #tpu.memory_space<hbm>> -> memref<40x128xi32, #tpu.memory_space<hbm>>
        tpu.wait_dma2 semaphore(%run_scoped3A_129 : memref<!tpu.dma_semaphore, #tpu.memory_space<semaphore_mem>>) src(%dma_wait3A_137 : memref<40x128xi32, #tpu.memory_space<hbm>>) dst(%arg8 : memref<40x128xi32, #tpu.memory_space<vmem>>)
        tpu.yield
      }) : () -> ()
    } else {
    }
    %eq3A = arith.constant 31 : i32
    %eq3A_28 = arith.cmpi eq, %add3A, %eq3A : i32
    %convert_element_type3A_29 = arith.extui %eq3A_28 : i1 to i32
    %cond3A_30 = arith.constant 0 : i32
    %cond3A_31 = arith.cmpi ne, %convert_element_type3A_29, %cond3A_30 : i32
    scf.if %cond3A_31 {
      %run_scoped3A_129 = arith.constant 0 : i32
      "tpu.region"() ({
        %run_scoped3A_131 = tpu.sem_alloc : memref<!tpu.dma_semaphore, #tpu.memory_space<semaphore_mem>>
        %dma_start3A_132 = arith.constant 0 : i32
        %dma_start3A_133 = arith.constant 0 : i32
        %dma_start3A_134 = tpu.memref_slice %arg5[%run_scoped3A_129, %dma_start3A_132, %dma_start3A_133] : memref<2x80x128xi32, #tpu.memory_space<hbm>> -> memref<1x80x128xi32, #tpu.memory_space<hbm>>
        %dma_start3A_135 = tpu.memref_squeeze %dma_start3A_134 : memref<1x80x128xi32, #tpu.memory_space<hbm>> -> memref<80x128xi32, #tpu.memory_space<hbm>>
        %dma_start3A_136 = arith.constant 0 : i32
        %dma_start3A_137 = arith.constant 0 : i32
        %dma_start3A_138 = tpu.memref_slice %dma_start3A_135[%dma_start3A_136, %dma_start3A_137] : memref<80x128xi32, #tpu.memory_space<hbm>> -> memref<40x128xi32, #tpu.memory_space<hbm>>
        %dma_start3A_139 = arith.constant 0 : i32
        %dma_start3A_140 = arith.constant 0 : i32
        %dma_start3A_141 = tpu.memref_slice %arg5[%run_scoped3A_129, %dma_start3A_139, %dma_start3A_140] : memref<2x80x128xi32, #tpu.memory_space<hbm>> -> memref<1x80x128xi32, #tpu.memory_space<hbm>>
        %dma_start3A_142 = tpu.memref_squeeze %dma_start3A_141 : memref<1x80x128xi32, #tpu.memory_space<hbm>> -> memref<80x128xi32, #tpu.memory_space<hbm>>
        %dma_start3A_143 = arith.constant 0 : i32
        %dma_start3A_144 = arith.constant 0 : i32
        %dma_start3A_145 = tpu.memref_slice %dma_start3A_142[%dma_start3A_143, %dma_start3A_144] : memref<80x128xi32, #tpu.memory_space<hbm>> -> memref<40x128xi32, #tpu.memory_space<hbm>>
        tpu.enqueue_dma source(%dma_start3A_145 : memref<40x128xi32, #tpu.memory_space<hbm>>) target(%arg7 : memref<40x128xi32, #tpu.memory_space<vmem>>) target_semaphore(%run_scoped3A_131 : memref<!tpu.dma_semaphore, #tpu.memory_space<semaphore_mem>>)
        %dma_wait3A_146 = arith.constant 0 : i32
        %dma_wait3A_147 = arith.constant 0 : i32
        %dma_wait3A_148 = tpu.memref_slice %arg5[%run_scoped3A_129, %dma_wait3A_146, %dma_wait3A_147] : memref<2x80x128xi32, #tpu.memory_space<hbm>> -> memref<1x80x128xi32, #tpu.memory_space<hbm>>
        %dma_wait3A_149 = tpu.memref_squeeze %dma_wait3A_148 : memref<1x80x128xi32, #tpu.memory_space<hbm>> -> memref<80x128xi32, #tpu.memory_space<hbm>>
        %dma_wait3A_150 = arith.constant 0 : i32
        %dma_wait3A_151 = arith.constant 0 : i32
        %dma_wait3A_152 = tpu.memref_slice %dma_wait3A_149[%dma_wait3A_150, %dma_wait3A_151] : memref<80x128xi32, #tpu.memory_space<hbm>> -> memref<40x128xi32, #tpu.memory_space<hbm>>
        %dma_wait3A_153 = arith.constant 0 : i32
        %dma_wait3A_154 = arith.constant 0 : i32
        %dma_wait3A_155 = tpu.memref_slice %arg5[%run_scoped3A_129, %dma_wait3A_153, %dma_wait3A_154] : memref<2x80x128xi32, #tpu.memory_space<hbm>> -> memref<1x80x128xi32, #tpu.memory_space<hbm>>
        %dma_wait3A_156 = tpu.memref_squeeze %dma_wait3A_155 : memref<1x80x128xi32, #tpu.memory_space<hbm>> -> memref<80x128xi32, #tpu.memory_space<hbm>>
        %dma_wait3A_157 = arith.constant 0 : i32
        %dma_wait3A_158 = arith.constant 0 : i32
        %dma_wait3A_159 = tpu.memref_slice %dma_wait3A_156[%dma_wait3A_157, %dma_wait3A_158] : memref<80x128xi32, #tpu.memory_space<hbm>> -> memref<40x128xi32, #tpu.memory_space<hbm>>
        tpu.wait_dma2 semaphore(%run_scoped3A_131 : memref<!tpu.dma_semaphore, #tpu.memory_space<semaphore_mem>>) src(%dma_wait3A_159 : memref<40x128xi32, #tpu.memory_space<hbm>>) dst(%arg7 : memref<40x128xi32, #tpu.memory_space<vmem>>)
        tpu.yield
      }) : () -> ()
      %run_scoped3A_130 = arith.constant 1 : i32
      "tpu.region"() ({
        %run_scoped3A_131 = tpu.sem_alloc : memref<!tpu.dma_semaphore, #tpu.memory_space<semaphore_mem>>
        %dma_start3A_132 = arith.constant 0 : i32
        %dma_start3A_133 = arith.constant 0 : i32
        %dma_start3A_134 = tpu.memref_slice %arg5[%run_scoped3A_130, %dma_start3A_132, %dma_start3A_133] : memref<2x80x128xi32, #tpu.memory_space<hbm>> -> memref<1x80x128xi32, #tpu.memory_space<hbm>>
        %dma_start3A_135 = tpu.memref_squeeze %dma_start3A_134 : memref<1x80x128xi32, #tpu.memory_space<hbm>> -> memref<80x128xi32, #tpu.memory_space<hbm>>
        %dma_start3A_136 = arith.constant 0 : i32
        %dma_start3A_137 = arith.constant 0 : i32
        %dma_start3A_138 = tpu.memref_slice %dma_start3A_135[%dma_start3A_136, %dma_start3A_137] : memref<80x128xi32, #tpu.memory_space<hbm>> -> memref<40x128xi32, #tpu.memory_space<hbm>>
        %dma_start3A_139 = arith.constant 0 : i32
        %dma_start3A_140 = arith.constant 0 : i32
        %dma_start3A_141 = tpu.memref_slice %arg5[%run_scoped3A_130, %dma_start3A_139, %dma_start3A_140] : memref<2x80x128xi32, #tpu.memory_space<hbm>> -> memref<1x80x128xi32, #tpu.memory_space<hbm>>
        %dma_start3A_142 = tpu.memref_squeeze %dma_start3A_141 : memref<1x80x128xi32, #tpu.memory_space<hbm>> -> memref<80x128xi32, #tpu.memory_space<hbm>>
        %dma_start3A_143 = arith.constant 0 : i32
        %dma_start3A_144 = arith.constant 0 : i32
        %dma_start3A_145 = tpu.memref_slice %dma_start3A_142[%dma_start3A_143, %dma_start3A_144] : memref<80x128xi32, #tpu.memory_space<hbm>> -> memref<40x128xi32, #tpu.memory_space<hbm>>
        tpu.enqueue_dma source(%dma_start3A_145 : memref<40x128xi32, #tpu.memory_space<hbm>>) target(%arg8 : memref<40x128xi32, #tpu.memory_space<vmem>>) target_semaphore(%run_scoped3A_131 : memref<!tpu.dma_semaphore, #tpu.memory_space<semaphore_mem>>)
        %dma_wait3A_146 = arith.constant 0 : i32
        %dma_wait3A_147 = arith.constant 0 : i32
        %dma_wait3A_148 = tpu.memref_slice %arg5[%run_scoped3A_130, %dma_wait3A_146, %dma_wait3A_147] : memref<2x80x128xi32, #tpu.memory_space<hbm>> -> memref<1x80x128xi32, #tpu.memory_space<hbm>>
        %dma_wait3A_149 = tpu.memref_squeeze %dma_wait3A_148 : memref<1x80x128xi32, #tpu.memory_space<hbm>> -> memref<80x128xi32, #tpu.memory_space<hbm>>
        %dma_wait3A_150 = arith.constant 0 : i32
        %dma_wait3A_151 = arith.constant 0 : i32
        %dma_wait3A_152 = tpu.memref_slice %dma_wait3A_149[%dma_wait3A_150, %dma_wait3A_151] : memref<80x128xi32, #tpu.memory_space<hbm>> -> memref<40x128xi32, #tpu.memory_space<hbm>>
        %dma_wait3A_153 = arith.constant 0 : i32
        %dma_wait3A_154 = arith.constant 0 : i32
        %dma_wait3A_155 = tpu.memref_slice %arg5[%run_scoped3A_130, %dma_wait3A_153, %dma_wait3A_154] : memref<2x80x128xi32, #tpu.memory_space<hbm>> -> memref<1x80x128xi32, #tpu.memory_space<hbm>>
        %dma_wait3A_156 = tpu.memref_squeeze %dma_wait3A_155 : memref<1x80x128xi32, #tpu.memory_space<hbm>> -> memref<80x128xi32, #tpu.memory_space<hbm>>
        %dma_wait3A_157 = arith.constant 0 : i32
        %dma_wait3A_158 = arith.constant 0 : i32
        %dma_wait3A_159 = tpu.memref_slice %dma_wait3A_156[%dma_wait3A_157, %dma_wait3A_158] : memref<80x128xi32, #tpu.memory_space<hbm>> -> memref<40x128xi32, #tpu.memory_space<hbm>>
        tpu.wait_dma2 semaphore(%run_scoped3A_131 : memref<!tpu.dma_semaphore, #tpu.memory_space<semaphore_mem>>) src(%dma_wait3A_159 : memref<40x128xi32, #tpu.memory_space<hbm>>) dst(%arg8 : memref<40x128xi32, #tpu.memory_space<vmem>>)
        tpu.yield
      }) : () -> ()
    } else {
    }
    %dma_start3A = arith.constant 0 : i32
    %dma_start3A_32 = arith.constant 0 : i32
    %dma_start3A_33 = arith.constant 0 : i32
    %dma_start3A_34 = arith.constant 0 : i32
    %dma_start3A_35 = tpu.memref_slice %arg9[%dma_start3A_32, %dma_start3A_33, %dma_start3A_34] : memref<2x128x128xf32, #tpu.memory_space<vmem>> -> memref<1x128x128xf32, #tpu.memory_space<vmem>>
    %dma_start3A_36 = tpu.memref_squeeze %dma_start3A_35 : memref<1x128x128xf32, #tpu.memory_space<vmem>> -> memref<128x128xf32, #tpu.memory_space<vmem>>
    %dma_start3A_37 = arith.constant 0 : i32
    %dma_start3A_38 = tpu.memref_slice %arg7[%dma_start3A, %dma_start3A_37] : memref<40x128xi32, #tpu.memory_space<vmem>> -> memref<1x128xi32, #tpu.memory_space<vmem>>
    %dma_start3A_39 = tpu.memref_squeeze %dma_start3A_38 : memref<1x128xi32, #tpu.memory_space<vmem>> -> memref<128xi32, #tpu.memory_space<vmem>>
    %dma_start3A_40 = arith.constant 0 : i32
    %dma_start3A_41 = arith.constant 0 : i32
    %dma_start3A_42 = tpu.memref_slice %arg2[%dma_start3A_40, %dma_start3A_41] : memref<10240x128xf32, #tpu.memory_space<hbm>> -> memref<10240x128xf32, #tpu.memory_space<hbm>>
    tpu.enqueue_indirect_dma source(%dma_start3A_42 : memref<10240x128xf32, #tpu.memory_space<hbm>>) target(%dma_start3A_36 : memref<128x128xf32, #tpu.memory_space<vmem>>) offsets(%dma_start3A_39 : memref<128xi32, #tpu.memory_space<vmem>>) semaphore(%arg11 : memref<!tpu.dma_semaphore, #tpu.memory_space<semaphore_mem>>)
    %scan3A_43 = arith.constant 0 : i32
    %scan3A_44 = arith.constant 0 : i32
    %scan3A_45 = arith.constant 20 : i32
    %scan3A_46 = arith.addi %scan3A_44, %scan3A_45 : i32
    %scan3A_47 = arith.constant 1 : i32
    scf.for %scan3A_129 = %scan3A_44 to %scan3A_46 step %scan3A_47  : i32 {
      %mul3A_130 = arith.constant 2 : i32
      %mul3A_131 = arith.muli %scan3A_129, %mul3A_130 : i32
      %add3A_132 = arith.constant 0 : i32
      %add3A_133 = arith.addi %mul3A_131, %add3A_132 : i32
      %add3A_134 = arith.constant 1 : i32
      %add3A_135 = arith.addi %add3A_133, %add3A_134 : i32
      %lt3A_136 = arith.constant 40 : i32
      %lt3A_137 = arith.cmpi slt, %add3A_135, %lt3A_136 : i32
      %convert_element_type3A_138 = arith.extui %lt3A_137 : i1 to i32
      %cond3A_139 = arith.constant 0 : i32
      %cond3A_140 = arith.cmpi ne, %convert_element_type3A_138, %cond3A_139 : i32
      scf.if %cond3A_140 {
        %ge3A = arith.constant 1 : i32
        %ge3A_196 = arith.cmpi sge, %add3A_133, %ge3A : i32
        %convert_element_type3A_197 = arith.extui %ge3A_196 : i1 to i32
        %cond3A_198 = arith.constant 0 : i32
        %cond3A_199 = arith.cmpi ne, %convert_element_type3A_197, %cond3A_198 : i32
        scf.if %cond3A_199 {
          %sub3A = arith.constant 1 : i32
          %sub3A_213 = arith.subi %add3A_133, %sub3A : i32
          %dma_wait3A_214 = arith.constant 1 : i32
          %dma_wait3A_215 = arith.constant 0 : i32
          %dma_wait3A_216 = arith.constant 0 : i32
          %dma_wait3A_217 = tpu.memref_slice %arg9[%dma_wait3A_214, %dma_wait3A_215, %dma_wait3A_216] : memref<2x128x128xf32, #tpu.memory_space<vmem>> -> memref<1x128x128xf32, #tpu.memory_space<vmem>>
          %dma_wait3A_218 = tpu.memref_squeeze %dma_wait3A_217 : memref<1x128x128xf32, #tpu.memory_space<vmem>> -> memref<128x128xf32, #tpu.memory_space<vmem>>
          %dma_wait3A_219 = arith.constant 0 : i32
          %dma_wait3A_220 = tpu.memref_slice %arg8[%sub3A_213, %dma_wait3A_219] : memref<40x128xi32, #tpu.memory_space<vmem>> -> memref<1x128xi32, #tpu.memory_space<vmem>>
          %dma_wait3A_221 = tpu.memref_squeeze %dma_wait3A_220 : memref<1x128xi32, #tpu.memory_space<vmem>> -> memref<128xi32, #tpu.memory_space<vmem>>
          %dma_wait3A_222 = arith.constant 0 : i32
          %dma_wait3A_223 = arith.constant 0 : i32
          %dma_wait3A_224 = tpu.memref_slice %arg10[%dma_wait3A_222, %dma_wait3A_223] : memref<10240x128xf32, #tpu.memory_space<vmem_shared>> -> memref<10240x128xf32, #tpu.memory_space<vmem_shared>>
          tpu.wait_indirect_dma semaphore(%arg14 : memref<!tpu.dma_semaphore, #tpu.memory_space<semaphore_mem>>) src(%dma_wait3A_218 : memref<128x128xf32, #tpu.memory_space<vmem>>) dst(%dma_wait3A_224 : memref<10240x128xf32, #tpu.memory_space<vmem_shared>>)
        } else {
        }
        %add3A_200 = arith.constant 1 : i32
        %add3A_201 = arith.addi %add3A_133, %add3A_200 : i32
        %dma_start3A_202 = arith.constant 1 : i32
        %dma_start3A_203 = arith.constant 0 : i32
        %dma_start3A_204 = arith.constant 0 : i32
        %dma_start3A_205 = tpu.memref_slice %arg9[%dma_start3A_202, %dma_start3A_203, %dma_start3A_204] : memref<2x128x128xf32, #tpu.memory_space<vmem>> -> memref<1x128x128xf32, #tpu.memory_space<vmem>>
        %dma_start3A_206 = tpu.memref_squeeze %dma_start3A_205 : memref<1x128x128xf32, #tpu.memory_space<vmem>> -> memref<128x128xf32, #tpu.memory_space<vmem>>
        %dma_start3A_207 = arith.constant 0 : i32
        %dma_start3A_208 = tpu.memref_slice %arg7[%add3A_201, %dma_start3A_207] : memref<40x128xi32, #tpu.memory_space<vmem>> -> memref<1x128xi32, #tpu.memory_space<vmem>>
        %dma_start3A_209 = tpu.memref_squeeze %dma_start3A_208 : memref<1x128xi32, #tpu.memory_space<vmem>> -> memref<128xi32, #tpu.memory_space<vmem>>
        %dma_start3A_210 = arith.constant 0 : i32
        %dma_start3A_211 = arith.constant 0 : i32
        %dma_start3A_212 = tpu.memref_slice %arg2[%dma_start3A_210, %dma_start3A_211] : memref<10240x128xf32, #tpu.memory_space<hbm>> -> memref<10240x128xf32, #tpu.memory_space<hbm>>
        tpu.enqueue_indirect_dma source(%dma_start3A_212 : memref<10240x128xf32, #tpu.memory_space<hbm>>) target(%dma_start3A_206 : memref<128x128xf32, #tpu.memory_space<vmem>>) offsets(%dma_start3A_209 : memref<128xi32, #tpu.memory_space<vmem>>) semaphore(%arg12 : memref<!tpu.dma_semaphore, #tpu.memory_space<semaphore_mem>>)
      } else {
      }
      %dma_wait3A_141 = arith.constant 0 : i32
      %dma_wait3A_142 = arith.constant 0 : i32
      %dma_wait3A_143 = arith.constant 0 : i32
      %dma_wait3A_144 = tpu.memref_slice %arg9[%dma_wait3A_141, %dma_wait3A_142, %dma_wait3A_143] : memref<2x128x128xf32, #tpu.memory_space<vmem>> -> memref<1x128x128xf32, #tpu.memory_space<vmem>>
      %dma_wait3A_145 = tpu.memref_squeeze %dma_wait3A_144 : memref<1x128x128xf32, #tpu.memory_space<vmem>> -> memref<128x128xf32, #tpu.memory_space<vmem>>
      %dma_wait3A_146 = arith.constant 0 : i32
      %dma_wait3A_147 = tpu.memref_slice %arg7[%add3A_133, %dma_wait3A_146] : memref<40x128xi32, #tpu.memory_space<vmem>> -> memref<1x128xi32, #tpu.memory_space<vmem>>
      %dma_wait3A_148 = tpu.memref_squeeze %dma_wait3A_147 : memref<1x128xi32, #tpu.memory_space<vmem>> -> memref<128xi32, #tpu.memory_space<vmem>>
      %dma_wait3A_149 = arith.constant 0 : i32
      %dma_wait3A_150 = arith.constant 0 : i32
      %dma_wait3A_151 = tpu.memref_slice %arg2[%dma_wait3A_149, %dma_wait3A_150] : memref<10240x128xf32, #tpu.memory_space<hbm>> -> memref<10240x128xf32, #tpu.memory_space<hbm>>
      tpu.wait_indirect_dma semaphore(%arg11 : memref<!tpu.dma_semaphore, #tpu.memory_space<semaphore_mem>>) src(%dma_wait3A_151 : memref<10240x128xf32, #tpu.memory_space<hbm>>) dst(%dma_wait3A_145 : memref<128x128xf32, #tpu.memory_space<vmem>>)
      %dma_start3A_152 = arith.constant 0 : i32
      %dma_start3A_153 = arith.constant 0 : i32
      %dma_start3A_154 = arith.constant 0 : i32
      %dma_start3A_155 = tpu.memref_slice %arg9[%dma_start3A_152, %dma_start3A_153, %dma_start3A_154] : memref<2x128x128xf32, #tpu.memory_space<vmem>> -> memref<1x128x128xf32, #tpu.memory_space<vmem>>
      %dma_start3A_156 = tpu.memref_squeeze %dma_start3A_155 : memref<1x128x128xf32, #tpu.memory_space<vmem>> -> memref<128x128xf32, #tpu.memory_space<vmem>>
      %dma_start3A_157 = arith.constant 0 : i32
      %dma_start3A_158 = tpu.memref_slice %arg8[%add3A_133, %dma_start3A_157] : memref<40x128xi32, #tpu.memory_space<vmem>> -> memref<1x128xi32, #tpu.memory_space<vmem>>
      %dma_start3A_159 = tpu.memref_squeeze %dma_start3A_158 : memref<1x128xi32, #tpu.memory_space<vmem>> -> memref<128xi32, #tpu.memory_space<vmem>>
      %dma_start3A_160 = arith.constant 0 : i32
      %dma_start3A_161 = arith.constant 0 : i32
      %dma_start3A_162 = tpu.memref_slice %arg10[%dma_start3A_160, %dma_start3A_161] : memref<10240x128xf32, #tpu.memory_space<vmem_shared>> -> memref<10240x128xf32, #tpu.memory_space<vmem_shared>>
      tpu.enqueue_indirect_dma source(%dma_start3A_156 : memref<128x128xf32, #tpu.memory_space<vmem>>) target(%dma_start3A_162 : memref<10240x128xf32, #tpu.memory_space<vmem_shared>>) offsets(%dma_start3A_159 : memref<128xi32, #tpu.memory_space<vmem>>) semaphore(%arg13 : memref<!tpu.dma_semaphore, #tpu.memory_space<semaphore_mem>>) {add = true}
      %mul3A_163 = arith.constant 2 : i32
      %mul3A_164 = arith.muli %scan3A_129, %mul3A_163 : i32
      %add3A_165 = arith.constant 1 : i32
      %add3A_166 = arith.addi %mul3A_164, %add3A_165 : i32
      %add3A_167 = arith.constant 1 : i32
      %add3A_168 = arith.addi %add3A_166, %add3A_167 : i32
      %lt3A_169 = arith.constant 40 : i32
      %lt3A_170 = arith.cmpi slt, %add3A_168, %lt3A_169 : i32
      %convert_element_type3A_171 = arith.extui %lt3A_170 : i1 to i32
      %cond3A_172 = arith.constant 0 : i32
      %cond3A_173 = arith.cmpi ne, %convert_element_type3A_171, %cond3A_172 : i32
      scf.if %cond3A_173 {
        %ge3A = arith.constant 1 : i32
        %ge3A_196 = arith.cmpi sge, %add3A_166, %ge3A : i32
        %convert_element_type3A_197 = arith.extui %ge3A_196 : i1 to i32
        %cond3A_198 = arith.constant 0 : i32
        %cond3A_199 = arith.cmpi ne, %convert_element_type3A_197, %cond3A_198 : i32
        scf.if %cond3A_199 {
          %sub3A = arith.constant 1 : i32
          %sub3A_213 = arith.subi %add3A_166, %sub3A : i32
          %dma_wait3A_214 = arith.constant 0 : i32
          %dma_wait3A_215 = arith.constant 0 : i32
          %dma_wait3A_216 = arith.constant 0 : i32
          %dma_wait3A_217 = tpu.memref_slice %arg9[%dma_wait3A_214, %dma_wait3A_215, %dma_wait3A_216] : memref<2x128x128xf32, #tpu.memory_space<vmem>> -> memref<1x128x128xf32, #tpu.memory_space<vmem>>
          %dma_wait3A_218 = tpu.memref_squeeze %dma_wait3A_217 : memref<1x128x128xf32, #tpu.memory_space<vmem>> -> memref<128x128xf32, #tpu.memory_space<vmem>>
          %dma_wait3A_219 = arith.constant 0 : i32
          %dma_wait3A_220 = tpu.memref_slice %arg8[%sub3A_213, %dma_wait3A_219] : memref<40x128xi32, #tpu.memory_space<vmem>> -> memref<1x128xi32, #tpu.memory_space<vmem>>
          %dma_wait3A_221 = tpu.memref_squeeze %dma_wait3A_220 : memref<1x128xi32, #tpu.memory_space<vmem>> -> memref<128xi32, #tpu.memory_space<vmem>>
          %dma_wait3A_222 = arith.constant 0 : i32
          %dma_wait3A_223 = arith.constant 0 : i32
          %dma_wait3A_224 = tpu.memref_slice %arg10[%dma_wait3A_222, %dma_wait3A_223] : memref<10240x128xf32, #tpu.memory_space<vmem_shared>> -> memref<10240x128xf32, #tpu.memory_space<vmem_shared>>
          tpu.wait_indirect_dma semaphore(%arg13 : memref<!tpu.dma_semaphore, #tpu.memory_space<semaphore_mem>>) src(%dma_wait3A_218 : memref<128x128xf32, #tpu.memory_space<vmem>>) dst(%dma_wait3A_224 : memref<10240x128xf32, #tpu.memory_space<vmem_shared>>)
        } else {
        }
        %add3A_200 = arith.constant 1 : i32
        %add3A_201 = arith.addi %add3A_166, %add3A_200 : i32
        %dma_start3A_202 = arith.constant 0 : i32
        %dma_start3A_203 = arith.constant 0 : i32
        %dma_start3A_204 = arith.constant 0 : i32
        %dma_start3A_205 = tpu.memref_slice %arg9[%dma_start3A_202, %dma_start3A_203, %dma_start3A_204] : memref<2x128x128xf32, #tpu.memory_space<vmem>> -> memref<1x128x128xf32, #tpu.memory_space<vmem>>
        %dma_start3A_206 = tpu.memref_squeeze %dma_start3A_205 : memref<1x128x128xf32, #tpu.memory_space<vmem>> -> memref<128x128xf32, #tpu.memory_space<vmem>>
        %dma_start3A_207 = arith.constant 0 : i32
        %dma_start3A_208 = tpu.memref_slice %arg7[%add3A_201, %dma_start3A_207] : memref<40x128xi32, #tpu.memory_space<vmem>> -> memref<1x128xi32, #tpu.memory_space<vmem>>
        %dma_start3A_209 = tpu.memref_squeeze %dma_start3A_208 : memref<1x128xi32, #tpu.memory_space<vmem>> -> memref<128xi32, #tpu.memory_space<vmem>>
        %dma_start3A_210 = arith.constant 0 : i32
        %dma_start3A_211 = arith.constant 0 : i32
        %dma_start3A_212 = tpu.memref_slice %arg2[%dma_start3A_210, %dma_start3A_211] : memref<10240x128xf32, #tpu.memory_space<hbm>> -> memref<10240x128xf32, #tpu.memory_space<hbm>>
        tpu.enqueue_indirect_dma source(%dma_start3A_212 : memref<10240x128xf32, #tpu.memory_space<hbm>>) target(%dma_start3A_206 : memref<128x128xf32, #tpu.memory_space<vmem>>) offsets(%dma_start3A_209 : memref<128xi32, #tpu.memory_space<vmem>>) semaphore(%arg11 : memref<!tpu.dma_semaphore, #tpu.memory_space<semaphore_mem>>)
      } else {
      }
      %dma_wait3A_174 = arith.constant 1 : i32
      %dma_wait3A_175 = arith.constant 0 : i32
      %dma_wait3A_176 = arith.constant 0 : i32
      %dma_wait3A_177 = tpu.memref_slice %arg9[%dma_wait3A_174, %dma_wait3A_175, %dma_wait3A_176] : memref<2x128x128xf32, #tpu.memory_space<vmem>> -> memref<1x128x128xf32, #tpu.memory_space<vmem>>
      %dma_wait3A_178 = tpu.memref_squeeze %dma_wait3A_177 : memref<1x128x128xf32, #tpu.memory_space<vmem>> -> memref<128x128xf32, #tpu.memory_space<vmem>>
      %dma_wait3A_179 = arith.constant 0 : i32
      %dma_wait3A_180 = tpu.memref_slice %arg7[%add3A_166, %dma_wait3A_179] : memref<40x128xi32, #tpu.memory_space<vmem>> -> memref<1x128xi32, #tpu.memory_space<vmem>>
      %dma_wait3A_181 = tpu.memref_squeeze %dma_wait3A_180 : memref<1x128xi32, #tpu.memory_space<vmem>> -> memref<128xi32, #tpu.memory_space<vmem>>
      %dma_wait3A_182 = arith.constant 0 : i32
      %dma_wait3A_183 = arith.constant 0 : i32
      %dma_wait3A_184 = tpu.memref_slice %arg2[%dma_wait3A_182, %dma_wait3A_183] : memref<10240x128xf32, #tpu.memory_space<hbm>> -> memref<10240x128xf32, #tpu.memory_space<hbm>>
      tpu.wait_indirect_dma semaphore(%arg12 : memref<!tpu.dma_semaphore, #tpu.memory_space<semaphore_mem>>) src(%dma_wait3A_184 : memref<10240x128xf32, #tpu.memory_space<hbm>>) dst(%dma_wait3A_178 : memref<128x128xf32, #tpu.memory_space<vmem>>)
      %dma_start3A_185 = arith.constant 1 : i32
      %dma_start3A_186 = arith.constant 0 : i32
      %dma_start3A_187 = arith.constant 0 : i32
      %dma_start3A_188 = tpu.memref_slice %arg9[%dma_start3A_185, %dma_start3A_186, %dma_start3A_187] : memref<2x128x128xf32, #tpu.memory_space<vmem>> -> memref<1x128x128xf32, #tpu.memory_space<vmem>>
      %dma_start3A_189 = tpu.memref_squeeze %dma_start3A_188 : memref<1x128x128xf32, #tpu.memory_space<vmem>> -> memref<128x128xf32, #tpu.memory_space<vmem>>
      %dma_start3A_190 = arith.constant 0 : i32
      %dma_start3A_191 = tpu.memref_slice %arg8[%add3A_166, %dma_start3A_190] : memref<40x128xi32, #tpu.memory_space<vmem>> -> memref<1x128xi32, #tpu.memory_space<vmem>>
      %dma_start3A_192 = tpu.memref_squeeze %dma_start3A_191 : memref<1x128xi32, #tpu.memory_space<vmem>> -> memref<128xi32, #tpu.memory_space<vmem>>
      %dma_start3A_193 = arith.constant 0 : i32
      %dma_start3A_194 = arith.constant 0 : i32
      %dma_start3A_195 = tpu.memref_slice %arg10[%dma_start3A_193, %dma_start3A_194] : memref<10240x128xf32, #tpu.memory_space<vmem_shared>> -> memref<10240x128xf32, #tpu.memory_space<vmem_shared>>
      tpu.enqueue_indirect_dma source(%dma_start3A_189 : memref<128x128xf32, #tpu.memory_space<vmem>>) target(%dma_start3A_195 : memref<10240x128xf32, #tpu.memory_space<vmem_shared>>) offsets(%dma_start3A_192 : memref<128xi32, #tpu.memory_space<vmem>>) semaphore(%arg14 : memref<!tpu.dma_semaphore, #tpu.memory_space<semaphore_mem>>) {add = true}
    }
    %scan3A_48 = arith.constant 20 : i32
    %dma_wait3A = arith.constant 0 : i32
    %dma_wait3A_49 = arith.constant 38 : i32
    %dma_wait3A_50 = arith.constant 0 : i32
    %dma_wait3A_51 = arith.constant 0 : i32
    %dma_wait3A_52 = tpu.memref_slice %arg9[%dma_wait3A, %dma_wait3A_50, %dma_wait3A_51] : memref<2x128x128xf32, #tpu.memory_space<vmem>> -> memref<1x128x128xf32, #tpu.memory_space<vmem>>
    %dma_wait3A_53 = tpu.memref_squeeze %dma_wait3A_52 : memref<1x128x128xf32, #tpu.memory_space<vmem>> -> memref<128x128xf32, #tpu.memory_space<vmem>>
    %dma_wait3A_54 = arith.constant 0 : i32
    %dma_wait3A_55 = tpu.memref_slice %arg8[%dma_wait3A_49, %dma_wait3A_54] : memref<40x128xi32, #tpu.memory_space<vmem>> -> memref<1x128xi32, #tpu.memory_space<vmem>>
    %dma_wait3A_56 = tpu.memref_squeeze %dma_wait3A_55 : memref<1x128xi32, #tpu.memory_space<vmem>> -> memref<128xi32, #tpu.memory_space<vmem>>
    %dma_wait3A_57 = arith.constant 0 : i32
    %dma_wait3A_58 = arith.constant 0 : i32
    %dma_wait3A_59 = tpu.memref_slice %arg10[%dma_wait3A_57, %dma_wait3A_58] : memref<10240x128xf32, #tpu.memory_space<vmem_shared>> -> memref<10240x128xf32, #tpu.memory_space<vmem_shared>>
    tpu.wait_indirect_dma semaphore(%arg13 : memref<!tpu.dma_semaphore, #tpu.memory_space<semaphore_mem>>) src(%dma_wait3A_53 : memref<128x128xf32, #tpu.memory_space<vmem>>) dst(%dma_wait3A_59 : memref<10240x128xf32, #tpu.memory_space<vmem_shared>>)
    %dma_wait3A_60 = arith.constant 1 : i32
    %dma_wait3A_61 = arith.constant 39 : i32
    %dma_wait3A_62 = arith.constant 0 : i32
    %dma_wait3A_63 = arith.constant 0 : i32
    %dma_wait3A_64 = tpu.memref_slice %arg9[%dma_wait3A_60, %dma_wait3A_62, %dma_wait3A_63] : memref<2x128x128xf32, #tpu.memory_space<vmem>> -> memref<1x128x128xf32, #tpu.memory_space<vmem>>
    %dma_wait3A_65 = tpu.memref_squeeze %dma_wait3A_64 : memref<1x128x128xf32, #tpu.memory_space<vmem>> -> memref<128x128xf32, #tpu.memory_space<vmem>>
    %dma_wait3A_66 = arith.constant 0 : i32
    %dma_wait3A_67 = tpu.memref_slice %arg8[%dma_wait3A_61, %dma_wait3A_66] : memref<40x128xi32, #tpu.memory_space<vmem>> -> memref<1x128xi32, #tpu.memory_space<vmem>>
    %dma_wait3A_68 = tpu.memref_squeeze %dma_wait3A_67 : memref<1x128xi32, #tpu.memory_space<vmem>> -> memref<128xi32, #tpu.memory_space<vmem>>
    %dma_wait3A_69 = arith.constant 0 : i32
    %dma_wait3A_70 = arith.constant 0 : i32
    %dma_wait3A_71 = tpu.memref_slice %arg10[%dma_wait3A_69, %dma_wait3A_70] : memref<10240x128xf32, #tpu.memory_space<vmem_shared>> -> memref<10240x128xf32, #tpu.memory_space<vmem_shared>>
    tpu.wait_indirect_dma semaphore(%arg14 : memref<!tpu.dma_semaphore, #tpu.memory_space<semaphore_mem>>) src(%dma_wait3A_65 : memref<128x128xf32, #tpu.memory_space<vmem>>) dst(%dma_wait3A_71 : memref<10240x128xf32, #tpu.memory_space<vmem_shared>>)
    %mul3A_72 = arith.constant 80 : i32
    %mul3A_73 = arith.muli %add3A, %mul3A_72 : i32
    %add3A_74 = arith.constant 40 : i32
    %add3A_75 = arith.addi %mul3A_73, %add3A_74 : i32
    %lt3A_76 = arith.constant 31 : i32
    %lt3A_77 = arith.cmpi slt, %add3A, %lt3A_76 : i32
    %convert_element_type3A_78 = arith.extui %lt3A_77 : i1 to i32
    %cond3A_79 = arith.constant 0 : i32
    %cond3A_80 = arith.cmpi ne, %convert_element_type3A_78, %cond3A_79 : i32
    scf.if %cond3A_80 {
      "tpu.region"() ({
        %run_scoped3A_129 = tpu.sem_alloc : memref<!tpu.dma_semaphore, #tpu.memory_space<semaphore_mem>>
        %dma_start3A_130 = arith.constant 0 : i32
        %dma_start3A_131 = tpu.memref_slice %arg3[%add3A_75, %dma_start3A_130] : memref<2500x128xi32, #tpu.memory_space<hbm>> -> memref<40x128xi32, #tpu.memory_space<hbm>>
        %dma_start3A_132 = arith.constant 0 : i32
        %dma_start3A_133 = tpu.memref_slice %arg3[%add3A_75, %dma_start3A_132] : memref<2500x128xi32, #tpu.memory_space<hbm>> -> memref<40x128xi32, #tpu.memory_space<hbm>>
        tpu.enqueue_dma source(%dma_start3A_133 : memref<40x128xi32, #tpu.memory_space<hbm>>) target(%arg7 : memref<40x128xi32, #tpu.memory_space<vmem>>) target_semaphore(%run_scoped3A_129 : memref<!tpu.dma_semaphore, #tpu.memory_space<semaphore_mem>>)
        %dma_wait3A_134 = arith.constant 0 : i32
        %dma_wait3A_135 = tpu.memref_slice %arg3[%add3A_75, %dma_wait3A_134] : memref<2500x128xi32, #tpu.memory_space<hbm>> -> memref<40x128xi32, #tpu.memory_space<hbm>>
        %dma_wait3A_136 = arith.constant 0 : i32
        %dma_wait3A_137 = tpu.memref_slice %arg3[%add3A_75, %dma_wait3A_136] : memref<2500x128xi32, #tpu.memory_space<hbm>> -> memref<40x128xi32, #tpu.memory_space<hbm>>
        tpu.wait_dma2 semaphore(%run_scoped3A_129 : memref<!tpu.dma_semaphore, #tpu.memory_space<semaphore_mem>>) src(%dma_wait3A_137 : memref<40x128xi32, #tpu.memory_space<hbm>>) dst(%arg7 : memref<40x128xi32, #tpu.memory_space<vmem>>)
        tpu.yield
      }) : () -> ()
      "tpu.region"() ({
        %run_scoped3A_129 = tpu.sem_alloc : memref<!tpu.dma_semaphore, #tpu.memory_space<semaphore_mem>>
        %dma_start3A_130 = arith.constant 0 : i32
        %dma_start3A_131 = tpu.memref_slice %arg4[%add3A_75, %dma_start3A_130] : memref<2500x128xi32, #tpu.memory_space<hbm>> -> memref<40x128xi32, #tpu.memory_space<hbm>>
        %dma_start3A_132 = arith.constant 0 : i32
        %dma_start3A_133 = tpu.memref_slice %arg4[%add3A_75, %dma_start3A_132] : memref<2500x128xi32, #tpu.memory_space<hbm>> -> memref<40x128xi32, #tpu.memory_space<hbm>>
        tpu.enqueue_dma source(%dma_start3A_133 : memref<40x128xi32, #tpu.memory_space<hbm>>) target(%arg8 : memref<40x128xi32, #tpu.memory_space<vmem>>) target_semaphore(%run_scoped3A_129 : memref<!tpu.dma_semaphore, #tpu.memory_space<semaphore_mem>>)
        %dma_wait3A_134 = arith.constant 0 : i32
        %dma_wait3A_135 = tpu.memref_slice %arg4[%add3A_75, %dma_wait3A_134] : memref<2500x128xi32, #tpu.memory_space<hbm>> -> memref<40x128xi32, #tpu.memory_space<hbm>>
        %dma_wait3A_136 = arith.constant 0 : i32
        %dma_wait3A_137 = tpu.memref_slice %arg4[%add3A_75, %dma_wait3A_136] : memref<2500x128xi32, #tpu.memory_space<hbm>> -> memref<40x128xi32, #tpu.memory_space<hbm>>
        tpu.wait_dma2 semaphore(%run_scoped3A_129 : memref<!tpu.dma_semaphore, #tpu.memory_space<semaphore_mem>>) src(%dma_wait3A_137 : memref<40x128xi32, #tpu.memory_space<hbm>>) dst(%arg8 : memref<40x128xi32, #tpu.memory_space<vmem>>)
        tpu.yield
      }) : () -> ()
    } else {
    }
    %eq3A_81 = arith.constant 31 : i32
    %eq3A_82 = arith.cmpi eq, %add3A, %eq3A_81 : i32
    %convert_element_type3A_83 = arith.extui %eq3A_82 : i1 to i32
    %cond3A_84 = arith.constant 0 : i32
    %cond3A_85 = arith.cmpi ne, %convert_element_type3A_83, %cond3A_84 : i32
    scf.if %cond3A_85 {
      %run_scoped3A_129 = arith.constant 0 : i32
      "tpu.region"() ({
        %run_scoped3A_131 = tpu.sem_alloc : memref<!tpu.dma_semaphore, #tpu.memory_space<semaphore_mem>>
        %dma_start3A_132 = arith.constant 0 : i32
        %dma_start3A_133 = arith.constant 0 : i32
        %dma_start3A_134 = tpu.memref_slice %arg5[%run_scoped3A_129, %dma_start3A_132, %dma_start3A_133] : memref<2x80x128xi32, #tpu.memory_space<hbm>> -> memref<1x80x128xi32, #tpu.memory_space<hbm>>
        %dma_start3A_135 = tpu.memref_squeeze %dma_start3A_134 : memref<1x80x128xi32, #tpu.memory_space<hbm>> -> memref<80x128xi32, #tpu.memory_space<hbm>>
        %dma_start3A_136 = arith.constant 40 : i32
        %dma_start3A_137 = arith.constant 0 : i32
        %dma_start3A_138 = tpu.memref_slice %dma_start3A_135[%dma_start3A_136, %dma_start3A_137] : memref<80x128xi32, #tpu.memory_space<hbm>> -> memref<40x128xi32, #tpu.memory_space<hbm>>
        %dma_start3A_139 = arith.constant 0 : i32
        %dma_start3A_140 = arith.constant 0 : i32
        %dma_start3A_141 = tpu.memref_slice %arg5[%run_scoped3A_129, %dma_start3A_139, %dma_start3A_140] : memref<2x80x128xi32, #tpu.memory_space<hbm>> -> memref<1x80x128xi32, #tpu.memory_space<hbm>>
        %dma_start3A_142 = tpu.memref_squeeze %dma_start3A_141 : memref<1x80x128xi32, #tpu.memory_space<hbm>> -> memref<80x128xi32, #tpu.memory_space<hbm>>
        %dma_start3A_143 = arith.constant 40 : i32
        %dma_start3A_144 = arith.constant 0 : i32
        %dma_start3A_145 = tpu.memref_slice %dma_start3A_142[%dma_start3A_143, %dma_start3A_144] : memref<80x128xi32, #tpu.memory_space<hbm>> -> memref<40x128xi32, #tpu.memory_space<hbm>>
        tpu.enqueue_dma source(%dma_start3A_145 : memref<40x128xi32, #tpu.memory_space<hbm>>) target(%arg7 : memref<40x128xi32, #tpu.memory_space<vmem>>) target_semaphore(%run_scoped3A_131 : memref<!tpu.dma_semaphore, #tpu.memory_space<semaphore_mem>>)
        %dma_wait3A_146 = arith.constant 0 : i32
        %dma_wait3A_147 = arith.constant 0 : i32
        %dma_wait3A_148 = tpu.memref_slice %arg5[%run_scoped3A_129, %dma_wait3A_146, %dma_wait3A_147] : memref<2x80x128xi32, #tpu.memory_space<hbm>> -> memref<1x80x128xi32, #tpu.memory_space<hbm>>
        %dma_wait3A_149 = tpu.memref_squeeze %dma_wait3A_148 : memref<1x80x128xi32, #tpu.memory_space<hbm>> -> memref<80x128xi32, #tpu.memory_space<hbm>>
        %dma_wait3A_150 = arith.constant 40 : i32
        %dma_wait3A_151 = arith.constant 0 : i32
        %dma_wait3A_152 = tpu.memref_slice %dma_wait3A_149[%dma_wait3A_150, %dma_wait3A_151] : memref<80x128xi32, #tpu.memory_space<hbm>> -> memref<40x128xi32, #tpu.memory_space<hbm>>
        %dma_wait3A_153 = arith.constant 0 : i32
        %dma_wait3A_154 = arith.constant 0 : i32
        %dma_wait3A_155 = tpu.memref_slice %arg5[%run_scoped3A_129, %dma_wait3A_153, %dma_wait3A_154] : memref<2x80x128xi32, #tpu.memory_space<hbm>> -> memref<1x80x128xi32, #tpu.memory_space<hbm>>
        %dma_wait3A_156 = tpu.memref_squeeze %dma_wait3A_155 : memref<1x80x128xi32, #tpu.memory_space<hbm>> -> memref<80x128xi32, #tpu.memory_space<hbm>>
        %dma_wait3A_157 = arith.constant 40 : i32
        %dma_wait3A_158 = arith.constant 0 : i32
        %dma_wait3A_159 = tpu.memref_slice %dma_wait3A_156[%dma_wait3A_157, %dma_wait3A_158] : memref<80x128xi32, #tpu.memory_space<hbm>> -> memref<40x128xi32, #tpu.memory_space<hbm>>
        tpu.wait_dma2 semaphore(%run_scoped3A_131 : memref<!tpu.dma_semaphore, #tpu.memory_space<semaphore_mem>>) src(%dma_wait3A_159 : memref<40x128xi32, #tpu.memory_space<hbm>>) dst(%arg7 : memref<40x128xi32, #tpu.memory_space<vmem>>)
        tpu.yield
      }) : () -> ()
      %run_scoped3A_130 = arith.constant 1 : i32
      "tpu.region"() ({
        %run_scoped3A_131 = tpu.sem_alloc : memref<!tpu.dma_semaphore, #tpu.memory_space<semaphore_mem>>
        %dma_start3A_132 = arith.constant 0 : i32
        %dma_start3A_133 = arith.constant 0 : i32
        %dma_start3A_134 = tpu.memref_slice %arg5[%run_scoped3A_130, %dma_start3A_132, %dma_start3A_133] : memref<2x80x128xi32, #tpu.memory_space<hbm>> -> memref<1x80x128xi32, #tpu.memory_space<hbm>>
        %dma_start3A_135 = tpu.memref_squeeze %dma_start3A_134 : memref<1x80x128xi32, #tpu.memory_space<hbm>> -> memref<80x128xi32, #tpu.memory_space<hbm>>
        %dma_start3A_136 = arith.constant 40 : i32
        %dma_start3A_137 = arith.constant 0 : i32
        %dma_start3A_138 = tpu.memref_slice %dma_start3A_135[%dma_start3A_136, %dma_start3A_137] : memref<80x128xi32, #tpu.memory_space<hbm>> -> memref<40x128xi32, #tpu.memory_space<hbm>>
        %dma_start3A_139 = arith.constant 0 : i32
        %dma_start3A_140 = arith.constant 0 : i32
        %dma_start3A_141 = tpu.memref_slice %arg5[%run_scoped3A_130, %dma_start3A_139, %dma_start3A_140] : memref<2x80x128xi32, #tpu.memory_space<hbm>> -> memref<1x80x128xi32, #tpu.memory_space<hbm>>
        %dma_start3A_142 = tpu.memref_squeeze %dma_start3A_141 : memref<1x80x128xi32, #tpu.memory_space<hbm>> -> memref<80x128xi32, #tpu.memory_space<hbm>>
        %dma_start3A_143 = arith.constant 40 : i32
        %dma_start3A_144 = arith.constant 0 : i32
        %dma_start3A_145 = tpu.memref_slice %dma_start3A_142[%dma_start3A_143, %dma_start3A_144] : memref<80x128xi32, #tpu.memory_space<hbm>> -> memref<40x128xi32, #tpu.memory_space<hbm>>
        tpu.enqueue_dma source(%dma_start3A_145 : memref<40x128xi32, #tpu.memory_space<hbm>>) target(%arg8 : memref<40x128xi32, #tpu.memory_space<vmem>>) target_semaphore(%run_scoped3A_131 : memref<!tpu.dma_semaphore, #tpu.memory_space<semaphore_mem>>)
        %dma_wait3A_146 = arith.constant 0 : i32
        %dma_wait3A_147 = arith.constant 0 : i32
        %dma_wait3A_148 = tpu.memref_slice %arg5[%run_scoped3A_130, %dma_wait3A_146, %dma_wait3A_147] : memref<2x80x128xi32, #tpu.memory_space<hbm>> -> memref<1x80x128xi32, #tpu.memory_space<hbm>>
        %dma_wait3A_149 = tpu.memref_squeeze %dma_wait3A_148 : memref<1x80x128xi32, #tpu.memory_space<hbm>> -> memref<80x128xi32, #tpu.memory_space<hbm>>
        %dma_wait3A_150 = arith.constant 40 : i32
        %dma_wait3A_151 = arith.constant 0 : i32
        %dma_wait3A_152 = tpu.memref_slice %dma_wait3A_149[%dma_wait3A_150, %dma_wait3A_151] : memref<80x128xi32, #tpu.memory_space<hbm>> -> memref<40x128xi32, #tpu.memory_space<hbm>>
        %dma_wait3A_153 = arith.constant 0 : i32
        %dma_wait3A_154 = arith.constant 0 : i32
        %dma_wait3A_155 = tpu.memref_slice %arg5[%run_scoped3A_130, %dma_wait3A_153, %dma_wait3A_154] : memref<2x80x128xi32, #tpu.memory_space<hbm>> -> memref<1x80x128xi32, #tpu.memory_space<hbm>>
        %dma_wait3A_156 = tpu.memref_squeeze %dma_wait3A_155 : memref<1x80x128xi32, #tpu.memory_space<hbm>> -> memref<80x128xi32, #tpu.memory_space<hbm>>
        %dma_wait3A_157 = arith.constant 40 : i32
        %dma_wait3A_158 = arith.constant 0 : i32
        %dma_wait3A_159 = tpu.memref_slice %dma_wait3A_156[%dma_wait3A_157, %dma_wait3A_158] : memref<80x128xi32, #tpu.memory_space<hbm>> -> memref<40x128xi32, #tpu.memory_space<hbm>>
        tpu.wait_dma2 semaphore(%run_scoped3A_131 : memref<!tpu.dma_semaphore, #tpu.memory_space<semaphore_mem>>) src(%dma_wait3A_159 : memref<40x128xi32, #tpu.memory_space<hbm>>) dst(%arg8 : memref<40x128xi32, #tpu.memory_space<vmem>>)
        tpu.yield
      }) : () -> ()
    } else {
    }
    %dma_start3A_86 = arith.constant 0 : i32
    %dma_start3A_87 = arith.constant 0 : i32
    %dma_start3A_88 = arith.constant 0 : i32
    %dma_start3A_89 = arith.constant 0 : i32
    %dma_start3A_90 = tpu.memref_slice %arg9[%dma_start3A_87, %dma_start3A_88, %dma_start3A_89] : memref<2x128x128xf32, #tpu.memory_space<vmem>> -> memref<1x128x128xf32, #tpu.memory_space<vmem>>
    %dma_start3A_91 = tpu.memref_squeeze %dma_start3A_90 : memref<1x128x128xf32, #tpu.memory_space<vmem>> -> memref<128x128xf32, #tpu.memory_space<vmem>>
    %dma_start3A_92 = arith.constant 0 : i32
    %dma_start3A_93 = tpu.memref_slice %arg7[%dma_start3A_86, %dma_start3A_92] : memref<40x128xi32, #tpu.memory_space<vmem>> -> memref<1x128xi32, #tpu.memory_space<vmem>>
    %dma_start3A_94 = tpu.memref_squeeze %dma_start3A_93 : memref<1x128xi32, #tpu.memory_space<vmem>> -> memref<128xi32, #tpu.memory_space<vmem>>
    %dma_start3A_95 = arith.constant 0 : i32
    %dma_start3A_96 = arith.constant 0 : i32
    %dma_start3A_97 = tpu.memref_slice %arg2[%dma_start3A_95, %dma_start3A_96] : memref<10240x128xf32, #tpu.memory_space<hbm>> -> memref<10240x128xf32, #tpu.memory_space<hbm>>
    tpu.enqueue_indirect_dma source(%dma_start3A_97 : memref<10240x128xf32, #tpu.memory_space<hbm>>) target(%dma_start3A_91 : memref<128x128xf32, #tpu.memory_space<vmem>>) offsets(%dma_start3A_94 : memref<128xi32, #tpu.memory_space<vmem>>) semaphore(%arg11 : memref<!tpu.dma_semaphore, #tpu.memory_space<semaphore_mem>>)
    %scan3A_98 = arith.constant 0 : i32
    %scan3A_99 = arith.constant 0 : i32
    %scan3A_100 = arith.constant 20 : i32
    %scan3A_101 = arith.addi %scan3A_99, %scan3A_100 : i32
    %scan3A_102 = arith.constant 1 : i32
    scf.for %scan3A_129 = %scan3A_99 to %scan3A_101 step %scan3A_102  : i32 {
      %mul3A_130 = arith.constant 2 : i32
      %mul3A_131 = arith.muli %scan3A_129, %mul3A_130 : i32
      %add3A_132 = arith.constant 0 : i32
      %add3A_133 = arith.addi %mul3A_131, %add3A_132 : i32
      %add3A_134 = arith.constant 1 : i32
      %add3A_135 = arith.addi %add3A_133, %add3A_134 : i32
      %lt3A_136 = arith.constant 40 : i32
      %lt3A_137 = arith.cmpi slt, %add3A_135, %lt3A_136 : i32
      %convert_element_type3A_138 = arith.extui %lt3A_137 : i1 to i32
      %cond3A_139 = arith.constant 0 : i32
      %cond3A_140 = arith.cmpi ne, %convert_element_type3A_138, %cond3A_139 : i32
      scf.if %cond3A_140 {
        %ge3A = arith.constant 1 : i32
        %ge3A_196 = arith.cmpi sge, %add3A_133, %ge3A : i32
        %convert_element_type3A_197 = arith.extui %ge3A_196 : i1 to i32
        %cond3A_198 = arith.constant 0 : i32
        %cond3A_199 = arith.cmpi ne, %convert_element_type3A_197, %cond3A_198 : i32
        scf.if %cond3A_199 {
          %sub3A = arith.constant 1 : i32
          %sub3A_213 = arith.subi %add3A_133, %sub3A : i32
          %dma_wait3A_214 = arith.constant 1 : i32
          %dma_wait3A_215 = arith.constant 0 : i32
          %dma_wait3A_216 = arith.constant 0 : i32
          %dma_wait3A_217 = tpu.memref_slice %arg9[%dma_wait3A_214, %dma_wait3A_215, %dma_wait3A_216] : memref<2x128x128xf32, #tpu.memory_space<vmem>> -> memref<1x128x128xf32, #tpu.memory_space<vmem>>
          %dma_wait3A_218 = tpu.memref_squeeze %dma_wait3A_217 : memref<1x128x128xf32, #tpu.memory_space<vmem>> -> memref<128x128xf32, #tpu.memory_space<vmem>>
          %dma_wait3A_219 = arith.constant 0 : i32
          %dma_wait3A_220 = tpu.memref_slice %arg8[%sub3A_213, %dma_wait3A_219] : memref<40x128xi32, #tpu.memory_space<vmem>> -> memref<1x128xi32, #tpu.memory_space<vmem>>
          %dma_wait3A_221 = tpu.memref_squeeze %dma_wait3A_220 : memref<1x128xi32, #tpu.memory_space<vmem>> -> memref<128xi32, #tpu.memory_space<vmem>>
          %dma_wait3A_222 = arith.constant 0 : i32
          %dma_wait3A_223 = arith.constant 0 : i32
          %dma_wait3A_224 = tpu.memref_slice %arg10[%dma_wait3A_222, %dma_wait3A_223] : memref<10240x128xf32, #tpu.memory_space<vmem_shared>> -> memref<10240x128xf32, #tpu.memory_space<vmem_shared>>
          tpu.wait_indirect_dma semaphore(%arg14 : memref<!tpu.dma_semaphore, #tpu.memory_space<semaphore_mem>>) src(%dma_wait3A_218 : memref<128x128xf32, #tpu.memory_space<vmem>>) dst(%dma_wait3A_224 : memref<10240x128xf32, #tpu.memory_space<vmem_shared>>)
        } else {
        }
        %add3A_200 = arith.constant 1 : i32
        %add3A_201 = arith.addi %add3A_133, %add3A_200 : i32
        %dma_start3A_202 = arith.constant 1 : i32
        %dma_start3A_203 = arith.constant 0 : i32
        %dma_start3A_204 = arith.constant 0 : i32
        %dma_start3A_205 = tpu.memref_slice %arg9[%dma_start3A_202, %dma_start3A_203, %dma_start3A_204] : memref<2x128x128xf32, #tpu.memory_space<vmem>> -> memref<1x128x128xf32, #tpu.memory_space<vmem>>
        %dma_start3A_206 = tpu.memref_squeeze %dma_start3A_205 : memref<1x128x128xf32, #tpu.memory_space<vmem>> -> memref<128x128xf32, #tpu.memory_space<vmem>>
        %dma_start3A_207 = arith.constant 0 : i32
        %dma_start3A_208 = tpu.memref_slice %arg7[%add3A_201, %dma_start3A_207] : memref<40x128xi32, #tpu.memory_space<vmem>> -> memref<1x128xi32, #tpu.memory_space<vmem>>
        %dma_start3A_209 = tpu.memref_squeeze %dma_start3A_208 : memref<1x128xi32, #tpu.memory_space<vmem>> -> memref<128xi32, #tpu.memory_space<vmem>>
        %dma_start3A_210 = arith.constant 0 : i32
        %dma_start3A_211 = arith.constant 0 : i32
        %dma_start3A_212 = tpu.memref_slice %arg2[%dma_start3A_210, %dma_start3A_211] : memref<10240x128xf32, #tpu.memory_space<hbm>> -> memref<10240x128xf32, #tpu.memory_space<hbm>>
        tpu.enqueue_indirect_dma source(%dma_start3A_212 : memref<10240x128xf32, #tpu.memory_space<hbm>>) target(%dma_start3A_206 : memref<128x128xf32, #tpu.memory_space<vmem>>) offsets(%dma_start3A_209 : memref<128xi32, #tpu.memory_space<vmem>>) semaphore(%arg12 : memref<!tpu.dma_semaphore, #tpu.memory_space<semaphore_mem>>)
      } else {
      }
      %dma_wait3A_141 = arith.constant 0 : i32
      %dma_wait3A_142 = arith.constant 0 : i32
      %dma_wait3A_143 = arith.constant 0 : i32
      %dma_wait3A_144 = tpu.memref_slice %arg9[%dma_wait3A_141, %dma_wait3A_142, %dma_wait3A_143] : memref<2x128x128xf32, #tpu.memory_space<vmem>> -> memref<1x128x128xf32, #tpu.memory_space<vmem>>
      %dma_wait3A_145 = tpu.memref_squeeze %dma_wait3A_144 : memref<1x128x128xf32, #tpu.memory_space<vmem>> -> memref<128x128xf32, #tpu.memory_space<vmem>>
      %dma_wait3A_146 = arith.constant 0 : i32
      %dma_wait3A_147 = tpu.memref_slice %arg7[%add3A_133, %dma_wait3A_146] : memref<40x128xi32, #tpu.memory_space<vmem>> -> memref<1x128xi32, #tpu.memory_space<vmem>>
      %dma_wait3A_148 = tpu.memref_squeeze %dma_wait3A_147 : memref<1x128xi32, #tpu.memory_space<vmem>> -> memref<128xi32, #tpu.memory_space<vmem>>
      %dma_wait3A_149 = arith.constant 0 : i32
      %dma_wait3A_150 = arith.constant 0 : i32
      %dma_wait3A_151 = tpu.memref_slice %arg2[%dma_wait3A_149, %dma_wait3A_150] : memref<10240x128xf32, #tpu.memory_space<hbm>> -> memref<10240x128xf32, #tpu.memory_space<hbm>>
      tpu.wait_indirect_dma semaphore(%arg11 : memref<!tpu.dma_semaphore, #tpu.memory_space<semaphore_mem>>) src(%dma_wait3A_151 : memref<10240x128xf32, #tpu.memory_space<hbm>>) dst(%dma_wait3A_145 : memref<128x128xf32, #tpu.memory_space<vmem>>)
      %dma_start3A_152 = arith.constant 0 : i32
      %dma_start3A_153 = arith.constant 0 : i32
      %dma_start3A_154 = arith.constant 0 : i32
      %dma_start3A_155 = tpu.memref_slice %arg9[%dma_start3A_152, %dma_start3A_153, %dma_start3A_154] : memref<2x128x128xf32, #tpu.memory_space<vmem>> -> memref<1x128x128xf32, #tpu.memory_space<vmem>>
      %dma_start3A_156 = tpu.memref_squeeze %dma_start3A_155 : memref<1x128x128xf32, #tpu.memory_space<vmem>> -> memref<128x128xf32, #tpu.memory_space<vmem>>
      %dma_start3A_157 = arith.constant 0 : i32
      %dma_start3A_158 = tpu.memref_slice %arg8[%add3A_133, %dma_start3A_157] : memref<40x128xi32, #tpu.memory_space<vmem>> -> memref<1x128xi32, #tpu.memory_space<vmem>>
      %dma_start3A_159 = tpu.memref_squeeze %dma_start3A_158 : memref<1x128xi32, #tpu.memory_space<vmem>> -> memref<128xi32, #tpu.memory_space<vmem>>
      %dma_start3A_160 = arith.constant 0 : i32
      %dma_start3A_161 = arith.constant 0 : i32
      %dma_start3A_162 = tpu.memref_slice %arg10[%dma_start3A_160, %dma_start3A_161] : memref<10240x128xf32, #tpu.memory_space<vmem_shared>> -> memref<10240x128xf32, #tpu.memory_space<vmem_shared>>
      tpu.enqueue_indirect_dma source(%dma_start3A_156 : memref<128x128xf32, #tpu.memory_space<vmem>>) target(%dma_start3A_162 : memref<10240x128xf32, #tpu.memory_space<vmem_shared>>) offsets(%dma_start3A_159 : memref<128xi32, #tpu.memory_space<vmem>>) semaphore(%arg13 : memref<!tpu.dma_semaphore, #tpu.memory_space<semaphore_mem>>) {add = true}
      %mul3A_163 = arith.constant 2 : i32
      %mul3A_164 = arith.muli %scan3A_129, %mul3A_163 : i32
      %add3A_165 = arith.constant 1 : i32
      %add3A_166 = arith.addi %mul3A_164, %add3A_165 : i32
      %add3A_167 = arith.constant 1 : i32
      %add3A_168 = arith.addi %add3A_166, %add3A_167 : i32
      %lt3A_169 = arith.constant 40 : i32
      %lt3A_170 = arith.cmpi slt, %add3A_168, %lt3A_169 : i32
      %convert_element_type3A_171 = arith.extui %lt3A_170 : i1 to i32
      %cond3A_172 = arith.constant 0 : i32
      %cond3A_173 = arith.cmpi ne, %convert_element_type3A_171, %cond3A_172 : i32
      scf.if %cond3A_173 {
        %ge3A = arith.constant 1 : i32
        %ge3A_196 = arith.cmpi sge, %add3A_166, %ge3A : i32
        %convert_element_type3A_197 = arith.extui %ge3A_196 : i1 to i32
        %cond3A_198 = arith.constant 0 : i32
        %cond3A_199 = arith.cmpi ne, %convert_element_type3A_197, %cond3A_198 : i32
        scf.if %cond3A_199 {
          %sub3A = arith.constant 1 : i32
          %sub3A_213 = arith.subi %add3A_166, %sub3A : i32
          %dma_wait3A_214 = arith.constant 0 : i32
          %dma_wait3A_215 = arith.constant 0 : i32
          %dma_wait3A_216 = arith.constant 0 : i32
          %dma_wait3A_217 = tpu.memref_slice %arg9[%dma_wait3A_214, %dma_wait3A_215, %dma_wait3A_216] : memref<2x128x128xf32, #tpu.memory_space<vmem>> -> memref<1x128x128xf32, #tpu.memory_space<vmem>>
          %dma_wait3A_218 = tpu.memref_squeeze %dma_wait3A_217 : memref<1x128x128xf32, #tpu.memory_space<vmem>> -> memref<128x128xf32, #tpu.memory_space<vmem>>
          %dma_wait3A_219 = arith.constant 0 : i32
          %dma_wait3A_220 = tpu.memref_slice %arg8[%sub3A_213, %dma_wait3A_219] : memref<40x128xi32, #tpu.memory_space<vmem>> -> memref<1x128xi32, #tpu.memory_space<vmem>>
          %dma_wait3A_221 = tpu.memref_squeeze %dma_wait3A_220 : memref<1x128xi32, #tpu.memory_space<vmem>> -> memref<128xi32, #tpu.memory_space<vmem>>
          %dma_wait3A_222 = arith.constant 0 : i32
          %dma_wait3A_223 = arith.constant 0 : i32
          %dma_wait3A_224 = tpu.memref_slice %arg10[%dma_wait3A_222, %dma_wait3A_223] : memref<10240x128xf32, #tpu.memory_space<vmem_shared>> -> memref<10240x128xf32, #tpu.memory_space<vmem_shared>>
          tpu.wait_indirect_dma semaphore(%arg13 : memref<!tpu.dma_semaphore, #tpu.memory_space<semaphore_mem>>) src(%dma_wait3A_218 : memref<128x128xf32, #tpu.memory_space<vmem>>) dst(%dma_wait3A_224 : memref<10240x128xf32, #tpu.memory_space<vmem_shared>>)
        } else {
        }
        %add3A_200 = arith.constant 1 : i32
        %add3A_201 = arith.addi %add3A_166, %add3A_200 : i32
        %dma_start3A_202 = arith.constant 0 : i32
        %dma_start3A_203 = arith.constant 0 : i32
        %dma_start3A_204 = arith.constant 0 : i32
        %dma_start3A_205 = tpu.memref_slice %arg9[%dma_start3A_202, %dma_start3A_203, %dma_start3A_204] : memref<2x128x128xf32, #tpu.memory_space<vmem>> -> memref<1x128x128xf32, #tpu.memory_space<vmem>>
        %dma_start3A_206 = tpu.memref_squeeze %dma_start3A_205 : memref<1x128x128xf32, #tpu.memory_space<vmem>> -> memref<128x128xf32, #tpu.memory_space<vmem>>
        %dma_start3A_207 = arith.constant 0 : i32
        %dma_start3A_208 = tpu.memref_slice %arg7[%add3A_201, %dma_start3A_207] : memref<40x128xi32, #tpu.memory_space<vmem>> -> memref<1x128xi32, #tpu.memory_space<vmem>>
        %dma_start3A_209 = tpu.memref_squeeze %dma_start3A_208 : memref<1x128xi32, #tpu.memory_space<vmem>> -> memref<128xi32, #tpu.memory_space<vmem>>
        %dma_start3A_210 = arith.constant 0 : i32
        %dma_start3A_211 = arith.constant 0 : i32
        %dma_start3A_212 = tpu.memref_slice %arg2[%dma_start3A_210, %dma_start3A_211] : memref<10240x128xf32, #tpu.memory_space<hbm>> -> memref<10240x128xf32, #tpu.memory_space<hbm>>
        tpu.enqueue_indirect_dma source(%dma_start3A_212 : memref<10240x128xf32, #tpu.memory_space<hbm>>) target(%dma_start3A_206 : memref<128x128xf32, #tpu.memory_space<vmem>>) offsets(%dma_start3A_209 : memref<128xi32, #tpu.memory_space<vmem>>) semaphore(%arg11 : memref<!tpu.dma_semaphore, #tpu.memory_space<semaphore_mem>>)
      } else {
      }
      %dma_wait3A_174 = arith.constant 1 : i32
      %dma_wait3A_175 = arith.constant 0 : i32
      %dma_wait3A_176 = arith.constant 0 : i32
      %dma_wait3A_177 = tpu.memref_slice %arg9[%dma_wait3A_174, %dma_wait3A_175, %dma_wait3A_176] : memref<2x128x128xf32, #tpu.memory_space<vmem>> -> memref<1x128x128xf32, #tpu.memory_space<vmem>>
      %dma_wait3A_178 = tpu.memref_squeeze %dma_wait3A_177 : memref<1x128x128xf32, #tpu.memory_space<vmem>> -> memref<128x128xf32, #tpu.memory_space<vmem>>
      %dma_wait3A_179 = arith.constant 0 : i32
      %dma_wait3A_180 = tpu.memref_slice %arg7[%add3A_166, %dma_wait3A_179] : memref<40x128xi32, #tpu.memory_space<vmem>> -> memref<1x128xi32, #tpu.memory_space<vmem>>
      %dma_wait3A_181 = tpu.memref_squeeze %dma_wait3A_180 : memref<1x128xi32, #tpu.memory_space<vmem>> -> memref<128xi32, #tpu.memory_space<vmem>>
      %dma_wait3A_182 = arith.constant 0 : i32
      %dma_wait3A_183 = arith.constant 0 : i32
      %dma_wait3A_184 = tpu.memref_slice %arg2[%dma_wait3A_182, %dma_wait3A_183] : memref<10240x128xf32, #tpu.memory_space<hbm>> -> memref<10240x128xf32, #tpu.memory_space<hbm>>
      tpu.wait_indirect_dma semaphore(%arg12 : memref<!tpu.dma_semaphore, #tpu.memory_space<semaphore_mem>>) src(%dma_wait3A_184 : memref<10240x128xf32, #tpu.memory_space<hbm>>) dst(%dma_wait3A_178 : memref<128x128xf32, #tpu.memory_space<vmem>>)
      %dma_start3A_185 = arith.constant 1 : i32
      %dma_start3A_186 = arith.constant 0 : i32
      %dma_start3A_187 = arith.constant 0 : i32
      %dma_start3A_188 = tpu.memref_slice %arg9[%dma_start3A_185, %dma_start3A_186, %dma_start3A_187] : memref<2x128x128xf32, #tpu.memory_space<vmem>> -> memref<1x128x128xf32, #tpu.memory_space<vmem>>
      %dma_start3A_189 = tpu.memref_squeeze %dma_start3A_188 : memref<1x128x128xf32, #tpu.memory_space<vmem>> -> memref<128x128xf32, #tpu.memory_space<vmem>>
      %dma_start3A_190 = arith.constant 0 : i32
      %dma_start3A_191 = tpu.memref_slice %arg8[%add3A_166, %dma_start3A_190] : memref<40x128xi32, #tpu.memory_space<vmem>> -> memref<1x128xi32, #tpu.memory_space<vmem>>
      %dma_start3A_192 = tpu.memref_squeeze %dma_start3A_191 : memref<1x128xi32, #tpu.memory_space<vmem>> -> memref<128xi32, #tpu.memory_space<vmem>>
      %dma_start3A_193 = arith.constant 0 : i32
      %dma_start3A_194 = arith.constant 0 : i32
      %dma_start3A_195 = tpu.memref_slice %arg10[%dma_start3A_193, %dma_start3A_194] : memref<10240x128xf32, #tpu.memory_space<vmem_shared>> -> memref<10240x128xf32, #tpu.memory_space<vmem_shared>>
      tpu.enqueue_indirect_dma source(%dma_start3A_189 : memref<128x128xf32, #tpu.memory_space<vmem>>) target(%dma_start3A_195 : memref<10240x128xf32, #tpu.memory_space<vmem_shared>>) offsets(%dma_start3A_192 : memref<128xi32, #tpu.memory_space<vmem>>) semaphore(%arg14 : memref<!tpu.dma_semaphore, #tpu.memory_space<semaphore_mem>>) {add = true}
    }
    %scan3A_103 = arith.constant 20 : i32
    %dma_wait3A_104 = arith.constant 0 : i32
    %dma_wait3A_105 = arith.constant 38 : i32
    %dma_wait3A_106 = arith.constant 0 : i32
    %dma_wait3A_107 = arith.constant 0 : i32
    %dma_wait3A_108 = tpu.memref_slice %arg9[%dma_wait3A_104, %dma_wait3A_106, %dma_wait3A_107] : memref<2x128x128xf32, #tpu.memory_space<vmem>> -> memref<1x128x128xf32, #tpu.memory_space<vmem>>
    %dma_wait3A_109 = tpu.memref_squeeze %dma_wait3A_108 : memref<1x128x128xf32, #tpu.memory_space<vmem>> -> memref<128x128xf32, #tpu.memory_space<vmem>>
    %dma_wait3A_110 = arith.constant 0 : i32
    %dma_wait3A_111 = tpu.memref_slice %arg8[%dma_wait3A_105, %dma_wait3A_110] : memref<40x128xi32, #tpu.memory_space<vmem>> -> memref<1x128xi32, #tpu.memory_space<vmem>>
    %dma_wait3A_112 = tpu.memref_squeeze %dma_wait3A_111 : memref<1x128xi32, #tpu.memory_space<vmem>> -> memref<128xi32, #tpu.memory_space<vmem>>
    %dma_wait3A_113 = arith.constant 0 : i32
    %dma_wait3A_114 = arith.constant 0 : i32
    %dma_wait3A_115 = tpu.memref_slice %arg10[%dma_wait3A_113, %dma_wait3A_114] : memref<10240x128xf32, #tpu.memory_space<vmem_shared>> -> memref<10240x128xf32, #tpu.memory_space<vmem_shared>>
    tpu.wait_indirect_dma semaphore(%arg13 : memref<!tpu.dma_semaphore, #tpu.memory_space<semaphore_mem>>) src(%dma_wait3A_109 : memref<128x128xf32, #tpu.memory_space<vmem>>) dst(%dma_wait3A_115 : memref<10240x128xf32, #tpu.memory_space<vmem_shared>>)
    %dma_wait3A_116 = arith.constant 1 : i32
    %dma_wait3A_117 = arith.constant 39 : i32
    %dma_wait3A_118 = arith.constant 0 : i32
    %dma_wait3A_119 = arith.constant 0 : i32
    %dma_wait3A_120 = tpu.memref_slice %arg9[%dma_wait3A_116, %dma_wait3A_118, %dma_wait3A_119] : memref<2x128x128xf32, #tpu.memory_space<vmem>> -> memref<1x128x128xf32, #tpu.memory_space<vmem>>
    %dma_wait3A_121 = tpu.memref_squeeze %dma_wait3A_120 : memref<1x128x128xf32, #tpu.memory_space<vmem>> -> memref<128x128xf32, #tpu.memory_space<vmem>>
    %dma_wait3A_122 = arith.constant 0 : i32
    %dma_wait3A_123 = tpu.memref_slice %arg8[%dma_wait3A_117, %dma_wait3A_122] : memref<40x128xi32, #tpu.memory_space<vmem>> -> memref<1x128xi32, #tpu.memory_space<vmem>>
    %dma_wait3A_124 = tpu.memref_squeeze %dma_wait3A_123 : memref<1x128xi32, #tpu.memory_space<vmem>> -> memref<128xi32, #tpu.memory_space<vmem>>
    %dma_wait3A_125 = arith.constant 0 : i32
    %dma_wait3A_126 = arith.constant 0 : i32
    %dma_wait3A_127 = tpu.memref_slice %arg10[%dma_wait3A_125, %dma_wait3A_126] : memref<10240x128xf32, #tpu.memory_space<vmem_shared>> -> memref<10240x128xf32, #tpu.memory_space<vmem_shared>>
    tpu.wait_indirect_dma semaphore(%arg14 : memref<!tpu.dma_semaphore, #tpu.memory_space<semaphore_mem>>) src(%dma_wait3A_121 : memref<128x128xf32, #tpu.memory_space<vmem>>) dst(%dma_wait3A_127 : memref<10240x128xf32, #tpu.memory_space<vmem_shared>>)
    %barrier3A_128 = arith.constant 0 : index
    tpu.barrier barrier_id(%barrier3A_128)
    "tpu.region"() ({
      %run_scoped3A_129 = tpu.sem_alloc : memref<!tpu.dma_semaphore, #tpu.memory_space<semaphore_mem>>
      %dma_start3A_130 = arith.constant 0 : i32
      %dma_start3A_131 = arith.constant 0 : i32
      %dma_start3A_132 = tpu.memref_slice %arg6[%arg0, %dma_start3A_130, %dma_start3A_131] : memref<2x10240x128xf32, #tpu.memory_space<hbm>> -> memref<1x10240x128xf32, #tpu.memory_space<hbm>>
      %dma_start3A_133 = tpu.memref_squeeze %dma_start3A_132 : memref<1x10240x128xf32, #tpu.memory_space<hbm>> -> memref<10240x128xf32, #tpu.memory_space<hbm>>
      %dma_start3A_134 = arith.constant 0 : i32
      %dma_start3A_135 = tpu.memref_slice %dma_start3A_133[%mul3A_7, %dma_start3A_134] : memref<10240x128xf32, #tpu.memory_space<hbm>> -> memref<640x128xf32, #tpu.memory_space<hbm>>
      %dma_start3A_136 = arith.constant 0 : i32
      %dma_start3A_137 = tpu.memref_slice %arg10[%mul3A_7, %dma_start3A_136] : memref<10240x128xf32, #tpu.memory_space<vmem_shared>> -> memref<640x128xf32, #tpu.memory_space<vmem_shared>>
      tpu.enqueue_dma source(%dma_start3A_137 : memref<640x128xf32, #tpu.memory_space<vmem_shared>>) target(%dma_start3A_135 : memref<640x128xf32, #tpu.memory_space<hbm>>) target_semaphore(%run_scoped3A_129 : memref<!tpu.dma_semaphore, #tpu.memory_space<semaphore_mem>>)
      %dma_wait3A_138 = arith.constant 0 : i32
      %dma_wait3A_139 = arith.constant 0 : i32
      %dma_wait3A_140 = tpu.memref_slice %arg6[%arg0, %dma_wait3A_138, %dma_wait3A_139] : memref<2x10240x128xf32, #tpu.memory_space<hbm>> -> memref<1x10240x128xf32, #tpu.memory_space<hbm>>
      %dma_wait3A_141 = tpu.memref_squeeze %dma_wait3A_140 : memref<1x10240x128xf32, #tpu.memory_space<hbm>> -> memref<10240x128xf32, #tpu.memory_space<hbm>>
      %dma_wait3A_142 = arith.constant 0 : i32
      %dma_wait3A_143 = tpu.memref_slice %dma_wait3A_141[%mul3A_7, %dma_wait3A_142] : memref<10240x128xf32, #tpu.memory_space<hbm>> -> memref<640x128xf32, #tpu.memory_space<hbm>>
      %dma_wait3A_144 = arith.constant 0 : i32
      %dma_wait3A_145 = tpu.memref_slice %arg10[%mul3A_7, %dma_wait3A_144] : memref<10240x128xf32, #tpu.memory_space<vmem_shared>> -> memref<640x128xf32, #tpu.memory_space<vmem_shared>>
      tpu.wait_dma2 semaphore(%run_scoped3A_129 : memref<!tpu.dma_semaphore, #tpu.memory_space<semaphore_mem>>) src(%dma_wait3A_145 : memref<640x128xf32, #tpu.memory_space<vmem_shared>>) dst(%dma_wait3A_143 : memref<640x128xf32, #tpu.memory_space<hbm>>)
      tpu.yield
    }) : () -> ()
    return
  }
}

#map = affine_map<(d0, d1) -> (0, 0)>
#map1 = affine_map<(d0, d1) -> (0, 0, 0)>
module attributes {stable_mosaic.version = 14 : i64} {
  func.func @_agg_body(%arg0: i32, %arg1: i32, %arg2: memref<10240x128xf32, #tpu.memory_space<hbm>>, %arg3: memref<2500x128xi32, #tpu.memory_space<hbm>>, %arg4: memref<2500x128xi32, #tpu.memory_space<hbm>>, %arg5: memref<2x80x128xi32, #tpu.memory_space<hbm>>, %arg6: memref<2x10240x128xf32, #tpu.memory_space<hbm>>, %arg7: memref<40x128xi32, #tpu.memory_space<vmem>>, %arg8: memref<40x128xi32, #tpu.memory_space<vmem>>, %arg9: memref<2x128x128xf32, #tpu.memory_space<vmem>>, %arg10: memref<10240x128xf32, #tpu.memory_space<vmem_shared>>, %arg11: memref<!tpu.dma_semaphore, #tpu.memory_space<semaphore_mem>>, %arg12: memref<!tpu.dma_semaphore, #tpu.memory_space<semaphore_mem>>, %arg13: memref<!tpu.dma_semaphore, #tpu.memory_space<semaphore_mem>>, %arg14: memref<!tpu.dma_semaphore, #tpu.memory_space<semaphore_mem>>) attributes {dimension_semantics = [#tpu.dimension_semantics<core_parallel>, #tpu.dimension_semantics<subcore_parallel>], iteration_bounds = array<i64: 2, 16>, scalar_prefetch = 0 : i64, scratch_operands = 8 : i64, tpu.core_type = #tpu.core_type<sc_vector_subcore>, window_params = [{transform_indices = #map}, {transform_indices = #map}, {transform_indices = #map}, {transform_indices = #map1}, {transform_indices = #map1}]} {
    %mul3A = arith.constant 16 : i32
    %mul3A_0 = arith.muli %arg0, %mul3A : i32
    %add3A = arith.addi %mul3A_0, %arg1 : i32
    %scan3A = arith.constant 0 : i32
    %scan3A_1 = arith.constant 0 : i32
    %scan3A_2 = arith.constant 128 : i32
    %scan3A_3 = arith.addi %scan3A_1, %scan3A_2 : i32
    %scan3A_4 = arith.constant 4 : i32
    scf.for %scan3A_129 = %scan3A_1 to %scan3A_3 step %scan3A_4  : i32 {
      %broadcast_in_dim3A = arith.constant 0.000000e+00 : f32
      %broadcast_in_dim3A_130 = vector.broadcast %broadcast_in_dim3A : f32 to vector<16xf32>
      %swap3A = arith.constant 0 : i32
      %swap3A_131 = arith.index_cast %swap3A : i32 to index
      %swap3A_132 = arith.index_cast %scan3A_129 : i32 to index
      %swap3A_133 = arith.constant 0 : index
      %swap3A_134 = tpu.vector_load %arg9[%swap3A_131, %swap3A_132, %swap3A_133] {strides = array<i32>} : memref<2x128x128xf32, #tpu.memory_space<vmem>>, vector<1x1x16xf32>,
      %swap3A_135 = vector.shape_cast %swap3A_134 : vector<1x1x16xf32> to vector<16xf32>
      %swap3A_136 = vector.shape_cast %broadcast_in_dim3A_130 : vector<16xf32> to vector<1x1x16xf32>
      tpu.vector_store %arg9[%swap3A_131, %swap3A_132, %swap3A_133], %swap3A_136 {strides = array<i32>} : memref<2x128x128xf32, #tpu.memory_space<vmem>>, vector<1x1x16xf32>,
      %broadcast_in_dim3A_137 = arith.constant 0.000000e+00 : f32
      %broadcast_in_dim3A_138 = vector.broadcast %broadcast_in_dim3A_137 : f32 to vector<16xf32>
      %swap3A_139 = arith.constant 0 : i32
      %swap3A_140 = arith.index_cast %swap3A_139 : i32 to index
      %swap3A_141 = arith.index_cast %scan3A_129 : i32 to index
      %swap3A_142 = arith.constant 16 : index
      %swap3A_143 = tpu.vector_load %arg9[%swap3A_140, %swap3A_141, %swap3A_142] {strides = array<i32>} : memref<2x128x128xf32, #tpu.memory_space<vmem>>, vector<1x1x16xf32>,
      %swap3A_144 = vector.shape_cast %swap3A_143 : vector<1x1x16xf32> to vector<16xf32>
      %swap3A_145 = vector.shape_cast %broadcast_in_dim3A_138 : vector<16xf32> to vector<1x1x16xf32>
      tpu.vector_store %arg9[%swap3A_140, %swap3A_141, %swap3A_142], %swap3A_145 {strides = array<i32>} : memref<2x128x128xf32, #tpu.memory_space<vmem>>, vector<1x1x16xf32>,
      %broadcast_in_dim3A_146 = arith.constant 0.000000e+00 : f32
      %broadcast_in_dim3A_147 = vector.broadcast %broadcast_in_dim3A_146 : f32 to vector<16xf32>
      %swap3A_148 = arith.constant 0 : i32
      %swap3A_149 = arith.index_cast %swap3A_148 : i32 to index
      %swap3A_150 = arith.index_cast %scan3A_129 : i32 to index
      %swap3A_151 = arith.constant 32 : index
      %swap3A_152 = tpu.vector_load %arg9[%swap3A_149, %swap3A_150, %swap3A_151] {strides = array<i32>} : memref<2x128x128xf32, #tpu.memory_space<vmem>>, vector<1x1x16xf32>,
      %swap3A_153 = vector.shape_cast %swap3A_152 : vector<1x1x16xf32> to vector<16xf32>
      %swap3A_154 = vector.shape_cast %broadcast_in_dim3A_147 : vector<16xf32> to vector<1x1x16xf32>
      tpu.vector_store %arg9[%swap3A_149, %swap3A_150, %swap3A_151], %swap3A_154 {strides = array<i32>} : memref<2x128x128xf32, #tpu.memory_space<vmem>>, vector<1x1x16xf32>,
      %broadcast_in_dim3A_155 = arith.constant 0.000000e+00 : f32
      %broadcast_in_dim3A_156 = vector.broadcast %broadcast_in_dim3A_155 : f32 to vector<16xf32>
      %swap3A_157 = arith.constant 0 : i32
      %swap3A_158 = arith.index_cast %swap3A_157 : i32 to index
      %swap3A_159 = arith.index_cast %scan3A_129 : i32 to index
      %swap3A_160 = arith.constant 48 : index
      %swap3A_161 = tpu.vector_load %arg9[%swap3A_158, %swap3A_159, %swap3A_160] {strides = array<i32>} : memref<2x128x128xf32, #tpu.memory_space<vmem>>, vector<1x1x16xf32>,
      %swap3A_162 = vector.shape_cast %swap3A_161 : vector<1x1x16xf32> to vector<16xf32>
      %swap3A_163 = vector.shape_cast %broadcast_in_dim3A_156 : vector<16xf32> to vector<1x1x16xf32>
      tpu.vector_store %arg9[%swap3A_158, %swap3A_159, %swap3A_160], %swap3A_163 {strides = array<i32>} : memref<2x128x128xf32, #tpu.memory_space<vmem>>, vector<1x1x16xf32>,
      %broadcast_in_dim3A_164 = arith.constant 0.000000e+00 : f32
      %broadcast_in_dim3A_165 = vector.broadcast %broadcast_in_dim3A_164 : f32 to vector<16xf32>
      %swap3A_166 = arith.constant 0 : i32
      %swap3A_167 = arith.index_cast %swap3A_166 : i32 to index
      %swap3A_168 = arith.index_cast %scan3A_129 : i32 to index
      %swap3A_169 = arith.constant 64 : index
      %swap3A_170 = tpu.vector_load %arg9[%swap3A_167, %swap3A_168, %swap3A_169] {strides = array<i32>} : memref<2x128x128xf32, #tpu.memory_space<vmem>>, vector<1x1x16xf32>,
      %swap3A_171 = vector.shape_cast %swap3A_170 : vector<1x1x16xf32> to vector<16xf32>
      %swap3A_172 = vector.shape_cast %broadcast_in_dim3A_165 : vector<16xf32> to vector<1x1x16xf32>
      tpu.vector_store %arg9[%swap3A_167, %swap3A_168, %swap3A_169], %swap3A_172 {strides = array<i32>} : memref<2x128x128xf32, #tpu.memory_space<vmem>>, vector<1x1x16xf32>,
      %broadcast_in_dim3A_173 = arith.constant 0.000000e+00 : f32
      %broadcast_in_dim3A_174 = vector.broadcast %broadcast_in_dim3A_173 : f32 to vector<16xf32>
      %swap3A_175 = arith.constant 0 : i32
      %swap3A_176 = arith.index_cast %swap3A_175 : i32 to index
      %swap3A_177 = arith.index_cast %scan3A_129 : i32 to index
      %swap3A_178 = arith.constant 80 : index
      %swap3A_179 = tpu.vector_load %arg9[%swap3A_176, %swap3A_177, %swap3A_178] {strides = array<i32>} : memref<2x128x128xf32, #tpu.memory_space<vmem>>, vector<1x1x16xf32>,
      %swap3A_180 = vector.shape_cast %swap3A_179 : vector<1x1x16xf32> to vector<16xf32>
      %swap3A_181 = vector.shape_cast %broadcast_in_dim3A_174 : vector<16xf32> to vector<1x1x16xf32>
      tpu.vector_store %arg9[%swap3A_176, %swap3A_177, %swap3A_178], %swap3A_181 {strides = array<i32>} : memref<2x128x128xf32, #tpu.memory_space<vmem>>, vector<1x1x16xf32>,
      %broadcast_in_dim3A_182 = arith.constant 0.000000e+00 : f32
      %broadcast_in_dim3A_183 = vector.broadcast %broadcast_in_dim3A_182 : f32 to vector<16xf32>
      %swap3A_184 = arith.constant 0 : i32
      %swap3A_185 = arith.index_cast %swap3A_184 : i32 to index
      %swap3A_186 = arith.index_cast %scan3A_129 : i32 to index
      %swap3A_187 = arith.constant 96 : index
      %swap3A_188 = tpu.vector_load %arg9[%swap3A_185, %swap3A_186, %swap3A_187] {strides = array<i32>} : memref<2x128x128xf32, #tpu.memory_space<vmem>>, vector<1x1x16xf32>,
      %swap3A_189 = vector.shape_cast %swap3A_188 : vector<1x1x16xf32> to vector<16xf32>
      %swap3A_190 = vector.shape_cast %broadcast_in_dim3A_183 : vector<16xf32> to vector<1x1x16xf32>
      tpu.vector_store %arg9[%swap3A_185, %swap3A_186, %swap3A_187], %swap3A_190 {strides = array<i32>} : memref<2x128x128xf32, #tpu.memory_space<vmem>>, vector<1x1x16xf32>,
      %broadcast_in_dim3A_191 = arith.constant 0.000000e+00 : f32
      %broadcast_in_dim3A_192 = vector.broadcast %broadcast_in_dim3A_191 : f32 to vector<16xf32>
      %swap3A_193 = arith.constant 0 : i32
      %swap3A_194 = arith.index_cast %swap3A_193 : i32 to index
      %swap3A_195 = arith.index_cast %scan3A_129 : i32 to index
      %swap3A_196 = arith.constant 112 : index
      %swap3A_197 = tpu.vector_load %arg9[%swap3A_194, %swap3A_195, %swap3A_196] {strides = array<i32>} : memref<2x128x128xf32, #tpu.memory_space<vmem>>, vector<1x1x16xf32>,
      %swap3A_198 = vector.shape_cast %swap3A_197 : vector<1x1x16xf32> to vector<16xf32>
      %swap3A_199 = vector.shape_cast %broadcast_in_dim3A_192 : vector<16xf32> to vector<1x1x16xf32>
      tpu.vector_store %arg9[%swap3A_194, %swap3A_195, %swap3A_196], %swap3A_199 {strides = array<i32>} : memref<2x128x128xf32, #tpu.memory_space<vmem>>, vector<1x1x16xf32>,
      %scan3A_200 = arith.constant 1 : i32
      %scan3A_201 = arith.addi %scan3A_129, %scan3A_200 : i32
      %broadcast_in_dim3A_202 = arith.constant 0.000000e+00 : f32
      %broadcast_in_dim3A_203 = vector.broadcast %broadcast_in_dim3A_202 : f32 to vector<16xf32>
      %swap3A_204 = arith.constant 0 : i32
      %swap3A_205 = arith.index_cast %swap3A_204 : i32 to index
      %swap3A_206 = arith.index_cast %scan3A_201 : i32 to index
      %swap3A_207 = arith.constant 0 : index
      %swap3A_208 = tpu.vector_load %arg9[%swap3A_205, %swap3A_206, %swap3A_207] {strides = array<i32>} : memref<2x128x128xf32, #tpu.memory_space<vmem>>, vector<1x1x16xf32>,
      %swap3A_209 = vector.shape_cast %swap3A_208 : vector<1x1x16xf32> to vector<16xf32>
      %swap3A_210 = vector.shape_cast %broadcast_in_dim3A_203 : vector<16xf32> to vector<1x1x16xf32>
      tpu.vector_store %arg9[%swap3A_205, %swap3A_206, %swap3A_207], %swap3A_210 {strides = array<i32>} : memref<2x128x128xf32, #tpu.memory_space<vmem>>, vector<1x1x16xf32>,
      %broadcast_in_dim3A_211 = arith.constant 0.000000e+00 : f32
      %broadcast_in_dim3A_212 = vector.broadcast %broadcast_in_dim3A_211 : f32 to vector<16xf32>
      %swap3A_213 = arith.constant 0 : i32
      %swap3A_214 = arith.index_cast %swap3A_213 : i32 to index
      %swap3A_215 = arith.index_cast %scan3A_201 : i32 to index
      %swap3A_216 = arith.constant 16 : index
      %swap3A_217 = tpu.vector_load %arg9[%swap3A_214, %swap3A_215, %swap3A_216] {strides = array<i32>} : memref<2x128x128xf32, #tpu.memory_space<vmem>>, vector<1x1x16xf32>,
      %swap3A_218 = vector.shape_cast %swap3A_217 : vector<1x1x16xf32> to vector<16xf32>
      %swap3A_219 = vector.shape_cast %broadcast_in_dim3A_212 : vector<16xf32> to vector<1x1x16xf32>
      tpu.vector_store %arg9[%swap3A_214, %swap3A_215, %swap3A_216], %swap3A_219 {strides = array<i32>} : memref<2x128x128xf32, #tpu.memory_space<vmem>>, vector<1x1x16xf32>,
      %broadcast_in_dim3A_220 = arith.constant 0.000000e+00 : f32
      %broadcast_in_dim3A_221 = vector.broadcast %broadcast_in_dim3A_220 : f32 to vector<16xf32>
      %swap3A_222 = arith.constant 0 : i32
      %swap3A_223 = arith.index_cast %swap3A_222 : i32 to index
      %swap3A_224 = arith.index_cast %scan3A_201 : i32 to index
      %swap3A_225 = arith.constant 32 : index
      %swap3A_226 = tpu.vector_load %arg9[%swap3A_223, %swap3A_224, %swap3A_225] {strides = array<i32>} : memref<2x128x128xf32, #tpu.memory_space<vmem>>, vector<1x1x16xf32>,
      %swap3A_227 = vector.shape_cast %swap3A_226 : vector<1x1x16xf32> to vector<16xf32>
      %swap3A_228 = vector.shape_cast %broadcast_in_dim3A_221 : vector<16xf32> to vector<1x1x16xf32>
      tpu.vector_store %arg9[%swap3A_223, %swap3A_224, %swap3A_225], %swap3A_228 {strides = array<i32>} : memref<2x128x128xf32, #tpu.memory_space<vmem>>, vector<1x1x16xf32>,
      %broadcast_in_dim3A_229 = arith.constant 0.000000e+00 : f32
      %broadcast_in_dim3A_230 = vector.broadcast %broadcast_in_dim3A_229 : f32 to vector<16xf32>
      %swap3A_231 = arith.constant 0 : i32
      %swap3A_232 = arith.index_cast %swap3A_231 : i32 to index
      %swap3A_233 = arith.index_cast %scan3A_201 : i32 to index
      %swap3A_234 = arith.constant 48 : index
      %swap3A_235 = tpu.vector_load %arg9[%swap3A_232, %swap3A_233, %swap3A_234] {strides = array<i32>} : memref<2x128x128xf32, #tpu.memory_space<vmem>>, vector<1x1x16xf32>,
      %swap3A_236 = vector.shape_cast %swap3A_235 : vector<1x1x16xf32> to vector<16xf32>
      %swap3A_237 = vector.shape_cast %broadcast_in_dim3A_230 : vector<16xf32> to vector<1x1x16xf32>
      tpu.vector_store %arg9[%swap3A_232, %swap3A_233, %swap3A_234], %swap3A_237 {strides = array<i32>} : memref<2x128x128xf32, #tpu.memory_space<vmem>>, vector<1x1x16xf32>,
      %broadcast_in_dim3A_238 = arith.constant 0.000000e+00 : f32
      %broadcast_in_dim3A_239 = vector.broadcast %broadcast_in_dim3A_238 : f32 to vector<16xf32>
      %swap3A_240 = arith.constant 0 : i32
      %swap3A_241 = arith.index_cast %swap3A_240 : i32 to index
      %swap3A_242 = arith.index_cast %scan3A_201 : i32 to index
      %swap3A_243 = arith.constant 64 : index
      %swap3A_244 = tpu.vector_load %arg9[%swap3A_241, %swap3A_242, %swap3A_243] {strides = array<i32>} : memref<2x128x128xf32, #tpu.memory_space<vmem>>, vector<1x1x16xf32>,
      %swap3A_245 = vector.shape_cast %swap3A_244 : vector<1x1x16xf32> to vector<16xf32>
      %swap3A_246 = vector.shape_cast %broadcast_in_dim3A_239 : vector<16xf32> to vector<1x1x16xf32>
      tpu.vector_store %arg9[%swap3A_241, %swap3A_242, %swap3A_243], %swap3A_246 {strides = array<i32>} : memref<2x128x128xf32, #tpu.memory_space<vmem>>, vector<1x1x16xf32>,
      %broadcast_in_dim3A_247 = arith.constant 0.000000e+00 : f32
      %broadcast_in_dim3A_248 = vector.broadcast %broadcast_in_dim3A_247 : f32 to vector<16xf32>
      %swap3A_249 = arith.constant 0 : i32
      %swap3A_250 = arith.index_cast %swap3A_249 : i32 to index
      %swap3A_251 = arith.index_cast %scan3A_201 : i32 to index
      %swap3A_252 = arith.constant 80 : index
      %swap3A_253 = tpu.vector_load %arg9[%swap3A_250, %swap3A_251, %swap3A_252] {strides = array<i32>} : memref<2x128x128xf32, #tpu.memory_space<vmem>>, vector<1x1x16xf32>,
      %swap3A_254 = vector.shape_cast %swap3A_253 : vector<1x1x16xf32> to vector<16xf32>
      %swap3A_255 = vector.shape_cast %broadcast_in_dim3A_248 : vector<16xf32> to vector<1x1x16xf32>
      tpu.vector_store %arg9[%swap3A_250, %swap3A_251, %swap3A_252], %swap3A_255 {strides = array<i32>} : memref<2x128x128xf32, #tpu.memory_space<vmem>>, vector<1x1x16xf32>,
      %broadcast_in_dim3A_256 = arith.constant 0.000000e+00 : f32
      %broadcast_in_dim3A_257 = vector.broadcast %broadcast_in_dim3A_256 : f32 to vector<16xf32>
      %swap3A_258 = arith.constant 0 : i32
      %swap3A_259 = arith.index_cast %swap3A_258 : i32 to index
      %swap3A_260 = arith.index_cast %scan3A_201 : i32 to index
      %swap3A_261 = arith.constant 96 : index
      %swap3A_262 = tpu.vector_load %arg9[%swap3A_259, %swap3A_260, %swap3A_261] {strides = array<i32>} : memref<2x128x128xf32, #tpu.memory_space<vmem>>, vector<1x1x16xf32>,
      %swap3A_263 = vector.shape_cast %swap3A_262 : vector<1x1x16xf32> to vector<16xf32>
      %swap3A_264 = vector.shape_cast %broadcast_in_dim3A_257 : vector<16xf32> to vector<1x1x16xf32>
      tpu.vector_store %arg9[%swap3A_259, %swap3A_260, %swap3A_261], %swap3A_264 {strides = array<i32>} : memref<2x128x128xf32, #tpu.memory_space<vmem>>, vector<1x1x16xf32>,
      %broadcast_in_dim3A_265 = arith.constant 0.000000e+00 : f32
      %broadcast_in_dim3A_266 = vector.broadcast %broadcast_in_dim3A_265 : f32 to vector<16xf32>
      %swap3A_267 = arith.constant 0 : i32
      %swap3A_268 = arith.index_cast %swap3A_267 : i32 to index
      %swap3A_269 = arith.index_cast %scan3A_201 : i32 to index
      %swap3A_270 = arith.constant 112 : index
      %swap3A_271 = tpu.vector_load %arg9[%swap3A_268, %swap3A_269, %swap3A_270] {strides = array<i32>} : memref<2x128x128xf32, #tpu.memory_space<vmem>>, vector<1x1x16xf32>,
      %swap3A_272 = vector.shape_cast %swap3A_271 : vector<1x1x16xf32> to vector<16xf32>
      %swap3A_273 = vector.shape_cast %broadcast_in_dim3A_266 : vector<16xf32> to vector<1x1x16xf32>
      tpu.vector_store %arg9[%swap3A_268, %swap3A_269, %swap3A_270], %swap3A_273 {strides = array<i32>} : memref<2x128x128xf32, #tpu.memory_space<vmem>>, vector<1x1x16xf32>,
      %scan3A_274 = arith.constant 2 : i32
      %scan3A_275 = arith.addi %scan3A_129, %scan3A_274 : i32
      %broadcast_in_dim3A_276 = arith.constant 0.000000e+00 : f32
      %broadcast_in_dim3A_277 = vector.broadcast %broadcast_in_dim3A_276 : f32 to vector<16xf32>
      %swap3A_278 = arith.constant 0 : i32
      %swap3A_279 = arith.index_cast %swap3A_278 : i32 to index
      %swap3A_280 = arith.index_cast %scan3A_275 : i32 to index
      %swap3A_281 = arith.constant 0 : index
      %swap3A_282 = tpu.vector_load %arg9[%swap3A_279, %swap3A_280, %swap3A_281] {strides = array<i32>} : memref<2x128x128xf32, #tpu.memory_space<vmem>>, vector<1x1x16xf32>,
      %swap3A_283 = vector.shape_cast %swap3A_282 : vector<1x1x16xf32> to vector<16xf32>
      %swap3A_284 = vector.shape_cast %broadcast_in_dim3A_277 : vector<16xf32> to vector<1x1x16xf32>
      tpu.vector_store %arg9[%swap3A_279, %swap3A_280, %swap3A_281], %swap3A_284 {strides = array<i32>} : memref<2x128x128xf32, #tpu.memory_space<vmem>>, vector<1x1x16xf32>,
      %broadcast_in_dim3A_285 = arith.constant 0.000000e+00 : f32
      %broadcast_in_dim3A_286 = vector.broadcast %broadcast_in_dim3A_285 : f32 to vector<16xf32>
      %swap3A_287 = arith.constant 0 : i32
      %swap3A_288 = arith.index_cast %swap3A_287 : i32 to index
      %swap3A_289 = arith.index_cast %scan3A_275 : i32 to index
      %swap3A_290 = arith.constant 16 : index
      %swap3A_291 = tpu.vector_load %arg9[%swap3A_288, %swap3A_289, %swap3A_290] {strides = array<i32>} : memref<2x128x128xf32, #tpu.memory_space<vmem>>, vector<1x1x16xf32>,
      %swap3A_292 = vector.shape_cast %swap3A_291 : vector<1x1x16xf32> to vector<16xf32>
      %swap3A_293 = vector.shape_cast %broadcast_in_dim3A_286 : vector<16xf32> to vector<1x1x16xf32>
      tpu.vector_store %arg9[%swap3A_288, %swap3A_289, %swap3A_290], %swap3A_293 {strides = array<i32>} : memref<2x128x128xf32, #tpu.memory_space<vmem>>, vector<1x1x16xf32>,
      %broadcast_in_dim3A_294 = arith.constant 0.000000e+00 : f32
      %broadcast_in_dim3A_295 = vector.broadcast %broadcast_in_dim3A_294 : f32 to vector<16xf32>
      %swap3A_296 = arith.constant 0 : i32
      %swap3A_297 = arith.index_cast %swap3A_296 : i32 to index
      %swap3A_298 = arith.index_cast %scan3A_275 : i32 to index
      %swap3A_299 = arith.constant 32 : index
      %swap3A_300 = tpu.vector_load %arg9[%swap3A_297, %swap3A_298, %swap3A_299] {strides = array<i32>} : memref<2x128x128xf32, #tpu.memory_space<vmem>>, vector<1x1x16xf32>,
      %swap3A_301 = vector.shape_cast %swap3A_300 : vector<1x1x16xf32> to vector<16xf32>
      %swap3A_302 = vector.shape_cast %broadcast_in_dim3A_295 : vector<16xf32> to vector<1x1x16xf32>
      tpu.vector_store %arg9[%swap3A_297, %swap3A_298, %swap3A_299], %swap3A_302 {strides = array<i32>} : memref<2x128x128xf32, #tpu.memory_space<vmem>>, vector<1x1x16xf32>,
      %broadcast_in_dim3A_303 = arith.constant 0.000000e+00 : f32
      %broadcast_in_dim3A_304 = vector.broadcast %broadcast_in_dim3A_303 : f32 to vector<16xf32>
      %swap3A_305 = arith.constant 0 : i32
      %swap3A_306 = arith.index_cast %swap3A_305 : i32 to index
      %swap3A_307 = arith.index_cast %scan3A_275 : i32 to index
      %swap3A_308 = arith.constant 48 : index
      %swap3A_309 = tpu.vector_load %arg9[%swap3A_306, %swap3A_307, %swap3A_308] {strides = array<i32>} : memref<2x128x128xf32, #tpu.memory_space<vmem>>, vector<1x1x16xf32>,
      %swap3A_310 = vector.shape_cast %swap3A_309 : vector<1x1x16xf32> to vector<16xf32>
      %swap3A_311 = vector.shape_cast %broadcast_in_dim3A_304 : vector<16xf32> to vector<1x1x16xf32>
      tpu.vector_store %arg9[%swap3A_306, %swap3A_307, %swap3A_308], %swap3A_311 {strides = array<i32>} : memref<2x128x128xf32, #tpu.memory_space<vmem>>, vector<1x1x16xf32>,
      %broadcast_in_dim3A_312 = arith.constant 0.000000e+00 : f32
      %broadcast_in_dim3A_313 = vector.broadcast %broadcast_in_dim3A_312 : f32 to vector<16xf32>
      %swap3A_314 = arith.constant 0 : i32
      %swap3A_315 = arith.index_cast %swap3A_314 : i32 to index
      %swap3A_316 = arith.index_cast %scan3A_275 : i32 to index
      %swap3A_317 = arith.constant 64 : index
      %swap3A_318 = tpu.vector_load %arg9[%swap3A_315, %swap3A_316, %swap3A_317] {strides = array<i32>} : memref<2x128x128xf32, #tpu.memory_space<vmem>>, vector<1x1x16xf32>,
      %swap3A_319 = vector.shape_cast %swap3A_318 : vector<1x1x16xf32> to vector<16xf32>
      %swap3A_320 = vector.shape_cast %broadcast_in_dim3A_313 : vector<16xf32> to vector<1x1x16xf32>
      tpu.vector_store %arg9[%swap3A_315, %swap3A_316, %swap3A_317], %swap3A_320 {strides = array<i32>} : memref<2x128x128xf32, #tpu.memory_space<vmem>>, vector<1x1x16xf32>,
      %broadcast_in_dim3A_321 = arith.constant 0.000000e+00 : f32
      %broadcast_in_dim3A_322 = vector.broadcast %broadcast_in_dim3A_321 : f32 to vector<16xf32>
      %swap3A_323 = arith.constant 0 : i32
      %swap3A_324 = arith.index_cast %swap3A_323 : i32 to index
      %swap3A_325 = arith.index_cast %scan3A_275 : i32 to index
      %swap3A_326 = arith.constant 80 : index
      %swap3A_327 = tpu.vector_load %arg9[%swap3A_324, %swap3A_325, %swap3A_326] {strides = array<i32>} : memref<2x128x128xf32, #tpu.memory_space<vmem>>, vector<1x1x16xf32>,
      %swap3A_328 = vector.shape_cast %swap3A_327 : vector<1x1x16xf32> to vector<16xf32>
      %swap3A_329 = vector.shape_cast %broadcast_in_dim3A_322 : vector<16xf32> to vector<1x1x16xf32>
      tpu.vector_store %arg9[%swap3A_324, %swap3A_325, %swap3A_326], %swap3A_329 {strides = array<i32>} : memref<2x128x128xf32, #tpu.memory_space<vmem>>, vector<1x1x16xf32>,
      %broadcast_in_dim3A_330 = arith.constant 0.000000e+00 : f32
      %broadcast_in_dim3A_331 = vector.broadcast %broadcast_in_dim3A_330 : f32 to vector<16xf32>
      %swap3A_332 = arith.constant 0 : i32
      %swap3A_333 = arith.index_cast %swap3A_332 : i32 to index
      %swap3A_334 = arith.index_cast %scan3A_275 : i32 to index
      %swap3A_335 = arith.constant 96 : index
      %swap3A_336 = tpu.vector_load %arg9[%swap3A_333, %swap3A_334, %swap3A_335] {strides = array<i32>} : memref<2x128x128xf32, #tpu.memory_space<vmem>>, vector<1x1x16xf32>,
      %swap3A_337 = vector.shape_cast %swap3A_336 : vector<1x1x16xf32> to vector<16xf32>
      %swap3A_338 = vector.shape_cast %broadcast_in_dim3A_331 : vector<16xf32> to vector<1x1x16xf32>
      tpu.vector_store %arg9[%swap3A_333, %swap3A_334, %swap3A_335], %swap3A_338 {strides = array<i32>} : memref<2x128x128xf32, #tpu.memory_space<vmem>>, vector<1x1x16xf32>,
      %broadcast_in_dim3A_339 = arith.constant 0.000000e+00 : f32
      %broadcast_in_dim3A_340 = vector.broadcast %broadcast_in_dim3A_339 : f32 to vector<16xf32>
      %swap3A_341 = arith.constant 0 : i32
      %swap3A_342 = arith.index_cast %swap3A_341 : i32 to index
      %swap3A_343 = arith.index_cast %scan3A_275 : i32 to index
      %swap3A_344 = arith.constant 112 : index
      %swap3A_345 = tpu.vector_load %arg9[%swap3A_342, %swap3A_343, %swap3A_344] {strides = array<i32>} : memref<2x128x128xf32, #tpu.memory_space<vmem>>, vector<1x1x16xf32>,
      %swap3A_346 = vector.shape_cast %swap3A_345 : vector<1x1x16xf32> to vector<16xf32>
      %swap3A_347 = vector.shape_cast %broadcast_in_dim3A_340 : vector<16xf32> to vector<1x1x16xf32>
      tpu.vector_store %arg9[%swap3A_342, %swap3A_343, %swap3A_344], %swap3A_347 {strides = array<i32>} : memref<2x128x128xf32, #tpu.memory_space<vmem>>, vector<1x1x16xf32>,
      %scan3A_348 = arith.constant 3 : i32
      %scan3A_349 = arith.addi %scan3A_129, %scan3A_348 : i32
      %broadcast_in_dim3A_350 = arith.constant 0.000000e+00 : f32
      %broadcast_in_dim3A_351 = vector.broadcast %broadcast_in_dim3A_350 : f32 to vector<16xf32>
      %swap3A_352 = arith.constant 0 : i32
      %swap3A_353 = arith.index_cast %swap3A_352 : i32 to index
      %swap3A_354 = arith.index_cast %scan3A_349 : i32 to index
      %swap3A_355 = arith.constant 0 : index
      %swap3A_356 = tpu.vector_load %arg9[%swap3A_353, %swap3A_354, %swap3A_355] {strides = array<i32>} : memref<2x128x128xf32, #tpu.memory_space<vmem>>, vector<1x1x16xf32>,
      %swap3A_357 = vector.shape_cast %swap3A_356 : vector<1x1x16xf32> to vector<16xf32>
      %swap3A_358 = vector.shape_cast %broadcast_in_dim3A_351 : vector<16xf32> to vector<1x1x16xf32>
      tpu.vector_store %arg9[%swap3A_353, %swap3A_354, %swap3A_355], %swap3A_358 {strides = array<i32>} : memref<2x128x128xf32, #tpu.memory_space<vmem>>, vector<1x1x16xf32>,
      %broadcast_in_dim3A_359 = arith.constant 0.000000e+00 : f32
      %broadcast_in_dim3A_360 = vector.broadcast %broadcast_in_dim3A_359 : f32 to vector<16xf32>
      %swap3A_361 = arith.constant 0 : i32
      %swap3A_362 = arith.index_cast %swap3A_361 : i32 to index
      %swap3A_363 = arith.index_cast %scan3A_349 : i32 to index
      %swap3A_364 = arith.constant 16 : index
      %swap3A_365 = tpu.vector_load %arg9[%swap3A_362, %swap3A_363, %swap3A_364] {strides = array<i32>} : memref<2x128x128xf32, #tpu.memory_space<vmem>>, vector<1x1x16xf32>,
      %swap3A_366 = vector.shape_cast %swap3A_365 : vector<1x1x16xf32> to vector<16xf32>
      %swap3A_367 = vector.shape_cast %broadcast_in_dim3A_360 : vector<16xf32> to vector<1x1x16xf32>
      tpu.vector_store %arg9[%swap3A_362, %swap3A_363, %swap3A_364], %swap3A_367 {strides = array<i32>} : memref<2x128x128xf32, #tpu.memory_space<vmem>>, vector<1x1x16xf32>,
      %broadcast_in_dim3A_368 = arith.constant 0.000000e+00 : f32
      %broadcast_in_dim3A_369 = vector.broadcast %broadcast_in_dim3A_368 : f32 to vector<16xf32>
      %swap3A_370 = arith.constant 0 : i32
      %swap3A_371 = arith.index_cast %swap3A_370 : i32 to index
      %swap3A_372 = arith.index_cast %scan3A_349 : i32 to index
      %swap3A_373 = arith.constant 32 : index
      %swap3A_374 = tpu.vector_load %arg9[%swap3A_371, %swap3A_372, %swap3A_373] {strides = array<i32>} : memref<2x128x128xf32, #tpu.memory_space<vmem>>, vector<1x1x16xf32>,
      %swap3A_375 = vector.shape_cast %swap3A_374 : vector<1x1x16xf32> to vector<16xf32>
      %swap3A_376 = vector.shape_cast %broadcast_in_dim3A_369 : vector<16xf32> to vector<1x1x16xf32>
      tpu.vector_store %arg9[%swap3A_371, %swap3A_372, %swap3A_373], %swap3A_376 {strides = array<i32>} : memref<2x128x128xf32, #tpu.memory_space<vmem>>, vector<1x1x16xf32>,
      %broadcast_in_dim3A_377 = arith.constant 0.000000e+00 : f32
      %broadcast_in_dim3A_378 = vector.broadcast %broadcast_in_dim3A_377 : f32 to vector<16xf32>
      %swap3A_379 = arith.constant 0 : i32
      %swap3A_380 = arith.index_cast %swap3A_379 : i32 to index
      %swap3A_381 = arith.index_cast %scan3A_349 : i32 to index
      %swap3A_382 = arith.constant 48 : index
      %swap3A_383 = tpu.vector_load %arg9[%swap3A_380, %swap3A_381, %swap3A_382] {strides = array<i32>} : memref<2x128x128xf32, #tpu.memory_space<vmem>>, vector<1x1x16xf32>,
      %swap3A_384 = vector.shape_cast %swap3A_383 : vector<1x1x16xf32> to vector<16xf32>
      %swap3A_385 = vector.shape_cast %broadcast_in_dim3A_378 : vector<16xf32> to vector<1x1x16xf32>
      tpu.vector_store %arg9[%swap3A_380, %swap3A_381, %swap3A_382], %swap3A_385 {strides = array<i32>} : memref<2x128x128xf32, #tpu.memory_space<vmem>>, vector<1x1x16xf32>,
      %broadcast_in_dim3A_386 = arith.constant 0.000000e+00 : f32
      %broadcast_in_dim3A_387 = vector.broadcast %broadcast_in_dim3A_386 : f32 to vector<16xf32>
      %swap3A_388 = arith.constant 0 : i32
      %swap3A_389 = arith.index_cast %swap3A_388 : i32 to index
      %swap3A_390 = arith.index_cast %scan3A_349 : i32 to index
      %swap3A_391 = arith.constant 64 : index
      %swap3A_392 = tpu.vector_load %arg9[%swap3A_389, %swap3A_390, %swap3A_391] {strides = array<i32>} : memref<2x128x128xf32, #tpu.memory_space<vmem>>, vector<1x1x16xf32>,
      %swap3A_393 = vector.shape_cast %swap3A_392 : vector<1x1x16xf32> to vector<16xf32>
      %swap3A_394 = vector.shape_cast %broadcast_in_dim3A_387 : vector<16xf32> to vector<1x1x16xf32>
      tpu.vector_store %arg9[%swap3A_389, %swap3A_390, %swap3A_391], %swap3A_394 {strides = array<i32>} : memref<2x128x128xf32, #tpu.memory_space<vmem>>, vector<1x1x16xf32>,
      %broadcast_in_dim3A_395 = arith.constant 0.000000e+00 : f32
      %broadcast_in_dim3A_396 = vector.broadcast %broadcast_in_dim3A_395 : f32 to vector<16xf32>
      %swap3A_397 = arith.constant 0 : i32
      %swap3A_398 = arith.index_cast %swap3A_397 : i32 to index
      %swap3A_399 = arith.index_cast %scan3A_349 : i32 to index
      %swap3A_400 = arith.constant 80 : index
      %swap3A_401 = tpu.vector_load %arg9[%swap3A_398, %swap3A_399, %swap3A_400] {strides = array<i32>} : memref<2x128x128xf32, #tpu.memory_space<vmem>>, vector<1x1x16xf32>,
      %swap3A_402 = vector.shape_cast %swap3A_401 : vector<1x1x16xf32> to vector<16xf32>
      %swap3A_403 = vector.shape_cast %broadcast_in_dim3A_396 : vector<16xf32> to vector<1x1x16xf32>
      tpu.vector_store %arg9[%swap3A_398, %swap3A_399, %swap3A_400], %swap3A_403 {strides = array<i32>} : memref<2x128x128xf32, #tpu.memory_space<vmem>>, vector<1x1x16xf32>,
      %broadcast_in_dim3A_404 = arith.constant 0.000000e+00 : f32
      %broadcast_in_dim3A_405 = vector.broadcast %broadcast_in_dim3A_404 : f32 to vector<16xf32>
      %swap3A_406 = arith.constant 0 : i32
      %swap3A_407 = arith.index_cast %swap3A_406 : i32 to index
      %swap3A_408 = arith.index_cast %scan3A_349 : i32 to index
      %swap3A_409 = arith.constant 96 : index
      %swap3A_410 = tpu.vector_load %arg9[%swap3A_407, %swap3A_408, %swap3A_409] {strides = array<i32>} : memref<2x128x128xf32, #tpu.memory_space<vmem>>, vector<1x1x16xf32>,
      %swap3A_411 = vector.shape_cast %swap3A_410 : vector<1x1x16xf32> to vector<16xf32>
      %swap3A_412 = vector.shape_cast %broadcast_in_dim3A_405 : vector<16xf32> to vector<1x1x16xf32>
      tpu.vector_store %arg9[%swap3A_407, %swap3A_408, %swap3A_409], %swap3A_412 {strides = array<i32>} : memref<2x128x128xf32, #tpu.memory_space<vmem>>, vector<1x1x16xf32>,
      %broadcast_in_dim3A_413 = arith.constant 0.000000e+00 : f32
      %broadcast_in_dim3A_414 = vector.broadcast %broadcast_in_dim3A_413 : f32 to vector<16xf32>
      %swap3A_415 = arith.constant 0 : i32
      %swap3A_416 = arith.index_cast %swap3A_415 : i32 to index
      %swap3A_417 = arith.index_cast %scan3A_349 : i32 to index
      %swap3A_418 = arith.constant 112 : index
      %swap3A_419 = tpu.vector_load %arg9[%swap3A_416, %swap3A_417, %swap3A_418] {strides = array<i32>} : memref<2x128x128xf32, #tpu.memory_space<vmem>>, vector<1x1x16xf32>,
      %swap3A_420 = vector.shape_cast %swap3A_419 : vector<1x1x16xf32> to vector<16xf32>
      %swap3A_421 = vector.shape_cast %broadcast_in_dim3A_414 : vector<16xf32> to vector<1x1x16xf32>
      tpu.vector_store %arg9[%swap3A_416, %swap3A_417, %swap3A_418], %swap3A_421 {strides = array<i32>} : memref<2x128x128xf32, #tpu.memory_space<vmem>>, vector<1x1x16xf32>,
    }
    %scan3A_5 = arith.constant 128 : i32
    %mul3A_6 = arith.constant 640 : i32
    %mul3A_7 = arith.muli %arg1, %mul3A_6 : i32
    %add3A_8 = arith.constant 0 : i32
    %add3A_9 = arith.addi %mul3A_7, %add3A_8 : i32
    %run_scoped3A = arith.constant 0 : i32
    "tpu.region"() ({
      %run_scoped3A_129 = tpu.sem_alloc : memref<!tpu.dma_semaphore, #tpu.memory_space<semaphore_mem>>
      %dma_start3A_130 = arith.constant 0 : i32
      %dma_start3A_131 = arith.constant 0 : i32
      %dma_start3A_132 = tpu.memref_slice %arg9[%run_scoped3A, %dma_start3A_130, %dma_start3A_131] : memref<2x128x128xf32, #tpu.memory_space<vmem>> -> memref<1x128x128xf32, #tpu.memory_space<vmem>>
      %dma_start3A_133 = tpu.memref_squeeze %dma_start3A_132 : memref<1x128x128xf32, #tpu.memory_space<vmem>> -> memref<128x128xf32, #tpu.memory_space<vmem>>
      %dma_start3A_134 = arith.constant 0 : i32
      %dma_start3A_135 = tpu.memref_slice %arg10[%add3A_9, %dma_start3A_134] : memref<10240x128xf32, #tpu.memory_space<vmem_shared>> -> memref<128x128xf32, #tpu.memory_space<vmem_shared>>
      %dma_start3A_136 = arith.constant 0 : i32
      %dma_start3A_137 = tpu.memref_slice %arg10[%add3A_9, %dma_start3A_136] : memref<10240x128xf32, #tpu.memory_space<vmem_shared>> -> memref<128x128xf32, #tpu.memory_space<vmem_shared>>
      %dma_start3A_138 = arith.constant 0 : i32
      %dma_start3A_139 = arith.constant 0 : i32
      %dma_start3A_140 = tpu.memref_slice %arg9[%run_scoped3A, %dma_start3A_138, %dma_start3A_139] : memref<2x128x128xf32, #tpu.memory_space<vmem>> -> memref<1x128x128xf32, #tpu.memory_space<vmem>>
      %dma_start3A_141 = tpu.memref_squeeze %dma_start3A_140 : memref<1x128x128xf32, #tpu.memory_space<vmem>> -> memref<128x128xf32, #tpu.memory_space<vmem>>
      tpu.enqueue_dma source(%dma_start3A_141 : memref<128x128xf32, #tpu.memory_space<vmem>>) target(%dma_start3A_137 : memref<128x128xf32, #tpu.memory_space<vmem_shared>>) target_semaphore(%run_scoped3A_129 : memref<!tpu.dma_semaphore, #tpu.memory_space<semaphore_mem>>)
      %dma_wait3A_142 = arith.constant 0 : i32
      %dma_wait3A_143 = arith.constant 0 : i32
      %dma_wait3A_144 = tpu.memref_slice %arg9[%run_scoped3A, %dma_wait3A_142, %dma_wait3A_143] : memref<2x128x128xf32, #tpu.memory_space<vmem>> -> memref<1x128x128xf32, #tpu.memory_space<vmem>>
      %dma_wait3A_145 = tpu.memref_squeeze %dma_wait3A_144 : memref<1x128x128xf32, #tpu.memory_space<vmem>> -> memref<128x128xf32, #tpu.memory_space<vmem>>
      %dma_wait3A_146 = arith.constant 0 : i32
      %dma_wait3A_147 = tpu.memref_slice %arg10[%add3A_9, %dma_wait3A_146] : memref<10240x128xf32, #tpu.memory_space<vmem_shared>> -> memref<128x128xf32, #tpu.memory_space<vmem_shared>>
      %dma_wait3A_148 = arith.constant 0 : i32
      %dma_wait3A_149 = tpu.memref_slice %arg10[%add3A_9, %dma_wait3A_148] : memref<10240x128xf32, #tpu.memory_space<vmem_shared>> -> memref<128x128xf32, #tpu.memory_space<vmem_shared>>
      %dma_wait3A_150 = arith.constant 0 : i32
      %dma_wait3A_151 = arith.constant 0 : i32
      %dma_wait3A_152 = tpu.memref_slice %arg9[%run_scoped3A, %dma_wait3A_150, %dma_wait3A_151] : memref<2x128x128xf32, #tpu.memory_space<vmem>> -> memref<1x128x128xf32, #tpu.memory_space<vmem>>
      %dma_wait3A_153 = tpu.memref_squeeze %dma_wait3A_152 : memref<1x128x128xf32, #tpu.memory_space<vmem>> -> memref<128x128xf32, #tpu.memory_space<vmem>>
      tpu.wait_dma2 semaphore(%run_scoped3A_129 : memref<!tpu.dma_semaphore, #tpu.memory_space<semaphore_mem>>) src(%dma_wait3A_153 : memref<128x128xf32, #tpu.memory_space<vmem>>) dst(%dma_wait3A_149 : memref<128x128xf32, #tpu.memory_space<vmem_shared>>)
      tpu.yield
    }) : () -> ()
    %add3A_10 = arith.constant 128 : i32
    %add3A_11 = arith.addi %mul3A_7, %add3A_10 : i32
    %run_scoped3A_12 = arith.constant 0 : i32
    "tpu.region"() ({
      %run_scoped3A_129 = tpu.sem_alloc : memref<!tpu.dma_semaphore, #tpu.memory_space<semaphore_mem>>
      %dma_start3A_130 = arith.constant 0 : i32
      %dma_start3A_131 = arith.constant 0 : i32
      %dma_start3A_132 = tpu.memref_slice %arg9[%run_scoped3A_12, %dma_start3A_130, %dma_start3A_131] : memref<2x128x128xf32, #tpu.memory_space<vmem>> -> memref<1x128x128xf32, #tpu.memory_space<vmem>>
      %dma_start3A_133 = tpu.memref_squeeze %dma_start3A_132 : memref<1x128x128xf32, #tpu.memory_space<vmem>> -> memref<128x128xf32, #tpu.memory_space<vmem>>
      %dma_start3A_134 = arith.constant 0 : i32
      %dma_start3A_135 = tpu.memref_slice %arg10[%add3A_11, %dma_start3A_134] : memref<10240x128xf32, #tpu.memory_space<vmem_shared>> -> memref<128x128xf32, #tpu.memory_space<vmem_shared>>
      %dma_start3A_136 = arith.constant 0 : i32
      %dma_start3A_137 = tpu.memref_slice %arg10[%add3A_11, %dma_start3A_136] : memref<10240x128xf32, #tpu.memory_space<vmem_shared>> -> memref<128x128xf32, #tpu.memory_space<vmem_shared>>
      %dma_start3A_138 = arith.constant 0 : i32
      %dma_start3A_139 = arith.constant 0 : i32
      %dma_start3A_140 = tpu.memref_slice %arg9[%run_scoped3A_12, %dma_start3A_138, %dma_start3A_139] : memref<2x128x128xf32, #tpu.memory_space<vmem>> -> memref<1x128x128xf32, #tpu.memory_space<vmem>>
      %dma_start3A_141 = tpu.memref_squeeze %dma_start3A_140 : memref<1x128x128xf32, #tpu.memory_space<vmem>> -> memref<128x128xf32, #tpu.memory_space<vmem>>
      tpu.enqueue_dma source(%dma_start3A_141 : memref<128x128xf32, #tpu.memory_space<vmem>>) target(%dma_start3A_137 : memref<128x128xf32, #tpu.memory_space<vmem_shared>>) target_semaphore(%run_scoped3A_129 : memref<!tpu.dma_semaphore, #tpu.memory_space<semaphore_mem>>)
      %dma_wait3A_142 = arith.constant 0 : i32
      %dma_wait3A_143 = arith.constant 0 : i32
      %dma_wait3A_144 = tpu.memref_slice %arg9[%run_scoped3A_12, %dma_wait3A_142, %dma_wait3A_143] : memref<2x128x128xf32, #tpu.memory_space<vmem>> -> memref<1x128x128xf32, #tpu.memory_space<vmem>>
      %dma_wait3A_145 = tpu.memref_squeeze %dma_wait3A_144 : memref<1x128x128xf32, #tpu.memory_space<vmem>> -> memref<128x128xf32, #tpu.memory_space<vmem>>
      %dma_wait3A_146 = arith.constant 0 : i32
      %dma_wait3A_147 = tpu.memref_slice %arg10[%add3A_11, %dma_wait3A_146] : memref<10240x128xf32, #tpu.memory_space<vmem_shared>> -> memref<128x128xf32, #tpu.memory_space<vmem_shared>>
      %dma_wait3A_148 = arith.constant 0 : i32
      %dma_wait3A_149 = tpu.memref_slice %arg10[%add3A_11, %dma_wait3A_148] : memref<10240x128xf32, #tpu.memory_space<vmem_shared>> -> memref<128x128xf32, #tpu.memory_space<vmem_shared>>
      %dma_wait3A_150 = arith.constant 0 : i32
      %dma_wait3A_151 = arith.constant 0 : i32
      %dma_wait3A_152 = tpu.memref_slice %arg9[%run_scoped3A_12, %dma_wait3A_150, %dma_wait3A_151] : memref<2x128x128xf32, #tpu.memory_space<vmem>> -> memref<1x128x128xf32, #tpu.memory_space<vmem>>
      %dma_wait3A_153 = tpu.memref_squeeze %dma_wait3A_152 : memref<1x128x128xf32, #tpu.memory_space<vmem>> -> memref<128x128xf32, #tpu.memory_space<vmem>>
      tpu.wait_dma2 semaphore(%run_scoped3A_129 : memref<!tpu.dma_semaphore, #tpu.memory_space<semaphore_mem>>) src(%dma_wait3A_153 : memref<128x128xf32, #tpu.memory_space<vmem>>) dst(%dma_wait3A_149 : memref<128x128xf32, #tpu.memory_space<vmem_shared>>)
      tpu.yield
    }) : () -> ()
    %add3A_13 = arith.constant 256 : i32
    %add3A_14 = arith.addi %mul3A_7, %add3A_13 : i32
    %run_scoped3A_15 = arith.constant 0 : i32
    "tpu.region"() ({
      %run_scoped3A_129 = tpu.sem_alloc : memref<!tpu.dma_semaphore, #tpu.memory_space<semaphore_mem>>
      %dma_start3A_130 = arith.constant 0 : i32
      %dma_start3A_131 = arith.constant 0 : i32
      %dma_start3A_132 = tpu.memref_slice %arg9[%run_scoped3A_15, %dma_start3A_130, %dma_start3A_131] : memref<2x128x128xf32, #tpu.memory_space<vmem>> -> memref<1x128x128xf32, #tpu.memory_space<vmem>>
      %dma_start3A_133 = tpu.memref_squeeze %dma_start3A_132 : memref<1x128x128xf32, #tpu.memory_space<vmem>> -> memref<128x128xf32, #tpu.memory_space<vmem>>
      %dma_start3A_134 = arith.constant 0 : i32
      %dma_start3A_135 = tpu.memref_slice %arg10[%add3A_14, %dma_start3A_134] : memref<10240x128xf32, #tpu.memory_space<vmem_shared>> -> memref<128x128xf32, #tpu.memory_space<vmem_shared>>
      %dma_start3A_136 = arith.constant 0 : i32
      %dma_start3A_137 = tpu.memref_slice %arg10[%add3A_14, %dma_start3A_136] : memref<10240x128xf32, #tpu.memory_space<vmem_shared>> -> memref<128x128xf32, #tpu.memory_space<vmem_shared>>
      %dma_start3A_138 = arith.constant 0 : i32
      %dma_start3A_139 = arith.constant 0 : i32
      %dma_start3A_140 = tpu.memref_slice %arg9[%run_scoped3A_15, %dma_start3A_138, %dma_start3A_139] : memref<2x128x128xf32, #tpu.memory_space<vmem>> -> memref<1x128x128xf32, #tpu.memory_space<vmem>>
      %dma_start3A_141 = tpu.memref_squeeze %dma_start3A_140 : memref<1x128x128xf32, #tpu.memory_space<vmem>> -> memref<128x128xf32, #tpu.memory_space<vmem>>
      tpu.enqueue_dma source(%dma_start3A_141 : memref<128x128xf32, #tpu.memory_space<vmem>>) target(%dma_start3A_137 : memref<128x128xf32, #tpu.memory_space<vmem_shared>>) target_semaphore(%run_scoped3A_129 : memref<!tpu.dma_semaphore, #tpu.memory_space<semaphore_mem>>)
      %dma_wait3A_142 = arith.constant 0 : i32
      %dma_wait3A_143 = arith.constant 0 : i32
      %dma_wait3A_144 = tpu.memref_slice %arg9[%run_scoped3A_15, %dma_wait3A_142, %dma_wait3A_143] : memref<2x128x128xf32, #tpu.memory_space<vmem>> -> memref<1x128x128xf32, #tpu.memory_space<vmem>>
      %dma_wait3A_145 = tpu.memref_squeeze %dma_wait3A_144 : memref<1x128x128xf32, #tpu.memory_space<vmem>> -> memref<128x128xf32, #tpu.memory_space<vmem>>
      %dma_wait3A_146 = arith.constant 0 : i32
      %dma_wait3A_147 = tpu.memref_slice %arg10[%add3A_14, %dma_wait3A_146] : memref<10240x128xf32, #tpu.memory_space<vmem_shared>> -> memref<128x128xf32, #tpu.memory_space<vmem_shared>>
      %dma_wait3A_148 = arith.constant 0 : i32
      %dma_wait3A_149 = tpu.memref_slice %arg10[%add3A_14, %dma_wait3A_148] : memref<10240x128xf32, #tpu.memory_space<vmem_shared>> -> memref<128x128xf32, #tpu.memory_space<vmem_shared>>
      %dma_wait3A_150 = arith.constant 0 : i32
      %dma_wait3A_151 = arith.constant 0 : i32
      %dma_wait3A_152 = tpu.memref_slice %arg9[%run_scoped3A_15, %dma_wait3A_150, %dma_wait3A_151] : memref<2x128x128xf32, #tpu.memory_space<vmem>> -> memref<1x128x128xf32, #tpu.memory_space<vmem>>
      %dma_wait3A_153 = tpu.memref_squeeze %dma_wait3A_152 : memref<1x128x128xf32, #tpu.memory_space<vmem>> -> memref<128x128xf32, #tpu.memory_space<vmem>>
      tpu.wait_dma2 semaphore(%run_scoped3A_129 : memref<!tpu.dma_semaphore, #tpu.memory_space<semaphore_mem>>) src(%dma_wait3A_153 : memref<128x128xf32, #tpu.memory_space<vmem>>) dst(%dma_wait3A_149 : memref<128x128xf32, #tpu.memory_space<vmem_shared>>)
      tpu.yield
    }) : () -> ()
    %add3A_16 = arith.constant 384 : i32
    %add3A_17 = arith.addi %mul3A_7, %add3A_16 : i32
    %run_scoped3A_18 = arith.constant 0 : i32
    "tpu.region"() ({
      %run_scoped3A_129 = tpu.sem_alloc : memref<!tpu.dma_semaphore, #tpu.memory_space<semaphore_mem>>
      %dma_start3A_130 = arith.constant 0 : i32
      %dma_start3A_131 = arith.constant 0 : i32
      %dma_start3A_132 = tpu.memref_slice %arg9[%run_scoped3A_18, %dma_start3A_130, %dma_start3A_131] : memref<2x128x128xf32, #tpu.memory_space<vmem>> -> memref<1x128x128xf32, #tpu.memory_space<vmem>>
      %dma_start3A_133 = tpu.memref_squeeze %dma_start3A_132 : memref<1x128x128xf32, #tpu.memory_space<vmem>> -> memref<128x128xf32, #tpu.memory_space<vmem>>
      %dma_start3A_134 = arith.constant 0 : i32
      %dma_start3A_135 = tpu.memref_slice %arg10[%add3A_17, %dma_start3A_134] : memref<10240x128xf32, #tpu.memory_space<vmem_shared>> -> memref<128x128xf32, #tpu.memory_space<vmem_shared>>
      %dma_start3A_136 = arith.constant 0 : i32
      %dma_start3A_137 = tpu.memref_slice %arg10[%add3A_17, %dma_start3A_136] : memref<10240x128xf32, #tpu.memory_space<vmem_shared>> -> memref<128x128xf32, #tpu.memory_space<vmem_shared>>
      %dma_start3A_138 = arith.constant 0 : i32
      %dma_start3A_139 = arith.constant 0 : i32
      %dma_start3A_140 = tpu.memref_slice %arg9[%run_scoped3A_18, %dma_start3A_138, %dma_start3A_139] : memref<2x128x128xf32, #tpu.memory_space<vmem>> -> memref<1x128x128xf32, #tpu.memory_space<vmem>>
      %dma_start3A_141 = tpu.memref_squeeze %dma_start3A_140 : memref<1x128x128xf32, #tpu.memory_space<vmem>> -> memref<128x128xf32, #tpu.memory_space<vmem>>
      tpu.enqueue_dma source(%dma_start3A_141 : memref<128x128xf32, #tpu.memory_space<vmem>>) target(%dma_start3A_137 : memref<128x128xf32, #tpu.memory_space<vmem_shared>>) target_semaphore(%run_scoped3A_129 : memref<!tpu.dma_semaphore, #tpu.memory_space<semaphore_mem>>)
      %dma_wait3A_142 = arith.constant 0 : i32
      %dma_wait3A_143 = arith.constant 0 : i32
      %dma_wait3A_144 = tpu.memref_slice %arg9[%run_scoped3A_18, %dma_wait3A_142, %dma_wait3A_143] : memref<2x128x128xf32, #tpu.memory_space<vmem>> -> memref<1x128x128xf32, #tpu.memory_space<vmem>>
      %dma_wait3A_145 = tpu.memref_squeeze %dma_wait3A_144 : memref<1x128x128xf32, #tpu.memory_space<vmem>> -> memref<128x128xf32, #tpu.memory_space<vmem>>
      %dma_wait3A_146 = arith.constant 0 : i32
      %dma_wait3A_147 = tpu.memref_slice %arg10[%add3A_17, %dma_wait3A_146] : memref<10240x128xf32, #tpu.memory_space<vmem_shared>> -> memref<128x128xf32, #tpu.memory_space<vmem_shared>>
      %dma_wait3A_148 = arith.constant 0 : i32
      %dma_wait3A_149 = tpu.memref_slice %arg10[%add3A_17, %dma_wait3A_148] : memref<10240x128xf32, #tpu.memory_space<vmem_shared>> -> memref<128x128xf32, #tpu.memory_space<vmem_shared>>
      %dma_wait3A_150 = arith.constant 0 : i32
      %dma_wait3A_151 = arith.constant 0 : i32
      %dma_wait3A_152 = tpu.memref_slice %arg9[%run_scoped3A_18, %dma_wait3A_150, %dma_wait3A_151] : memref<2x128x128xf32, #tpu.memory_space<vmem>> -> memref<1x128x128xf32, #tpu.memory_space<vmem>>
      %dma_wait3A_153 = tpu.memref_squeeze %dma_wait3A_152 : memref<1x128x128xf32, #tpu.memory_space<vmem>> -> memref<128x128xf32, #tpu.memory_space<vmem>>
      tpu.wait_dma2 semaphore(%run_scoped3A_129 : memref<!tpu.dma_semaphore, #tpu.memory_space<semaphore_mem>>) src(%dma_wait3A_153 : memref<128x128xf32, #tpu.memory_space<vmem>>) dst(%dma_wait3A_149 : memref<128x128xf32, #tpu.memory_space<vmem_shared>>)
      tpu.yield
    }) : () -> ()
    %add3A_19 = arith.constant 512 : i32
    %add3A_20 = arith.addi %mul3A_7, %add3A_19 : i32
    %run_scoped3A_21 = arith.constant 0 : i32
    "tpu.region"() ({
      %run_scoped3A_129 = tpu.sem_alloc : memref<!tpu.dma_semaphore, #tpu.memory_space<semaphore_mem>>
      %dma_start3A_130 = arith.constant 0 : i32
      %dma_start3A_131 = arith.constant 0 : i32
      %dma_start3A_132 = tpu.memref_slice %arg9[%run_scoped3A_21, %dma_start3A_130, %dma_start3A_131] : memref<2x128x128xf32, #tpu.memory_space<vmem>> -> memref<1x128x128xf32, #tpu.memory_space<vmem>>
      %dma_start3A_133 = tpu.memref_squeeze %dma_start3A_132 : memref<1x128x128xf32, #tpu.memory_space<vmem>> -> memref<128x128xf32, #tpu.memory_space<vmem>>
      %dma_start3A_134 = arith.constant 0 : i32
      %dma_start3A_135 = tpu.memref_slice %arg10[%add3A_20, %dma_start3A_134] : memref<10240x128xf32, #tpu.memory_space<vmem_shared>> -> memref<128x128xf32, #tpu.memory_space<vmem_shared>>
      %dma_start3A_136 = arith.constant 0 : i32
      %dma_start3A_137 = tpu.memref_slice %arg10[%add3A_20, %dma_start3A_136] : memref<10240x128xf32, #tpu.memory_space<vmem_shared>> -> memref<128x128xf32, #tpu.memory_space<vmem_shared>>
      %dma_start3A_138 = arith.constant 0 : i32
      %dma_start3A_139 = arith.constant 0 : i32
      %dma_start3A_140 = tpu.memref_slice %arg9[%run_scoped3A_21, %dma_start3A_138, %dma_start3A_139] : memref<2x128x128xf32, #tpu.memory_space<vmem>> -> memref<1x128x128xf32, #tpu.memory_space<vmem>>
      %dma_start3A_141 = tpu.memref_squeeze %dma_start3A_140 : memref<1x128x128xf32, #tpu.memory_space<vmem>> -> memref<128x128xf32, #tpu.memory_space<vmem>>
      tpu.enqueue_dma source(%dma_start3A_141 : memref<128x128xf32, #tpu.memory_space<vmem>>) target(%dma_start3A_137 : memref<128x128xf32, #tpu.memory_space<vmem_shared>>) target_semaphore(%run_scoped3A_129 : memref<!tpu.dma_semaphore, #tpu.memory_space<semaphore_mem>>)
      %dma_wait3A_142 = arith.constant 0 : i32
      %dma_wait3A_143 = arith.constant 0 : i32
      %dma_wait3A_144 = tpu.memref_slice %arg9[%run_scoped3A_21, %dma_wait3A_142, %dma_wait3A_143] : memref<2x128x128xf32, #tpu.memory_space<vmem>> -> memref<1x128x128xf32, #tpu.memory_space<vmem>>
      %dma_wait3A_145 = tpu.memref_squeeze %dma_wait3A_144 : memref<1x128x128xf32, #tpu.memory_space<vmem>> -> memref<128x128xf32, #tpu.memory_space<vmem>>
      %dma_wait3A_146 = arith.constant 0 : i32
      %dma_wait3A_147 = tpu.memref_slice %arg10[%add3A_20, %dma_wait3A_146] : memref<10240x128xf32, #tpu.memory_space<vmem_shared>> -> memref<128x128xf32, #tpu.memory_space<vmem_shared>>
      %dma_wait3A_148 = arith.constant 0 : i32
      %dma_wait3A_149 = tpu.memref_slice %arg10[%add3A_20, %dma_wait3A_148] : memref<10240x128xf32, #tpu.memory_space<vmem_shared>> -> memref<128x128xf32, #tpu.memory_space<vmem_shared>>
      %dma_wait3A_150 = arith.constant 0 : i32
      %dma_wait3A_151 = arith.constant 0 : i32
      %dma_wait3A_152 = tpu.memref_slice %arg9[%run_scoped3A_21, %dma_wait3A_150, %dma_wait3A_151] : memref<2x128x128xf32, #tpu.memory_space<vmem>> -> memref<1x128x128xf32, #tpu.memory_space<vmem>>
      %dma_wait3A_153 = tpu.memref_squeeze %dma_wait3A_152 : memref<1x128x128xf32, #tpu.memory_space<vmem>> -> memref<128x128xf32, #tpu.memory_space<vmem>>
      tpu.wait_dma2 semaphore(%run_scoped3A_129 : memref<!tpu.dma_semaphore, #tpu.memory_space<semaphore_mem>>) src(%dma_wait3A_153 : memref<128x128xf32, #tpu.memory_space<vmem>>) dst(%dma_wait3A_149 : memref<128x128xf32, #tpu.memory_space<vmem_shared>>)
      tpu.yield
    }) : () -> ()
    %barrier3A = arith.constant 0 : index
    tpu.barrier barrier_id(%barrier3A)
    %mul3A_22 = arith.constant 80 : i32
    %mul3A_23 = arith.muli %add3A, %mul3A_22 : i32
    %add3A_24 = arith.constant 0 : i32
    %add3A_25 = arith.addi %mul3A_23, %add3A_24 : i32
    %lt3A = arith.constant 31 : i32
    %lt3A_26 = arith.cmpi slt, %add3A, %lt3A : i32
    %convert_element_type3A = arith.extui %lt3A_26 : i1 to i32
    %cond3A = arith.constant 0 : i32
    %cond3A_27 = arith.cmpi ne, %convert_element_type3A, %cond3A : i32
    scf.if %cond3A_27 {
      "tpu.region"() ({
        %run_scoped3A_129 = tpu.sem_alloc : memref<!tpu.dma_semaphore, #tpu.memory_space<semaphore_mem>>
        %dma_start3A_130 = arith.constant 0 : i32
        %dma_start3A_131 = tpu.memref_slice %arg3[%add3A_25, %dma_start3A_130] : memref<2500x128xi32, #tpu.memory_space<hbm>> -> memref<40x128xi32, #tpu.memory_space<hbm>>
        %dma_start3A_132 = arith.constant 0 : i32
        %dma_start3A_133 = tpu.memref_slice %arg3[%add3A_25, %dma_start3A_132] : memref<2500x128xi32, #tpu.memory_space<hbm>> -> memref<40x128xi32, #tpu.memory_space<hbm>>
        tpu.enqueue_dma source(%dma_start3A_133 : memref<40x128xi32, #tpu.memory_space<hbm>>) target(%arg7 : memref<40x128xi32, #tpu.memory_space<vmem>>) target_semaphore(%run_scoped3A_129 : memref<!tpu.dma_semaphore, #tpu.memory_space<semaphore_mem>>)
        %dma_wait3A_134 = arith.constant 0 : i32
        %dma_wait3A_135 = tpu.memref_slice %arg3[%add3A_25, %dma_wait3A_134] : memref<2500x128xi32, #tpu.memory_space<hbm>> -> memref<40x128xi32, #tpu.memory_space<hbm>>
        %dma_wait3A_136 = arith.constant 0 : i32
        %dma_wait3A_137 = tpu.memref_slice %arg3[%add3A_25, %dma_wait3A_136] : memref<2500x128xi32, #tpu.memory_space<hbm>> -> memref<40x128xi32, #tpu.memory_space<hbm>>
        tpu.wait_dma2 semaphore(%run_scoped3A_129 : memref<!tpu.dma_semaphore, #tpu.memory_space<semaphore_mem>>) src(%dma_wait3A_137 : memref<40x128xi32, #tpu.memory_space<hbm>>) dst(%arg7 : memref<40x128xi32, #tpu.memory_space<vmem>>)
        tpu.yield
      }) : () -> ()
      "tpu.region"() ({
        %run_scoped3A_129 = tpu.sem_alloc : memref<!tpu.dma_semaphore, #tpu.memory_space<semaphore_mem>>
        %dma_start3A_130 = arith.constant 0 : i32
        %dma_start3A_131 = tpu.memref_slice %arg4[%add3A_25, %dma_start3A_130] : memref<2500x128xi32, #tpu.memory_space<hbm>> -> memref<40x128xi32, #tpu.memory_space<hbm>>
        %dma_start3A_132 = arith.constant 0 : i32
        %dma_start3A_133 = tpu.memref_slice %arg4[%add3A_25, %dma_start3A_132] : memref<2500x128xi32, #tpu.memory_space<hbm>> -> memref<40x128xi32, #tpu.memory_space<hbm>>
        tpu.enqueue_dma source(%dma_start3A_133 : memref<40x128xi32, #tpu.memory_space<hbm>>) target(%arg8 : memref<40x128xi32, #tpu.memory_space<vmem>>) target_semaphore(%run_scoped3A_129 : memref<!tpu.dma_semaphore, #tpu.memory_space<semaphore_mem>>)
        %dma_wait3A_134 = arith.constant 0 : i32
        %dma_wait3A_135 = tpu.memref_slice %arg4[%add3A_25, %dma_wait3A_134] : memref<2500x128xi32, #tpu.memory_space<hbm>> -> memref<40x128xi32, #tpu.memory_space<hbm>>
        %dma_wait3A_136 = arith.constant 0 : i32
        %dma_wait3A_137 = tpu.memref_slice %arg4[%add3A_25, %dma_wait3A_136] : memref<2500x128xi32, #tpu.memory_space<hbm>> -> memref<40x128xi32, #tpu.memory_space<hbm>>
        tpu.wait_dma2 semaphore(%run_scoped3A_129 : memref<!tpu.dma_semaphore, #tpu.memory_space<semaphore_mem>>) src(%dma_wait3A_137 : memref<40x128xi32, #tpu.memory_space<hbm>>) dst(%arg8 : memref<40x128xi32, #tpu.memory_space<vmem>>)
        tpu.yield
      }) : () -> ()
    } else {
    }
    %eq3A = arith.constant 31 : i32
    %eq3A_28 = arith.cmpi eq, %add3A, %eq3A : i32
    %convert_element_type3A_29 = arith.extui %eq3A_28 : i1 to i32
    %cond3A_30 = arith.constant 0 : i32
    %cond3A_31 = arith.cmpi ne, %convert_element_type3A_29, %cond3A_30 : i32
    scf.if %cond3A_31 {
      %run_scoped3A_129 = arith.constant 0 : i32
      "tpu.region"() ({
        %run_scoped3A_131 = tpu.sem_alloc : memref<!tpu.dma_semaphore, #tpu.memory_space<semaphore_mem>>
        %dma_start3A_132 = arith.constant 0 : i32
        %dma_start3A_133 = arith.constant 0 : i32
        %dma_start3A_134 = tpu.memref_slice %arg5[%run_scoped3A_129, %dma_start3A_132, %dma_start3A_133] : memref<2x80x128xi32, #tpu.memory_space<hbm>> -> memref<1x80x128xi32, #tpu.memory_space<hbm>>
        %dma_start3A_135 = tpu.memref_squeeze %dma_start3A_134 : memref<1x80x128xi32, #tpu.memory_space<hbm>> -> memref<80x128xi32, #tpu.memory_space<hbm>>
        %dma_start3A_136 = arith.constant 0 : i32
        %dma_start3A_137 = arith.constant 0 : i32
        %dma_start3A_138 = tpu.memref_slice %dma_start3A_135[%dma_start3A_136, %dma_start3A_137] : memref<80x128xi32, #tpu.memory_space<hbm>> -> memref<40x128xi32, #tpu.memory_space<hbm>>
        %dma_start3A_139 = arith.constant 0 : i32
        %dma_start3A_140 = arith.constant 0 : i32
        %dma_start3A_141 = tpu.memref_slice %arg5[%run_scoped3A_129, %dma_start3A_139, %dma_start3A_140] : memref<2x80x128xi32, #tpu.memory_space<hbm>> -> memref<1x80x128xi32, #tpu.memory_space<hbm>>
        %dma_start3A_142 = tpu.memref_squeeze %dma_start3A_141 : memref<1x80x128xi32, #tpu.memory_space<hbm>> -> memref<80x128xi32, #tpu.memory_space<hbm>>
        %dma_start3A_143 = arith.constant 0 : i32
        %dma_start3A_144 = arith.constant 0 : i32
        %dma_start3A_145 = tpu.memref_slice %dma_start3A_142[%dma_start3A_143, %dma_start3A_144] : memref<80x128xi32, #tpu.memory_space<hbm>> -> memref<40x128xi32, #tpu.memory_space<hbm>>
        tpu.enqueue_dma source(%dma_start3A_145 : memref<40x128xi32, #tpu.memory_space<hbm>>) target(%arg7 : memref<40x128xi32, #tpu.memory_space<vmem>>) target_semaphore(%run_scoped3A_131 : memref<!tpu.dma_semaphore, #tpu.memory_space<semaphore_mem>>)
        %dma_wait3A_146 = arith.constant 0 : i32
        %dma_wait3A_147 = arith.constant 0 : i32
        %dma_wait3A_148 = tpu.memref_slice %arg5[%run_scoped3A_129, %dma_wait3A_146, %dma_wait3A_147] : memref<2x80x128xi32, #tpu.memory_space<hbm>> -> memref<1x80x128xi32, #tpu.memory_space<hbm>>
        %dma_wait3A_149 = tpu.memref_squeeze %dma_wait3A_148 : memref<1x80x128xi32, #tpu.memory_space<hbm>> -> memref<80x128xi32, #tpu.memory_space<hbm>>
        %dma_wait3A_150 = arith.constant 0 : i32
        %dma_wait3A_151 = arith.constant 0 : i32
        %dma_wait3A_152 = tpu.memref_slice %dma_wait3A_149[%dma_wait3A_150, %dma_wait3A_151] : memref<80x128xi32, #tpu.memory_space<hbm>> -> memref<40x128xi32, #tpu.memory_space<hbm>>
        %dma_wait3A_153 = arith.constant 0 : i32
        %dma_wait3A_154 = arith.constant 0 : i32
        %dma_wait3A_155 = tpu.memref_slice %arg5[%run_scoped3A_129, %dma_wait3A_153, %dma_wait3A_154] : memref<2x80x128xi32, #tpu.memory_space<hbm>> -> memref<1x80x128xi32, #tpu.memory_space<hbm>>
        %dma_wait3A_156 = tpu.memref_squeeze %dma_wait3A_155 : memref<1x80x128xi32, #tpu.memory_space<hbm>> -> memref<80x128xi32, #tpu.memory_space<hbm>>
        %dma_wait3A_157 = arith.constant 0 : i32
        %dma_wait3A_158 = arith.constant 0 : i32
        %dma_wait3A_159 = tpu.memref_slice %dma_wait3A_156[%dma_wait3A_157, %dma_wait3A_158] : memref<80x128xi32, #tpu.memory_space<hbm>> -> memref<40x128xi32, #tpu.memory_space<hbm>>
        tpu.wait_dma2 semaphore(%run_scoped3A_131 : memref<!tpu.dma_semaphore, #tpu.memory_space<semaphore_mem>>) src(%dma_wait3A_159 : memref<40x128xi32, #tpu.memory_space<hbm>>) dst(%arg7 : memref<40x128xi32, #tpu.memory_space<vmem>>)
        tpu.yield
      }) : () -> ()
      %run_scoped3A_130 = arith.constant 1 : i32
      "tpu.region"() ({
        %run_scoped3A_131 = tpu.sem_alloc : memref<!tpu.dma_semaphore, #tpu.memory_space<semaphore_mem>>
        %dma_start3A_132 = arith.constant 0 : i32
        %dma_start3A_133 = arith.constant 0 : i32
        %dma_start3A_134 = tpu.memref_slice %arg5[%run_scoped3A_130, %dma_start3A_132, %dma_start3A_133] : memref<2x80x128xi32, #tpu.memory_space<hbm>> -> memref<1x80x128xi32, #tpu.memory_space<hbm>>
        %dma_start3A_135 = tpu.memref_squeeze %dma_start3A_134 : memref<1x80x128xi32, #tpu.memory_space<hbm>> -> memref<80x128xi32, #tpu.memory_space<hbm>>
        %dma_start3A_136 = arith.constant 0 : i32
        %dma_start3A_137 = arith.constant 0 : i32
        %dma_start3A_138 = tpu.memref_slice %dma_start3A_135[%dma_start3A_136, %dma_start3A_137] : memref<80x128xi32, #tpu.memory_space<hbm>> -> memref<40x128xi32, #tpu.memory_space<hbm>>
        %dma_start3A_139 = arith.constant 0 : i32
        %dma_start3A_140 = arith.constant 0 : i32
        %dma_start3A_141 = tpu.memref_slice %arg5[%run_scoped3A_130, %dma_start3A_139, %dma_start3A_140] : memref<2x80x128xi32, #tpu.memory_space<hbm>> -> memref<1x80x128xi32, #tpu.memory_space<hbm>>
        %dma_start3A_142 = tpu.memref_squeeze %dma_start3A_141 : memref<1x80x128xi32, #tpu.memory_space<hbm>> -> memref<80x128xi32, #tpu.memory_space<hbm>>
        %dma_start3A_143 = arith.constant 0 : i32
        %dma_start3A_144 = arith.constant 0 : i32
        %dma_start3A_145 = tpu.memref_slice %dma_start3A_142[%dma_start3A_143, %dma_start3A_144] : memref<80x128xi32, #tpu.memory_space<hbm>> -> memref<40x128xi32, #tpu.memory_space<hbm>>
        tpu.enqueue_dma source(%dma_start3A_145 : memref<40x128xi32, #tpu.memory_space<hbm>>) target(%arg8 : memref<40x128xi32, #tpu.memory_space<vmem>>) target_semaphore(%run_scoped3A_131 : memref<!tpu.dma_semaphore, #tpu.memory_space<semaphore_mem>>)
        %dma_wait3A_146 = arith.constant 0 : i32
        %dma_wait3A_147 = arith.constant 0 : i32
        %dma_wait3A_148 = tpu.memref_slice %arg5[%run_scoped3A_130, %dma_wait3A_146, %dma_wait3A_147] : memref<2x80x128xi32, #tpu.memory_space<hbm>> -> memref<1x80x128xi32, #tpu.memory_space<hbm>>
        %dma_wait3A_149 = tpu.memref_squeeze %dma_wait3A_148 : memref<1x80x128xi32, #tpu.memory_space<hbm>> -> memref<80x128xi32, #tpu.memory_space<hbm>>
        %dma_wait3A_150 = arith.constant 0 : i32
        %dma_wait3A_151 = arith.constant 0 : i32
        %dma_wait3A_152 = tpu.memref_slice %dma_wait3A_149[%dma_wait3A_150, %dma_wait3A_151] : memref<80x128xi32, #tpu.memory_space<hbm>> -> memref<40x128xi32, #tpu.memory_space<hbm>>
        %dma_wait3A_153 = arith.constant 0 : i32
        %dma_wait3A_154 = arith.constant 0 : i32
        %dma_wait3A_155 = tpu.memref_slice %arg5[%run_scoped3A_130, %dma_wait3A_153, %dma_wait3A_154] : memref<2x80x128xi32, #tpu.memory_space<hbm>> -> memref<1x80x128xi32, #tpu.memory_space<hbm>>
        %dma_wait3A_156 = tpu.memref_squeeze %dma_wait3A_155 : memref<1x80x128xi32, #tpu.memory_space<hbm>> -> memref<80x128xi32, #tpu.memory_space<hbm>>
        %dma_wait3A_157 = arith.constant 0 : i32
        %dma_wait3A_158 = arith.constant 0 : i32
        %dma_wait3A_159 = tpu.memref_slice %dma_wait3A_156[%dma_wait3A_157, %dma_wait3A_158] : memref<80x128xi32, #tpu.memory_space<hbm>> -> memref<40x128xi32, #tpu.memory_space<hbm>>
        tpu.wait_dma2 semaphore(%run_scoped3A_131 : memref<!tpu.dma_semaphore, #tpu.memory_space<semaphore_mem>>) src(%dma_wait3A_159 : memref<40x128xi32, #tpu.memory_space<hbm>>) dst(%arg8 : memref<40x128xi32, #tpu.memory_space<vmem>>)
        tpu.yield
      }) : () -> ()
    } else {
    }
    %dma_start3A = arith.constant 0 : i32
    %dma_start3A_32 = arith.constant 0 : i32
    %dma_start3A_33 = arith.constant 0 : i32
    %dma_start3A_34 = arith.constant 0 : i32
    %dma_start3A_35 = tpu.memref_slice %arg9[%dma_start3A_32, %dma_start3A_33, %dma_start3A_34] : memref<2x128x128xf32, #tpu.memory_space<vmem>> -> memref<1x128x128xf32, #tpu.memory_space<vmem>>
    %dma_start3A_36 = tpu.memref_squeeze %dma_start3A_35 : memref<1x128x128xf32, #tpu.memory_space<vmem>> -> memref<128x128xf32, #tpu.memory_space<vmem>>
    %dma_start3A_37 = arith.constant 0 : i32
    %dma_start3A_38 = tpu.memref_slice %arg7[%dma_start3A, %dma_start3A_37] : memref<40x128xi32, #tpu.memory_space<vmem>> -> memref<1x128xi32, #tpu.memory_space<vmem>>
    %dma_start3A_39 = tpu.memref_squeeze %dma_start3A_38 : memref<1x128xi32, #tpu.memory_space<vmem>> -> memref<128xi32, #tpu.memory_space<vmem>>
    %dma_start3A_40 = arith.constant 0 : i32
    %dma_start3A_41 = arith.constant 0 : i32
    %dma_start3A_42 = tpu.memref_slice %arg2[%dma_start3A_40, %dma_start3A_41] : memref<10240x128xf32, #tpu.memory_space<hbm>> -> memref<10240x128xf32, #tpu.memory_space<hbm>>
    tpu.enqueue_indirect_dma source(%dma_start3A_42 : memref<10240x128xf32, #tpu.memory_space<hbm>>) target(%dma_start3A_36 : memref<128x128xf32, #tpu.memory_space<vmem>>) offsets(%dma_start3A_39 : memref<128xi32, #tpu.memory_space<vmem>>) semaphore(%arg11 : memref<!tpu.dma_semaphore, #tpu.memory_space<semaphore_mem>>)
    %scan3A_43 = arith.constant 0 : i32
    %scan3A_44 = arith.constant 0 : i32
    %scan3A_45 = arith.constant 20 : i32
    %scan3A_46 = arith.addi %scan3A_44, %scan3A_45 : i32
    %scan3A_47 = arith.constant 1 : i32
    scf.for %scan3A_129 = %scan3A_44 to %scan3A_46 step %scan3A_47  : i32 {
      %mul3A_130 = arith.constant 2 : i32
      %mul3A_131 = arith.muli %scan3A_129, %mul3A_130 : i32
      %add3A_132 = arith.constant 0 : i32
      %add3A_133 = arith.addi %mul3A_131, %add3A_132 : i32
      %add3A_134 = arith.constant 1 : i32
      %add3A_135 = arith.addi %add3A_133, %add3A_134 : i32
      %lt3A_136 = arith.constant 40 : i32
      %lt3A_137 = arith.cmpi slt, %add3A_135, %lt3A_136 : i32
      %convert_element_type3A_138 = arith.extui %lt3A_137 : i1 to i32
      %cond3A_139 = arith.constant 0 : i32
      %cond3A_140 = arith.cmpi ne, %convert_element_type3A_138, %cond3A_139 : i32
      scf.if %cond3A_140 {
        %ge3A = arith.constant 1 : i32
        %ge3A_196 = arith.cmpi sge, %add3A_133, %ge3A : i32
        %convert_element_type3A_197 = arith.extui %ge3A_196 : i1 to i32
        %cond3A_198 = arith.constant 0 : i32
        %cond3A_199 = arith.cmpi ne, %convert_element_type3A_197, %cond3A_198 : i32
        scf.if %cond3A_199 {
          %sub3A = arith.constant 1 : i32
          %sub3A_213 = arith.subi %add3A_133, %sub3A : i32
          %dma_wait3A_214 = arith.constant 1 : i32
          %dma_wait3A_215 = arith.constant 0 : i32
          %dma_wait3A_216 = arith.constant 0 : i32
          %dma_wait3A_217 = tpu.memref_slice %arg9[%dma_wait3A_214, %dma_wait3A_215, %dma_wait3A_216] : memref<2x128x128xf32, #tpu.memory_space<vmem>> -> memref<1x128x128xf32, #tpu.memory_space<vmem>>
          %dma_wait3A_218 = tpu.memref_squeeze %dma_wait3A_217 : memref<1x128x128xf32, #tpu.memory_space<vmem>> -> memref<128x128xf32, #tpu.memory_space<vmem>>
          %dma_wait3A_219 = arith.constant 0 : i32
          %dma_wait3A_220 = tpu.memref_slice %arg8[%sub3A_213, %dma_wait3A_219] : memref<40x128xi32, #tpu.memory_space<vmem>> -> memref<1x128xi32, #tpu.memory_space<vmem>>
          %dma_wait3A_221 = tpu.memref_squeeze %dma_wait3A_220 : memref<1x128xi32, #tpu.memory_space<vmem>> -> memref<128xi32, #tpu.memory_space<vmem>>
          %dma_wait3A_222 = arith.constant 0 : i32
          %dma_wait3A_223 = arith.constant 0 : i32
          %dma_wait3A_224 = tpu.memref_slice %arg10[%dma_wait3A_222, %dma_wait3A_223] : memref<10240x128xf32, #tpu.memory_space<vmem_shared>> -> memref<10240x128xf32, #tpu.memory_space<vmem_shared>>
          tpu.wait_indirect_dma semaphore(%arg14 : memref<!tpu.dma_semaphore, #tpu.memory_space<semaphore_mem>>) src(%dma_wait3A_218 : memref<128x128xf32, #tpu.memory_space<vmem>>) dst(%dma_wait3A_224 : memref<10240x128xf32, #tpu.memory_space<vmem_shared>>)
        } else {
        }
        %add3A_200 = arith.constant 1 : i32
        %add3A_201 = arith.addi %add3A_133, %add3A_200 : i32
        %dma_start3A_202 = arith.constant 1 : i32
        %dma_start3A_203 = arith.constant 0 : i32
        %dma_start3A_204 = arith.constant 0 : i32
        %dma_start3A_205 = tpu.memref_slice %arg9[%dma_start3A_202, %dma_start3A_203, %dma_start3A_204] : memref<2x128x128xf32, #tpu.memory_space<vmem>> -> memref<1x128x128xf32, #tpu.memory_space<vmem>>
        %dma_start3A_206 = tpu.memref_squeeze %dma_start3A_205 : memref<1x128x128xf32, #tpu.memory_space<vmem>> -> memref<128x128xf32, #tpu.memory_space<vmem>>
        %dma_start3A_207 = arith.constant 0 : i32
        %dma_start3A_208 = tpu.memref_slice %arg7[%add3A_201, %dma_start3A_207] : memref<40x128xi32, #tpu.memory_space<vmem>> -> memref<1x128xi32, #tpu.memory_space<vmem>>
        %dma_start3A_209 = tpu.memref_squeeze %dma_start3A_208 : memref<1x128xi32, #tpu.memory_space<vmem>> -> memref<128xi32, #tpu.memory_space<vmem>>
        %dma_start3A_210 = arith.constant 0 : i32
        %dma_start3A_211 = arith.constant 0 : i32
        %dma_start3A_212 = tpu.memref_slice %arg2[%dma_start3A_210, %dma_start3A_211] : memref<10240x128xf32, #tpu.memory_space<hbm>> -> memref<10240x128xf32, #tpu.memory_space<hbm>>
        tpu.enqueue_indirect_dma source(%dma_start3A_212 : memref<10240x128xf32, #tpu.memory_space<hbm>>) target(%dma_start3A_206 : memref<128x128xf32, #tpu.memory_space<vmem>>) offsets(%dma_start3A_209 : memref<128xi32, #tpu.memory_space<vmem>>) semaphore(%arg12 : memref<!tpu.dma_semaphore, #tpu.memory_space<semaphore_mem>>)
      } else {
      }
      %dma_wait3A_141 = arith.constant 0 : i32
      %dma_wait3A_142 = arith.constant 0 : i32
      %dma_wait3A_143 = arith.constant 0 : i32
      %dma_wait3A_144 = tpu.memref_slice %arg9[%dma_wait3A_141, %dma_wait3A_142, %dma_wait3A_143] : memref<2x128x128xf32, #tpu.memory_space<vmem>> -> memref<1x128x128xf32, #tpu.memory_space<vmem>>
      %dma_wait3A_145 = tpu.memref_squeeze %dma_wait3A_144 : memref<1x128x128xf32, #tpu.memory_space<vmem>> -> memref<128x128xf32, #tpu.memory_space<vmem>>
      %dma_wait3A_146 = arith.constant 0 : i32
      %dma_wait3A_147 = tpu.memref_slice %arg7[%add3A_133, %dma_wait3A_146] : memref<40x128xi32, #tpu.memory_space<vmem>> -> memref<1x128xi32, #tpu.memory_space<vmem>>
      %dma_wait3A_148 = tpu.memref_squeeze %dma_wait3A_147 : memref<1x128xi32, #tpu.memory_space<vmem>> -> memref<128xi32, #tpu.memory_space<vmem>>
      %dma_wait3A_149 = arith.constant 0 : i32
      %dma_wait3A_150 = arith.constant 0 : i32
      %dma_wait3A_151 = tpu.memref_slice %arg2[%dma_wait3A_149, %dma_wait3A_150] : memref<10240x128xf32, #tpu.memory_space<hbm>> -> memref<10240x128xf32, #tpu.memory_space<hbm>>
      tpu.wait_indirect_dma semaphore(%arg11 : memref<!tpu.dma_semaphore, #tpu.memory_space<semaphore_mem>>) src(%dma_wait3A_151 : memref<10240x128xf32, #tpu.memory_space<hbm>>) dst(%dma_wait3A_145 : memref<128x128xf32, #tpu.memory_space<vmem>>)
      %dma_start3A_152 = arith.constant 0 : i32
      %dma_start3A_153 = arith.constant 0 : i32
      %dma_start3A_154 = arith.constant 0 : i32
      %dma_start3A_155 = tpu.memref_slice %arg9[%dma_start3A_152, %dma_start3A_153, %dma_start3A_154] : memref<2x128x128xf32, #tpu.memory_space<vmem>> -> memref<1x128x128xf32, #tpu.memory_space<vmem>>
      %dma_start3A_156 = tpu.memref_squeeze %dma_start3A_155 : memref<1x128x128xf32, #tpu.memory_space<vmem>> -> memref<128x128xf32, #tpu.memory_space<vmem>>
      %dma_start3A_157 = arith.constant 0 : i32
      %dma_start3A_158 = tpu.memref_slice %arg8[%add3A_133, %dma_start3A_157] : memref<40x128xi32, #tpu.memory_space<vmem>> -> memref<1x128xi32, #tpu.memory_space<vmem>>
      %dma_start3A_159 = tpu.memref_squeeze %dma_start3A_158 : memref<1x128xi32, #tpu.memory_space<vmem>> -> memref<128xi32, #tpu.memory_space<vmem>>
      %dma_start3A_160 = arith.constant 0 : i32
      %dma_start3A_161 = arith.constant 0 : i32
      %dma_start3A_162 = tpu.memref_slice %arg10[%dma_start3A_160, %dma_start3A_161] : memref<10240x128xf32, #tpu.memory_space<vmem_shared>> -> memref<10240x128xf32, #tpu.memory_space<vmem_shared>>
      tpu.enqueue_indirect_dma source(%dma_start3A_156 : memref<128x128xf32, #tpu.memory_space<vmem>>) target(%dma_start3A_162 : memref<10240x128xf32, #tpu.memory_space<vmem_shared>>) offsets(%dma_start3A_159 : memref<128xi32, #tpu.memory_space<vmem>>) semaphore(%arg13 : memref<!tpu.dma_semaphore, #tpu.memory_space<semaphore_mem>>) {add = true}
      %mul3A_163 = arith.constant 2 : i32
      %mul3A_164 = arith.muli %scan3A_129, %mul3A_163 : i32
      %add3A_165 = arith.constant 1 : i32
      %add3A_166 = arith.addi %mul3A_164, %add3A_165 : i32
      %add3A_167 = arith.constant 1 : i32
      %add3A_168 = arith.addi %add3A_166, %add3A_167 : i32
      %lt3A_169 = arith.constant 40 : i32
      %lt3A_170 = arith.cmpi slt, %add3A_168, %lt3A_169 : i32
      %convert_element_type3A_171 = arith.extui %lt3A_170 : i1 to i32
      %cond3A_172 = arith.constant 0 : i32
      %cond3A_173 = arith.cmpi ne, %convert_element_type3A_171, %cond3A_172 : i32
      scf.if %cond3A_173 {
        %ge3A = arith.constant 1 : i32
        %ge3A_196 = arith.cmpi sge, %add3A_166, %ge3A : i32
        %convert_element_type3A_197 = arith.extui %ge3A_196 : i1 to i32
        %cond3A_198 = arith.constant 0 : i32
        %cond3A_199 = arith.cmpi ne, %convert_element_type3A_197, %cond3A_198 : i32
        scf.if %cond3A_199 {
          %sub3A = arith.constant 1 : i32
          %sub3A_213 = arith.subi %add3A_166, %sub3A : i32
          %dma_wait3A_214 = arith.constant 0 : i32
          %dma_wait3A_215 = arith.constant 0 : i32
          %dma_wait3A_216 = arith.constant 0 : i32
          %dma_wait3A_217 = tpu.memref_slice %arg9[%dma_wait3A_214, %dma_wait3A_215, %dma_wait3A_216] : memref<2x128x128xf32, #tpu.memory_space<vmem>> -> memref<1x128x128xf32, #tpu.memory_space<vmem>>
          %dma_wait3A_218 = tpu.memref_squeeze %dma_wait3A_217 : memref<1x128x128xf32, #tpu.memory_space<vmem>> -> memref<128x128xf32, #tpu.memory_space<vmem>>
          %dma_wait3A_219 = arith.constant 0 : i32
          %dma_wait3A_220 = tpu.memref_slice %arg8[%sub3A_213, %dma_wait3A_219] : memref<40x128xi32, #tpu.memory_space<vmem>> -> memref<1x128xi32, #tpu.memory_space<vmem>>
          %dma_wait3A_221 = tpu.memref_squeeze %dma_wait3A_220 : memref<1x128xi32, #tpu.memory_space<vmem>> -> memref<128xi32, #tpu.memory_space<vmem>>
          %dma_wait3A_222 = arith.constant 0 : i32
          %dma_wait3A_223 = arith.constant 0 : i32
          %dma_wait3A_224 = tpu.memref_slice %arg10[%dma_wait3A_222, %dma_wait3A_223] : memref<10240x128xf32, #tpu.memory_space<vmem_shared>> -> memref<10240x128xf32, #tpu.memory_space<vmem_shared>>
          tpu.wait_indirect_dma semaphore(%arg13 : memref<!tpu.dma_semaphore, #tpu.memory_space<semaphore_mem>>) src(%dma_wait3A_218 : memref<128x128xf32, #tpu.memory_space<vmem>>) dst(%dma_wait3A_224 : memref<10240x128xf32, #tpu.memory_space<vmem_shared>>)
        } else {
        }
        %add3A_200 = arith.constant 1 : i32
        %add3A_201 = arith.addi %add3A_166, %add3A_200 : i32
        %dma_start3A_202 = arith.constant 0 : i32
        %dma_start3A_203 = arith.constant 0 : i32
        %dma_start3A_204 = arith.constant 0 : i32
        %dma_start3A_205 = tpu.memref_slice %arg9[%dma_start3A_202, %dma_start3A_203, %dma_start3A_204] : memref<2x128x128xf32, #tpu.memory_space<vmem>> -> memref<1x128x128xf32, #tpu.memory_space<vmem>>
        %dma_start3A_206 = tpu.memref_squeeze %dma_start3A_205 : memref<1x128x128xf32, #tpu.memory_space<vmem>> -> memref<128x128xf32, #tpu.memory_space<vmem>>
        %dma_start3A_207 = arith.constant 0 : i32
        %dma_start3A_208 = tpu.memref_slice %arg7[%add3A_201, %dma_start3A_207] : memref<40x128xi32, #tpu.memory_space<vmem>> -> memref<1x128xi32, #tpu.memory_space<vmem>>
        %dma_start3A_209 = tpu.memref_squeeze %dma_start3A_208 : memref<1x128xi32, #tpu.memory_space<vmem>> -> memref<128xi32, #tpu.memory_space<vmem>>
        %dma_start3A_210 = arith.constant 0 : i32
        %dma_start3A_211 = arith.constant 0 : i32
        %dma_start3A_212 = tpu.memref_slice %arg2[%dma_start3A_210, %dma_start3A_211] : memref<10240x128xf32, #tpu.memory_space<hbm>> -> memref<10240x128xf32, #tpu.memory_space<hbm>>
        tpu.enqueue_indirect_dma source(%dma_start3A_212 : memref<10240x128xf32, #tpu.memory_space<hbm>>) target(%dma_start3A_206 : memref<128x128xf32, #tpu.memory_space<vmem>>) offsets(%dma_start3A_209 : memref<128xi32, #tpu.memory_space<vmem>>) semaphore(%arg11 : memref<!tpu.dma_semaphore, #tpu.memory_space<semaphore_mem>>)
      } else {
      }
      %dma_wait3A_174 = arith.constant 1 : i32
      %dma_wait3A_175 = arith.constant 0 : i32
      %dma_wait3A_176 = arith.constant 0 : i32
      %dma_wait3A_177 = tpu.memref_slice %arg9[%dma_wait3A_174, %dma_wait3A_175, %dma_wait3A_176] : memref<2x128x128xf32, #tpu.memory_space<vmem>> -> memref<1x128x128xf32, #tpu.memory_space<vmem>>
      %dma_wait3A_178 = tpu.memref_squeeze %dma_wait3A_177 : memref<1x128x128xf32, #tpu.memory_space<vmem>> -> memref<128x128xf32, #tpu.memory_space<vmem>>
      %dma_wait3A_179 = arith.constant 0 : i32
      %dma_wait3A_180 = tpu.memref_slice %arg7[%add3A_166, %dma_wait3A_179] : memref<40x128xi32, #tpu.memory_space<vmem>> -> memref<1x128xi32, #tpu.memory_space<vmem>>
      %dma_wait3A_181 = tpu.memref_squeeze %dma_wait3A_180 : memref<1x128xi32, #tpu.memory_space<vmem>> -> memref<128xi32, #tpu.memory_space<vmem>>
      %dma_wait3A_182 = arith.constant 0 : i32
      %dma_wait3A_183 = arith.constant 0 : i32
      %dma_wait3A_184 = tpu.memref_slice %arg2[%dma_wait3A_182, %dma_wait3A_183] : memref<10240x128xf32, #tpu.memory_space<hbm>> -> memref<10240x128xf32, #tpu.memory_space<hbm>>
      tpu.wait_indirect_dma semaphore(%arg12 : memref<!tpu.dma_semaphore, #tpu.memory_space<semaphore_mem>>) src(%dma_wait3A_184 : memref<10240x128xf32, #tpu.memory_space<hbm>>) dst(%dma_wait3A_178 : memref<128x128xf32, #tpu.memory_space<vmem>>)
      %dma_start3A_185 = arith.constant 1 : i32
      %dma_start3A_186 = arith.constant 0 : i32
      %dma_start3A_187 = arith.constant 0 : i32
      %dma_start3A_188 = tpu.memref_slice %arg9[%dma_start3A_185, %dma_start3A_186, %dma_start3A_187] : memref<2x128x128xf32, #tpu.memory_space<vmem>> -> memref<1x128x128xf32, #tpu.memory_space<vmem>>
      %dma_start3A_189 = tpu.memref_squeeze %dma_start3A_188 : memref<1x128x128xf32, #tpu.memory_space<vmem>> -> memref<128x128xf32, #tpu.memory_space<vmem>>
      %dma_start3A_190 = arith.constant 0 : i32
      %dma_start3A_191 = tpu.memref_slice %arg8[%add3A_166, %dma_start3A_190] : memref<40x128xi32, #tpu.memory_space<vmem>> -> memref<1x128xi32, #tpu.memory_space<vmem>>
      %dma_start3A_192 = tpu.memref_squeeze %dma_start3A_191 : memref<1x128xi32, #tpu.memory_space<vmem>> -> memref<128xi32, #tpu.memory_space<vmem>>
      %dma_start3A_193 = arith.constant 0 : i32
      %dma_start3A_194 = arith.constant 0 : i32
      %dma_start3A_195 = tpu.memref_slice %arg10[%dma_start3A_193, %dma_start3A_194] : memref<10240x128xf32, #tpu.memory_space<vmem_shared>> -> memref<10240x128xf32, #tpu.memory_space<vmem_shared>>
      tpu.enqueue_indirect_dma source(%dma_start3A_189 : memref<128x128xf32, #tpu.memory_space<vmem>>) target(%dma_start3A_195 : memref<10240x128xf32, #tpu.memory_space<vmem_shared>>) offsets(%dma_start3A_192 : memref<128xi32, #tpu.memory_space<vmem>>) semaphore(%arg14 : memref<!tpu.dma_semaphore, #tpu.memory_space<semaphore_mem>>) {add = true}
    }
    %scan3A_48 = arith.constant 20 : i32
    %dma_wait3A = arith.constant 0 : i32
    %dma_wait3A_49 = arith.constant 38 : i32
    %dma_wait3A_50 = arith.constant 0 : i32
    %dma_wait3A_51 = arith.constant 0 : i32
    %dma_wait3A_52 = tpu.memref_slice %arg9[%dma_wait3A, %dma_wait3A_50, %dma_wait3A_51] : memref<2x128x128xf32, #tpu.memory_space<vmem>> -> memref<1x128x128xf32, #tpu.memory_space<vmem>>
    %dma_wait3A_53 = tpu.memref_squeeze %dma_wait3A_52 : memref<1x128x128xf32, #tpu.memory_space<vmem>> -> memref<128x128xf32, #tpu.memory_space<vmem>>
    %dma_wait3A_54 = arith.constant 0 : i32
    %dma_wait3A_55 = tpu.memref_slice %arg8[%dma_wait3A_49, %dma_wait3A_54] : memref<40x128xi32, #tpu.memory_space<vmem>> -> memref<1x128xi32, #tpu.memory_space<vmem>>
    %dma_wait3A_56 = tpu.memref_squeeze %dma_wait3A_55 : memref<1x128xi32, #tpu.memory_space<vmem>> -> memref<128xi32, #tpu.memory_space<vmem>>
    %dma_wait3A_57 = arith.constant 0 : i32
    %dma_wait3A_58 = arith.constant 0 : i32
    %dma_wait3A_59 = tpu.memref_slice %arg10[%dma_wait3A_57, %dma_wait3A_58] : memref<10240x128xf32, #tpu.memory_space<vmem_shared>> -> memref<10240x128xf32, #tpu.memory_space<vmem_shared>>
    tpu.wait_indirect_dma semaphore(%arg13 : memref<!tpu.dma_semaphore, #tpu.memory_space<semaphore_mem>>) src(%dma_wait3A_53 : memref<128x128xf32, #tpu.memory_space<vmem>>) dst(%dma_wait3A_59 : memref<10240x128xf32, #tpu.memory_space<vmem_shared>>)
    %dma_wait3A_60 = arith.constant 1 : i32
    %dma_wait3A_61 = arith.constant 39 : i32
    %dma_wait3A_62 = arith.constant 0 : i32
    %dma_wait3A_63 = arith.constant 0 : i32
    %dma_wait3A_64 = tpu.memref_slice %arg9[%dma_wait3A_60, %dma_wait3A_62, %dma_wait3A_63] : memref<2x128x128xf32, #tpu.memory_space<vmem>> -> memref<1x128x128xf32, #tpu.memory_space<vmem>>
    %dma_wait3A_65 = tpu.memref_squeeze %dma_wait3A_64 : memref<1x128x128xf32, #tpu.memory_space<vmem>> -> memref<128x128xf32, #tpu.memory_space<vmem>>
    %dma_wait3A_66 = arith.constant 0 : i32
    %dma_wait3A_67 = tpu.memref_slice %arg8[%dma_wait3A_61, %dma_wait3A_66] : memref<40x128xi32, #tpu.memory_space<vmem>> -> memref<1x128xi32, #tpu.memory_space<vmem>>
    %dma_wait3A_68 = tpu.memref_squeeze %dma_wait3A_67 : memref<1x128xi32, #tpu.memory_space<vmem>> -> memref<128xi32, #tpu.memory_space<vmem>>
    %dma_wait3A_69 = arith.constant 0 : i32
    %dma_wait3A_70 = arith.constant 0 : i32
    %dma_wait3A_71 = tpu.memref_slice %arg10[%dma_wait3A_69, %dma_wait3A_70] : memref<10240x128xf32, #tpu.memory_space<vmem_shared>> -> memref<10240x128xf32, #tpu.memory_space<vmem_shared>>
    tpu.wait_indirect_dma semaphore(%arg14 : memref<!tpu.dma_semaphore, #tpu.memory_space<semaphore_mem>>) src(%dma_wait3A_65 : memref<128x128xf32, #tpu.memory_space<vmem>>) dst(%dma_wait3A_71 : memref<10240x128xf32, #tpu.memory_space<vmem_shared>>)
    %mul3A_72 = arith.constant 80 : i32
    %mul3A_73 = arith.muli %add3A, %mul3A_72 : i32
    %add3A_74 = arith.constant 40 : i32
    %add3A_75 = arith.addi %mul3A_73, %add3A_74 : i32
    %lt3A_76 = arith.constant 31 : i32
    %lt3A_77 = arith.cmpi slt, %add3A, %lt3A_76 : i32
    %convert_element_type3A_78 = arith.extui %lt3A_77 : i1 to i32
    %cond3A_79 = arith.constant 0 : i32
    %cond3A_80 = arith.cmpi ne, %convert_element_type3A_78, %cond3A_79 : i32
    scf.if %cond3A_80 {
      "tpu.region"() ({
        %run_scoped3A_129 = tpu.sem_alloc : memref<!tpu.dma_semaphore, #tpu.memory_space<semaphore_mem>>
        %dma_start3A_130 = arith.constant 0 : i32
        %dma_start3A_131 = tpu.memref_slice %arg3[%add3A_75, %dma_start3A_130] : memref<2500x128xi32, #tpu.memory_space<hbm>> -> memref<40x128xi32, #tpu.memory_space<hbm>>
        %dma_start3A_132 = arith.constant 0 : i32
        %dma_start3A_133 = tpu.memref_slice %arg3[%add3A_75, %dma_start3A_132] : memref<2500x128xi32, #tpu.memory_space<hbm>> -> memref<40x128xi32, #tpu.memory_space<hbm>>
        tpu.enqueue_dma source(%dma_start3A_133 : memref<40x128xi32, #tpu.memory_space<hbm>>) target(%arg7 : memref<40x128xi32, #tpu.memory_space<vmem>>) target_semaphore(%run_scoped3A_129 : memref<!tpu.dma_semaphore, #tpu.memory_space<semaphore_mem>>)
        %dma_wait3A_134 = arith.constant 0 : i32
        %dma_wait3A_135 = tpu.memref_slice %arg3[%add3A_75, %dma_wait3A_134] : memref<2500x128xi32, #tpu.memory_space<hbm>> -> memref<40x128xi32, #tpu.memory_space<hbm>>
        %dma_wait3A_136 = arith.constant 0 : i32
        %dma_wait3A_137 = tpu.memref_slice %arg3[%add3A_75, %dma_wait3A_136] : memref<2500x128xi32, #tpu.memory_space<hbm>> -> memref<40x128xi32, #tpu.memory_space<hbm>>
        tpu.wait_dma2 semaphore(%run_scoped3A_129 : memref<!tpu.dma_semaphore, #tpu.memory_space<semaphore_mem>>) src(%dma_wait3A_137 : memref<40x128xi32, #tpu.memory_space<hbm>>) dst(%arg7 : memref<40x128xi32, #tpu.memory_space<vmem>>)
        tpu.yield
      }) : () -> ()
      "tpu.region"() ({
        %run_scoped3A_129 = tpu.sem_alloc : memref<!tpu.dma_semaphore, #tpu.memory_space<semaphore_mem>>
        %dma_start3A_130 = arith.constant 0 : i32
        %dma_start3A_131 = tpu.memref_slice %arg4[%add3A_75, %dma_start3A_130] : memref<2500x128xi32, #tpu.memory_space<hbm>> -> memref<40x128xi32, #tpu.memory_space<hbm>>
        %dma_start3A_132 = arith.constant 0 : i32
        %dma_start3A_133 = tpu.memref_slice %arg4[%add3A_75, %dma_start3A_132] : memref<2500x128xi32, #tpu.memory_space<hbm>> -> memref<40x128xi32, #tpu.memory_space<hbm>>
        tpu.enqueue_dma source(%dma_start3A_133 : memref<40x128xi32, #tpu.memory_space<hbm>>) target(%arg8 : memref<40x128xi32, #tpu.memory_space<vmem>>) target_semaphore(%run_scoped3A_129 : memref<!tpu.dma_semaphore, #tpu.memory_space<semaphore_mem>>)
        %dma_wait3A_134 = arith.constant 0 : i32
        %dma_wait3A_135 = tpu.memref_slice %arg4[%add3A_75, %dma_wait3A_134] : memref<2500x128xi32, #tpu.memory_space<hbm>> -> memref<40x128xi32, #tpu.memory_space<hbm>>
        %dma_wait3A_136 = arith.constant 0 : i32
        %dma_wait3A_137 = tpu.memref_slice %arg4[%add3A_75, %dma_wait3A_136] : memref<2500x128xi32, #tpu.memory_space<hbm>> -> memref<40x128xi32, #tpu.memory_space<hbm>>
        tpu.wait_dma2 semaphore(%run_scoped3A_129 : memref<!tpu.dma_semaphore, #tpu.memory_space<semaphore_mem>>) src(%dma_wait3A_137 : memref<40x128xi32, #tpu.memory_space<hbm>>) dst(%arg8 : memref<40x128xi32, #tpu.memory_space<vmem>>)
        tpu.yield
      }) : () -> ()
    } else {
    }
    %eq3A_81 = arith.constant 31 : i32
    %eq3A_82 = arith.cmpi eq, %add3A, %eq3A_81 : i32
    %convert_element_type3A_83 = arith.extui %eq3A_82 : i1 to i32
    %cond3A_84 = arith.constant 0 : i32
    %cond3A_85 = arith.cmpi ne, %convert_element_type3A_83, %cond3A_84 : i32
    scf.if %cond3A_85 {
      %run_scoped3A_129 = arith.constant 0 : i32
      "tpu.region"() ({
        %run_scoped3A_131 = tpu.sem_alloc : memref<!tpu.dma_semaphore, #tpu.memory_space<semaphore_mem>>
        %dma_start3A_132 = arith.constant 0 : i32
        %dma_start3A_133 = arith.constant 0 : i32
        %dma_start3A_134 = tpu.memref_slice %arg5[%run_scoped3A_129, %dma_start3A_132, %dma_start3A_133] : memref<2x80x128xi32, #tpu.memory_space<hbm>> -> memref<1x80x128xi32, #tpu.memory_space<hbm>>
        %dma_start3A_135 = tpu.memref_squeeze %dma_start3A_134 : memref<1x80x128xi32, #tpu.memory_space<hbm>> -> memref<80x128xi32, #tpu.memory_space<hbm>>
        %dma_start3A_136 = arith.constant 40 : i32
        %dma_start3A_137 = arith.constant 0 : i32
        %dma_start3A_138 = tpu.memref_slice %dma_start3A_135[%dma_start3A_136, %dma_start3A_137] : memref<80x128xi32, #tpu.memory_space<hbm>> -> memref<40x128xi32, #tpu.memory_space<hbm>>
        %dma_start3A_139 = arith.constant 0 : i32
        %dma_start3A_140 = arith.constant 0 : i32
        %dma_start3A_141 = tpu.memref_slice %arg5[%run_scoped3A_129, %dma_start3A_139, %dma_start3A_140] : memref<2x80x128xi32, #tpu.memory_space<hbm>> -> memref<1x80x128xi32, #tpu.memory_space<hbm>>
        %dma_start3A_142 = tpu.memref_squeeze %dma_start3A_141 : memref<1x80x128xi32, #tpu.memory_space<hbm>> -> memref<80x128xi32, #tpu.memory_space<hbm>>
        %dma_start3A_143 = arith.constant 40 : i32
        %dma_start3A_144 = arith.constant 0 : i32
        %dma_start3A_145 = tpu.memref_slice %dma_start3A_142[%dma_start3A_143, %dma_start3A_144] : memref<80x128xi32, #tpu.memory_space<hbm>> -> memref<40x128xi32, #tpu.memory_space<hbm>>
        tpu.enqueue_dma source(%dma_start3A_145 : memref<40x128xi32, #tpu.memory_space<hbm>>) target(%arg7 : memref<40x128xi32, #tpu.memory_space<vmem>>) target_semaphore(%run_scoped3A_131 : memref<!tpu.dma_semaphore, #tpu.memory_space<semaphore_mem>>)
        %dma_wait3A_146 = arith.constant 0 : i32
        %dma_wait3A_147 = arith.constant 0 : i32
        %dma_wait3A_148 = tpu.memref_slice %arg5[%run_scoped3A_129, %dma_wait3A_146, %dma_wait3A_147] : memref<2x80x128xi32, #tpu.memory_space<hbm>> -> memref<1x80x128xi32, #tpu.memory_space<hbm>>
        %dma_wait3A_149 = tpu.memref_squeeze %dma_wait3A_148 : memref<1x80x128xi32, #tpu.memory_space<hbm>> -> memref<80x128xi32, #tpu.memory_space<hbm>>
        %dma_wait3A_150 = arith.constant 40 : i32
        %dma_wait3A_151 = arith.constant 0 : i32
        %dma_wait3A_152 = tpu.memref_slice %dma_wait3A_149[%dma_wait3A_150, %dma_wait3A_151] : memref<80x128xi32, #tpu.memory_space<hbm>> -> memref<40x128xi32, #tpu.memory_space<hbm>>
        %dma_wait3A_153 = arith.constant 0 : i32
        %dma_wait3A_154 = arith.constant 0 : i32
        %dma_wait3A_155 = tpu.memref_slice %arg5[%run_scoped3A_129, %dma_wait3A_153, %dma_wait3A_154] : memref<2x80x128xi32, #tpu.memory_space<hbm>> -> memref<1x80x128xi32, #tpu.memory_space<hbm>>
        %dma_wait3A_156 = tpu.memref_squeeze %dma_wait3A_155 : memref<1x80x128xi32, #tpu.memory_space<hbm>> -> memref<80x128xi32, #tpu.memory_space<hbm>>
        %dma_wait3A_157 = arith.constant 40 : i32
        %dma_wait3A_158 = arith.constant 0 : i32
        %dma_wait3A_159 = tpu.memref_slice %dma_wait3A_156[%dma_wait3A_157, %dma_wait3A_158] : memref<80x128xi32, #tpu.memory_space<hbm>> -> memref<40x128xi32, #tpu.memory_space<hbm>>
        tpu.wait_dma2 semaphore(%run_scoped3A_131 : memref<!tpu.dma_semaphore, #tpu.memory_space<semaphore_mem>>) src(%dma_wait3A_159 : memref<40x128xi32, #tpu.memory_space<hbm>>) dst(%arg7 : memref<40x128xi32, #tpu.memory_space<vmem>>)
        tpu.yield
      }) : () -> ()
      %run_scoped3A_130 = arith.constant 1 : i32
      "tpu.region"() ({
        %run_scoped3A_131 = tpu.sem_alloc : memref<!tpu.dma_semaphore, #tpu.memory_space<semaphore_mem>>
        %dma_start3A_132 = arith.constant 0 : i32
        %dma_start3A_133 = arith.constant 0 : i32
        %dma_start3A_134 = tpu.memref_slice %arg5[%run_scoped3A_130, %dma_start3A_132, %dma_start3A_133] : memref<2x80x128xi32, #tpu.memory_space<hbm>> -> memref<1x80x128xi32, #tpu.memory_space<hbm>>
        %dma_start3A_135 = tpu.memref_squeeze %dma_start3A_134 : memref<1x80x128xi32, #tpu.memory_space<hbm>> -> memref<80x128xi32, #tpu.memory_space<hbm>>
        %dma_start3A_136 = arith.constant 40 : i32
        %dma_start3A_137 = arith.constant 0 : i32
        %dma_start3A_138 = tpu.memref_slice %dma_start3A_135[%dma_start3A_136, %dma_start3A_137] : memref<80x128xi32, #tpu.memory_space<hbm>> -> memref<40x128xi32, #tpu.memory_space<hbm>>
        %dma_start3A_139 = arith.constant 0 : i32
        %dma_start3A_140 = arith.constant 0 : i32
        %dma_start3A_141 = tpu.memref_slice %arg5[%run_scoped3A_130, %dma_start3A_139, %dma_start3A_140] : memref<2x80x128xi32, #tpu.memory_space<hbm>> -> memref<1x80x128xi32, #tpu.memory_space<hbm>>
        %dma_start3A_142 = tpu.memref_squeeze %dma_start3A_141 : memref<1x80x128xi32, #tpu.memory_space<hbm>> -> memref<80x128xi32, #tpu.memory_space<hbm>>
        %dma_start3A_143 = arith.constant 40 : i32
        %dma_start3A_144 = arith.constant 0 : i32
        %dma_start3A_145 = tpu.memref_slice %dma_start3A_142[%dma_start3A_143, %dma_start3A_144] : memref<80x128xi32, #tpu.memory_space<hbm>> -> memref<40x128xi32, #tpu.memory_space<hbm>>
        tpu.enqueue_dma source(%dma_start3A_145 : memref<40x128xi32, #tpu.memory_space<hbm>>) target(%arg8 : memref<40x128xi32, #tpu.memory_space<vmem>>) target_semaphore(%run_scoped3A_131 : memref<!tpu.dma_semaphore, #tpu.memory_space<semaphore_mem>>)
        %dma_wait3A_146 = arith.constant 0 : i32
        %dma_wait3A_147 = arith.constant 0 : i32
        %dma_wait3A_148 = tpu.memref_slice %arg5[%run_scoped3A_130, %dma_wait3A_146, %dma_wait3A_147] : memref<2x80x128xi32, #tpu.memory_space<hbm>> -> memref<1x80x128xi32, #tpu.memory_space<hbm>>
        %dma_wait3A_149 = tpu.memref_squeeze %dma_wait3A_148 : memref<1x80x128xi32, #tpu.memory_space<hbm>> -> memref<80x128xi32, #tpu.memory_space<hbm>>
        %dma_wait3A_150 = arith.constant 40 : i32
        %dma_wait3A_151 = arith.constant 0 : i32
        %dma_wait3A_152 = tpu.memref_slice %dma_wait3A_149[%dma_wait3A_150, %dma_wait3A_151] : memref<80x128xi32, #tpu.memory_space<hbm>> -> memref<40x128xi32, #tpu.memory_space<hbm>>
        %dma_wait3A_153 = arith.constant 0 : i32
        %dma_wait3A_154 = arith.constant 0 : i32
        %dma_wait3A_155 = tpu.memref_slice %arg5[%run_scoped3A_130, %dma_wait3A_153, %dma_wait3A_154] : memref<2x80x128xi32, #tpu.memory_space<hbm>> -> memref<1x80x128xi32, #tpu.memory_space<hbm>>
        %dma_wait3A_156 = tpu.memref_squeeze %dma_wait3A_155 : memref<1x80x128xi32, #tpu.memory_space<hbm>> -> memref<80x128xi32, #tpu.memory_space<hbm>>
        %dma_wait3A_157 = arith.constant 40 : i32
        %dma_wait3A_158 = arith.constant 0 : i32
        %dma_wait3A_159 = tpu.memref_slice %dma_wait3A_156[%dma_wait3A_157, %dma_wait3A_158] : memref<80x128xi32, #tpu.memory_space<hbm>> -> memref<40x128xi32, #tpu.memory_space<hbm>>
        tpu.wait_dma2 semaphore(%run_scoped3A_131 : memref<!tpu.dma_semaphore, #tpu.memory_space<semaphore_mem>>) src(%dma_wait3A_159 : memref<40x128xi32, #tpu.memory_space<hbm>>) dst(%arg8 : memref<40x128xi32, #tpu.memory_space<vmem>>)
        tpu.yield
      }) : () -> ()
    } else {
    }
    %dma_start3A_86 = arith.constant 0 : i32
    %dma_start3A_87 = arith.constant 0 : i32
    %dma_start3A_88 = arith.constant 0 : i32
    %dma_start3A_89 = arith.constant 0 : i32
    %dma_start3A_90 = tpu.memref_slice %arg9[%dma_start3A_87, %dma_start3A_88, %dma_start3A_89] : memref<2x128x128xf32, #tpu.memory_space<vmem>> -> memref<1x128x128xf32, #tpu.memory_space<vmem>>
    %dma_start3A_91 = tpu.memref_squeeze %dma_start3A_90 : memref<1x128x128xf32, #tpu.memory_space<vmem>> -> memref<128x128xf32, #tpu.memory_space<vmem>>
    %dma_start3A_92 = arith.constant 0 : i32
    %dma_start3A_93 = tpu.memref_slice %arg7[%dma_start3A_86, %dma_start3A_92] : memref<40x128xi32, #tpu.memory_space<vmem>> -> memref<1x128xi32, #tpu.memory_space<vmem>>
    %dma_start3A_94 = tpu.memref_squeeze %dma_start3A_93 : memref<1x128xi32, #tpu.memory_space<vmem>> -> memref<128xi32, #tpu.memory_space<vmem>>
    %dma_start3A_95 = arith.constant 0 : i32
    %dma_start3A_96 = arith.constant 0 : i32
    %dma_start3A_97 = tpu.memref_slice %arg2[%dma_start3A_95, %dma_start3A_96] : memref<10240x128xf32, #tpu.memory_space<hbm>> -> memref<10240x128xf32, #tpu.memory_space<hbm>>
    tpu.enqueue_indirect_dma source(%dma_start3A_97 : memref<10240x128xf32, #tpu.memory_space<hbm>>) target(%dma_start3A_91 : memref<128x128xf32, #tpu.memory_space<vmem>>) offsets(%dma_start3A_94 : memref<128xi32, #tpu.memory_space<vmem>>) semaphore(%arg11 : memref<!tpu.dma_semaphore, #tpu.memory_space<semaphore_mem>>)
    %scan3A_98 = arith.constant 0 : i32
    %scan3A_99 = arith.constant 0 : i32
    %scan3A_100 = arith.constant 20 : i32
    %scan3A_101 = arith.addi %scan3A_99, %scan3A_100 : i32
    %scan3A_102 = arith.constant 1 : i32
    scf.for %scan3A_129 = %scan3A_99 to %scan3A_101 step %scan3A_102  : i32 {
      %mul3A_130 = arith.constant 2 : i32
      %mul3A_131 = arith.muli %scan3A_129, %mul3A_130 : i32
      %add3A_132 = arith.constant 0 : i32
      %add3A_133 = arith.addi %mul3A_131, %add3A_132 : i32
      %add3A_134 = arith.constant 1 : i32
      %add3A_135 = arith.addi %add3A_133, %add3A_134 : i32
      %lt3A_136 = arith.constant 40 : i32
      %lt3A_137 = arith.cmpi slt, %add3A_135, %lt3A_136 : i32
      %convert_element_type3A_138 = arith.extui %lt3A_137 : i1 to i32
      %cond3A_139 = arith.constant 0 : i32
      %cond3A_140 = arith.cmpi ne, %convert_element_type3A_138, %cond3A_139 : i32
      scf.if %cond3A_140 {
        %ge3A = arith.constant 1 : i32
        %ge3A_196 = arith.cmpi sge, %add3A_133, %ge3A : i32
        %convert_element_type3A_197 = arith.extui %ge3A_196 : i1 to i32
        %cond3A_198 = arith.constant 0 : i32
        %cond3A_199 = arith.cmpi ne, %convert_element_type3A_197, %cond3A_198 : i32
        scf.if %cond3A_199 {
          %sub3A = arith.constant 1 : i32
          %sub3A_213 = arith.subi %add3A_133, %sub3A : i32
          %dma_wait3A_214 = arith.constant 1 : i32
          %dma_wait3A_215 = arith.constant 0 : i32
          %dma_wait3A_216 = arith.constant 0 : i32
          %dma_wait3A_217 = tpu.memref_slice %arg9[%dma_wait3A_214, %dma_wait3A_215, %dma_wait3A_216] : memref<2x128x128xf32, #tpu.memory_space<vmem>> -> memref<1x128x128xf32, #tpu.memory_space<vmem>>
          %dma_wait3A_218 = tpu.memref_squeeze %dma_wait3A_217 : memref<1x128x128xf32, #tpu.memory_space<vmem>> -> memref<128x128xf32, #tpu.memory_space<vmem>>
          %dma_wait3A_219 = arith.constant 0 : i32
          %dma_wait3A_220 = tpu.memref_slice %arg8[%sub3A_213, %dma_wait3A_219] : memref<40x128xi32, #tpu.memory_space<vmem>> -> memref<1x128xi32, #tpu.memory_space<vmem>>
          %dma_wait3A_221 = tpu.memref_squeeze %dma_wait3A_220 : memref<1x128xi32, #tpu.memory_space<vmem>> -> memref<128xi32, #tpu.memory_space<vmem>>
          %dma_wait3A_222 = arith.constant 0 : i32
          %dma_wait3A_223 = arith.constant 0 : i32
          %dma_wait3A_224 = tpu.memref_slice %arg10[%dma_wait3A_222, %dma_wait3A_223] : memref<10240x128xf32, #tpu.memory_space<vmem_shared>> -> memref<10240x128xf32, #tpu.memory_space<vmem_shared>>
          tpu.wait_indirect_dma semaphore(%arg14 : memref<!tpu.dma_semaphore, #tpu.memory_space<semaphore_mem>>) src(%dma_wait3A_218 : memref<128x128xf32, #tpu.memory_space<vmem>>) dst(%dma_wait3A_224 : memref<10240x128xf32, #tpu.memory_space<vmem_shared>>)
        } else {
        }
        %add3A_200 = arith.constant 1 : i32
        %add3A_201 = arith.addi %add3A_133, %add3A_200 : i32
        %dma_start3A_202 = arith.constant 1 : i32
        %dma_start3A_203 = arith.constant 0 : i32
        %dma_start3A_204 = arith.constant 0 : i32
        %dma_start3A_205 = tpu.memref_slice %arg9[%dma_start3A_202, %dma_start3A_203, %dma_start3A_204] : memref<2x128x128xf32, #tpu.memory_space<vmem>> -> memref<1x128x128xf32, #tpu.memory_space<vmem>>
        %dma_start3A_206 = tpu.memref_squeeze %dma_start3A_205 : memref<1x128x128xf32, #tpu.memory_space<vmem>> -> memref<128x128xf32, #tpu.memory_space<vmem>>
        %dma_start3A_207 = arith.constant 0 : i32
        %dma_start3A_208 = tpu.memref_slice %arg7[%add3A_201, %dma_start3A_207] : memref<40x128xi32, #tpu.memory_space<vmem>> -> memref<1x128xi32, #tpu.memory_space<vmem>>
        %dma_start3A_209 = tpu.memref_squeeze %dma_start3A_208 : memref<1x128xi32, #tpu.memory_space<vmem>> -> memref<128xi32, #tpu.memory_space<vmem>>
        %dma_start3A_210 = arith.constant 0 : i32
        %dma_start3A_211 = arith.constant 0 : i32
        %dma_start3A_212 = tpu.memref_slice %arg2[%dma_start3A_210, %dma_start3A_211] : memref<10240x128xf32, #tpu.memory_space<hbm>> -> memref<10240x128xf32, #tpu.memory_space<hbm>>
        tpu.enqueue_indirect_dma source(%dma_start3A_212 : memref<10240x128xf32, #tpu.memory_space<hbm>>) target(%dma_start3A_206 : memref<128x128xf32, #tpu.memory_space<vmem>>) offsets(%dma_start3A_209 : memref<128xi32, #tpu.memory_space<vmem>>) semaphore(%arg12 : memref<!tpu.dma_semaphore, #tpu.memory_space<semaphore_mem>>)
      } else {
      }
      %dma_wait3A_141 = arith.constant 0 : i32
      %dma_wait3A_142 = arith.constant 0 : i32
      %dma_wait3A_143 = arith.constant 0 : i32
      %dma_wait3A_144 = tpu.memref_slice %arg9[%dma_wait3A_141, %dma_wait3A_142, %dma_wait3A_143] : memref<2x128x128xf32, #tpu.memory_space<vmem>> -> memref<1x128x128xf32, #tpu.memory_space<vmem>>
      %dma_wait3A_145 = tpu.memref_squeeze %dma_wait3A_144 : memref<1x128x128xf32, #tpu.memory_space<vmem>> -> memref<128x128xf32, #tpu.memory_space<vmem>>
      %dma_wait3A_146 = arith.constant 0 : i32
      %dma_wait3A_147 = tpu.memref_slice %arg7[%add3A_133, %dma_wait3A_146] : memref<40x128xi32, #tpu.memory_space<vmem>> -> memref<1x128xi32, #tpu.memory_space<vmem>>
      %dma_wait3A_148 = tpu.memref_squeeze %dma_wait3A_147 : memref<1x128xi32, #tpu.memory_space<vmem>> -> memref<128xi32, #tpu.memory_space<vmem>>
      %dma_wait3A_149 = arith.constant 0 : i32
      %dma_wait3A_150 = arith.constant 0 : i32
      %dma_wait3A_151 = tpu.memref_slice %arg2[%dma_wait3A_149, %dma_wait3A_150] : memref<10240x128xf32, #tpu.memory_space<hbm>> -> memref<10240x128xf32, #tpu.memory_space<hbm>>
      tpu.wait_indirect_dma semaphore(%arg11 : memref<!tpu.dma_semaphore, #tpu.memory_space<semaphore_mem>>) src(%dma_wait3A_151 : memref<10240x128xf32, #tpu.memory_space<hbm>>) dst(%dma_wait3A_145 : memref<128x128xf32, #tpu.memory_space<vmem>>)
      %dma_start3A_152 = arith.constant 0 : i32
      %dma_start3A_153 = arith.constant 0 : i32
      %dma_start3A_154 = arith.constant 0 : i32
      %dma_start3A_155 = tpu.memref_slice %arg9[%dma_start3A_152, %dma_start3A_153, %dma_start3A_154] : memref<2x128x128xf32, #tpu.memory_space<vmem>> -> memref<1x128x128xf32, #tpu.memory_space<vmem>>
      %dma_start3A_156 = tpu.memref_squeeze %dma_start3A_155 : memref<1x128x128xf32, #tpu.memory_space<vmem>> -> memref<128x128xf32, #tpu.memory_space<vmem>>
      %dma_start3A_157 = arith.constant 0 : i32
      %dma_start3A_158 = tpu.memref_slice %arg8[%add3A_133, %dma_start3A_157] : memref<40x128xi32, #tpu.memory_space<vmem>> -> memref<1x128xi32, #tpu.memory_space<vmem>>
      %dma_start3A_159 = tpu.memref_squeeze %dma_start3A_158 : memref<1x128xi32, #tpu.memory_space<vmem>> -> memref<128xi32, #tpu.memory_space<vmem>>
      %dma_start3A_160 = arith.constant 0 : i32
      %dma_start3A_161 = arith.constant 0 : i32
      %dma_start3A_162 = tpu.memref_slice %arg10[%dma_start3A_160, %dma_start3A_161] : memref<10240x128xf32, #tpu.memory_space<vmem_shared>> -> memref<10240x128xf32, #tpu.memory_space<vmem_shared>>
      tpu.enqueue_indirect_dma source(%dma_start3A_156 : memref<128x128xf32, #tpu.memory_space<vmem>>) target(%dma_start3A_162 : memref<10240x128xf32, #tpu.memory_space<vmem_shared>>) offsets(%dma_start3A_159 : memref<128xi32, #tpu.memory_space<vmem>>) semaphore(%arg13 : memref<!tpu.dma_semaphore, #tpu.memory_space<semaphore_mem>>) {add = true}
      %mul3A_163 = arith.constant 2 : i32
      %mul3A_164 = arith.muli %scan3A_129, %mul3A_163 : i32
      %add3A_165 = arith.constant 1 : i32
      %add3A_166 = arith.addi %mul3A_164, %add3A_165 : i32
      %add3A_167 = arith.constant 1 : i32
      %add3A_168 = arith.addi %add3A_166, %add3A_167 : i32
      %lt3A_169 = arith.constant 40 : i32
      %lt3A_170 = arith.cmpi slt, %add3A_168, %lt3A_169 : i32
      %convert_element_type3A_171 = arith.extui %lt3A_170 : i1 to i32
      %cond3A_172 = arith.constant 0 : i32
      %cond3A_173 = arith.cmpi ne, %convert_element_type3A_171, %cond3A_172 : i32
      scf.if %cond3A_173 {
        %ge3A = arith.constant 1 : i32
        %ge3A_196 = arith.cmpi sge, %add3A_166, %ge3A : i32
        %convert_element_type3A_197 = arith.extui %ge3A_196 : i1 to i32
        %cond3A_198 = arith.constant 0 : i32
        %cond3A_199 = arith.cmpi ne, %convert_element_type3A_197, %cond3A_198 : i32
        scf.if %cond3A_199 {
          %sub3A = arith.constant 1 : i32
          %sub3A_213 = arith.subi %add3A_166, %sub3A : i32
          %dma_wait3A_214 = arith.constant 0 : i32
          %dma_wait3A_215 = arith.constant 0 : i32
          %dma_wait3A_216 = arith.constant 0 : i32
          %dma_wait3A_217 = tpu.memref_slice %arg9[%dma_wait3A_214, %dma_wait3A_215, %dma_wait3A_216] : memref<2x128x128xf32, #tpu.memory_space<vmem>> -> memref<1x128x128xf32, #tpu.memory_space<vmem>>
          %dma_wait3A_218 = tpu.memref_squeeze %dma_wait3A_217 : memref<1x128x128xf32, #tpu.memory_space<vmem>> -> memref<128x128xf32, #tpu.memory_space<vmem>>
          %dma_wait3A_219 = arith.constant 0 : i32
          %dma_wait3A_220 = tpu.memref_slice %arg8[%sub3A_213, %dma_wait3A_219] : memref<40x128xi32, #tpu.memory_space<vmem>> -> memref<1x128xi32, #tpu.memory_space<vmem>>
          %dma_wait3A_221 = tpu.memref_squeeze %dma_wait3A_220 : memref<1x128xi32, #tpu.memory_space<vmem>> -> memref<128xi32, #tpu.memory_space<vmem>>
          %dma_wait3A_222 = arith.constant 0 : i32
          %dma_wait3A_223 = arith.constant 0 : i32
          %dma_wait3A_224 = tpu.memref_slice %arg10[%dma_wait3A_222, %dma_wait3A_223] : memref<10240x128xf32, #tpu.memory_space<vmem_shared>> -> memref<10240x128xf32, #tpu.memory_space<vmem_shared>>
          tpu.wait_indirect_dma semaphore(%arg13 : memref<!tpu.dma_semaphore, #tpu.memory_space<semaphore_mem>>) src(%dma_wait3A_218 : memref<128x128xf32, #tpu.memory_space<vmem>>) dst(%dma_wait3A_224 : memref<10240x128xf32, #tpu.memory_space<vmem_shared>>)
        } else {
        }
        %add3A_200 = arith.constant 1 : i32
        %add3A_201 = arith.addi %add3A_166, %add3A_200 : i32
        %dma_start3A_202 = arith.constant 0 : i32
        %dma_start3A_203 = arith.constant 0 : i32
        %dma_start3A_204 = arith.constant 0 : i32
        %dma_start3A_205 = tpu.memref_slice %arg9[%dma_start3A_202, %dma_start3A_203, %dma_start3A_204] : memref<2x128x128xf32, #tpu.memory_space<vmem>> -> memref<1x128x128xf32, #tpu.memory_space<vmem>>
        %dma_start3A_206 = tpu.memref_squeeze %dma_start3A_205 : memref<1x128x128xf32, #tpu.memory_space<vmem>> -> memref<128x128xf32, #tpu.memory_space<vmem>>
        %dma_start3A_207 = arith.constant 0 : i32
        %dma_start3A_208 = tpu.memref_slice %arg7[%add3A_201, %dma_start3A_207] : memref<40x128xi32, #tpu.memory_space<vmem>> -> memref<1x128xi32, #tpu.memory_space<vmem>>
        %dma_start3A_209 = tpu.memref_squeeze %dma_start3A_208 : memref<1x128xi32, #tpu.memory_space<vmem>> -> memref<128xi32, #tpu.memory_space<vmem>>
        %dma_start3A_210 = arith.constant 0 : i32
        %dma_start3A_211 = arith.constant 0 : i32
        %dma_start3A_212 = tpu.memref_slice %arg2[%dma_start3A_210, %dma_start3A_211] : memref<10240x128xf32, #tpu.memory_space<hbm>> -> memref<10240x128xf32, #tpu.memory_space<hbm>>
        tpu.enqueue_indirect_dma source(%dma_start3A_212 : memref<10240x128xf32, #tpu.memory_space<hbm>>) target(%dma_start3A_206 : memref<128x128xf32, #tpu.memory_space<vmem>>) offsets(%dma_start3A_209 : memref<128xi32, #tpu.memory_space<vmem>>) semaphore(%arg11 : memref<!tpu.dma_semaphore, #tpu.memory_space<semaphore_mem>>)
      } else {
      }
      %dma_wait3A_174 = arith.constant 1 : i32
      %dma_wait3A_175 = arith.constant 0 : i32
      %dma_wait3A_176 = arith.constant 0 : i32
      %dma_wait3A_177 = tpu.memref_slice %arg9[%dma_wait3A_174, %dma_wait3A_175, %dma_wait3A_176] : memref<2x128x128xf32, #tpu.memory_space<vmem>> -> memref<1x128x128xf32, #tpu.memory_space<vmem>>
      %dma_wait3A_178 = tpu.memref_squeeze %dma_wait3A_177 : memref<1x128x128xf32, #tpu.memory_space<vmem>> -> memref<128x128xf32, #tpu.memory_space<vmem>>
      %dma_wait3A_179 = arith.constant 0 : i32
      %dma_wait3A_180 = tpu.memref_slice %arg7[%add3A_166, %dma_wait3A_179] : memref<40x128xi32, #tpu.memory_space<vmem>> -> memref<1x128xi32, #tpu.memory_space<vmem>>
      %dma_wait3A_181 = tpu.memref_squeeze %dma_wait3A_180 : memref<1x128xi32, #tpu.memory_space<vmem>> -> memref<128xi32, #tpu.memory_space<vmem>>
      %dma_wait3A_182 = arith.constant 0 : i32
      %dma_wait3A_183 = arith.constant 0 : i32
      %dma_wait3A_184 = tpu.memref_slice %arg2[%dma_wait3A_182, %dma_wait3A_183] : memref<10240x128xf32, #tpu.memory_space<hbm>> -> memref<10240x128xf32, #tpu.memory_space<hbm>>
      tpu.wait_indirect_dma semaphore(%arg12 : memref<!tpu.dma_semaphore, #tpu.memory_space<semaphore_mem>>) src(%dma_wait3A_184 : memref<10240x128xf32, #tpu.memory_space<hbm>>) dst(%dma_wait3A_178 : memref<128x128xf32, #tpu.memory_space<vmem>>)
      %dma_start3A_185 = arith.constant 1 : i32
      %dma_start3A_186 = arith.constant 0 : i32
      %dma_start3A_187 = arith.constant 0 : i32
      %dma_start3A_188 = tpu.memref_slice %arg9[%dma_start3A_185, %dma_start3A_186, %dma_start3A_187] : memref<2x128x128xf32, #tpu.memory_space<vmem>> -> memref<1x128x128xf32, #tpu.memory_space<vmem>>
      %dma_start3A_189 = tpu.memref_squeeze %dma_start3A_188 : memref<1x128x128xf32, #tpu.memory_space<vmem>> -> memref<128x128xf32, #tpu.memory_space<vmem>>
      %dma_start3A_190 = arith.constant 0 : i32
      %dma_start3A_191 = tpu.memref_slice %arg8[%add3A_166, %dma_start3A_190] : memref<40x128xi32, #tpu.memory_space<vmem>> -> memref<1x128xi32, #tpu.memory_space<vmem>>
      %dma_start3A_192 = tpu.memref_squeeze %dma_start3A_191 : memref<1x128xi32, #tpu.memory_space<vmem>> -> memref<128xi32, #tpu.memory_space<vmem>>
      %dma_start3A_193 = arith.constant 0 : i32
      %dma_start3A_194 = arith.constant 0 : i32
      %dma_start3A_195 = tpu.memref_slice %arg10[%dma_start3A_193, %dma_start3A_194] : memref<10240x128xf32, #tpu.memory_space<vmem_shared>> -> memref<10240x128xf32, #tpu.memory_space<vmem_shared>>
      tpu.enqueue_indirect_dma source(%dma_start3A_189 : memref<128x128xf32, #tpu.memory_space<vmem>>) target(%dma_start3A_195 : memref<10240x128xf32, #tpu.memory_space<vmem_shared>>) offsets(%dma_start3A_192 : memref<128xi32, #tpu.memory_space<vmem>>) semaphore(%arg14 : memref<!tpu.dma_semaphore, #tpu.memory_space<semaphore_mem>>) {add = true}
    }
    %scan3A_103 = arith.constant 20 : i32
    %dma_wait3A_104 = arith.constant 0 : i32
    %dma_wait3A_105 = arith.constant 38 : i32
    %dma_wait3A_106 = arith.constant 0 : i32
    %dma_wait3A_107 = arith.constant 0 : i32
    %dma_wait3A_108 = tpu.memref_slice %arg9[%dma_wait3A_104, %dma_wait3A_106, %dma_wait3A_107] : memref<2x128x128xf32, #tpu.memory_space<vmem>> -> memref<1x128x128xf32, #tpu.memory_space<vmem>>
    %dma_wait3A_109 = tpu.memref_squeeze %dma_wait3A_108 : memref<1x128x128xf32, #tpu.memory_space<vmem>> -> memref<128x128xf32, #tpu.memory_space<vmem>>
    %dma_wait3A_110 = arith.constant 0 : i32
    %dma_wait3A_111 = tpu.memref_slice %arg8[%dma_wait3A_105, %dma_wait3A_110] : memref<40x128xi32, #tpu.memory_space<vmem>> -> memref<1x128xi32, #tpu.memory_space<vmem>>
    %dma_wait3A_112 = tpu.memref_squeeze %dma_wait3A_111 : memref<1x128xi32, #tpu.memory_space<vmem>> -> memref<128xi32, #tpu.memory_space<vmem>>
    %dma_wait3A_113 = arith.constant 0 : i32
    %dma_wait3A_114 = arith.constant 0 : i32
    %dma_wait3A_115 = tpu.memref_slice %arg10[%dma_wait3A_113, %dma_wait3A_114] : memref<10240x128xf32, #tpu.memory_space<vmem_shared>> -> memref<10240x128xf32, #tpu.memory_space<vmem_shared>>
    tpu.wait_indirect_dma semaphore(%arg13 : memref<!tpu.dma_semaphore, #tpu.memory_space<semaphore_mem>>) src(%dma_wait3A_109 : memref<128x128xf32, #tpu.memory_space<vmem>>) dst(%dma_wait3A_115 : memref<10240x128xf32, #tpu.memory_space<vmem_shared>>)
    %dma_wait3A_116 = arith.constant 1 : i32
    %dma_wait3A_117 = arith.constant 39 : i32
    %dma_wait3A_118 = arith.constant 0 : i32
    %dma_wait3A_119 = arith.constant 0 : i32
    %dma_wait3A_120 = tpu.memref_slice %arg9[%dma_wait3A_116, %dma_wait3A_118, %dma_wait3A_119] : memref<2x128x128xf32, #tpu.memory_space<vmem>> -> memref<1x128x128xf32, #tpu.memory_space<vmem>>
    %dma_wait3A_121 = tpu.memref_squeeze %dma_wait3A_120 : memref<1x128x128xf32, #tpu.memory_space<vmem>> -> memref<128x128xf32, #tpu.memory_space<vmem>>
    %dma_wait3A_122 = arith.constant 0 : i32
    %dma_wait3A_123 = tpu.memref_slice %arg8[%dma_wait3A_117, %dma_wait3A_122] : memref<40x128xi32, #tpu.memory_space<vmem>> -> memref<1x128xi32, #tpu.memory_space<vmem>>
    %dma_wait3A_124 = tpu.memref_squeeze %dma_wait3A_123 : memref<1x128xi32, #tpu.memory_space<vmem>> -> memref<128xi32, #tpu.memory_space<vmem>>
    %dma_wait3A_125 = arith.constant 0 : i32
    %dma_wait3A_126 = arith.constant 0 : i32
    %dma_wait3A_127 = tpu.memref_slice %arg10[%dma_wait3A_125, %dma_wait3A_126] : memref<10240x128xf32, #tpu.memory_space<vmem_shared>> -> memref<10240x128xf32, #tpu.memory_space<vmem_shared>>
    tpu.wait_indirect_dma semaphore(%arg14 : memref<!tpu.dma_semaphore, #tpu.memory_space<semaphore_mem>>) src(%dma_wait3A_121 : memref<128x128xf32, #tpu.memory_space<vmem>>) dst(%dma_wait3A_127 : memref<10240x128xf32, #tpu.memory_space<vmem_shared>>)
    %barrier3A_128 = arith.constant 0 : index
    tpu.barrier barrier_id(%barrier3A_128)
    "tpu.region"() ({
      %run_scoped3A_129 = tpu.sem_alloc : memref<!tpu.dma_semaphore, #tpu.memory_space<semaphore_mem>>
      %dma_start3A_130 = arith.constant 0 : i32
      %dma_start3A_131 = arith.constant 0 : i32
      %dma_start3A_132 = tpu.memref_slice %arg6[%arg0, %dma_start3A_130, %dma_start3A_131] : memref<2x10240x128xf32, #tpu.memory_space<hbm>> -> memref<1x10240x128xf32, #tpu.memory_space<hbm>>
      %dma_start3A_133 = tpu.memref_squeeze %dma_start3A_132 : memref<1x10240x128xf32, #tpu.memory_space<hbm>> -> memref<10240x128xf32, #tpu.memory_space<hbm>>
      %dma_start3A_134 = arith.constant 0 : i32
      %dma_start3A_135 = tpu.memref_slice %dma_start3A_133[%mul3A_7, %dma_start3A_134] : memref<10240x128xf32, #tpu.memory_space<hbm>> -> memref<640x128xf32, #tpu.memory_space<hbm>>
      %dma_start3A_136 = arith.constant 0 : i32
      %dma_start3A_137 = tpu.memref_slice %arg10[%mul3A_7, %dma_start3A_136] : memref<10240x128xf32, #tpu.memory_space<vmem_shared>> -> memref<640x128xf32, #tpu.memory_space<vmem_shared>>
      tpu.enqueue_dma source(%dma_start3A_137 : memref<640x128xf32, #tpu.memory_space<vmem_shared>>) target(%dma_start3A_135 : memref<640x128xf32, #tpu.memory_space<hbm>>) target_semaphore(%run_scoped3A_129 : memref<!tpu.dma_semaphore, #tpu.memory_space<semaphore_mem>>)
      %dma_wait3A_138 = arith.constant 0 : i32
      %dma_wait3A_139 = arith.constant 0 : i32
      %dma_wait3A_140 = tpu.memref_slice %arg6[%arg0, %dma_wait3A_138, %dma_wait3A_139] : memref<2x10240x128xf32, #tpu.memory_space<hbm>> -> memref<1x10240x128xf32, #tpu.memory_space<hbm>>
      %dma_wait3A_141 = tpu.memref_squeeze %dma_wait3A_140 : memref<1x10240x128xf32, #tpu.memory_space<hbm>> -> memref<10240x128xf32, #tpu.memory_space<hbm>>
      %dma_wait3A_142 = arith.constant 0 : i32
      %dma_wait3A_143 = tpu.memref_slice %dma_wait3A_141[%mul3A_7, %dma_wait3A_142] : memref<10240x128xf32, #tpu.memory_space<hbm>> -> memref<640x128xf32, #tpu.memory_space<hbm>>
      %dma_wait3A_144 = arith.constant 0 : i32
      %dma_wait3A_145 = tpu.memref_slice %arg10[%mul3A_7, %dma_wait3A_144] : memref<10240x128xf32, #tpu.memory_space<vmem_shared>> -> memref<640x128xf32, #tpu.memory_space<vmem_shared>>
      tpu.wait_dma2 semaphore(%run_scoped3A_129 : memref<!tpu.dma_semaphore, #tpu.memory_space<semaphore_mem>>) src(%dma_wait3A_145 : memref<640x128xf32, #tpu.memory_space<vmem_shared>>) dst(%dma_wait3A_143 : memref<640x128xf32, #tpu.memory_space<hbm>>)
      tpu.yield
    }) : () -> ()
    return
  }
}

module attributes {stable_mosaic.version = 14 : i64} {
  func.func @_mma_body(%arg0: i32, %arg1: memref<2048x128xf32, #tpu.memory_space<vmem>>, %arg2: memref<128x128xf32, #tpu.memory_space<vmem>>, %arg3: memref<2048x128xf32, #tpu.memory_space<vmem>>) attributes {dimension_semantics = [#tpu.dimension_semantics<arbitrary>], iteration_bounds = array<i64: 5>, scalar_prefetch = 0 : i64, scratch_operands = 0 : i64, tpu.core_type = #tpu.core_type<tc>, window_params = [{transform_indices = @transform_0, window_bounds = array<i64: 2048, 128>}, {pipeline_mode = #tpu.pipeline_mode<synchronous>, transform_indices = @transform_1, window_bounds = array<i64: 128, 128>}, {transform_indices = @transform_2, window_bounds = array<i64: 2048, 128>}]} {
    %get3A = arith.constant 0 : index
    %get3A_0 = arith.constant 0 : index
    %get3A_1 = vector.load %arg1[%get3A, %get3A_0] : memref<2048x128xf32, #tpu.memory_space<vmem>>, vector<2048x128xf32>
    %get3A_2 = arith.constant 0 : index
    %get3A_3 = arith.constant 0 : index
    %get3A_4 = vector.load %arg2[%get3A_2, %get3A_3] : memref<128x128xf32, #tpu.memory_space<vmem>>, vector<128x128xf32>
    %dot_general3A = arith.constant dense<0.000000e+00> : vector<2048x128xf32>
    %dot_general3A_5 = tpu.matmul %get3A_1, %get3A_4, %dot_general3A {dimension_numbers = #tpu.dot_dimension_numbers<[1], [0], [0], [1], [0, 0, 1, 1], [], []>, transpose_lhs_hint = false} : vector<2048x128xf32>, vector<128x128xf32>, vector<2048x128xf32> -> vector<2048x128xf32>
    %swap3A = arith.constant 0 : index
    %swap3A_6 = arith.constant 0 : index
    %swap3A_7 = vector.load %arg3[%swap3A, %swap3A_6] : memref<2048x128xf32, #tpu.memory_space<vmem>>, vector<2048x128xf32>
    tpu.vector_store %arg3[%swap3A, %swap3A_6], %dot_general3A_5 {strides = array<i32>} : memref<2048x128xf32, #tpu.memory_space<vmem>>, vector<2048x128xf32>,
    return
  }
  func.func @transform_0(%arg0: i32) -> (i32, i32) {
    %c0_i32 = arith.constant 0 : i32
    %c0_i32_0 = arith.constant 0 : i32
    return %arg0, %c0_i32 : i32, i32
  }
  func.func @transform_1(%arg0: i32) -> (i32, i32) {
    %c0_i32 = arith.constant 0 : i32
    %c0_i32_0 = arith.constant 0 : i32
    %c0_i32_1 = arith.constant 0 : i32
    return %c0_i32, %c0_i32_0 : i32, i32
  }
  func.func @transform_2(%arg0: i32) -> (i32, i32) {
    %c0_i32 = arith.constant 0 : i32
    %c0_i32_0 = arith.constant 0 : i32
    return %arg0, %c0_i32 : i32, i32
  }
}

module attributes {stable_mosaic.version = 14 : i64} {
  func.func @_mmb_body(%arg0: i32, %arg1: memref<2048x128xf32, #tpu.memory_space<vmem>>, %arg2: memref<2x2048xf32, #tpu.memory_space<vmem>>, %arg3: memref<2048x128xf32, #tpu.memory_space<vmem>>, %arg4: memref<2048x1xf32, #tpu.memory_space<vmem>>) attributes {dimension_semantics = [#tpu.dimension_semantics<arbitrary>], iteration_bounds = array<i64: 5>, scalar_prefetch = 0 : i64, scratch_operands = 0 : i64, tpu.core_type = #tpu.core_type<tc>, window_params = [{transform_indices = @transform_0, window_bounds = array<i64: 2048, 128>}, {transform_indices = @transform_1, window_bounds = array<i64: 2, 2048>}, {transform_indices = @transform_2, window_bounds = array<i64: 2048, 128>}, {transform_indices = @transform_3, window_bounds = array<i64: 2048, 1>}]} {
    %get3A = arith.constant 0 : index
    %get3A_0 = arith.constant 0 : index
    %get3A_1 = vector.load %arg2[%get3A, %get3A_0] : memref<2x2048xf32, #tpu.memory_space<vmem>>, vector<1x2048xf32>
    %get3A_2 = vector.shape_cast %get3A_1 : vector<1x2048xf32> to vector<2048xf32>
    %get3A_3 = arith.constant 1 : index
    %get3A_4 = arith.constant 0 : index
    %get3A_5 = vector.load %arg2[%get3A_3, %get3A_4] : memref<2x2048xf32, #tpu.memory_space<vmem>>, vector<1x2048xf32>
    %get3A_6 = vector.shape_cast %get3A_5 : vector<1x2048xf32> to vector<2048xf32>
    %add3A = arith.addf %get3A_2, %get3A_6 : vector<2048xf32>
    %add3A_7 = arith.constant 1.000000e+00 : f32
    %add3A_8 = vector.broadcast %add3A_7 : f32 to vector<2048xf32>
    %add3A_9 = arith.addf %add3A, %add3A_8 : vector<2048xf32>
    %rsqrt3A = math.rsqrt %add3A_9 : vector<2048xf32>
    %broadcast_in_dim3A = vector.shape_cast %rsqrt3A : vector<2048xf32> to vector<2048x1xf32>
    %get3A_10 = arith.constant 0 : index
    %get3A_11 = arith.constant 0 : index
    %get3A_12 = vector.load %arg1[%get3A_10, %get3A_11] : memref<2048x128xf32, #tpu.memory_space<vmem>>, vector<2048x128xf32>
    %mul3A = vector.broadcast %broadcast_in_dim3A : vector<2048x1xf32> to vector<2048x128xf32>
    %mul3A_13 = arith.mulf %get3A_12, %mul3A : vector<2048x128xf32>
    %swap3A = arith.constant 0 : index
    %swap3A_14 = arith.constant 0 : index
    %swap3A_15 = vector.load %arg3[%swap3A, %swap3A_14] : memref<2048x128xf32, #tpu.memory_space<vmem>>, vector<2048x128xf32>
    tpu.vector_store %arg3[%swap3A, %swap3A_14], %mul3A_13 {strides = array<i32>} : memref<2048x128xf32, #tpu.memory_space<vmem>>, vector<2048x128xf32>,
    %swap3A_16 = arith.constant 0 : index
    %swap3A_17 = arith.constant 0 : index
    %swap3A_18 = vector.load %arg4[%swap3A_16, %swap3A_17] : memref<2048x1xf32, #tpu.memory_space<vmem>>, vector<2048x1xf32>
    tpu.vector_store %arg4[%swap3A_16, %swap3A_17], %broadcast_in_dim3A {strides = array<i32>} : memref<2048x1xf32, #tpu.memory_space<vmem>>, vector<2048x1xf32>,
    return
  }
  func.func @transform_0(%arg0: i32) -> (i32, i32) {
    %c0_i32 = arith.constant 0 : i32
    %c0_i32_0 = arith.constant 0 : i32
    return %arg0, %c0_i32 : i32, i32
  }
  func.func @transform_1(%arg0: i32) -> (i32, i32) {
    %c0_i32 = arith.constant 0 : i32
    %c0_i32_0 = arith.constant 0 : i32
    return %c0_i32, %arg0 : i32, i32
  }
  func.func @transform_2(%arg0: i32) -> (i32, i32) {
    %c0_i32 = arith.constant 0 : i32
    %c0_i32_0 = arith.constant 0 : i32
    return %arg0, %c0_i32 : i32, i32
  }
  func.func @transform_3(%arg0: i32) -> (i32, i32) {
    %c0_i32 = arith.constant 0 : i32
    %c0_i32_0 = arith.constant 0 : i32
    return %arg0, %c0_i32 : i32, i32
  }
}

module attributes {stable_mosaic.version = 14 : i64} {
  func.func @_mid_body(%arg0: i32, %arg1: memref<2x2048x128xf32, #tpu.memory_space<vmem>>, %arg2: memref<2048x128xf32, #tpu.memory_space<vmem>>, %arg3: memref<2048x1xf32, #tpu.memory_space<vmem>>, %arg4: memref<1x128xf32, #tpu.memory_space<vmem>>, %arg5: memref<128x128xf32, #tpu.memory_space<vmem>>, %arg6: memref<2048x128xf32, #tpu.memory_space<vmem>>, %arg7: memref<2048x128xf32, #tpu.memory_space<vmem>>) attributes {dimension_semantics = [#tpu.dimension_semantics<arbitrary>], iteration_bounds = array<i64: 5>, scalar_prefetch = 0 : i64, scratch_operands = 0 : i64, tpu.core_type = #tpu.core_type<tc>, window_params = [{transform_indices = @transform_0, window_bounds = array<i64: 2, 2048, 128>}, {transform_indices = @transform_1, window_bounds = array<i64: 2048, 128>}, {transform_indices = @transform_2, window_bounds = array<i64: 2048, 1>}, {pipeline_mode = #tpu.pipeline_mode<synchronous>, transform_indices = @transform_3, window_bounds = array<i64: 1, 128>}, {pipeline_mode = #tpu.pipeline_mode<synchronous>, transform_indices = @transform_4, window_bounds = array<i64: 128, 128>}, {transform_indices = @transform_5, window_bounds = array<i64: 2048, 128>}, {transform_indices = @transform_6, window_bounds = array<i64: 2048, 128>}]} {
    %get3A = arith.constant 0 : index
    %get3A_0 = arith.constant 0 : index
    %get3A_1 = arith.constant 0 : index
    %get3A_2 = vector.load %arg1[%get3A, %get3A_0, %get3A_1] : memref<2x2048x128xf32, #tpu.memory_space<vmem>>, vector<1x2048x128xf32>
    %get3A_3 = vector.shape_cast %get3A_2 : vector<1x2048x128xf32> to vector<2048x128xf32>
    %get3A_4 = arith.constant 1 : index
    %get3A_5 = arith.constant 0 : index
    %get3A_6 = arith.constant 0 : index
    %get3A_7 = vector.load %arg1[%get3A_4, %get3A_5, %get3A_6] : memref<2x2048x128xf32, #tpu.memory_space<vmem>>, vector<1x2048x128xf32>
    %get3A_8 = vector.shape_cast %get3A_7 : vector<1x2048x128xf32> to vector<2048x128xf32>
    %add3A = arith.addf %get3A_3, %get3A_8 : vector<2048x128xf32>
    %get3A_9 = arith.constant 0 : index
    %get3A_10 = arith.constant 0 : index
    %get3A_11 = vector.load %arg3[%get3A_9, %get3A_10] : memref<2048x1xf32, #tpu.memory_space<vmem>>, vector<2048x1xf32>
    %mul3A = vector.broadcast %get3A_11 : vector<2048x1xf32> to vector<2048x128xf32>
    %mul3A_12 = arith.mulf %add3A, %mul3A : vector<2048x128xf32>
    %get3A_13 = arith.constant 0 : index
    %get3A_14 = arith.constant 0 : index
    %get3A_15 = vector.load %arg2[%get3A_13, %get3A_14] : memref<2048x128xf32, #tpu.memory_space<vmem>>, vector<2048x128xf32>
    %mul3A_16 = arith.mulf %get3A_11, %get3A_11 : vector<2048x1xf32>
    %mul3A_17 = vector.broadcast %mul3A_16 : vector<2048x1xf32> to vector<2048x128xf32>
    %mul3A_18 = arith.mulf %get3A_15, %mul3A_17 : vector<2048x128xf32>
    %add3A_19 = arith.addf %mul3A_12, %mul3A_18 : vector<2048x128xf32>
    %get3A_20 = arith.constant 0 : index
    %get3A_21 = arith.constant 0 : index
    %get3A_22 = vector.load %arg4[%get3A_20, %get3A_21] : memref<1x128xf32, #tpu.memory_space<vmem>>, vector<1x128xf32>
    %add3A_23 = vector.broadcast %get3A_22 : vector<1x128xf32> to vector<2048x128xf32>
    %add3A_24 = arith.addf %add3A_19, %add3A_23 : vector<2048x128xf32>
    %max3A = arith.constant 0.000000e+00 : f32
    %max3A_25 = vector.broadcast %max3A : f32 to vector<2048x128xf32>
    %max3A_26 = arith.maximumf %add3A_24, %max3A_25 : vector<2048x128xf32>
    %get3A_27 = arith.constant 0 : index
    %get3A_28 = arith.constant 0 : index
    %get3A_29 = vector.load %arg5[%get3A_27, %get3A_28] : memref<128x128xf32, #tpu.memory_space<vmem>>, vector<128x128xf32>
    %dot_general3A = arith.constant dense<0.000000e+00> : vector<2048x128xf32>
    %dot_general3A_30 = tpu.matmul %max3A_26, %get3A_29, %dot_general3A {dimension_numbers = #tpu.dot_dimension_numbers<[1], [0], [0], [1], [0, 0, 1, 1], [], []>, transpose_lhs_hint = false} : vector<2048x128xf32>, vector<128x128xf32>, vector<2048x128xf32> -> vector<2048x128xf32>
    %swap3A = arith.constant 0 : index
    %swap3A_31 = arith.constant 0 : index
    %swap3A_32 = vector.load %arg6[%swap3A, %swap3A_31] : memref<2048x128xf32, #tpu.memory_space<vmem>>, vector<2048x128xf32>
    tpu.vector_store %arg6[%swap3A, %swap3A_31], %dot_general3A_30 {strides = array<i32>} : memref<2048x128xf32, #tpu.memory_space<vmem>>, vector<2048x128xf32>,
    %mul3A_33 = vector.broadcast %get3A_11 : vector<2048x1xf32> to vector<2048x128xf32>
    %mul3A_34 = arith.mulf %dot_general3A_30, %mul3A_33 : vector<2048x128xf32>
    %swap3A_35 = arith.constant 0 : index
    %swap3A_36 = arith.constant 0 : index
    %swap3A_37 = vector.load %arg7[%swap3A_35, %swap3A_36] : memref<2048x128xf32, #tpu.memory_space<vmem>>, vector<2048x128xf32>
    tpu.vector_store %arg7[%swap3A_35, %swap3A_36], %mul3A_34 {strides = array<i32>} : memref<2048x128xf32, #tpu.memory_space<vmem>>, vector<2048x128xf32>,
    return
  }
  func.func @transform_0(%arg0: i32) -> (i32, i32, i32) {
    %c0_i32 = arith.constant 0 : i32
    %c0_i32_0 = arith.constant 0 : i32
    %c0_i32_1 = arith.constant 0 : i32
    return %c0_i32, %arg0, %c0_i32_0 : i32, i32, i32
  }
  func.func @transform_1(%arg0: i32) -> (i32, i32) {
    %c0_i32 = arith.constant 0 : i32
    %c0_i32_0 = arith.constant 0 : i32
    return %arg0, %c0_i32 : i32, i32
  }
  func.func @transform_2(%arg0: i32) -> (i32, i32) {
    %c0_i32 = arith.constant 0 : i32
    %c0_i32_0 = arith.constant 0 : i32
    return %arg0, %c0_i32 : i32, i32
  }
  func.func @transform_3(%arg0: i32) -> (i32, i32) {
    %c0_i32 = arith.constant 0 : i32
    %c0_i32_0 = arith.constant 0 : i32
    %c0_i32_1 = arith.constant 0 : i32
    return %c0_i32, %c0_i32_0 : i32, i32
  }
  func.func @transform_4(%arg0: i32) -> (i32, i32) {
    %c0_i32 = arith.constant 0 : i32
    %c0_i32_0 = arith.constant 0 : i32
    %c0_i32_1 = arith.constant 0 : i32
    return %c0_i32, %c0_i32_0 : i32, i32
  }
  func.func @transform_5(%arg0: i32) -> (i32, i32) {
    %c0_i32 = arith.constant 0 : i32
    %c0_i32_0 = arith.constant 0 : i32
    return %arg0, %c0_i32 : i32, i32
  }
  func.func @transform_6(%arg0: i32) -> (i32, i32) {
    %c0_i32 = arith.constant 0 : i32
    %c0_i32_0 = arith.constant 0 : i32
    return %arg0, %c0_i32 : i32, i32
  }
}

module attributes {stable_mosaic.version = 14 : i64} {
  func.func @_fin_body(%arg0: i32, %arg1: memref<2x2048x128xf32, #tpu.memory_space<vmem>>, %arg2: memref<2048x128xf32, #tpu.memory_space<vmem>>, %arg3: memref<2048x1xf32, #tpu.memory_space<vmem>>, %arg4: memref<1x128xf32, #tpu.memory_space<vmem>>, %arg5: memref<2048x128xf32, #tpu.memory_space<vmem>>) attributes {dimension_semantics = [#tpu.dimension_semantics<arbitrary>], iteration_bounds = array<i64: 5>, scalar_prefetch = 0 : i64, scratch_operands = 0 : i64, tpu.core_type = #tpu.core_type<tc>, window_params = [{transform_indices = @transform_0, window_bounds = array<i64: 2, 2048, 128>}, {transform_indices = @transform_1, window_bounds = array<i64: 2048, 128>}, {transform_indices = @transform_2, window_bounds = array<i64: 2048, 1>}, {pipeline_mode = #tpu.pipeline_mode<synchronous>, transform_indices = @transform_3, window_bounds = array<i64: 1, 128>}, {transform_indices = @transform_4, window_bounds = array<i64: 2048, 128>}]} {
    %get3A = arith.constant 0 : index
    %get3A_0 = arith.constant 0 : index
    %get3A_1 = arith.constant 0 : index
    %get3A_2 = vector.load %arg1[%get3A, %get3A_0, %get3A_1] : memref<2x2048x128xf32, #tpu.memory_space<vmem>>, vector<1x2048x128xf32>
    %get3A_3 = vector.shape_cast %get3A_2 : vector<1x2048x128xf32> to vector<2048x128xf32>
    %get3A_4 = arith.constant 1 : index
    %get3A_5 = arith.constant 0 : index
    %get3A_6 = arith.constant 0 : index
    %get3A_7 = vector.load %arg1[%get3A_4, %get3A_5, %get3A_6] : memref<2x2048x128xf32, #tpu.memory_space<vmem>>, vector<1x2048x128xf32>
    %get3A_8 = vector.shape_cast %get3A_7 : vector<1x2048x128xf32> to vector<2048x128xf32>
    %add3A = arith.addf %get3A_3, %get3A_8 : vector<2048x128xf32>
    %get3A_9 = arith.constant 0 : index
    %get3A_10 = arith.constant 0 : index
    %get3A_11 = vector.load %arg3[%get3A_9, %get3A_10] : memref<2048x1xf32, #tpu.memory_space<vmem>>, vector<2048x1xf32>
    %mul3A = vector.broadcast %get3A_11 : vector<2048x1xf32> to vector<2048x128xf32>
    %mul3A_12 = arith.mulf %add3A, %mul3A : vector<2048x128xf32>
    %get3A_13 = arith.constant 0 : index
    %get3A_14 = arith.constant 0 : index
    %get3A_15 = vector.load %arg2[%get3A_13, %get3A_14] : memref<2048x128xf32, #tpu.memory_space<vmem>>, vector<2048x128xf32>
    %mul3A_16 = arith.mulf %get3A_11, %get3A_11 : vector<2048x1xf32>
    %mul3A_17 = vector.broadcast %mul3A_16 : vector<2048x1xf32> to vector<2048x128xf32>
    %mul3A_18 = arith.mulf %get3A_15, %mul3A_17 : vector<2048x128xf32>
    %add3A_19 = arith.addf %mul3A_12, %mul3A_18 : vector<2048x128xf32>
    %get3A_20 = arith.constant 0 : index
    %get3A_21 = arith.constant 0 : index
    %get3A_22 = vector.load %arg4[%get3A_20, %get3A_21] : memref<1x128xf32, #tpu.memory_space<vmem>>, vector<1x128xf32>
    %add3A_23 = vector.broadcast %get3A_22 : vector<1x128xf32> to vector<2048x128xf32>
    %add3A_24 = arith.addf %add3A_19, %add3A_23 : vector<2048x128xf32>
    %swap3A = arith.constant 0 : index
    %swap3A_25 = arith.constant 0 : index
    %swap3A_26 = vector.load %arg5[%swap3A, %swap3A_25] : memref<2048x128xf32, #tpu.memory_space<vmem>>, vector<2048x128xf32>
    tpu.vector_store %arg5[%swap3A, %swap3A_25], %add3A_24 {strides = array<i32>} : memref<2048x128xf32, #tpu.memory_space<vmem>>, vector<2048x128xf32>,
    return
  }
  func.func @transform_0(%arg0: i32) -> (i32, i32, i32) {
    %c0_i32 = arith.constant 0 : i32
    %c0_i32_0 = arith.constant 0 : i32
    %c0_i32_1 = arith.constant 0 : i32
    return %c0_i32, %arg0, %c0_i32_0 : i32, i32, i32
  }
  func.func @transform_1(%arg0: i32) -> (i32, i32) {
    %c0_i32 = arith.constant 0 : i32
    %c0_i32_0 = arith.constant 0 : i32
    return %arg0, %c0_i32 : i32, i32
  }
  func.func @transform_2(%arg0: i32) -> (i32, i32) {
    %c0_i32 = arith.constant 0 : i32
    %c0_i32_0 = arith.constant 0 : i32
    return %arg0, %c0_i32 : i32, i32
  }
  func.func @transform_3(%arg0: i32) -> (i32, i32) {
    %c0_i32 = arith.constant 0 : i32
    %c0_i32_0 = arith.constant 0 : i32
    %c0_i32_1 = arith.constant 0 : i32
    return %c0_i32, %c0_i32_0 : i32, i32
  }
  func.func @transform_4(%arg0: i32) -> (i32, i32) {
    %c0_i32 = arith.constant 0 : i32
    %c0_i32_0 = arith.constant 0 : i32
    return %arg0, %c0_i32 : i32, i32
  }
}

</mosaic_0001>

<sc_bundles>
// kernel: kernel.12.cloned.1.call-start
scs
__scs_entry_jumppad:
0x0: {  	(pc) =	sbr.rel $0x88, $3  }
0x1: {  	(tag) =	ssettag $0x0;
	lr =	simm.s32 $0x1  }
0x2: {  	[smem:$0x3F9B] =	sst lr;
	_ =	strace $0xD0000000  }
0x3: {  	_ = 	snop  }
0x4: {  	_ = 	snop  }
0x5: {  	_ = 	snop  }
0x6: {  	_ = 	snop  }
0x7: {  	_ = 	snop  }
__scs_overlays_trampoline_lowered:
0x8: {  	[smem:$0x3FAA] =	sst s0  }
0x9: {  	[smem:$0x3FAB] =	sst s1  }
0xa: {  	[smem:$0x3FAC] =	sst s2  }
0xb: {  	[smem:$0x3FAD] =	sst s3  }
0xc: {  	[smem:$0x3FAE] =	sst s4  }
0xd: {  	[smem:$0x3FAF] =	sst s5  }
0xe: {  	[smem:$0x3FB0] =	sst s6  }
0xf: {  	[smem:$0x3FB1] =	sst s7  }
0x10: {  	[smem:$0x3FB2] =	sst s8  }
0x11: {  	[smem:$0x3FB3] =	sst s9;
	s0 =	simm.s32 @!p0 $0x0  }
0x12: {  	s1 =	sld [smem:$0x3F99];
	s0 =	simm.s32 @p0 $0x1  }
0x13: {  	[smem:$0x3FB4] =	sst s0;
	s0 =	simm.s32 @!p1 $0x0  }
0x14: {  	s2 =	sld [smem:$0x3F98];
	s0 =	simm.s32 @p1 $0x1  }
0x15: {  	[smem:$0x3FB5] =	sst s0;
	s0 =	simm.s32 @!p2 $0x0  }
0x16: {  	s3 =	sld [smem:$0x3FDB];
	s0 =	simm.s32 @p2 $0x1  }
0x17: {  	s4 =	simm.s32 $0x1BF5;
	[smem:$0x3FB7] =	sst s0  }
0x18: {  	s0 =	sld [smem:$0x3F9A];
	_ =	swait.ge [sflag:s4], $0x0  }
0x19: {  	s7 =	sld [smem:$0x3F9B]  }
0x1a: {  	s8 =	sadd.s32 $0xFFFFE003, lr  }
0x1b: {  	s9 =	sadd.s32 $0xFFFFFEF7, lr;
	s5 =	simm.s32 $0xFFFFFFFF;
	p2 =	slt.u32 s8, $0xFFFFF086  }
0x1c: {  	p1 =	slt.u32 s9, $0xF7A;
	s5 =	simm.s32 @!p2 $0x0  }
0x1d: {  	s5 =	simm.s32 @p1 $0x1;
	p0 =	seq.s32 s7, s2  }
0x1e: {  	s7 =	smul.u32 @!p0 $0xF7A, s2;
	p2 =	seq.s32 @!p0 s5, $0x0  }
0x1f: {  	s9 =	smul.u32 $0xF7A, s1;
	s8 =	simm.s32 @!p0 $0x1BF5;
	p2 =	por !p2, p0  }
0x20: {  	[sflag:s8] =	ssyncset.s32 @!p0 $0xFFFFF086;
	s6 =	sadd.s32 @!p0 s3, s7;
	s7 =	simm.s32 @!p0 $0x108  }
0x21: {  	s3 =	sadd.s32 s3, s9;
	s6 =	sadd.s32 @!p0 $0x88, s6;
	s7 =	simm.s32 @p2 $0x1082  }
0x22: {  	[simem:s7], [sflag:s8] =	dma.local @!p0 [hbm:s6], $0xF7A  }
0x23: {  	s9 =	sor.u32 $0xD0000000, s2;
	s6 =	simm.s32 $0x108;
	_ =	swait.ge @!p0 [sflag:s8], $0x0  }
0x24: {  	s3 =	sadd.s32 $0x88, s3;
	s6 =	simm.s32 @!p1 $0x1082;
	[sflag:s4] =	ssyncset.s32 $0xFFFFF086  }
0x25: {  	[simem:s6], [sflag:s4] =	dma.local [hbm:s3], $0xF7A  }
0x26: {  	[smem:$0x3F9B] =	sst s1;
	(tag) =	ssettag s2;
	_ =	strace s9  }
0x27: {  	s1 =	sld [smem:$0x3FAB]  }
0x28: {  	s2 =	sld [smem:$0x3FAC]  }
0x29: {  	s4 =	sld [smem:$0x3FAE]  }
0x2a: {  	p0 =	seq.s32 s5, $0x0;
	s5 =	sld [smem:$0x3FAF]  }
0x2b: {  	s6 =	sld [smem:$0x3FB0]  }
0x2c: {  	s7 =	sld [smem:$0x3FB1]  }
0x2d: {  	s3 =	simm.s32 $0x108;
	s8 =	sld [smem:$0x3FB2]  }
0x2e: {  	s3 =	simm.s32 @!p0 $0x1082;
	s9 =	sld [smem:$0x3FB3]  }
0x2f: {  	lr =	sadd.s32 s0, s3;
	s0 =	sld [smem:$0x3FAA]  }
0x30: {  	s3 =	sld [smem:$0x3FAD]  }
0x31: {  	[smem:$0x3FB6] =	sst s10  }
0x32: {  	s10 =	sld [smem:$0x3FB4];
	_ =	sdelay $0x3  }
0x33: {  	p0 =	seq.s32 s10, $0x1;
	s10 =	sld [smem:$0x3FB6];
	_ =	sdelay $0x3  }
0x34: {  	[smem:$0x3FB6] =	sst s10  }
0x35: {  	s10 =	sld [smem:$0x3FB5];
	_ =	sdelay $0x3  }
0x36: {  	p1 =	seq.s32 s10, $0x1;
	s10 =	sld [smem:$0x3FB6];
	_ =	sdelay $0x3  }
0x37: {  	[smem:$0x3FB6] =	sst s10  }
0x38: {  	s10 =	sld [smem:$0x3FB7]  }
0x39: {  	_ = 	snop;
	(pc) =	sbr.ind lr, $3  }
0x3a: {  	_ = 	snop  }
0x3b: {  	_ = 	snop  }
0x3c: {  	p2 =	seq.s32 s10, $0x1;
	s10 =	sld [smem:$0x3FB6]  }
0x3d: {  	_ =	shalt  }
0x3e: {  	_ =	shalt  }
0x3f: {  	_ =	shalt  }
0x40: {  	_ =	shalt  }
0x41: {  	_ =	shalt  }
0x42: {  	_ =	shalt  }
0x43: {  	_ =	shalt  }
0x44: {  	_ =	shalt  }
0x45: {  	_ =	shalt  }
0x46: {  	_ =	shalt  }
0x47: {  	_ =	shalt  }
0x48: {  	_ =	shalt  }
0x49: {  	_ =	shalt  }
0x4a: {  	_ =	shalt  }
0x4b: {  	_ =	shalt  }
0x4c: {  	_ =	shalt  }
0x4d: {  	_ =	shalt  }
0x4e: {  	_ =	shalt  }
0x4f: {  	_ =	shalt  }
0x50: {  	_ =	shalt  }
0x51: {  	_ =	shalt  }
0x52: {  	_ =	shalt  }
0x53: {  	_ =	shalt  }
0x54: {  	_ =	shalt  }
0x55: {  	_ =	shalt  }
0x56: {  	_ =	shalt  }
0x57: {  	_ =	shalt  }
0x58: {  	_ =	shalt  }
0x59: {  	_ =	shalt  }
0x5a: {  	_ =	shalt  }
0x5b: {  	_ =	shalt  }
0x5c: {  	_ =	shalt  }
0x5d: {  	_ =	shalt  }
0x5e: {  	_ =	shalt  }
0x5f: {  	_ =	shalt  }
0x60: {  	_ =	shalt  }
0x61: {  	_ =	shalt  }
0x62: {  	_ =	shalt  }
0x63: {  	_ =	shalt  }
0x64: {  	_ =	shalt  }
0x65: {  	_ =	shalt  }
0x66: {  	_ =	shalt  }
0x67: {  	_ =	shalt  }
0x68: {  	_ =	shalt  }
0x69: {  	_ =	shalt  }
0x6a: {  	_ =	shalt  }
0x6b: {  	_ =	shalt  }
0x6c: {  	_ =	shalt  }
0x6d: {  	_ =	shalt  }
0x6e: {  	_ =	shalt  }
0x6f: {  	_ =	shalt  }
0x70: {  	_ =	shalt  }
0x71: {  	_ =	shalt  }
0x72: {  	_ =	shalt  }
0x73: {  	_ =	shalt  }
0x74: {  	_ =	shalt  }
0x75: {  	_ =	shalt  }
0x76: {  	_ =	shalt  }
0x77: {  	_ =	shalt  }
0x78: {  	_ =	shalt  }
0x79: {  	_ =	shalt  }
0x7a: {  	_ =	shalt  }
0x7b: {  	_ =	shalt  }
0x7c: {  	_ =	shalt  }
0x7d: {  	_ =	shalt  }
0x7e: {  	_ =	shalt  }
0x7f: {  	_ =	shalt  }
0x80: {  	_ =	shalt  }
0x81: {  	_ =	shalt  }
0x82: {  	_ =	shalt  }
0x83: {  	_ =	shalt  }
0x84: {  	_ =	shalt  }
0x85: {  	_ =	shalt  }
0x86: {  	_ =	shalt  }
0x87: {  	_ =	shalt  }
.Lfunc_end0:
.L_simem_size_0:
called_computation.1_lowered:
.L_overlay_start_0:
0x88: {  	s2 =	sld [smem:$0x3FD9]  }
0x89: {  	s3 =	sld [smem:$0x3FFE];
	_ =	sdelay $0x1  }
0x8a: {  	s1 =	srdreg.scid  }
0x8b: {  	s0 =	sand.u32 $0x1, s1  }
0x8c: {  	s17 =	sshll.u32 s0, $0xA;
	s2 =	sadd.s32 s3, s2  }
0x8d: {  	s2 =	sadd.s32 s2, s17  }
0x8e: {  	[smem:$0x3FC2] =	sst s2  }
0x8f: {  	_ = 	snop  }
0x90: {  	s2 =	sld [smem:$0x3FD0];
	(tm) =	ssettm $0x1  }
0x91: {  	s18 =	sld [smem:$0x3FFB];
	_ =	sdelay $0x3  }
0x92: {  	_ =	strace s18  }
0x93: {  	s3 =	sld [smem:$0x3FFC];
	_ =	sdelay $0x3  }
0x94: {  	_ =	strace s3  }
0x95: {  	s3 =	sld [smem:$0x3FFD];
	_ =	sdelay $0x3  }
0x96: {  	_ =	strace s3  }
0x97: {  	_ =	strace $0x8FFFFFFF  }
0x98: {  	s19 =	sld [smem:$0x3FDB];
	_ =	sdelay $0x1  }
0x99: {  	s4 =	simm.s32 $_scs_section_size  }
0x9a: {  	s5 =	simm.s32 $_size__tile_overlayer_lowered;
	s6 =	simm.s32 $_tile_overlayer_lowered  }
0x9b: {  	s22 =	simm.s32 $0x1BFF;
	s21 =	sshll.u32 s6, $0x1;
	s3 =	sadd.s32 s4, s19  }
0x9c: {  	s7 =	simm.s32 $0x0;
	s20 =	sshll.u32 s5, $0x1;
	s5 =	sadd.s32 s21, s3  }
0x9d: {  	[timem:s7], [sflag:s22] =	dma.local [hbm:s5], s20  }
0x9e: {  	_ =	swait.ge [sflag:s22], s20  }
0x9f: {  	s4 =	ssub.s32 $0x0, s20;
	[sflag:s22] =	ssyncset.done $0x0  }
0xa0: {  	[sflag:s22] =	ssyncadd.s32 s4;
	_ =	sdelay $0x1  }
0xa1: {  	s23 =	simm.s32 $0x1B8B  }
0xa2: {  	_ =	swait.ge [sflag:s23], $0x1  }
0xa3: {  	[sflag:s23] =	ssyncset.done $0x0  }
0xa4: {  	s25 =	simm.s32 $0x1B8E;
	s24 =	sld [smem:$0x3FFE];
	[sflag:s23] =	ssyncadd.s32 $0xFFFFFFFF  }
0xa5: {  	s26 =	simm.s32 $execute0_lowered;
	[smem:$0x3FD2] =	sst s25  }
0xa6: {  	s5 =	sshll.u32 s26, $0x1;
	_ =	strace $0x80000049;
	[dreg:$0x1] =	wrdreg $0xFFFFFFFF  }
0xa7: {  	s28 =	simm.s32 $_size_execute0_lowered;
	s3 =	sadd.s32 s3, s5;
	[dreg:$0x0] =	wrdreg $0x0  }
0xa8: {  	s5 =	sshll.u32 s28, $0x1;
	[dreg:$0x2] =	wrdreg s3  }
0xa9: {  	[dreg:$0x3] =	wrdreg s5  }
0xaa: {  	[dreg:$0x4] =	wrdreg $0xC0  }
0xab: {  	_ =	task [dreg:s7], $0x5FFFF  }
0xac: {  	[dreg:$0x1] =	wrdreg $0xFFFFFFFF  }
0xad: {  	[dreg:$0x0] =	wrdreg $0x60  }
0xae: {  	[dreg:$0x2] =	wrdreg s24  }
0xaf: {  	[dreg:$0x3] =	wrdreg s2  }
0xb0: {  	[dreg:$0x4] =	wrdreg $0xA8000  }
0xb1: {  	[dreg:$0x5] =	wrdreg $0x9  }
0xb2: {  	_ =	task.clear_ibuf [dreg:s7], $0x6FFFF;
	_ =	strace $0x90000049  }
0xb3: {  	s29 =	simm.s32 $0x9;
	_ =	strace $0x8000004B  }
0xb4: {  	_ =	swait.ge [sflag:s29], $0x1  }
0xb5: {  	[sflag:s29] =	ssyncadd.s32 $0xFFFFFFFF  }
0xb6: {  	_ =	strace $0x9000004B  }
0xb7: {  	_ =	sfence  }
0xb8: {  	s30 =	sld [smem:$0x0];
	_ =	sdelay $0x2  }
0xb9: {  	s31 =	sshll.u32 s1, $0xD;
	s1 =	sshrl.u32 s1, $0x2  }
0xba: {  	s3 =	sand.u32 $0x4000, s31;
	s1 =	sadd.s32 s1, s30  }
0xbb: {  	s0 =	sor.u32 s3, s0;
	s1 =	sshll.u32 s1, $0x11  }
0xbc: {  	s0 =	sor.u32 s1, s0  }
0xbd: {  	s0 =	sadd.s32 $0x8F2B, s0  }
0xbe: {  	[sflag:s0] =	ssyncadd.remote.s32 $0x1  }
0xbf: {  	_ =	sfence.sel $0xFFFF  }
0xc0: {  	[dreg:$0x0] =	wrdreg $0xFFFFFFFF;
	(pc) =	sbr.abs _section_cstart, $3  }
0xc1: {  	[dreg:$0x1] =	wrdreg $0xFFFFFFFF  }
0xc2: {  	_ =	task.clear_ibuf [dreg:s7], $0x2FFFF;
	_ =	strace $0x9FFFFFFF  }
0xc3: {  	(tm) =	ssettm $0x7FFFFFFF  }
tec
execute0_lowered:
.L_overlay_start_1:
0x0: {  	(tag) =	ssettag $0x1  }
0x1: {  	s0 =	rddreg [dreg:$0x0]  }
0x2: {  	s3 =	rddreg [dreg:$0x1]  }
0x3: {  	s1 =	rddreg [dreg:$0x2];
	s2 =	simm.s32 $0x0  }
0x4: {  	s4 =	srdreg.scid;
	s18 =	stileid.u32;
	s28 =	simm.s32 $0x1480  }
0x5: {  	s29 =	simm.s32 $0x4;
	s30 =	simm.s32 $0x1380;
	s31 =	simm.s32 $0x2700  }
0x6: {  	[smem:$0x7FF] =	sst s2;
	s5 =	sand.u32 $0x1, s4;
	s4 =	sadd.s32 $0xD000, s0  }
0x7: {  	s7 =	sadd.s32 $0x2800, s0;
	s8 =	smul.u32 $0x50000, s18;
	s19 =	sadd.s32 $0xC600, s0  }
0x8: {  	s15 =	sadd.s32 $0xC880, s0;
	s26 =	smul.u32 $0x2800, s18;
	_ =	strace $0x8000004A  }
0x9: {  	s6 =	smul.u32 $0x28000, s5;
	s9 =	sshll.u32 s5, $0x4;
	s10 =	ssub.s32 $0x2, s5  }
0xa: {  	s17 =	sor.u32 s18, s9;
	s20 =	sshrl.u32 s8, $0x2;
	s21 =	sshrl.u32 s10, $0x1  }
0xb: {  	s18 =	simm.s32 $0x5;
	s6 =	sadd.s32 s6, s0;
	s9 =	smul.u32 $0x2800, s17  }
0xc: {  	s5 =	sadd.s32 s20, s1;
	s16 =	ssub.s32 s10, s21;
	s11 =	smul.u32 $0x500, s17  }
0xd: {  	p0 =	seq.s32 s17, $0x1F;
	s17 =	simm.s32 $0x2800;
	s22 =	sadd.s32 $0x4000, s5  }
0xe: {  	s20 =	simm.s32 $0x80;
	s23 =	sadd.s32 $0x8000, s5;
	[dreg:$0x4] =	wrdreg s22  }
0xf: {  	s21 =	simm.s32 $0x6800;
	s24 =	sadd.s32 $0xC000, s5;
	[dreg:$0x5] =	wrdreg s23  }
0x10: {  	s25 =	sadd.s32 $0x35000, s6;
	s16 =	smax.u32 s16, $0x1;
	[dreg:$0x6] =	wrdreg s24  }
0x11: {  	s12 =	sshrl.u32 s9, $0x3;
	s9 =	sadd.s32 $0x10000, s5;
	s10 =	sadd.s32 s7, s11  }
0x12: {  	s11 =	sadd.s32 s3, s11;
	s22 =	simm.s32 $0x1;
	s23 =	simm.s32 $0x3  }
0x13: {  	s24 =	sadd.s32 s26, s25;
	s25 =	simm.s32 $0x100;
	s26 =	simm.s32 $0x2  }
0x14: {  	s14 =	sadd.s32 $0x280, s12;
	s12 =	sadd.s32 $0xCB00, s0;
	s10 =	smov.u32 @p0 s19  }
0x15: {  	s19 =	simm.s32 $0x1400;
	s0 =	simm.s32 $0x2780;
	s13 =	sadd.s32 s7, s14  }
0x16: {  	v0 =	vimm.f32 $0.0e+00;
	s14 =	sadd.s32 s3, s14;
	s11 =	smov.u32 @p0 s12;
	s3 =	simm.s32 $0x0  }
.LBB2_1:
0x17: {  	s6 =	simm.s32 $0x2900  }
0x18: {  	[tilespmem:s6+$0xFFFFFF00] =	vst v0  }
0x19: {  	[tilespmem:s6+$0xF0] =	vst v0  }
0x1a: {  	[tilespmem:s6+$0xE0] =	vst v0  }
0x1b: {  	[tilespmem:s6+$0xD0] =	vst v0  }
0x1c: {  	[tilespmem:s6+$0xC0] =	vst v0  }
0x1d: {  	[tilespmem:s6+$0xB0] =	vst v0  }
0x1e: {  	[tilespmem:s6+$0xA0] =	vst v0  }
0x1f: {  	[tilespmem:s6+$0x90] =	vst v0  }
0x20: {  	[tilespmem:s6+$0x80] =	vst v0  }
0x21: {  	[tilespmem:s6+$0x70] =	vst v0  }
0x22: {  	[tilespmem:s6+$0x60] =	vst v0  }
0x23: {  	[tilespmem:s6+$0x50] =	vst v0  }
0x24: {  	[tilespmem:s6+$0x40] =	vst v0  }
0x25: {  	[tilespmem:s6+$0x30] =	vst v0  }
0x26: {  	[tilespmem:s6+$0x20] =	vst v0  }
0x27: {  	[tilespmem:s6+$0x10] =	vst v0  }
0x28: {  	[tilespmem:s6+$0x0] =	vst v0  }
0x29: {  	[tilespmem:s6+$0xFFFFFFF0] =	vst v0  }
0x2a: {  	[tilespmem:s6+$0xFFFFFFE0] =	vst v0  }
0x2b: {  	[tilespmem:s6+$0xFFFFFFD0] =	vst v0  }
0x2c: {  	[tilespmem:s6+$0xFFFFFFC0] =	vst v0  }
0x2d: {  	[tilespmem:s6+$0xFFFFFFB0] =	vst v0  }
0x2e: {  	[tilespmem:s6+$0xFFFFFFA0] =	vst v0  }
0x2f: {  	[tilespmem:s6+$0xFFFFFF90] =	vst v0  }
0x30: {  	[tilespmem:s6+$0xFFFFFF80] =	vst v0  }
0x31: {  	[tilespmem:s6+$0xFFFFFF70] =	vst v0  }
0x32: {  	[tilespmem:s6+$0xFFFFFF60] =	vst v0  }
0x33: {  	[tilespmem:s6+$0xFFFFFF50] =	vst v0  }
0x34: {  	[tilespmem:s6+$0xFFFFFF40] =	vst v0  }
0x35: {  	[tilespmem:s6+$0xFFFFFF30] =	vst v0  }
0x36: {  	s7 =	simm.s32 $0x0;
	[tilespmem:s6+$0xFFFFFF20] =	vst v0  }
.LBB2_2:
0x37: {  	s7 =	sadd.s32 $0x4, s7;
	[tilespmem:s6+$0xFFFFFF10] =	vst v0;
	s6 =	sadd.s32 $0x200, s6  }
0x38: {  	[tilespmem:s6+$0xFFFFFF00] =	vst v0;
	p1 =	slt.u32 s7, $0x7C  }
0x39: {  	[tilespmem:s6+$0xF0] =	vst v0  }
0x3a: {  	[tilespmem:s6+$0xE0] =	vst v0  }
0x3b: {  	[tilespmem:s6+$0xD0] =	vst v0  }
0x3c: {  	[tilespmem:s6+$0xC0] =	vst v0  }
0x3d: {  	[tilespmem:s6+$0xB0] =	vst v0  }
0x3e: {  	[tilespmem:s6+$0xA0] =	vst v0  }
0x3f: {  	[tilespmem:s6+$0x90] =	vst v0  }
0x40: {  	[tilespmem:s6+$0x80] =	vst v0  }
0x41: {  	[tilespmem:s6+$0x70] =	vst v0  }
0x42: {  	[tilespmem:s6+$0x60] =	vst v0  }
0x43: {  	[tilespmem:s6+$0x50] =	vst v0  }
0x44: {  	[tilespmem:s6+$0x40] =	vst v0  }
0x45: {  	[tilespmem:s6+$0x30] =	vst v0  }
0x46: {  	[tilespmem:s6+$0x20] =	vst v0  }
0x47: {  	[tilespmem:s6+$0x10] =	vst v0  }
0x48: {  	[tilespmem:s6+$0x0] =	vst v0  }
0x49: {  	[tilespmem:s6+$0xFFFFFFF0] =	vst v0  }
0x4a: {  	[tilespmem:s6+$0xFFFFFFE0] =	vst v0  }
0x4b: {  	[tilespmem:s6+$0xFFFFFFD0] =	vst v0  }
0x4c: {  	[tilespmem:s6+$0xFFFFFFC0] =	vst v0  }
0x4d: {  	[tilespmem:s6+$0xFFFFFFB0] =	vst v0  }
0x4e: {  	[tilespmem:s6+$0xFFFFFFA0] =	vst v0  }
0x4f: {  	[tilespmem:s6+$0xFFFFFF90] =	vst v0  }
0x50: {  	[tilespmem:s6+$0xFFFFFF80] =	vst v0  }
0x51: {  	[tilespmem:s6+$0xFFFFFF70] =	vst v0  }
.Ltmp0:
0x52: {  	[tilespmem:s6+$0xFFFFFF60] =	vst v0;
	(pc) =	sbr.rel @p1 .LBB2_2-.Ltmp0, $4  }
0x53: {  	[tilespmem:s6+$0xFFFFFF50] =	vst v0  }
0x54: {  	[tilespmem:s6+$0xFFFFFF40] =	vst v0  }
0x55: {  	[tilespmem:s6+$0xFFFFFF30] =	vst v0  }
0x56: {  	[tilespmem:s6+$0xFFFFFF20] =	vst v0  }
0x57: {  	[tilespmem:s6+$0xFFFFFF10] =	vst v0  }
0x58: {  	[spmem:s5] =	stream.linear.scatter [tilespmem:s17], [sflag:$0x5], $0x4000, $0x38;
	[tilespmem:$0x1E800] =	vst v63  }
0x59: {  	_ =	swait.ge [sflag:s18], $0x4000  }
0x5a: {  	[sflag:s18] =	ssyncset.done $0x0  }
0x5b: {  	s7 =	rddreg [dreg:$0x4];
	[sflag:s18] =	ssyncadd.s32 $0xFFFFC000  }
0x5c: {  	[spmem:s7] =	stream.linear.scatter [tilespmem:s17], [sflag:$0x5], $0x4000, $0x38;
	[tilespmem:$0x1E800] =	vst v63  }
0x5d: {  	_ =	swait.ge [sflag:s18], $0x4000  }
0x5e: {  	[sflag:s18] =	ssyncset.done $0x0  }
0x5f: {  	s8 =	rddreg [dreg:$0x5];
	[sflag:s18] =	ssyncadd.s32 $0xFFFFC000  }
0x60: {  	[spmem:s8] =	stream.linear.scatter [tilespmem:s17], [sflag:$0x5], $0x4000, $0x38;
	[tilespmem:$0x1E800] =	vst v63  }
0x61: {  	_ =	swait.ge [sflag:s18], $0x4000  }
0x62: {  	[sflag:s18] =	ssyncset.done $0x0  }
0x63: {  	s7 =	rddreg [dreg:$0x6];
	[sflag:s18] =	ssyncadd.s32 $0xFFFFC000  }
0x64: {  	[spmem:s7] =	stream.linear.scatter [tilespmem:s17], [sflag:$0x5], $0x4000, $0x38;
	[tilespmem:$0x1E800] =	vst v63  }
0x65: {  	_ =	swait.ge [sflag:s18], $0x4000  }
0x66: {  	[sflag:s18] =	ssyncset.done $0x0  }
0x67: {  	[sflag:s18] =	ssyncadd.s32 $0xFFFFC000  }
0x68: {  	[spmem:s9] =	stream.linear.scatter [tilespmem:s17], [sflag:$0x5], $0x4000, $0x38;
	[tilespmem:$0x1E800] =	vst v63  }
0x69: {  	_ =	swait.ge [sflag:s18], $0x4000  }
0x6a: {  	[sflag:s18] =	ssyncset.done $0x0  }
0x6b: {  	[sflag:s18] =	ssyncadd.s32 $0xFFFFC000  }
0x6c: {  	[bflag:$0x0] =	sbarrier.arrive $0xFFFF  }
0x6d: {  	[tilespmem:s2], [sflag:$0x5] =	stream.linear.gather [hbm4b:s10+s2], $0x1400, $0x38;
	[tilespmem:$0x1E800] =	vst v63  }
0x6e: {  	_ =	swait.ge [sflag:s18], $0x1400  }
0x6f: {  	[sflag:s18] =	ssyncset.done $0x0  }
0x70: {  	[sflag:s18] =	ssyncadd.s32 $0xFFFFEC00  }
0x71: {  	[tilespmem:s19], [sflag:$0x5] =	stream.linear.gather [hbm4b:s11+s2], $0x1400, $0x38;
	[tilespmem:$0x1E800] =	vst v63  }
0x72: {  	_ =	swait.ge [sflag:s18], $0x1400  }
0x73: {  	[sflag:s18] =	ssyncset.done $0x0  }
0x74: {  	[sflag:s18] =	ssyncadd.s32 $0xFFFFEC00  }
0x75: {  	[tilespmem:s17], [sflag:$0x1] =	stream.indirect.gather [hbm4b:s4+s20], $0x80, s2, s20, $0xb8;
	[tilespmem:$0x1E800] =	vst v63  }
0x76: {  	_ = 	snop  }
0x77: {  	[tilespmem:s21], [sflag:$0x2] =	stream.indirect.gather [hbm4b:s4+s20], $0x80, s20, s20, $0xb8;
	[tilespmem:$0x1E800] =	vst v63  }
0x78: {  	_ =	swait.ge [sflag:s22], $0x4000  }
0x79: {  	[sflag:s22] =	ssyncset.done $0x0  }
0x7a: {  	[sflag:s22] =	ssyncadd.s32 $0xFFFFC000  }
0x7b: {  	[spmem:s1] =	stream.indirect.scatter.add.f32 [tilespmem:s17], [sflag:$0x3], $0x80, s19, s20, $0xb8;
	[tilespmem:$0x1E800] =	vst v63  }
0x7c: {  	_ =	swait.ge [sflag:s23], $0x4000  }
0x7d: {  	[sflag:s23] =	ssyncset.done $0x0  }
0x7e: {  	[sflag:s23] =	ssyncadd.s32 $0xFFFFC000  }
0x7f: {  	[tilespmem:s17], [sflag:$0x1] =	stream.indirect.gather [hbm4b:s4+s20], $0x80, s25, s20, $0xb8;
	[tilespmem:$0x1E800] =	vst v63  }
0x80: {  	_ =	swait.ge [sflag:s26], $0x4000  }
0x81: {  	[sflag:s26] =	ssyncset.done $0x0  }
0x82: {  	[sflag:s26] =	ssyncadd.s32 $0xFFFFC000  }
0x83: {  	[spmem:s1] =	stream.indirect.scatter.add.f32 [tilespmem:s21], [sflag:$0x4], $0x80, s28, s20, $0xb8;
	[tilespmem:$0x1E800] =	vst v63  }
0x84: {  	_ =	swait.ge [sflag:s29], $0x4000  }
0x85: {  	[sflag:s29] =	ssyncset.done $0x0  }
0x86: {  	s8 =	simm.s32 $0x180;
	[sflag:s29] =	ssyncadd.s32 $0xFFFFC000  }
0x87: {  	[tilespmem:s21], [sflag:$0x2] =	stream.indirect.gather [hbm4b:s4+s20], $0x80, s8, s20, $0xb8;
	[tilespmem:$0x1E800] =	vst v63  }
0x88: {  	_ =	swait.ge [sflag:s22], $0x4000  }
0x89: {  	[sflag:s22] =	ssyncset.done $0x0  }
0x8a: {  	s7 =	simm.s32 $0x1500;
	[sflag:s22] =	ssyncadd.s32 $0xFFFFC000  }
0x8b: {  	[spmem:s1] =	stream.indirect.scatter.add.f32 [tilespmem:s17], [sflag:$0x3], $0x80, s7, s20, $0xb8;
	[tilespmem:$0x1E800] =	vst v63  }
0x8c: {  	_ =	swait.ge [sflag:s23], $0x4000  }
0x8d: {  	[sflag:s23] =	ssyncset.done $0x0  }
0x8e: {  	s8 =	simm.s32 $0x200;
	[sflag:s23] =	ssyncadd.s32 $0xFFFFC000  }
0x8f: {  	[tilespmem:s17], [sflag:$0x1] =	stream.indirect.gather [hbm4b:s4+s20], $0x80, s8, s20, $0xb8;
	[tilespmem:$0x1E800] =	vst v63  }
0x90: {  	_ =	swait.ge [sflag:s26], $0x4000  }
0x91: {  	[sflag:s26] =	ssyncset.done $0x0  }
0x92: {  	s6 =	simm.s32 $0xFFFFBC00;
	s7 =	simm.s32 $0x1580;
	[sflag:s26] =	ssyncadd.s32 $0xFFFFC000  }
.LBB2_4:
0x93: {  	[spmem:s1] =	stream.indirect.scatter.add.f32 [tilespmem:s21], [sflag:$0x4], $0x80, s7, s20, $0xb8;
	[tilespmem:$0x1E800] =	vst v63  }
0x94: {  	s7 =	smov.u32 s6  }
0x95: {  	p1 =	sne.s32 s6, $0xFFFFFC00;
	s6 =	sadd.s32 $0x400, s6;
	_ =	swait.ge [sflag:s29], $0x4000  }
0x96: {  	s7 =	sshra.s32 s7, $0x2;
	[sflag:s29] =	ssyncset.done $0x0  }
0x97: {  	s8 =	sadd.s32 $0x1380, s7;
	[sflag:s29] =	ssyncadd.s32 $0xFFFFC000  }
0x98: {  	[tilespmem:s21], [sflag:$0x2] =	stream.indirect.gather [hbm4b:s4+s20], $0x80, s8, s20, $0xb8;
	[tilespmem:$0x1E800] =	vst v63  }
0x99: {  	_ =	swait.ge [sflag:s22], $0x4000  }
0x9a: {  	[sflag:s22] =	ssyncset.done $0x0  }
0x9b: {  	s8 =	sadd.s32 $0x2700, s7;
	[sflag:s22] =	ssyncadd.s32 $0xFFFFC000  }
0x9c: {  	[spmem:s1] =	stream.indirect.scatter.add.f32 [tilespmem:s17], [sflag:$0x3], $0x80, s8, s20, $0xb8;
	[tilespmem:$0x1E800] =	vst v63  }
0x9d: {  	_ =	swait.ge [sflag:s23], $0x4000  }
0x9e: {  	[sflag:s23] =	ssyncset.done $0x0  }
.Ltmp1:
0x9f: {  	s8 =	sadd.s32 $0x1400, s7;
	[sflag:s23] =	ssyncadd.s32 $0xFFFFC000;
	(pc) =	sbr.rel @p1 .LBB2_4-.Ltmp1, $4  }
0xa0: {  	[tilespmem:s17], [sflag:$0x1] =	stream.indirect.gather [hbm4b:s4+s20], $0x80, s8, s20, $0xb8;
	[tilespmem:$0x1E800] =	vst v63  }
0xa1: {  	_ =	swait.ge [sflag:s26], $0x4000  }
0xa2: {  	[sflag:s26] =	ssyncset.done $0x0  }
0xa3: {  	s7 =	sadd.s32 $0x2780, s7;
	[sflag:s26] =	ssyncadd.s32 $0xFFFFC000  }
0xa4: {  	[spmem:s1] =	stream.indirect.scatter.add.f32 [tilespmem:s21], [sflag:$0x4], $0x80, s7, s20, $0xb8;
	[tilespmem:$0x1E800] =	vst v63  }
0xa5: {  	_ =	swait.ge [sflag:s29], $0x4000  }
0xa6: {  	[sflag:s29] =	ssyncset.done $0x0  }
0xa7: {  	[sflag:s29] =	ssyncadd.s32 $0xFFFFC000  }
0xa8: {  	[tilespmem:s21], [sflag:$0x2] =	stream.indirect.gather [hbm4b:s4+s20], $0x80, s30, s20, $0xb8;
	[tilespmem:$0x1E800] =	vst v63  }
0xa9: {  	_ =	swait.ge [sflag:s22], $0x4000  }
0xaa: {  	[sflag:s22] =	ssyncset.done $0x0  }
0xab: {  	[sflag:s22] =	ssyncadd.s32 $0xFFFFC000  }
0xac: {  	[spmem:s1] =	stream.indirect.scatter.add.f32 [tilespmem:s17], [sflag:$0x3], $0x80, s31, s20, $0xb8;
	[tilespmem:$0x1E800] =	vst v63  }
0xad: {  	_ =	swait.ge [sflag:s26], $0x4000  }
0xae: {  	[sflag:s26] =	ssyncset.done $0x0  }
0xaf: {  	[sflag:s26] =	ssyncadd.s32 $0xFFFFC000  }
0xb0: {  	[spmem:s1] =	stream.indirect.scatter.add.f32 [tilespmem:s21], [sflag:$0x4], $0x80, s0, s20, $0xb8;
	[tilespmem:$0x1E800] =	vst v63  }
0xb1: {  	_ =	swait.ge [sflag:s23], $0x4000  }
0xb2: {  	[sflag:s23] =	ssyncset.done $0x0  }
0xb3: {  	[sflag:s23] =	ssyncadd.s32 $0xFFFFC000  }
0xb4: {  	_ =	swait.ge [sflag:s29], $0x4000  }
0xb5: {  	[sflag:s29] =	ssyncset.done $0x0  }
0xb6: {  	s6 =	simm.s32 @p0 $0x0;
	[sflag:s29] =	ssyncadd.s32 $0xFFFFC000  }
0xb7: {  	[tilespmem:s6], [sflag:$0x5] =	stream.linear.gather @p0 [hbm4b:s15+s6], $0x1400, $0x38;
	[tilespmem:$0x1E800] =	vst v63  }
0xb8: {  	s6 =	simm.s32 @p0 $0x5  }
0xb9: {  	_ =	swait.ge @p0 [sflag:s6], $0x1400  }
0xba: {  	[sflag:s6] =	ssyncset.done @p0 $0x0  }
0xbb: {  	[sflag:s6] =	ssyncadd.s32 @p0 $0xFFFFEC00;
	s6 =	simm.s32 @!p0 $0x0  }
0xbc: {  	[tilespmem:s6], [sflag:$0x5] =	stream.linear.gather @!p0 [hbm4b:s13+s6], $0x1400, $0x38;
	[tilespmem:$0x1E800] =	vst v63  }
0xbd: {  	s6 =	simm.s32 @!p0 $0x5  }
0xbe: {  	_ =	swait.ge @!p0 [sflag:s6], $0x1400  }
0xbf: {  	s7 =	sadd.s32 @p0 $0x280, s12;
	s8 =	smov.u32 s14;
	[sflag:s6] =	ssyncset.done @!p0 $0x0  }
0xc0: {  	s8 =	smov.u32 @p0 s7;
	[sflag:s6] =	ssyncadd.s32 @!p0 $0xFFFFEC00  }
0xc1: {  	[tilespmem:s19], [sflag:$0x5] =	stream.linear.gather [hbm4b:s8+s2], $0x1400, $0x38;
	[tilespmem:$0x1E800] =	vst v63  }
0xc2: {  	_ =	swait.ge [sflag:s18], $0x1400  }
0xc3: {  	[sflag:s18] =	ssyncset.done $0x0  }
0xc4: {  	[sflag:s18] =	ssyncadd.s32 $0xFFFFEC00  }
0xc5: {  	[tilespmem:s17], [sflag:$0x1] =	stream.indirect.gather [hbm4b:s4+s20], $0x80, s2, s20, $0xb8;
	[tilespmem:$0x1E800] =	vst v63  }
0xc6: {  	_ = 	snop  }
0xc7: {  	[tilespmem:s21], [sflag:$0x2] =	stream.indirect.gather [hbm4b:s4+s20], $0x80, s20, s20, $0xb8;
	[tilespmem:$0x1E800] =	vst v63  }
0xc8: {  	_ =	swait.ge [sflag:s22], $0x4000  }
0xc9: {  	[sflag:s22] =	ssyncset.done $0x0  }
0xca: {  	[sflag:s22] =	ssyncadd.s32 $0xFFFFC000  }
0xcb: {  	[spmem:s1] =	stream.indirect.scatter.add.f32 [tilespmem:s17], [sflag:$0x3], $0x80, s19, s20, $0xb8;
	[tilespmem:$0x1E800] =	vst v63  }
0xcc: {  	_ =	swait.ge [sflag:s23], $0x4000  }
0xcd: {  	[sflag:s23] =	ssyncset.done $0x0  }
0xce: {  	[sflag:s23] =	ssyncadd.s32 $0xFFFFC000  }
0xcf: {  	[tilespmem:s17], [sflag:$0x1] =	stream.indirect.gather [hbm4b:s4+s20], $0x80, s25, s20, $0xb8;
	[tilespmem:$0x1E800] =	vst v63  }
0xd0: {  	_ =	swait.ge [sflag:s26], $0x4000  }
0xd1: {  	[sflag:s26] =	ssyncset.done $0x0  }
0xd2: {  	[sflag:s26] =	ssyncadd.s32 $0xFFFFC000  }
0xd3: {  	[spmem:s1] =	stream.indirect.scatter.add.f32 [tilespmem:s21], [sflag:$0x4], $0x80, s28, s20, $0xb8;
	[tilespmem:$0x1E800] =	vst v63  }
0xd4: {  	_ =	swait.ge [sflag:s29], $0x4000  }
0xd5: {  	[sflag:s29] =	ssyncset.done $0x0  }
0xd6: {  	s8 =	simm.s32 $0x180;
	[sflag:s29] =	ssyncadd.s32 $0xFFFFC000  }
0xd7: {  	[tilespmem:s21], [sflag:$0x2] =	stream.indirect.gather [hbm4b:s4+s20], $0x80, s8, s20, $0xb8;
	[tilespmem:$0x1E800] =	vst v63  }
0xd8: {  	_ =	swait.ge [sflag:s22], $0x4000  }
0xd9: {  	[sflag:s22] =	ssyncset.done $0x0  }
0xda: {  	s7 =	simm.s32 $0x1500;
	[sflag:s22] =	ssyncadd.s32 $0xFFFFC000  }
0xdb: {  	[spmem:s1] =	stream.indirect.scatter.add.f32 [tilespmem:s17], [sflag:$0x3], $0x80, s7, s20, $0xb8;
	[tilespmem:$0x1E800] =	vst v63  }
0xdc: {  	_ =	swait.ge [sflag:s23], $0x4000  }
0xdd: {  	[sflag:s23] =	ssyncset.done $0x0  }
0xde: {  	s8 =	simm.s32 $0x200;
	[sflag:s23] =	ssyncadd.s32 $0xFFFFC000  }
0xdf: {  	[tilespmem:s17], [sflag:$0x1] =	stream.indirect.gather [hbm4b:s4+s20], $0x80, s8, s20, $0xb8;
	[tilespmem:$0x1E800] =	vst v63  }
0xe0: {  	_ =	swait.ge [sflag:s26], $0x4000  }
0xe1: {  	[sflag:s26] =	ssyncset.done $0x0  }
0xe2: {  	s6 =	simm.s32 $0xFFFFBC00;
	s7 =	simm.s32 $0x1580;
	[sflag:s26] =	ssyncadd.s32 $0xFFFFC000  }
.LBB2_6:
0xe3: {  	[spmem:s1] =	stream.indirect.scatter.add.f32 [tilespmem:s21], [sflag:$0x4], $0x80, s7, s20, $0xb8;
	[tilespmem:$0x1E800] =	vst v63  }
0xe4: {  	s7 =	smov.u32 s6  }
0xe5: {  	p1 =	sne.s32 s6, $0xFFFFFC00;
	s6 =	sadd.s32 $0x400, s6;
	_ =	swait.ge [sflag:s29], $0x4000  }
0xe6: {  	s7 =	sshra.s32 s7, $0x2;
	[sflag:s29] =	ssyncset.done $0x0  }
0xe7: {  	s8 =	sadd.s32 $0x1380, s7;
	[sflag:s29] =	ssyncadd.s32 $0xFFFFC000  }
0xe8: {  	[tilespmem:s21], [sflag:$0x2] =	stream.indirect.gather [hbm4b:s4+s20], $0x80, s8, s20, $0xb8;
	[tilespmem:$0x1E800] =	vst v63  }
0xe9: {  	_ =	swait.ge [sflag:s22], $0x4000  }
0xea: {  	[sflag:s22] =	ssyncset.done $0x0  }
0xeb: {  	s8 =	sadd.s32 $0x2700, s7;
	[sflag:s22] =	ssyncadd.s32 $0xFFFFC000  }
0xec: {  	[spmem:s1] =	stream.indirect.scatter.add.f32 [tilespmem:s17], [sflag:$0x3], $0x80, s8, s20, $0xb8;
	[tilespmem:$0x1E800] =	vst v63  }
0xed: {  	_ =	swait.ge [sflag:s23], $0x4000  }
0xee: {  	[sflag:s23] =	ssyncset.done $0x0  }
.Ltmp2:
0xef: {  	s8 =	sadd.s32 $0x1400, s7;
	[sflag:s23] =	ssyncadd.s32 $0xFFFFC000;
	(pc) =	sbr.rel @p1 .LBB2_6-.Ltmp2, $4  }
0xf0: {  	[tilespmem:s17], [sflag:$0x1] =	stream.indirect.gather [hbm4b:s4+s20], $0x80, s8, s20, $0xb8;
	[tilespmem:$0x1E800] =	vst v63  }
0xf1: {  	_ =	swait.ge [sflag:s26], $0x4000  }
0xf2: {  	[sflag:s26] =	ssyncset.done $0x0  }
0xf3: {  	s7 =	sadd.s32 $0x2780, s7;
	[sflag:s26] =	ssyncadd.s32 $0xFFFFC000  }
0xf4: {  	[spmem:s1] =	stream.indirect.scatter.add.f32 [tilespmem:s21], [sflag:$0x4], $0x80, s7, s20, $0xb8;
	[tilespmem:$0x1E800] =	vst v63  }
0xf5: {  	_ =	swait.ge [sflag:s29], $0x4000  }
0xf6: {  	[sflag:s29] =	ssyncset.done $0x0  }
0xf7: {  	[sflag:s29] =	ssyncadd.s32 $0xFFFFC000  }
0xf8: {  	[tilespmem:s21], [sflag:$0x2] =	stream.indirect.gather [hbm4b:s4+s20], $0x80, s30, s20, $0xb8;
	[tilespmem:$0x1E800] =	vst v63  }
0xf9: {  	_ =	swait.ge [sflag:s22], $0x4000  }
0xfa: {  	[sflag:s22] =	ssyncset.done $0x0  }
0xfb: {  	[sflag:s22] =	ssyncadd.s32 $0xFFFFC000  }
0xfc: {  	[spmem:s1] =	stream.indirect.scatter.add.f32 [tilespmem:s17], [sflag:$0x3], $0x80, s31, s20, $0xb8;
	[tilespmem:$0x1E800] =	vst v63  }
0xfd: {  	_ =	swait.ge [sflag:s26], $0x4000  }
0xfe: {  	[sflag:s26] =	ssyncset.done $0x0  }
0xff: {  	[sflag:s26] =	ssyncadd.s32 $0xFFFFC000  }
0x100: {  	[spmem:s1] =	stream.indirect.scatter.add.f32 [tilespmem:s21], [sflag:$0x4], $0x80, s0, s20, $0xb8;
	[tilespmem:$0x1E800] =	vst v63  }
0x101: {  	_ =	swait.ge [sflag:s23], $0x4000  }
0x102: {  	[sflag:s23] =	ssyncset.done $0x0  }
0x103: {  	[sflag:s23] =	ssyncadd.s32 $0xFFFFC000  }
0x104: {  	s6 =	stileid.u32;
	_ =	swait.ge [sflag:s29], $0x4000  }
0x105: {  	s8 =	sshrl.u32 s5, $0x3;
	s3 =	sadd.s32 $0x1, s3;
	[sflag:s29] =	ssyncset.done $0x0  }
0x106: {  	s6 =	sshll.u32 s6, $0x6;
	p1 =	sne.s32 s3, s16;
	[sflag:s29] =	ssyncadd.s32 $0xFFFFC000  }
.Ltmp3:
0x107: {  	s6 =	sor.u32 $0x1C05, s6;
	[bflag:$0x0] =	sbarrier.arrive $0xFFFF;
	(pc) =	sbr.rel @p1 .LBB2_1-.Ltmp3, $4  }
0x108: {  	[hbm:s24], [sflag:s6] =	dma.local [spmem:s8], $0x2800  }
0x109: {  	_ =	swait.ge [sflag:s18], $0x2800  }
0x10a: {  	[sflag:s18] =	ssyncset.done $0x0  }
0x10b: {  	[sflag:s18] =	ssyncadd.s32 $0xFFFFD800  }
0x10c: {  	_ =	sfence.sel $0x180000  }
0x10d: {  	[bflag:$0x0] =	sbarrier.arrive $0xFFFF  }
0x10e: {  	_ =	strace $0x9000004A  }
0x10f: {  	s0 =	stileid.u32;
	[bflag:$0x2] =	sbarrier.arrive $0xFFFF  }
0x110: {  	p0 =	sne.s32 s0, $0x0;
	s0 =	rddreg [dreg:$0x3]  }
0x111: {  	s0 =	sadd.s32 @!p0 $0x100000, s0  }
0x112: {  	[sflag:s0] =	ssyncadd.tile.s32 @!p0 $0x1;
	_ =	shalt  }
.Lfunc_end2:
_tile_overlayer_lowered:
.L_overlay_start_2:
0x113: {  	(tag) =	ssettag $0x2  }
0x114: {  	s0 =	rddreg [dreg:$0x0];
	s2 =	stileid.u32  }
0x115: {  	s1 =	rddreg [dreg:$0x1];
	p0 =	sne.s32 s2, $0x0  }
0x116: {  	s3 =	rddreg [dreg:$0x2];
	[bflag:$0x3] =	sbarrier.arrive $0xFFFF;
	s2 =	simm.s32 @!p0 $0x1C05  }
0x117: {  	[timem:s3], [sflag:s2] =	dma.local @!p0 [hbm:s0], s1  }
0x118: {  	s0 =	simm.s32 @!p0 $0x5  }
0x119: {  	_ =	swait.ge @!p0 [sflag:s0], s1  }
0x11a: {  	s1 =	ssub.s32 @!p0 $0x0, s1;
	[sflag:s0] =	ssyncset.done @!p0 $0x0  }
0x11b: {  	[sflag:s0] =	ssyncadd.s32 @!p0 s1  }
0x11c: {  	[bflag:$0x3] =	sbarrier.arrive $0xFFFF  }
0x11d: {  	_ =	shalt  }

// kernel: kernel.15.cloned.1.call-start
scs
__scs_entry_jumppad:
0x0: {  	(pc) =	sbr.rel $0x88, $3  }
0x1: {  	(tag) =	ssettag $0x0;
	lr =	simm.s32 $0x1  }
0x2: {  	[smem:$0x3F9B] =	sst lr;
	_ =	strace $0xD0000000  }
0x3: {  	_ = 	snop  }
0x4: {  	_ = 	snop  }
0x5: {  	_ = 	snop  }
0x6: {  	_ = 	snop  }
0x7: {  	_ = 	snop  }
__scs_overlays_trampoline_lowered:
0x8: {  	[smem:$0x3FAA] =	sst s0  }
0x9: {  	[smem:$0x3FAB] =	sst s1  }
0xa: {  	[smem:$0x3FAC] =	sst s2  }
0xb: {  	[smem:$0x3FAD] =	sst s3  }
0xc: {  	[smem:$0x3FAE] =	sst s4  }
0xd: {  	[smem:$0x3FAF] =	sst s5  }
0xe: {  	[smem:$0x3FB0] =	sst s6  }
0xf: {  	[smem:$0x3FB1] =	sst s7  }
0x10: {  	[smem:$0x3FB2] =	sst s8  }
0x11: {  	[smem:$0x3FB3] =	sst s9;
	s0 =	simm.s32 @!p0 $0x0  }
0x12: {  	s1 =	sld [smem:$0x3F99];
	s0 =	simm.s32 @p0 $0x1  }
0x13: {  	[smem:$0x3FB4] =	sst s0;
	s0 =	simm.s32 @!p1 $0x0  }
0x14: {  	s2 =	sld [smem:$0x3F98];
	s0 =	simm.s32 @p1 $0x1  }
0x15: {  	[smem:$0x3FB5] =	sst s0;
	s0 =	simm.s32 @!p2 $0x0  }
0x16: {  	s3 =	sld [smem:$0x3FDB];
	s0 =	simm.s32 @p2 $0x1  }
0x17: {  	s4 =	simm.s32 $0x1BF5;
	[smem:$0x3FB7] =	sst s0  }
0x18: {  	s0 =	sld [smem:$0x3F9A];
	_ =	swait.ge [sflag:s4], $0x0  }
0x19: {  	s7 =	sld [smem:$0x3F9B]  }
0x1a: {  	s8 =	sadd.s32 $0xFFFFE003, lr  }
0x1b: {  	s9 =	sadd.s32 $0xFFFFFEF7, lr;
	s5 =	simm.s32 $0xFFFFFFFF;
	p2 =	slt.u32 s8, $0xFFFFF086  }
0x1c: {  	p1 =	slt.u32 s9, $0xF7A;
	s5 =	simm.s32 @!p2 $0x0  }
0x1d: {  	s5 =	simm.s32 @p1 $0x1;
	p0 =	seq.s32 s7, s2  }
0x1e: {  	s7 =	smul.u32 @!p0 $0xF7A, s2;
	p2 =	seq.s32 @!p0 s5, $0x0  }
0x1f: {  	s9 =	smul.u32 $0xF7A, s1;
	s8 =	simm.s32 @!p0 $0x1BF5;
	p2 =	por !p2, p0  }
0x20: {  	[sflag:s8] =	ssyncset.s32 @!p0 $0xFFFFF086;
	s6 =	sadd.s32 @!p0 s3, s7;
	s7 =	simm.s32 @!p0 $0x108  }
0x21: {  	s3 =	sadd.s32 s3, s9;
	s6 =	sadd.s32 @!p0 $0x88, s6;
	s7 =	simm.s32 @p2 $0x1082  }
0x22: {  	[simem:s7], [sflag:s8] =	dma.local @!p0 [hbm:s6], $0xF7A  }
0x23: {  	s9 =	sor.u32 $0xD0000000, s2;
	s6 =	simm.s32 $0x108;
	_ =	swait.ge @!p0 [sflag:s8], $0x0  }
0x24: {  	s3 =	sadd.s32 $0x88, s3;
	s6 =	simm.s32 @!p1 $0x1082;
	[sflag:s4] =	ssyncset.s32 $0xFFFFF086  }
0x25: {  	[simem:s6], [sflag:s4] =	dma.local [hbm:s3], $0xF7A  }
0x26: {  	[smem:$0x3F9B] =	sst s1;
	(tag) =	ssettag s2;
	_ =	strace s9  }
0x27: {  	s1 =	sld [smem:$0x3FAB]  }
0x28: {  	s2 =	sld [smem:$0x3FAC]  }
0x29: {  	s4 =	sld [smem:$0x3FAE]  }
0x2a: {  	p0 =	seq.s32 s5, $0x0;
	s5 =	sld [smem:$0x3FAF]  }
0x2b: {  	s6 =	sld [smem:$0x3FB0]  }
0x2c: {  	s7 =	sld [smem:$0x3FB1]  }
0x2d: {  	s3 =	simm.s32 $0x108;
	s8 =	sld [smem:$0x3FB2]  }
0x2e: {  	s3 =	simm.s32 @!p0 $0x1082;
	s9 =	sld [smem:$0x3FB3]  }
0x2f: {  	lr =	sadd.s32 s0, s3;
	s0 =	sld [smem:$0x3FAA]  }
0x30: {  	s3 =	sld [smem:$0x3FAD]  }
0x31: {  	[smem:$0x3FB6] =	sst s10  }
0x32: {  	s10 =	sld [smem:$0x3FB4];
	_ =	sdelay $0x3  }
0x33: {  	p0 =	seq.s32 s10, $0x1;
	s10 =	sld [smem:$0x3FB6];
	_ =	sdelay $0x3  }
0x34: {  	[smem:$0x3FB6] =	sst s10  }
0x35: {  	s10 =	sld [smem:$0x3FB5];
	_ =	sdelay $0x3  }
0x36: {  	p1 =	seq.s32 s10, $0x1;
	s10 =	sld [smem:$0x3FB6];
	_ =	sdelay $0x3  }
0x37: {  	[smem:$0x3FB6] =	sst s10  }
0x38: {  	s10 =	sld [smem:$0x3FB7]  }
0x39: {  	_ = 	snop;
	(pc) =	sbr.ind lr, $3  }
0x3a: {  	_ = 	snop  }
0x3b: {  	_ = 	snop  }
0x3c: {  	p2 =	seq.s32 s10, $0x1;
	s10 =	sld [smem:$0x3FB6]  }
0x3d: {  	_ =	shalt  }
0x3e: {  	_ =	shalt  }
0x3f: {  	_ =	shalt  }
0x40: {  	_ =	shalt  }
0x41: {  	_ =	shalt  }
0x42: {  	_ =	shalt  }
0x43: {  	_ =	shalt  }
0x44: {  	_ =	shalt  }
0x45: {  	_ =	shalt  }
0x46: {  	_ =	shalt  }
0x47: {  	_ =	shalt  }
0x48: {  	_ =	shalt  }
0x49: {  	_ =	shalt  }
0x4a: {  	_ =	shalt  }
0x4b: {  	_ =	shalt  }
0x4c: {  	_ =	shalt  }
0x4d: {  	_ =	shalt  }
0x4e: {  	_ =	shalt  }
0x4f: {  	_ =	shalt  }
0x50: {  	_ =	shalt  }
0x51: {  	_ =	shalt  }
0x52: {  	_ =	shalt  }
0x53: {  	_ =	shalt  }
0x54: {  	_ =	shalt  }
0x55: {  	_ =	shalt  }
0x56: {  	_ =	shalt  }
0x57: {  	_ =	shalt  }
0x58: {  	_ =	shalt  }
0x59: {  	_ =	shalt  }
0x5a: {  	_ =	shalt  }
0x5b: {  	_ =	shalt  }
0x5c: {  	_ =	shalt  }
0x5d: {  	_ =	shalt  }
0x5e: {  	_ =	shalt  }
0x5f: {  	_ =	shalt  }
0x60: {  	_ =	shalt  }
0x61: {  	_ =	shalt  }
0x62: {  	_ =	shalt  }
0x63: {  	_ =	shalt  }
0x64: {  	_ =	shalt  }
0x65: {  	_ =	shalt  }
0x66: {  	_ =	shalt  }
0x67: {  	_ =	shalt  }
0x68: {  	_ =	shalt  }
0x69: {  	_ =	shalt  }
0x6a: {  	_ =	shalt  }
0x6b: {  	_ =	shalt  }
0x6c: {  	_ =	shalt  }
0x6d: {  	_ =	shalt  }
0x6e: {  	_ =	shalt  }
0x6f: {  	_ =	shalt  }
0x70: {  	_ =	shalt  }
0x71: {  	_ =	shalt  }
0x72: {  	_ =	shalt  }
0x73: {  	_ =	shalt  }
0x74: {  	_ =	shalt  }
0x75: {  	_ =	shalt  }
0x76: {  	_ =	shalt  }
0x77: {  	_ =	shalt  }
0x78: {  	_ =	shalt  }
0x79: {  	_ =	shalt  }
0x7a: {  	_ =	shalt  }
0x7b: {  	_ =	shalt  }
0x7c: {  	_ =	shalt  }
0x7d: {  	_ =	shalt  }
0x7e: {  	_ =	shalt  }
0x7f: {  	_ =	shalt  }
0x80: {  	_ =	shalt  }
0x81: {  	_ =	shalt  }
0x82: {  	_ =	shalt  }
0x83: {  	_ =	shalt  }
0x84: {  	_ =	shalt  }
0x85: {  	_ =	shalt  }
0x86: {  	_ =	shalt  }
0x87: {  	_ =	shalt  }
.Lfunc_end0:
.L_simem_size_0:
called_computation.2_lowered:
.L_overlay_start_0:
0x88: {  	s2 =	sld [smem:$0x3FD9]  }
0x89: {  	s3 =	sld [smem:$0x3FFE];
	_ =	sdelay $0x1  }
0x8a: {  	s1 =	srdreg.scid  }
0x8b: {  	s0 =	sand.u32 $0x1, s1  }
0x8c: {  	s17 =	sshll.u32 s0, $0xA;
	s2 =	sadd.s32 s3, s2  }
0x8d: {  	s2 =	sadd.s32 s2, s17  }
0x8e: {  	[smem:$0x3FC2] =	sst s2  }
0x8f: {  	_ = 	snop  }
0x90: {  	s2 =	sld [smem:$0x3FD0];
	(tm) =	ssettm $0x1  }
0x91: {  	s18 =	sld [smem:$0x3FFB];
	_ =	sdelay $0x3  }
0x92: {  	_ =	strace s18  }
0x93: {  	s3 =	sld [smem:$0x3FFC];
	_ =	sdelay $0x3  }
0x94: {  	_ =	strace s3  }
0x95: {  	s3 =	sld [smem:$0x3FFD];
	_ =	sdelay $0x3  }
0x96: {  	_ =	strace s3  }
0x97: {  	_ =	strace $0x8FFFFFFF  }
0x98: {  	s19 =	sld [smem:$0x3FDB];
	_ =	sdelay $0x1  }
0x99: {  	s4 =	simm.s32 $_scs_section_size  }
0x9a: {  	s5 =	simm.s32 $_size__tile_overlayer_lowered;
	s6 =	simm.s32 $_tile_overlayer_lowered  }
0x9b: {  	s22 =	simm.s32 $0x1BFF;
	s21 =	sshll.u32 s6, $0x1;
	s3 =	sadd.s32 s4, s19  }
0x9c: {  	s7 =	simm.s32 $0x0;
	s20 =	sshll.u32 s5, $0x1;
	s5 =	sadd.s32 s21, s3  }
0x9d: {  	[timem:s7], [sflag:s22] =	dma.local [hbm:s5], s20  }
0x9e: {  	_ =	swait.ge [sflag:s22], s20  }
0x9f: {  	s4 =	ssub.s32 $0x0, s20;
	[sflag:s22] =	ssyncset.done $0x0  }
0xa0: {  	[sflag:s22] =	ssyncadd.s32 s4;
	_ =	sdelay $0x1  }
0xa1: {  	s23 =	simm.s32 $0x1B8B  }
0xa2: {  	_ =	swait.ge [sflag:s23], $0x1  }
0xa3: {  	[sflag:s23] =	ssyncset.done $0x0  }
0xa4: {  	s25 =	simm.s32 $0x1B8E;
	s24 =	sld [smem:$0x3FFE];
	[sflag:s23] =	ssyncadd.s32 $0xFFFFFFFF  }
0xa5: {  	s26 =	simm.s32 $execute0_lowered;
	[smem:$0x3FD2] =	sst s25  }
0xa6: {  	s5 =	sshll.u32 s26, $0x1;
	_ =	strace $0x8000004C;
	[dreg:$0x1] =	wrdreg $0xFFFFFFFF  }
0xa7: {  	s28 =	simm.s32 $_size_execute0_lowered;
	s3 =	sadd.s32 s3, s5;
	[dreg:$0x0] =	wrdreg $0x0  }
0xa8: {  	s5 =	sshll.u32 s28, $0x1;
	[dreg:$0x2] =	wrdreg s3  }
0xa9: {  	[dreg:$0x3] =	wrdreg s5  }
0xaa: {  	[dreg:$0x4] =	wrdreg $0xC0  }
0xab: {  	_ =	task [dreg:s7], $0x5FFFF  }
0xac: {  	[dreg:$0x1] =	wrdreg $0xFFFFFFFF  }
0xad: {  	[dreg:$0x0] =	wrdreg $0x60  }
0xae: {  	[dreg:$0x2] =	wrdreg s24  }
0xaf: {  	[dreg:$0x3] =	wrdreg s2  }
0xb0: {  	[dreg:$0x4] =	wrdreg $0xA8000  }
0xb1: {  	[dreg:$0x5] =	wrdreg $0x9  }
0xb2: {  	_ =	task.clear_ibuf [dreg:s7], $0x6FFFF;
	_ =	strace $0x9000004C  }
0xb3: {  	s29 =	simm.s32 $0x9;
	_ =	strace $0x8000004E  }
0xb4: {  	_ =	swait.ge [sflag:s29], $0x1  }
0xb5: {  	[sflag:s29] =	ssyncadd.s32 $0xFFFFFFFF  }
0xb6: {  	_ =	strace $0x9000004E  }
0xb7: {  	_ =	sfence  }
0xb8: {  	s30 =	sld [smem:$0x0];
	_ =	sdelay $0x2  }
0xb9: {  	s31 =	sshll.u32 s1, $0xD;
	s1 =	sshrl.u32 s1, $0x2  }
0xba: {  	s3 =	sand.u32 $0x4000, s31;
	s1 =	sadd.s32 s1, s30  }
0xbb: {  	s0 =	sor.u32 s3, s0;
	s1 =	sshll.u32 s1, $0x11  }
0xbc: {  	s0 =	sor.u32 s1, s0  }
0xbd: {  	s0 =	sadd.s32 $0x8F2B, s0  }
0xbe: {  	[sflag:s0] =	ssyncadd.remote.s32 $0x1  }
0xbf: {  	_ =	sfence.sel $0xFFFF  }
0xc0: {  	[dreg:$0x0] =	wrdreg $0xFFFFFFFF;
	(pc) =	sbr.abs _section_cstart, $3  }
0xc1: {  	[dreg:$0x1] =	wrdreg $0xFFFFFFFF  }
0xc2: {  	_ =	task.clear_ibuf [dreg:s7], $0x2FFFF;
	_ =	strace $0x9FFFFFFF  }
0xc3: {  	(tm) =	ssettm $0x7FFFFFFF  }
tec
execute0_lowered:
.L_overlay_start_1:
0x0: {  	(tag) =	ssettag $0x1  }
0x1: {  	s0 =	rddreg [dreg:$0x0]  }
0x2: {  	s3 =	rddreg [dreg:$0x1]  }
0x3: {  	s1 =	rddreg [dreg:$0x2];
	s2 =	simm.s32 $0x0  }
0x4: {  	s4 =	srdreg.scid;
	s18 =	stileid.u32;
	s28 =	simm.s32 $0x1480  }
0x5: {  	s29 =	simm.s32 $0x4;
	s30 =	simm.s32 $0x1380;
	s31 =	simm.s32 $0x2700  }
0x6: {  	[smem:$0x7FF] =	sst s2;
	s5 =	sand.u32 $0x1, s4;
	s4 =	sadd.s32 $0xD000, s0  }
0x7: {  	s7 =	sadd.s32 $0x2800, s0;
	s8 =	smul.u32 $0x50000, s18;
	s19 =	sadd.s32 $0xC600, s0  }
0x8: {  	s15 =	sadd.s32 $0xC880, s0;
	s26 =	smul.u32 $0x2800, s18;
	_ =	strace $0x8000004D  }
0x9: {  	s6 =	smul.u32 $0x28000, s5;
	s9 =	sshll.u32 s5, $0x4;
	s10 =	ssub.s32 $0x2, s5  }
0xa: {  	s17 =	sor.u32 s18, s9;
	s20 =	sshrl.u32 s8, $0x2;
	s21 =	sshrl.u32 s10, $0x1  }
0xb: {  	s18 =	simm.s32 $0x5;
	s6 =	sadd.s32 s6, s0;
	s9 =	smul.u32 $0x2800, s17  }
0xc: {  	s5 =	sadd.s32 s20, s1;
	s16 =	ssub.s32 s10, s21;
	s11 =	smul.u32 $0x500, s17  }
0xd: {  	p0 =	seq.s32 s17, $0x1F;
	s17 =	simm.s32 $0x2800;
	s22 =	sadd.s32 $0x4000, s5  }
0xe: {  	s20 =	simm.s32 $0x80;
	s23 =	sadd.s32 $0x8000, s5;
	[dreg:$0x4] =	wrdreg s22  }
0xf: {  	s21 =	simm.s32 $0x6800;
	s24 =	sadd.s32 $0xC000, s5;
	[dreg:$0x5] =	wrdreg s23  }
0x10: {  	s25 =	sadd.s32 $0x35000, s6;
	s16 =	smax.u32 s16, $0x1;
	[dreg:$0x6] =	wrdreg s24  }
0x11: {  	s12 =	sshrl.u32 s9, $0x3;
	s9 =	sadd.s32 $0x10000, s5;
	s10 =	sadd.s32 s7, s11  }
0x12: {  	s11 =	sadd.s32 s3, s11;
	s22 =	simm.s32 $0x1;
	s23 =	simm.s32 $0x3  }
0x13: {  	s24 =	sadd.s32 s26, s25;
	s25 =	simm.s32 $0x100;
	s26 =	simm.s32 $0x2  }
0x14: {  	s14 =	sadd.s32 $0x280, s12;
	s12 =	sadd.s32 $0xCB00, s0;
	s10 =	smov.u32 @p0 s19  }
0x15: {  	s19 =	simm.s32 $0x1400;
	s0 =	simm.s32 $0x2780;
	s13 =	sadd.s32 s7, s14  }
0x16: {  	v0 =	vimm.f32 $0.0e+00;
	s14 =	sadd.s32 s3, s14;
	s11 =	smov.u32 @p0 s12;
	s3 =	simm.s32 $0x0  }
.LBB2_1:
0x17: {  	s6 =	simm.s32 $0x2900  }
0x18: {  	[tilespmem:s6+$0xFFFFFF00] =	vst v0  }
0x19: {  	[tilespmem:s6+$0xF0] =	vst v0  }
0x1a: {  	[tilespmem:s6+$0xE0] =	vst v0  }
0x1b: {  	[tilespmem:s6+$0xD0] =	vst v0  }
0x1c: {  	[tilespmem:s6+$0xC0] =	vst v0  }
0x1d: {  	[tilespmem:s6+$0xB0] =	vst v0  }
0x1e: {  	[tilespmem:s6+$0xA0] =	vst v0  }
0x1f: {  	[tilespmem:s6+$0x90] =	vst v0  }
0x20: {  	[tilespmem:s6+$0x80] =	vst v0  }
0x21: {  	[tilespmem:s6+$0x70] =	vst v0  }
0x22: {  	[tilespmem:s6+$0x60] =	vst v0  }
0x23: {  	[tilespmem:s6+$0x50] =	vst v0  }
0x24: {  	[tilespmem:s6+$0x40] =	vst v0  }
0x25: {  	[tilespmem:s6+$0x30] =	vst v0  }
0x26: {  	[tilespmem:s6+$0x20] =	vst v0  }
0x27: {  	[tilespmem:s6+$0x10] =	vst v0  }
0x28: {  	[tilespmem:s6+$0x0] =	vst v0  }
0x29: {  	[tilespmem:s6+$0xFFFFFFF0] =	vst v0  }
0x2a: {  	[tilespmem:s6+$0xFFFFFFE0] =	vst v0  }
0x2b: {  	[tilespmem:s6+$0xFFFFFFD0] =	vst v0  }
0x2c: {  	[tilespmem:s6+$0xFFFFFFC0] =	vst v0  }
0x2d: {  	[tilespmem:s6+$0xFFFFFFB0] =	vst v0  }
0x2e: {  	[tilespmem:s6+$0xFFFFFFA0] =	vst v0  }
0x2f: {  	[tilespmem:s6+$0xFFFFFF90] =	vst v0  }
0x30: {  	[tilespmem:s6+$0xFFFFFF80] =	vst v0  }
0x31: {  	[tilespmem:s6+$0xFFFFFF70] =	vst v0  }
0x32: {  	[tilespmem:s6+$0xFFFFFF60] =	vst v0  }
0x33: {  	[tilespmem:s6+$0xFFFFFF50] =	vst v0  }
0x34: {  	[tilespmem:s6+$0xFFFFFF40] =	vst v0  }
0x35: {  	[tilespmem:s6+$0xFFFFFF30] =	vst v0  }
0x36: {  	s7 =	simm.s32 $0x0;
	[tilespmem:s6+$0xFFFFFF20] =	vst v0  }
.LBB2_2:
0x37: {  	s7 =	sadd.s32 $0x4, s7;
	[tilespmem:s6+$0xFFFFFF10] =	vst v0;
	s6 =	sadd.s32 $0x200, s6  }
0x38: {  	[tilespmem:s6+$0xFFFFFF00] =	vst v0;
	p1 =	slt.u32 s7, $0x7C  }
0x39: {  	[tilespmem:s6+$0xF0] =	vst v0  }
0x3a: {  	[tilespmem:s6+$0xE0] =	vst v0  }
0x3b: {  	[tilespmem:s6+$0xD0] =	vst v0  }
0x3c: {  	[tilespmem:s6+$0xC0] =	vst v0  }
0x3d: {  	[tilespmem:s6+$0xB0] =	vst v0  }
0x3e: {  	[tilespmem:s6+$0xA0] =	vst v0  }
0x3f: {  	[tilespmem:s6+$0x90] =	vst v0  }
0x40: {  	[tilespmem:s6+$0x80] =	vst v0  }
0x41: {  	[tilespmem:s6+$0x70] =	vst v0  }
0x42: {  	[tilespmem:s6+$0x60] =	vst v0  }
0x43: {  	[tilespmem:s6+$0x50] =	vst v0  }
0x44: {  	[tilespmem:s6+$0x40] =	vst v0  }
0x45: {  	[tilespmem:s6+$0x30] =	vst v0  }
0x46: {  	[tilespmem:s6+$0x20] =	vst v0  }
0x47: {  	[tilespmem:s6+$0x10] =	vst v0  }
0x48: {  	[tilespmem:s6+$0x0] =	vst v0  }
0x49: {  	[tilespmem:s6+$0xFFFFFFF0] =	vst v0  }
0x4a: {  	[tilespmem:s6+$0xFFFFFFE0] =	vst v0  }
0x4b: {  	[tilespmem:s6+$0xFFFFFFD0] =	vst v0  }
0x4c: {  	[tilespmem:s6+$0xFFFFFFC0] =	vst v0  }
0x4d: {  	[tilespmem:s6+$0xFFFFFFB0] =	vst v0  }
0x4e: {  	[tilespmem:s6+$0xFFFFFFA0] =	vst v0  }
0x4f: {  	[tilespmem:s6+$0xFFFFFF90] =	vst v0  }
0x50: {  	[tilespmem:s6+$0xFFFFFF80] =	vst v0  }
0x51: {  	[tilespmem:s6+$0xFFFFFF70] =	vst v0  }
.Ltmp0:
0x52: {  	[tilespmem:s6+$0xFFFFFF60] =	vst v0;
	(pc) =	sbr.rel @p1 .LBB2_2-.Ltmp0, $4  }
0x53: {  	[tilespmem:s6+$0xFFFFFF50] =	vst v0  }
0x54: {  	[tilespmem:s6+$0xFFFFFF40] =	vst v0  }
0x55: {  	[tilespmem:s6+$0xFFFFFF30] =	vst v0  }
0x56: {  	[tilespmem:s6+$0xFFFFFF20] =	vst v0  }
0x57: {  	[tilespmem:s6+$0xFFFFFF10] =	vst v0  }
0x58: {  	[spmem:s5] =	stream.linear.scatter [tilespmem:s17], [sflag:$0x5], $0x4000, $0x38;
	[tilespmem:$0x1E800] =	vst v63  }
0x59: {  	_ =	swait.ge [sflag:s18], $0x4000  }
0x5a: {  	[sflag:s18] =	ssyncset.done $0x0  }
0x5b: {  	s7 =	rddreg [dreg:$0x4];
	[sflag:s18] =	ssyncadd.s32 $0xFFFFC000  }
0x5c: {  	[spmem:s7] =	stream.linear.scatter [tilespmem:s17], [sflag:$0x5], $0x4000, $0x38;
	[tilespmem:$0x1E800] =	vst v63  }
0x5d: {  	_ =	swait.ge [sflag:s18], $0x4000  }
0x5e: {  	[sflag:s18] =	ssyncset.done $0x0  }
0x5f: {  	s8 =	rddreg [dreg:$0x5];
	[sflag:s18] =	ssyncadd.s32 $0xFFFFC000  }
0x60: {  	[spmem:s8] =	stream.linear.scatter [tilespmem:s17], [sflag:$0x5], $0x4000, $0x38;
	[tilespmem:$0x1E800] =	vst v63  }
0x61: {  	_ =	swait.ge [sflag:s18], $0x4000  }
0x62: {  	[sflag:s18] =	ssyncset.done $0x0  }
0x63: {  	s7 =	rddreg [dreg:$0x6];
	[sflag:s18] =	ssyncadd.s32 $0xFFFFC000  }
0x64: {  	[spmem:s7] =	stream.linear.scatter [tilespmem:s17], [sflag:$0x5], $0x4000, $0x38;
	[tilespmem:$0x1E800] =	vst v63  }
0x65: {  	_ =	swait.ge [sflag:s18], $0x4000  }
0x66: {  	[sflag:s18] =	ssyncset.done $0x0  }
0x67: {  	[sflag:s18] =	ssyncadd.s32 $0xFFFFC000  }
0x68: {  	[spmem:s9] =	stream.linear.scatter [tilespmem:s17], [sflag:$0x5], $0x4000, $0x38;
	[tilespmem:$0x1E800] =	vst v63  }
0x69: {  	_ =	swait.ge [sflag:s18], $0x4000  }
0x6a: {  	[sflag:s18] =	ssyncset.done $0x0  }
0x6b: {  	[sflag:s18] =	ssyncadd.s32 $0xFFFFC000  }
0x6c: {  	[bflag:$0x0] =	sbarrier.arrive $0xFFFF  }
0x6d: {  	[tilespmem:s2], [sflag:$0x5] =	stream.linear.gather [hbm4b:s10+s2], $0x1400, $0x38;
	[tilespmem:$0x1E800] =	vst v63  }
0x6e: {  	_ =	swait.ge [sflag:s18], $0x1400  }
0x6f: {  	[sflag:s18] =	ssyncset.done $0x0  }
0x70: {  	[sflag:s18] =	ssyncadd.s32 $0xFFFFEC00  }
0x71: {  	[tilespmem:s19], [sflag:$0x5] =	stream.linear.gather [hbm4b:s11+s2], $0x1400, $0x38;
	[tilespmem:$0x1E800] =	vst v63  }
0x72: {  	_ =	swait.ge [sflag:s18], $0x1400  }
0x73: {  	[sflag:s18] =	ssyncset.done $0x0  }
0x74: {  	[sflag:s18] =	ssyncadd.s32 $0xFFFFEC00  }
0x75: {  	[tilespmem:s17], [sflag:$0x1] =	stream.indirect.gather [hbm4b:s4+s20], $0x80, s2, s20, $0xb8;
	[tilespmem:$0x1E800] =	vst v63  }
0x76: {  	_ = 	snop  }
0x77: {  	[tilespmem:s21], [sflag:$0x2] =	stream.indirect.gather [hbm4b:s4+s20], $0x80, s20, s20, $0xb8;
	[tilespmem:$0x1E800] =	vst v63  }
0x78: {  	_ =	swait.ge [sflag:s22], $0x4000  }
0x79: {  	[sflag:s22] =	ssyncset.done $0x0  }
0x7a: {  	[sflag:s22] =	ssyncadd.s32 $0xFFFFC000  }
0x7b: {  	[spmem:s1] =	stream.indirect.scatter.add.f32 [tilespmem:s17], [sflag:$0x3], $0x80, s19, s20, $0xb8;
	[tilespmem:$0x1E800] =	vst v63  }
0x7c: {  	_ =	swait.ge [sflag:s23], $0x4000  }
0x7d: {  	[sflag:s23] =	ssyncset.done $0x0  }
0x7e: {  	[sflag:s23] =	ssyncadd.s32 $0xFFFFC000  }
0x7f: {  	[tilespmem:s17], [sflag:$0x1] =	stream.indirect.gather [hbm4b:s4+s20], $0x80, s25, s20, $0xb8;
	[tilespmem:$0x1E800] =	vst v63  }
0x80: {  	_ =	swait.ge [sflag:s26], $0x4000  }
0x81: {  	[sflag:s26] =	ssyncset.done $0x0  }
0x82: {  	[sflag:s26] =	ssyncadd.s32 $0xFFFFC000  }
0x83: {  	[spmem:s1] =	stream.indirect.scatter.add.f32 [tilespmem:s21], [sflag:$0x4], $0x80, s28, s20, $0xb8;
	[tilespmem:$0x1E800] =	vst v63  }
0x84: {  	_ =	swait.ge [sflag:s29], $0x4000  }
0x85: {  	[sflag:s29] =	ssyncset.done $0x0  }
0x86: {  	s8 =	simm.s32 $0x180;
	[sflag:s29] =	ssyncadd.s32 $0xFFFFC000  }
0x87: {  	[tilespmem:s21], [sflag:$0x2] =	stream.indirect.gather [hbm4b:s4+s20], $0x80, s8, s20, $0xb8;
	[tilespmem:$0x1E800] =	vst v63  }
0x88: {  	_ =	swait.ge [sflag:s22], $0x4000  }
0x89: {  	[sflag:s22] =	ssyncset.done $0x0  }
0x8a: {  	s7 =	simm.s32 $0x1500;
	[sflag:s22] =	ssyncadd.s32 $0xFFFFC000  }
0x8b: {  	[spmem:s1] =	stream.indirect.scatter.add.f32 [tilespmem:s17], [sflag:$0x3], $0x80, s7, s20, $0xb8;
	[tilespmem:$0x1E800] =	vst v63  }
0x8c: {  	_ =	swait.ge [sflag:s23], $0x4000  }
0x8d: {  	[sflag:s23] =	ssyncset.done $0x0  }
0x8e: {  	s8 =	simm.s32 $0x200;
	[sflag:s23] =	ssyncadd.s32 $0xFFFFC000  }
0x8f: {  	[tilespmem:s17], [sflag:$0x1] =	stream.indirect.gather [hbm4b:s4+s20], $0x80, s8, s20, $0xb8;
	[tilespmem:$0x1E800] =	vst v63  }
0x90: {  	_ =	swait.ge [sflag:s26], $0x4000  }
0x91: {  	[sflag:s26] =	ssyncset.done $0x0  }
0x92: {  	s6 =	simm.s32 $0xFFFFBC00;
	s7 =	simm.s32 $0x1580;
	[sflag:s26] =	ssyncadd.s32 $0xFFFFC000  }
.LBB2_4:
0x93: {  	[spmem:s1] =	stream.indirect.scatter.add.f32 [tilespmem:s21], [sflag:$0x4], $0x80, s7, s20, $0xb8;
	[tilespmem:$0x1E800] =	vst v63  }
0x94: {  	s7 =	smov.u32 s6  }
0x95: {  	p1 =	sne.s32 s6, $0xFFFFFC00;
	s6 =	sadd.s32 $0x400, s6;
	_ =	swait.ge [sflag:s29], $0x4000  }
0x96: {  	s7 =	sshra.s32 s7, $0x2;
	[sflag:s29] =	ssyncset.done $0x0  }
0x97: {  	s8 =	sadd.s32 $0x1380, s7;
	[sflag:s29] =	ssyncadd.s32 $0xFFFFC000  }
0x98: {  	[tilespmem:s21], [sflag:$0x2] =	stream.indirect.gather [hbm4b:s4+s20], $0x80, s8, s20, $0xb8;
	[tilespmem:$0x1E800] =	vst v63  }
0x99: {  	_ =	swait.ge [sflag:s22], $0x4000  }
0x9a: {  	[sflag:s22] =	ssyncset.done $0x0  }
0x9b: {  	s8 =	sadd.s32 $0x2700, s7;
	[sflag:s22] =	ssyncadd.s32 $0xFFFFC000  }
0x9c: {  	[spmem:s1] =	stream.indirect.scatter.add.f32 [tilespmem:s17], [sflag:$0x3], $0x80, s8, s20, $0xb8;
	[tilespmem:$0x1E800] =	vst v63  }
0x9d: {  	_ =	swait.ge [sflag:s23], $0x4000  }
0x9e: {  	[sflag:s23] =	ssyncset.done $0x0  }
.Ltmp1:
0x9f: {  	s8 =	sadd.s32 $0x1400, s7;
	[sflag:s23] =	ssyncadd.s32 $0xFFFFC000;
	(pc) =	sbr.rel @p1 .LBB2_4-.Ltmp1, $4  }
0xa0: {  	[tilespmem:s17], [sflag:$0x1] =	stream.indirect.gather [hbm4b:s4+s20], $0x80, s8, s20, $0xb8;
	[tilespmem:$0x1E800] =	vst v63  }
0xa1: {  	_ =	swait.ge [sflag:s26], $0x4000  }
0xa2: {  	[sflag:s26] =	ssyncset.done $0x0  }
0xa3: {  	s7 =	sadd.s32 $0x2780, s7;
	[sflag:s26] =	ssyncadd.s32 $0xFFFFC000  }
0xa4: {  	[spmem:s1] =	stream.indirect.scatter.add.f32 [tilespmem:s21], [sflag:$0x4], $0x80, s7, s20, $0xb8;
	[tilespmem:$0x1E800] =	vst v63  }
0xa5: {  	_ =	swait.ge [sflag:s29], $0x4000  }
0xa6: {  	[sflag:s29] =	ssyncset.done $0x0  }
0xa7: {  	[sflag:s29] =	ssyncadd.s32 $0xFFFFC000  }
0xa8: {  	[tilespmem:s21], [sflag:$0x2] =	stream.indirect.gather [hbm4b:s4+s20], $0x80, s30, s20, $0xb8;
	[tilespmem:$0x1E800] =	vst v63  }
0xa9: {  	_ =	swait.ge [sflag:s22], $0x4000  }
0xaa: {  	[sflag:s22] =	ssyncset.done $0x0  }
0xab: {  	[sflag:s22] =	ssyncadd.s32 $0xFFFFC000  }
0xac: {  	[spmem:s1] =	stream.indirect.scatter.add.f32 [tilespmem:s17], [sflag:$0x3], $0x80, s31, s20, $0xb8;
	[tilespmem:$0x1E800] =	vst v63  }
0xad: {  	_ =	swait.ge [sflag:s26], $0x4000  }
0xae: {  	[sflag:s26] =	ssyncset.done $0x0  }
0xaf: {  	[sflag:s26] =	ssyncadd.s32 $0xFFFFC000  }
0xb0: {  	[spmem:s1] =	stream.indirect.scatter.add.f32 [tilespmem:s21], [sflag:$0x4], $0x80, s0, s20, $0xb8;
	[tilespmem:$0x1E800] =	vst v63  }
0xb1: {  	_ =	swait.ge [sflag:s23], $0x4000  }
0xb2: {  	[sflag:s23] =	ssyncset.done $0x0  }
0xb3: {  	[sflag:s23] =	ssyncadd.s32 $0xFFFFC000  }
0xb4: {  	_ =	swait.ge [sflag:s29], $0x4000  }
0xb5: {  	[sflag:s29] =	ssyncset.done $0x0  }
0xb6: {  	s6 =	simm.s32 @p0 $0x0;
	[sflag:s29] =	ssyncadd.s32 $0xFFFFC000  }
0xb7: {  	[tilespmem:s6], [sflag:$0x5] =	stream.linear.gather @p0 [hbm4b:s15+s6], $0x1400, $0x38;
	[tilespmem:$0x1E800] =	vst v63  }
0xb8: {  	s6 =	simm.s32 @p0 $0x5  }
0xb9: {  	_ =	swait.ge @p0 [sflag:s6], $0x1400  }
0xba: {  	[sflag:s6] =	ssyncset.done @p0 $0x0  }
0xbb: {  	[sflag:s6] =	ssyncadd.s32 @p0 $0xFFFFEC00;
	s6 =	simm.s32 @!p0 $0x0  }
0xbc: {  	[tilespmem:s6], [sflag:$0x5] =	stream.linear.gather @!p0 [hbm4b:s13+s6], $0x1400, $0x38;
	[tilespmem:$0x1E800] =	vst v63  }
0xbd: {  	s6 =	simm.s32 @!p0 $0x5  }
0xbe: {  	_ =	swait.ge @!p0 [sflag:s6], $0x1400  }
0xbf: {  	s7 =	sadd.s32 @p0 $0x280, s12;
	s8 =	smov.u32 s14;
	[sflag:s6] =	ssyncset.done @!p0 $0x0  }
0xc0: {  	s8 =	smov.u32 @p0 s7;
	[sflag:s6] =	ssyncadd.s32 @!p0 $0xFFFFEC00  }
0xc1: {  	[tilespmem:s19], [sflag:$0x5] =	stream.linear.gather [hbm4b:s8+s2], $0x1400, $0x38;
	[tilespmem:$0x1E800] =	vst v63  }
0xc2: {  	_ =	swait.ge [sflag:s18], $0x1400  }
0xc3: {  	[sflag:s18] =	ssyncset.done $0x0  }
0xc4: {  	[sflag:s18] =	ssyncadd.s32 $0xFFFFEC00  }
0xc5: {  	[tilespmem:s17], [sflag:$0x1] =	stream.indirect.gather [hbm4b:s4+s20], $0x80, s2, s20, $0xb8;
	[tilespmem:$0x1E800] =	vst v63  }
0xc6: {  	_ = 	snop  }
0xc7: {  	[tilespmem:s21], [sflag:$0x2] =	stream.indirect.gather [hbm4b:s4+s20], $0x80, s20, s20, $0xb8;
	[tilespmem:$0x1E800] =	vst v63  }
0xc8: {  	_ =	swait.ge [sflag:s22], $0x4000  }
0xc9: {  	[sflag:s22] =	ssyncset.done $0x0  }
0xca: {  	[sflag:s22] =	ssyncadd.s32 $0xFFFFC000  }
0xcb: {  	[spmem:s1] =	stream.indirect.scatter.add.f32 [tilespmem:s17], [sflag:$0x3], $0x80, s19, s20, $0xb8;
	[tilespmem:$0x1E800] =	vst v63  }
0xcc: {  	_ =	swait.ge [sflag:s23], $0x4000  }
0xcd: {  	[sflag:s23] =	ssyncset.done $0x0  }
0xce: {  	[sflag:s23] =	ssyncadd.s32 $0xFFFFC000  }
0xcf: {  	[tilespmem:s17], [sflag:$0x1] =	stream.indirect.gather [hbm4b:s4+s20], $0x80, s25, s20, $0xb8;
	[tilespmem:$0x1E800] =	vst v63  }
0xd0: {  	_ =	swait.ge [sflag:s26], $0x4000  }
0xd1: {  	[sflag:s26] =	ssyncset.done $0x0  }
0xd2: {  	[sflag:s26] =	ssyncadd.s32 $0xFFFFC000  }
0xd3: {  	[spmem:s1] =	stream.indirect.scatter.add.f32 [tilespmem:s21], [sflag:$0x4], $0x80, s28, s20, $0xb8;
	[tilespmem:$0x1E800] =	vst v63  }
0xd4: {  	_ =	swait.ge [sflag:s29], $0x4000  }
0xd5: {  	[sflag:s29] =	ssyncset.done $0x0  }
0xd6: {  	s8 =	simm.s32 $0x180;
	[sflag:s29] =	ssyncadd.s32 $0xFFFFC000  }
0xd7: {  	[tilespmem:s21], [sflag:$0x2] =	stream.indirect.gather [hbm4b:s4+s20], $0x80, s8, s20, $0xb8;
	[tilespmem:$0x1E800] =	vst v63  }
0xd8: {  	_ =	swait.ge [sflag:s22], $0x4000  }
0xd9: {  	[sflag:s22] =	ssyncset.done $0x0  }
0xda: {  	s7 =	simm.s32 $0x1500;
	[sflag:s22] =	ssyncadd.s32 $0xFFFFC000  }
0xdb: {  	[spmem:s1] =	stream.indirect.scatter.add.f32 [tilespmem:s17], [sflag:$0x3], $0x80, s7, s20, $0xb8;
	[tilespmem:$0x1E800] =	vst v63  }
0xdc: {  	_ =	swait.ge [sflag:s23], $0x4000  }
0xdd: {  	[sflag:s23] =	ssyncset.done $0x0  }
0xde: {  	s8 =	simm.s32 $0x200;
	[sflag:s23] =	ssyncadd.s32 $0xFFFFC000  }
0xdf: {  	[tilespmem:s17], [sflag:$0x1] =	stream.indirect.gather [hbm4b:s4+s20], $0x80, s8, s20, $0xb8;
	[tilespmem:$0x1E800] =	vst v63  }
0xe0: {  	_ =	swait.ge [sflag:s26], $0x4000  }
0xe1: {  	[sflag:s26] =	ssyncset.done $0x0  }
0xe2: {  	s6 =	simm.s32 $0xFFFFBC00;
	s7 =	simm.s32 $0x1580;
	[sflag:s26] =	ssyncadd.s32 $0xFFFFC000  }
.LBB2_6:
0xe3: {  	[spmem:s1] =	stream.indirect.scatter.add.f32 [tilespmem:s21], [sflag:$0x4], $0x80, s7, s20, $0xb8;
	[tilespmem:$0x1E800] =	vst v63  }
0xe4: {  	s7 =	smov.u32 s6  }
0xe5: {  	p1 =	sne.s32 s6, $0xFFFFFC00;
	s6 =	sadd.s32 $0x400, s6;
	_ =	swait.ge [sflag:s29], $0x4000  }
0xe6: {  	s7 =	sshra.s32 s7, $0x2;
	[sflag:s29] =	ssyncset.done $0x0  }
0xe7: {  	s8 =	sadd.s32 $0x1380, s7;
	[sflag:s29] =	ssyncadd.s32 $0xFFFFC000  }
0xe8: {  	[tilespmem:s21], [sflag:$0x2] =	stream.indirect.gather [hbm4b:s4+s20], $0x80, s8, s20, $0xb8;
	[tilespmem:$0x1E800] =	vst v63  }
0xe9: {  	_ =	swait.ge [sflag:s22], $0x4000  }
0xea: {  	[sflag:s22] =	ssyncset.done $0x0  }
0xeb: {  	s8 =	sadd.s32 $0x2700, s7;
	[sflag:s22] =	ssyncadd.s32 $0xFFFFC000  }
0xec: {  	[spmem:s1] =	stream.indirect.scatter.add.f32 [tilespmem:s17], [sflag:$0x3], $0x80, s8, s20, $0xb8;
	[tilespmem:$0x1E800] =	vst v63  }
0xed: {  	_ =	swait.ge [sflag:s23], $0x4000  }
0xee: {  	[sflag:s23] =	ssyncset.done $0x0  }
.Ltmp2:
0xef: {  	s8 =	sadd.s32 $0x1400, s7;
	[sflag:s23] =	ssyncadd.s32 $0xFFFFC000;
	(pc) =	sbr.rel @p1 .LBB2_6-.Ltmp2, $4  }
0xf0: {  	[tilespmem:s17], [sflag:$0x1] =	stream.indirect.gather [hbm4b:s4+s20], $0x80, s8, s20, $0xb8;
	[tilespmem:$0x1E800] =	vst v63  }
0xf1: {  	_ =	swait.ge [sflag:s26], $0x4000  }
0xf2: {  	[sflag:s26] =	ssyncset.done $0x0  }
0xf3: {  	s7 =	sadd.s32 $0x2780, s7;
	[sflag:s26] =	ssyncadd.s32 $0xFFFFC000  }
0xf4: {  	[spmem:s1] =	stream.indirect.scatter.add.f32 [tilespmem:s21], [sflag:$0x4], $0x80, s7, s20, $0xb8;
	[tilespmem:$0x1E800] =	vst v63  }
0xf5: {  	_ =	swait.ge [sflag:s29], $0x4000  }
0xf6: {  	[sflag:s29] =	ssyncset.done $0x0  }
0xf7: {  	[sflag:s29] =	ssyncadd.s32 $0xFFFFC000  }
0xf8: {  	[tilespmem:s21], [sflag:$0x2] =	stream.indirect.gather [hbm4b:s4+s20], $0x80, s30, s20, $0xb8;
	[tilespmem:$0x1E800] =	vst v63  }
0xf9: {  	_ =	swait.ge [sflag:s22], $0x4000  }
0xfa: {  	[sflag:s22] =	ssyncset.done $0x0  }
0xfb: {  	[sflag:s22] =	ssyncadd.s32 $0xFFFFC000  }
0xfc: {  	[spmem:s1] =	stream.indirect.scatter.add.f32 [tilespmem:s17], [sflag:$0x3], $0x80, s31, s20, $0xb8;
	[tilespmem:$0x1E800] =	vst v63  }
0xfd: {  	_ =	swait.ge [sflag:s26], $0x4000  }
0xfe: {  	[sflag:s26] =	ssyncset.done $0x0  }
0xff: {  	[sflag:s26] =	ssyncadd.s32 $0xFFFFC000  }
0x100: {  	[spmem:s1] =	stream.indirect.scatter.add.f32 [tilespmem:s21], [sflag:$0x4], $0x80, s0, s20, $0xb8;
	[tilespmem:$0x1E800] =	vst v63  }
0x101: {  	_ =	swait.ge [sflag:s23], $0x4000  }
0x102: {  	[sflag:s23] =	ssyncset.done $0x0  }
0x103: {  	[sflag:s23] =	ssyncadd.s32 $0xFFFFC000  }
0x104: {  	s6 =	stileid.u32;
	_ =	swait.ge [sflag:s29], $0x4000  }
0x105: {  	s8 =	sshrl.u32 s5, $0x3;
	s3 =	sadd.s32 $0x1, s3;
	[sflag:s29] =	ssyncset.done $0x0  }
0x106: {  	s6 =	sshll.u32 s6, $0x6;
	p1 =	sne.s32 s3, s16;
	[sflag:s29] =	ssyncadd.s32 $0xFFFFC000  }
.Ltmp3:
0x107: {  	s6 =	sor.u32 $0x1C05, s6;
	[bflag:$0x0] =	sbarrier.arrive $0xFFFF;
	(pc) =	sbr.rel @p1 .LBB2_1-.Ltmp3, $4  }
0x108: {  	[hbm:s24], [sflag:s6] =	dma.local [spmem:s8], $0x2800  }
0x109: {  	_ =	swait.ge [sflag:s18], $0x2800  }
0x10a: {  	[sflag:s18] =	ssyncset.done $0x0  }
0x10b: {  	[sflag:s18] =	ssyncadd.s32 $0xFFFFD800  }
0x10c: {  	_ =	sfence.sel $0x180000  }
0x10d: {  	[bflag:$0x0] =	sbarrier.arrive $0xFFFF  }
0x10e: {  	_ =	strace $0x9000004D  }
0x10f: {  	s0 =	stileid.u32;
	[bflag:$0x2] =	sbarrier.arrive $0xFFFF  }
0x110: {  	p0 =	sne.s32 s0, $0x0;
	s0 =	rddreg [dreg:$0x3]  }
0x111: {  	s0 =	sadd.s32 @!p0 $0x100000, s0  }
0x112: {  	[sflag:s0] =	ssyncadd.tile.s32 @!p0 $0x1;
	_ =	shalt  }
.Lfunc_end2:
_tile_overlayer_lowered:
.L_overlay_start_2:
0x113: {  	(tag) =	ssettag $0x2  }
0x114: {  	s0 =	rddreg [dreg:$0x0];
	s2 =	stileid.u32  }
0x115: {  	s1 =	rddreg [dreg:$0x1];
	p0 =	sne.s32 s2, $0x0  }
0x116: {  	s3 =	rddreg [dreg:$0x2];
	[bflag:$0x3] =	sbarrier.arrive $0xFFFF;
	s2 =	simm.s32 @!p0 $0x1C05  }
0x117: {  	[timem:s3], [sflag:s2] =	dma.local @!p0 [hbm:s0], s1  }
0x118: {  	s0 =	simm.s32 @!p0 $0x5  }
0x119: {  	_ =	swait.ge @!p0 [sflag:s0], s1  }
0x11a: {  	s1 =	ssub.s32 @!p0 $0x0, s1;
	[sflag:s0] =	ssyncset.done @!p0 $0x0  }
0x11b: {  	[sflag:s0] =	ssyncadd.s32 @!p0 s1  }
0x11c: {  	[bflag:$0x3] =	sbarrier.arrive $0xFFFF  }
0x11d: {  	_ =	shalt  }

// kernel: kernel.9.cloned.1.call-start
scs
__scs_entry_jumppad:
0x0: {  	(pc) =	sbr.rel $0x88, $3  }
0x1: {  	(tag) =	ssettag $0x0;
	lr =	simm.s32 $0x1  }
0x2: {  	[smem:$0x3F9B] =	sst lr;
	_ =	strace $0xD0000000  }
0x3: {  	_ = 	snop  }
0x4: {  	_ = 	snop  }
0x5: {  	_ = 	snop  }
0x6: {  	_ = 	snop  }
0x7: {  	_ = 	snop  }
__scs_overlays_trampoline_lowered:
0x8: {  	[smem:$0x3FAA] =	sst s0  }
0x9: {  	[smem:$0x3FAB] =	sst s1  }
0xa: {  	[smem:$0x3FAC] =	sst s2  }
0xb: {  	[smem:$0x3FAD] =	sst s3  }
0xc: {  	[smem:$0x3FAE] =	sst s4  }
0xd: {  	[smem:$0x3FAF] =	sst s5  }
0xe: {  	[smem:$0x3FB0] =	sst s6  }
0xf: {  	[smem:$0x3FB1] =	sst s7  }
0x10: {  	[smem:$0x3FB2] =	sst s8  }
0x11: {  	[smem:$0x3FB3] =	sst s9;
	s0 =	simm.s32 @!p0 $0x0  }
0x12: {  	s1 =	sld [smem:$0x3F99];
	s0 =	simm.s32 @p0 $0x1  }
0x13: {  	[smem:$0x3FB4] =	sst s0;
	s0 =	simm.s32 @!p1 $0x0  }
0x14: {  	s2 =	sld [smem:$0x3F98];
	s0 =	simm.s32 @p1 $0x1  }
0x15: {  	[smem:$0x3FB5] =	sst s0;
	s0 =	simm.s32 @!p2 $0x0  }
0x16: {  	s3 =	sld [smem:$0x3FDB];
	s0 =	simm.s32 @p2 $0x1  }
0x17: {  	s4 =	simm.s32 $0x1BF5;
	[smem:$0x3FB7] =	sst s0  }
0x18: {  	s0 =	sld [smem:$0x3F9A];
	_ =	swait.ge [sflag:s4], $0x0  }
0x19: {  	s7 =	sld [smem:$0x3F9B]  }
0x1a: {  	s8 =	sadd.s32 $0xFFFFE003, lr  }
0x1b: {  	s9 =	sadd.s32 $0xFFFFFEF7, lr;
	s5 =	simm.s32 $0xFFFFFFFF;
	p2 =	slt.u32 s8, $0xFFFFF086  }
0x1c: {  	p1 =	slt.u32 s9, $0xF7A;
	s5 =	simm.s32 @!p2 $0x0  }
0x1d: {  	s5 =	simm.s32 @p1 $0x1;
	p0 =	seq.s32 s7, s2  }
0x1e: {  	s7 =	smul.u32 @!p0 $0xF7A, s2;
	p2 =	seq.s32 @!p0 s5, $0x0  }
0x1f: {  	s9 =	smul.u32 $0xF7A, s1;
	s8 =	simm.s32 @!p0 $0x1BF5;
	p2 =	por !p2, p0  }
0x20: {  	[sflag:s8] =	ssyncset.s32 @!p0 $0xFFFFF086;
	s6 =	sadd.s32 @!p0 s3, s7;
	s7 =	simm.s32 @!p0 $0x108  }
0x21: {  	s3 =	sadd.s32 s3, s9;
	s6 =	sadd.s32 @!p0 $0x88, s6;
	s7 =	simm.s32 @p2 $0x1082  }
0x22: {  	[simem:s7], [sflag:s8] =	dma.local @!p0 [hbm:s6], $0xF7A  }
0x23: {  	s9 =	sor.u32 $0xD0000000, s2;
	s6 =	simm.s32 $0x108;
	_ =	swait.ge @!p0 [sflag:s8], $0x0  }
0x24: {  	s3 =	sadd.s32 $0x88, s3;
	s6 =	simm.s32 @!p1 $0x1082;
	[sflag:s4] =	ssyncset.s32 $0xFFFFF086  }
0x25: {  	[simem:s6], [sflag:s4] =	dma.local [hbm:s3], $0xF7A  }
0x26: {  	[smem:$0x3F9B] =	sst s1;
	(tag) =	ssettag s2;
	_ =	strace s9  }
0x27: {  	s1 =	sld [smem:$0x3FAB]  }
0x28: {  	s2 =	sld [smem:$0x3FAC]  }
0x29: {  	s4 =	sld [smem:$0x3FAE]  }
0x2a: {  	p0 =	seq.s32 s5, $0x0;
	s5 =	sld [smem:$0x3FAF]  }
0x2b: {  	s6 =	sld [smem:$0x3FB0]  }
0x2c: {  	s7 =	sld [smem:$0x3FB1]  }
0x2d: {  	s3 =	simm.s32 $0x108;
	s8 =	sld [smem:$0x3FB2]  }
0x2e: {  	s3 =	simm.s32 @!p0 $0x1082;
	s9 =	sld [smem:$0x3FB3]  }
0x2f: {  	lr =	sadd.s32 s0, s3;
	s0 =	sld [smem:$0x3FAA]  }
0x30: {  	s3 =	sld [smem:$0x3FAD]  }
0x31: {  	[smem:$0x3FB6] =	sst s10  }
0x32: {  	s10 =	sld [smem:$0x3FB4];
	_ =	sdelay $0x3  }
0x33: {  	p0 =	seq.s32 s10, $0x1;
	s10 =	sld [smem:$0x3FB6];
	_ =	sdelay $0x3  }
0x34: {  	[smem:$0x3FB6] =	sst s10  }
0x35: {  	s10 =	sld [smem:$0x3FB5];
	_ =	sdelay $0x3  }
0x36: {  	p1 =	seq.s32 s10, $0x1;
	s10 =	sld [smem:$0x3FB6];
	_ =	sdelay $0x3  }
0x37: {  	[smem:$0x3FB6] =	sst s10  }
0x38: {  	s10 =	sld [smem:$0x3FB7]  }
0x39: {  	_ = 	snop;
	(pc) =	sbr.ind lr, $3  }
0x3a: {  	_ = 	snop  }
0x3b: {  	_ = 	snop  }
0x3c: {  	p2 =	seq.s32 s10, $0x1;
	s10 =	sld [smem:$0x3FB6]  }
0x3d: {  	_ =	shalt  }
0x3e: {  	_ =	shalt  }
0x3f: {  	_ =	shalt  }
0x40: {  	_ =	shalt  }
0x41: {  	_ =	shalt  }
0x42: {  	_ =	shalt  }
0x43: {  	_ =	shalt  }
0x44: {  	_ =	shalt  }
0x45: {  	_ =	shalt  }
0x46: {  	_ =	shalt  }
0x47: {  	_ =	shalt  }
0x48: {  	_ =	shalt  }
0x49: {  	_ =	shalt  }
0x4a: {  	_ =	shalt  }
0x4b: {  	_ =	shalt  }
0x4c: {  	_ =	shalt  }
0x4d: {  	_ =	shalt  }
0x4e: {  	_ =	shalt  }
0x4f: {  	_ =	shalt  }
0x50: {  	_ =	shalt  }
0x51: {  	_ =	shalt  }
0x52: {  	_ =	shalt  }
0x53: {  	_ =	shalt  }
0x54: {  	_ =	shalt  }
0x55: {  	_ =	shalt  }
0x56: {  	_ =	shalt  }
0x57: {  	_ =	shalt  }
0x58: {  	_ =	shalt  }
0x59: {  	_ =	shalt  }
0x5a: {  	_ =	shalt  }
0x5b: {  	_ =	shalt  }
0x5c: {  	_ =	shalt  }
0x5d: {  	_ =	shalt  }
0x5e: {  	_ =	shalt  }
0x5f: {  	_ =	shalt  }
0x60: {  	_ =	shalt  }
0x61: {  	_ =	shalt  }
0x62: {  	_ =	shalt  }
0x63: {  	_ =	shalt  }
0x64: {  	_ =	shalt  }
0x65: {  	_ =	shalt  }
0x66: {  	_ =	shalt  }
0x67: {  	_ =	shalt  }
0x68: {  	_ =	shalt  }
0x69: {  	_ =	shalt  }
0x6a: {  	_ =	shalt  }
0x6b: {  	_ =	shalt  }
0x6c: {  	_ =	shalt  }
0x6d: {  	_ =	shalt  }
0x6e: {  	_ =	shalt  }
0x6f: {  	_ =	shalt  }
0x70: {  	_ =	shalt  }
0x71: {  	_ =	shalt  }
0x72: {  	_ =	shalt  }
0x73: {  	_ =	shalt  }
0x74: {  	_ =	shalt  }
0x75: {  	_ =	shalt  }
0x76: {  	_ =	shalt  }
0x77: {  	_ =	shalt  }
0x78: {  	_ =	shalt  }
0x79: {  	_ =	shalt  }
0x7a: {  	_ =	shalt  }
0x7b: {  	_ =	shalt  }
0x7c: {  	_ =	shalt  }
0x7d: {  	_ =	shalt  }
0x7e: {  	_ =	shalt  }
0x7f: {  	_ =	shalt  }
0x80: {  	_ =	shalt  }
0x81: {  	_ =	shalt  }
0x82: {  	_ =	shalt  }
0x83: {  	_ =	shalt  }
0x84: {  	_ =	shalt  }
0x85: {  	_ =	shalt  }
0x86: {  	_ =	shalt  }
0x87: {  	_ =	shalt  }
.Lfunc_end0:
.L_simem_size_0:
called_computation_lowered:
.L_overlay_start_0:
0x88: {  	s2 =	sld [smem:$0x3FD9]  }
0x89: {  	s3 =	sld [smem:$0x3FFE];
	_ =	sdelay $0x1  }
0x8a: {  	s1 =	srdreg.scid  }
0x8b: {  	s0 =	sand.u32 $0x1, s1  }
0x8c: {  	s17 =	sshll.u32 s0, $0xA;
	s2 =	sadd.s32 s3, s2  }
0x8d: {  	s2 =	sadd.s32 s2, s17  }
0x8e: {  	[smem:$0x3FC2] =	sst s2  }
0x8f: {  	_ = 	snop  }
0x90: {  	s2 =	sld [smem:$0x3FD0];
	(tm) =	ssettm $0x1  }
0x91: {  	s18 =	sld [smem:$0x3FFB];
	_ =	sdelay $0x3  }
0x92: {  	_ =	strace s18  }
0x93: {  	s3 =	sld [smem:$0x3FFC];
	_ =	sdelay $0x3  }
0x94: {  	_ =	strace s3  }
0x95: {  	s3 =	sld [smem:$0x3FFD];
	_ =	sdelay $0x3  }
0x96: {  	_ =	strace s3  }
0x97: {  	_ =	strace $0x8FFFFFFF  }
0x98: {  	s19 =	sld [smem:$0x3FDB];
	_ =	sdelay $0x1  }
0x99: {  	s4 =	simm.s32 $_scs_section_size  }
0x9a: {  	s5 =	simm.s32 $_size__tile_overlayer_lowered;
	s6 =	simm.s32 $_tile_overlayer_lowered  }
0x9b: {  	s22 =	simm.s32 $0x1BFF;
	s21 =	sshll.u32 s6, $0x1;
	s3 =	sadd.s32 s4, s19  }
0x9c: {  	s7 =	simm.s32 $0x0;
	s20 =	sshll.u32 s5, $0x1;
	s5 =	sadd.s32 s21, s3  }
0x9d: {  	[timem:s7], [sflag:s22] =	dma.local [hbm:s5], s20  }
0x9e: {  	_ =	swait.ge [sflag:s22], s20  }
0x9f: {  	s4 =	ssub.s32 $0x0, s20;
	[sflag:s22] =	ssyncset.done $0x0  }
0xa0: {  	[sflag:s22] =	ssyncadd.s32 s4;
	_ =	sdelay $0x1  }
0xa1: {  	s23 =	simm.s32 $0x1B8B  }
0xa2: {  	_ =	swait.ge [sflag:s23], $0x1  }
0xa3: {  	[sflag:s23] =	ssyncset.done $0x0  }
0xa4: {  	s25 =	simm.s32 $0x1B8E;
	s24 =	sld [smem:$0x3FFE];
	[sflag:s23] =	ssyncadd.s32 $0xFFFFFFFF  }
0xa5: {  	s26 =	simm.s32 $execute0_lowered;
	[smem:$0x3FD2] =	sst s25  }
0xa6: {  	s5 =	sshll.u32 s26, $0x1;
	_ =	strace $0x80000046;
	[dreg:$0x1] =	wrdreg $0xFFFFFFFF  }
0xa7: {  	s28 =	simm.s32 $_size_execute0_lowered;
	s3 =	sadd.s32 s3, s5;
	[dreg:$0x0] =	wrdreg $0x0  }
0xa8: {  	s5 =	sshll.u32 s28, $0x1;
	[dreg:$0x2] =	wrdreg s3  }
0xa9: {  	[dreg:$0x3] =	wrdreg s5  }
0xaa: {  	[dreg:$0x4] =	wrdreg $0xC0  }
0xab: {  	_ =	task [dreg:s7], $0x5FFFF  }
0xac: {  	[dreg:$0x1] =	wrdreg $0xFFFFFFFF  }
0xad: {  	[dreg:$0x0] =	wrdreg $0x60  }
0xae: {  	[dreg:$0x2] =	wrdreg s2  }
0xaf: {  	[dreg:$0x3] =	wrdreg s24  }
0xb0: {  	[dreg:$0x4] =	wrdreg $0x2B000  }
0xb1: {  	[dreg:$0x5] =	wrdreg $0x9  }
0xb2: {  	_ =	task.clear_ibuf [dreg:s7], $0x6FFFF;
	_ =	strace $0x90000046  }
0xb3: {  	s29 =	simm.s32 $0x9;
	_ =	strace $0x80000048  }
0xb4: {  	_ =	swait.ge [sflag:s29], $0x1  }
0xb5: {  	[sflag:s29] =	ssyncadd.s32 $0xFFFFFFFF  }
0xb6: {  	_ =	strace $0x90000048  }
0xb7: {  	_ =	sfence  }
0xb8: {  	s30 =	sld [smem:$0x0];
	_ =	sdelay $0x2  }
0xb9: {  	s31 =	sshll.u32 s1, $0xD;
	s1 =	sshrl.u32 s1, $0x2  }
0xba: {  	s3 =	sand.u32 $0x4000, s31;
	s1 =	sadd.s32 s1, s30  }
0xbb: {  	s0 =	sor.u32 s3, s0;
	s1 =	sshll.u32 s1, $0x11  }
0xbc: {  	s0 =	sor.u32 s1, s0  }
0xbd: {  	s0 =	sadd.s32 $0x8F2B, s0  }
0xbe: {  	[sflag:s0] =	ssyncadd.remote.s32 $0x1  }
0xbf: {  	_ =	sfence.sel $0xFFFF  }
0xc0: {  	[dreg:$0x0] =	wrdreg $0xFFFFFFFF;
	(pc) =	sbr.abs _section_cstart, $3  }
0xc1: {  	[dreg:$0x1] =	wrdreg $0xFFFFFFFF  }
0xc2: {  	_ =	task.clear_ibuf [dreg:s7], $0x2FFFF;
	_ =	strace $0x9FFFFFFF  }
0xc3: {  	(tm) =	ssettm $0x7FFFFFFF  }
tec
execute0_lowered:
.L_overlay_start_1:
0x0: {  	(tag) =	ssettag $0x1  }
0x1: {  	s4 =	rddreg [dreg:$0x0]  }
0x2: {  	s5 =	rddreg [dreg:$0x1]  }
0x3: {  	s1 =	rddreg [dreg:$0x2]  }
0x4: {  	s0 =	rddreg [dreg:$0x3];
	s2 =	simm.s32 $0x0  }
0x5: {  	s3 =	srdreg.scid;
	s14 =	simm.s32 $0x20;
	s15 =	simm.s32 $0x10  }
0x6: {  	[smem:$0x7FF] =	sst s2;
	s6 =	sand.u32 $0x1, s3;
	s3 =	stileid.u32  }
0x7: {  	s16 =	simm.s32 $0x0;
	_ =	strace $0x80000047;
	s9 =	smul.u32 $0xA00, s3  }
0x8: {  	s7 =	sshll.u32 s6, $0x4;
	s6 =	ssub.s32 $0x2, s6;
	s12 =	smul.u32 $0xA0, s3  }
0x9: {  	s13 =	sshll.u32 s3, $0x6;
	s8 =	sor.u32 s3, s7;
	s10 =	sshrl.u32 s6, $0x1  }
0xa: {  	s7 =	sadd.s32 s7, s5;
	s11 =	smul.u32 $0x500, s8;
	s6 =	ssub.s32 s6, s10  }
0xb: {  	p0 =	seq.s32 s8, $0x1F;
	s30 =	sshrl.u32 s9, $0x2;
	s9 =	sadd.s32 $0xCB00, s5  }
0xc: {  	s31 =	sadd.s32 $0xD000, s7;
	s7 =	simm.s32 $0x1;
	s8 =	simm.s32 $0x2880  }
0xd: {  	s10 =	simm.s32 $0x2800;
	s5 =	sadd.s32 s30, s1;
	s6 =	smax.u32 s6, $0x1  }
0xe: {  	s4 =	sadd.s32 s4, s11;
	s11 =	sadd.s32 s12, s31;
	s12 =	sor.u32 $0x1C01, s13  }
0xf: {  	v0 =	vimm.f32 $1.000000000e+00;
	v1 =	vimm.f32 $0.0e+00;
	s13 =	sshrl.u32 s5, $0x3;
	s4 =	smov.u32 @p0 s9;
	s9 =	simm.s32 $0x80  }
.LBB2_1:
0x10: {  	[tilespmem:s2], [sflag:$0x1] =	stream.linear.gather [hbm4b:s4+s2], $0x2800, $0x38;
	[tilespmem:$0x2D80] =	vst v63  }
0x11: {  	_ =	swait.ge [sflag:s7], $0x2800  }
0x12: {  	[sflag:s7] =	ssyncset.done $0x0  }
0x13: {  	[sflag:s7] =	ssyncadd.s32 $0xFFFFD800  }
0x14: {  	[tilespmem:$0x2800] =	vst v0  }
0x15: {  	[tilespmem:$0x2810] =	vst v0  }
0x16: {  	[tilespmem:$0x2820] =	vst v0  }
0x17: {  	[tilespmem:$0x2830] =	vst v0  }
0x18: {  	[tilespmem:$0x2840] =	vst v0  }
0x19: {  	[tilespmem:$0x2850] =	vst v0  }
0x1a: {  	[tilespmem:$0x2860] =	vst v0  }
0x1b: {  	[tilespmem:$0x2870] =	vst v0  }
0x1c: {  	[tilespmem:$0x2880] =	vst v1  }
0x1d: {  	[tilespmem:$0x2890] =	vst v1  }
0x1e: {  	[tilespmem:$0x28A0] =	vst v1  }
0x1f: {  	[tilespmem:$0x28B0] =	vst v1  }
0x20: {  	[tilespmem:$0x28C0] =	vst v1  }
0x21: {  	[tilespmem:$0x28D0] =	vst v1  }
0x22: {  	[tilespmem:$0x28E0] =	vst v1  }
0x23: {  	[tilespmem:$0x28F0] =	vst v1  }
0x24: {  	[tilespmem:$0x2900] =	vst v1  }
0x25: {  	[tilespmem:$0x2910] =	vst v1  }
0x26: {  	[tilespmem:$0x2920] =	vst v1  }
0x27: {  	[tilespmem:$0x2930] =	vst v1  }
0x28: {  	[tilespmem:$0x2940] =	vst v1  }
0x29: {  	[tilespmem:$0x2950] =	vst v1  }
0x2a: {  	[tilespmem:$0x2960] =	vst v1  }
0x2b: {  	[tilespmem:$0x2970] =	vst v1  }
0x2c: {  	[tilespmem:$0x2980] =	vst v1  }
0x2d: {  	[tilespmem:$0x2990] =	vst v1  }
0x2e: {  	[tilespmem:$0x29A0] =	vst v1  }
0x2f: {  	[tilespmem:$0x29B0] =	vst v1  }
0x30: {  	[tilespmem:$0x29C0] =	vst v1  }
0x31: {  	[tilespmem:$0x29D0] =	vst v1  }
0x32: {  	[tilespmem:$0x29E0] =	vst v1  }
0x33: {  	[tilespmem:$0x29F0] =	vst v1  }
0x34: {  	[tilespmem:$0x2A00] =	vst v1  }
0x35: {  	[tilespmem:$0x2A10] =	vst v1  }
0x36: {  	[tilespmem:$0x2A20] =	vst v1  }
0x37: {  	[tilespmem:$0x2A30] =	vst v1  }
0x38: {  	[tilespmem:$0x2A40] =	vst v1  }
0x39: {  	[tilespmem:$0x2A50] =	vst v1  }
0x3a: {  	[tilespmem:$0x2A60] =	vst v1  }
0x3b: {  	[tilespmem:$0x2A70] =	vst v1  }
0x3c: {  	[tilespmem:$0x2A80] =	vst v1  }
0x3d: {  	[tilespmem:$0x2A90] =	vst v1  }
0x3e: {  	[tilespmem:$0x2AA0] =	vst v1  }
0x3f: {  	[tilespmem:$0x2AB0] =	vst v1  }
0x40: {  	[tilespmem:$0x2AC0] =	vst v1  }
0x41: {  	[tilespmem:$0x2AD0] =	vst v1  }
0x42: {  	[tilespmem:$0x2AE0] =	vst v1  }
0x43: {  	[tilespmem:$0x2AF0] =	vst v1  }
0x44: {  	[spmem:s5] =	stream.linear.scatter [tilespmem:s8], [sflag:$0x1], $0x280, $0x38;
	[tilespmem:$0x2D80] =	vst v63  }
0x45: {  	_ =	swait.ge [sflag:s7], $0x280  }
0x46: {  	[sflag:s7] =	ssyncset.done $0x0  }
0x47: {  	[sflag:s7] =	ssyncadd.s32 $0xFFFFFD80  }
0x48: {  	s17 =	simm.s32 $0x0;
	[bflag:$0x0] =	sbarrier.arrive $0xFFFF  }
0x49: {  	[spmem:s1] =	stream.indirect.scatter.add.f32 [tilespmem:s10], [sflag:$0x1], $0x1, s17, s9, $0xb8;
	[tilespmem:$0x2D80] =	vst v63  }
0x4a: {  	_ =	swait.ge [sflag:s7], $0x80  }
0x4b: {  	s17 =	simm.s32 $0x200;
	[sflag:s7] =	ssyncset.done $0x0  }
.LBB2_2:
0x4c: {  	s18 =	sshra.s32 s17, $0x2;
	[sflag:s7] =	ssyncadd.s32 $0xFFFFFF80;
	p0 =	sne.s32 s17, $0x9E00  }
0x4d: {  	[spmem:s1] =	stream.indirect.scatter.add.f32 [tilespmem:s10], [sflag:$0x1], $0x1, s18, s9, $0xb8;
	[tilespmem:$0x2D80] =	vst v63  }
.Ltmp0:
0x4e: {  	_ = 	snop;
	(pc) =	sbr.rel @p0 .LBB2_2-.Ltmp0, $4  }
0x4f: {  	_ = 	snop  }
0x50: {  	s17 =	sadd.s32 $0x200, s17  }
0x51: {  	_ =	swait.ge [sflag:s7], $0x80  }
0x52: {  	[sflag:s7] =	ssyncset.done $0x0  }
0x53: {  	s16 =	sadd.s32 $0x1, s16  }
0x54: {  	[sflag:s7] =	ssyncadd.s32 $0xFFFFFF80;
	p0 =	sne.s32 s16, s6  }
.Ltmp1:
0x55: {  	[bflag:$0x0] =	sbarrier.arrive $0xFFFF;
	(pc) =	sbr.rel @p0 .LBB2_1-.Ltmp1, $4  }
0x56: {  	[hbm:s11@s14], [sflag:s12] =	dma.strided [spmem:s13@s15], $0x50, s7, $0x10   }
0x57: {  	_ =	swait.ge [sflag:s7], $0x50  }
0x58: {  	[sflag:s7] =	ssyncset.done $0x0  }
0x59: {  	[sflag:s7] =	ssyncadd.s32 $0xFFFFFFB0  }
0x5a: {  	_ =	sfence.sel $0x180000  }
0x5b: {  	[bflag:$0x0] =	sbarrier.arrive $0xFFFF  }
0x5c: {  	p0 =	sne.s32 s3, $0x0;
	_ =	strace $0x90000047  }
0x5d: {  	s0 =	sadd.s32 @!p0 $0x100000, s0;
	[bflag:$0x2] =	sbarrier.arrive $0xFFFF  }
0x5e: {  	[sflag:s0] =	ssyncadd.tile.s32 @!p0 $0x1;
	_ =	shalt  }
.Lfunc_end2:
_tile_overlayer_lowered:
.L_overlay_start_2:
0x5f: {  	(tag) =	ssettag $0x2  }
0x60: {  	s0 =	rddreg [dreg:$0x0];
	s2 =	stileid.u32  }
0x61: {  	s1 =	rddreg [dreg:$0x1];
	p0 =	sne.s32 s2, $0x0  }
0x62: {  	s3 =	rddreg [dreg:$0x2];
	[bflag:$0x3] =	sbarrier.arrive $0xFFFF;
	s2 =	simm.s32 @!p0 $0x1C01  }
0x63: {  	[timem:s3], [sflag:s2] =	dma.local @!p0 [hbm:s0], s1  }
0x64: {  	s0 =	simm.s32 @!p0 $0x1  }
0x65: {  	_ =	swait.ge @!p0 [sflag:s0], s1  }
0x66: {  	s1 =	ssub.s32 @!p0 $0x0, s1;
	[sflag:s0] =	ssyncset.done @!p0 $0x0  }
0x67: {  	[sflag:s0] =	ssyncadd.s32 @!p0 s1  }
0x68: {  	[bflag:$0x3] =	sbarrier.arrive $0xFFFF  }
0x69: {  	_ =	shalt  }

</sc_bundles>
